<compile_context>
chip_gen: v7x
topology: tpu7x:2x2x1
jax: 0.10.2.dev20260603
libtpu: 0.0.44.dev20260713+nightly
codegen_flags: <defaults>
</compile_context>

<pallas_src>
import functools

import jax
import jax.numpy as jnp
import numpy as np
from jax import lax
from jax.experimental import pallas as pl
from jax.experimental.pallas import tpu as pltpu
from jax.experimental.pallas import tpu_sc as plsc

_E = 320000
_D = 128
_NB, _NS, _NC = 22, 6, 2
_NCOMBO = _NB * _NS * _NC

_NCORES = 2
_NSUB = 16
_NW = _NCORES * _NSUB
_EPW = _E // _NW
_L = 16
_CH = 80
_NCHUNK = _EPW // _CH
_NBUF = 6
_LAG = 2


def _table_body(b_ref, s_ref, c_ref, t_ref):
    rid_b = lax.broadcasted_iota(jnp.int32, (_NCOMBO, _NB), 0)
    cid_b = lax.broadcasted_iota(jnp.int32, (_NCOMBO, _NB), 1)
    ohb = (rid_b // (_NS * _NC) == cid_b).astype(jnp.float32)
    rid_s = lax.broadcasted_iota(jnp.int32, (_NCOMBO, _NS), 0)
    cid_s = lax.broadcasted_iota(jnp.int32, (_NCOMBO, _NS), 1)
    ohs = ((rid_s // _NC) % _NS == cid_s).astype(jnp.float32)
    rid_c = lax.broadcasted_iota(jnp.int32, (_NCOMBO, _NC), 0)
    cid_c = lax.broadcasted_iota(jnp.int32, (_NCOMBO, _NC), 1)
    ohc = (rid_c % _NC == cid_c).astype(jnp.float32)
    t_ref[...] = (
        jnp.dot(ohb, b_ref[...], preferred_element_type=jnp.float32)
        + jnp.dot(ohs, s_ref[...], preferred_element_type=jnp.float32)
        + jnp.dot(ohc, c_ref[...], preferred_element_type=jnp.float32)
    )


def _codes_body(a_ref, b_ref, c_ref, o_ref):
    o_ref[...] = (a_ref[...] * (_NS * _NC) + b_ref[...] * _NC
                  + c_ref[...]) * _D


def _build_codes(ea0, ea1, ea2):
    r = _E // _D
    out = pl.pallas_call(
        _codes_body,
        out_shape=jax.ShapeDtypeStruct((r, _D), jnp.int32),
    )(ea0.reshape(r, _D), ea1.reshape(r, _D), ea2.reshape(r, _D))
    return out.reshape(_E)


def _build_table(bond, stereo, conj):
    return pl.pallas_call(
        _table_body,
        out_shape=jax.ShapeDtypeStruct((_NCOMBO, _D), jnp.float32),
    )(bond, stereo, conj)


def _sc_body(t_hbm, code_hbm, out_hbm,
             t_v, code_v, rows_v, wr_sem):
    wid = lax.axis_index("s") * _NCORES + lax.axis_index("c")
    base = wid * _EPW

    pltpu.sync_copy(t_hbm, t_v)
    pltpu.sync_copy(code_hbm.at[pl.ds(base, _EPW)], code_v)

    col_off = [jnp.arange(_L, dtype=jnp.int32) + d * _L for d in range(8)]
    lane_i = [jnp.full((_L, 1), i, dtype=jnp.int32) for i in range(_L)]
    dnums = lax.GatherDimensionNumbers(
        offset_dims=(), collapsed_slice_dims=(0,), start_index_map=(0,))

    def splat(vec, i):
        return lax.gather(vec, lane_i[i], dnums, (1,),
                          mode=lax.GatherScatterMode.PROMISE_IN_BOUNDS)

    def w_desc(g, b):
        return pltpu.make_async_copy(
            rows_v.at[pl.ds(b * _CH, _CH)],
            out_hbm.at[pl.ds(base + g * _CH, _CH)],
            wr_sem.at[b])

    def chunk_step(g, carry):
        b = lax.rem(g, _NBUF)

        def reclaim(j):
            w_desc(j, lax.rem(j, _NBUF)).wait()
            return 0

        lax.cond(g >= _NBUF, reclaim, lambda j: 0, g - _NBUF)

        @plsc.parallel_loop(0, _CH // _L, unroll=4)
        def fill_group(e16):
            codes = code_v[pl.ds(g * _CH + e16 * _L, _L)]
            bases = [splat(codes, i) for i in range(_L)]
            for d in range(8):
                for i in range(_L):
                    seg = plsc.load_gather(t_v, [bases[i] + col_off[d]])
                    rows_v[b * _CH + e16 * _L + i, pl.ds(d * _L, _L)] = seg

        w_desc(g, b).start()
        return carry

    lax.fori_loop(0, _NCHUNK, chunk_step, 0)

    for j in range(_NCHUNK - _NBUF, _NCHUNK):
        w_desc(j, j % _NBUF).wait()


_sc_gather = functools.partial(
    pl.kernel,
    out_type=jax.ShapeDtypeStruct((_E, _D), jnp.float32),
    mesh=plsc.VectorSubcoreMesh(core_axis_name="c", subcore_axis_name="s"),
    compiler_params=pltpu.CompilerParams(needs_layout_passes=False),
    scratch_types=[
        pltpu.VMEM((_NCOMBO * _D,), jnp.float32),
        pltpu.VMEM((_EPW,), jnp.int32),
        pltpu.VMEM((_NBUF * _CH, _D), jnp.float32),
        pltpu.SemaphoreType.DMA((_NBUF,)),
    ],
)(_sc_body)


@jax.jit
def kernel(edge_attr, bond_embedding, stereo_embedding, conj_embedding):
    t = _build_table(bond_embedding, stereo_embedding, conj_embedding)
    ea0 = edge_attr[:, 0].astype(jnp.int32)
    ea1 = edge_attr[:, 1].astype(jnp.int32)
    ea2 = edge_attr[:, 2].astype(jnp.int32)
    codes = _build_codes(ea0, ea1, ea2)
    return _sc_gather(t.reshape(-1), codes)

# --- scband reference (transcript-rebuilt; emitter-appended) ---
"""Pipeline reference for scband-edge-encoder-36507222016138 (READ-ONLY COPY).

The authoritative reference and input builder live on the scoring server;
editing this copy changes nothing except your own understanding.
"""

import jax, jax.numpy as jnp
import numpy as np

E = 320000
HIDDEN_DIM = 128

def setup_inputs(seed: int = 0) -> dict:
    key = jax.random.key(seed)
    k_idx, k_bond, k_stereo, k_conj = jax.random.split(key, 4)
    edge_attr = jax.random.randint(k_idx, (E, 3), 0, 2, dtype=jnp.int64) if jax.config.jax_enable_x64 else jax.random.randint(k_idx, (E, 3), 0, 2, dtype=jnp.int32)
    bond_embedding = jax.random.normal(k_bond, (22, HIDDEN_DIM), dtype=jnp.float32)
    stereo_embedding = jax.random.normal(k_stereo, (6, HIDDEN_DIM), dtype=jnp.float32)
    conj_embedding = jax.random.normal(k_conj, (2, HIDDEN_DIM), dtype=jnp.float32)
    return {
        "edge_attr": edge_attr,
        "bond_embedding": bond_embedding,
        "stereo_embedding": stereo_embedding,
        "conj_embedding": conj_embedding,
    }

def reference(edge_attr, bond_embedding, stereo_embedding, conj_embedding):
    bond = jnp.take(bond_embedding, edge_attr[:, 0], axis=0)
    stereo = jnp.take(stereo_embedding, edge_attr[:, 1], axis=0)
    conj = jnp.take(conj_embedding, edge_attr[:, 2], axis=0)
    return bond + stereo + conj

if __name__ == "__main__":
    import jax
    _d = setup_inputs()
    print(jax.jit(kernel)(*tuple(_d.values())))

</pallas_src>

<mosaic_0001>
#map = affine_map<(d0, d1) -> (0)>
#map1 = affine_map<(d0, d1) -> (0, 0)>
module attributes {stable_mosaic.version = 14 : i64} {
  func.func @_sc_body(%arg0: i32, %arg1: i32, %arg2: memref<33792xf32, #tpu.memory_space<hbm>>, %arg3: memref<320000xi32, #tpu.memory_space<hbm>>, %arg4: memref<320000x128xf32, #tpu.memory_space<hbm>>, %arg5: memref<33792xf32, #tpu.memory_space<vmem>>, %arg6: memref<10000xi32, #tpu.memory_space<vmem>>, %arg7: memref<480x128xf32, #tpu.memory_space<vmem>>, %arg8: memref<6x!tpu.dma_semaphore, #tpu.memory_space<semaphore_mem>>) attributes {dimension_semantics = [#tpu.dimension_semantics<core_parallel>, #tpu.dimension_semantics<subcore_parallel>], iteration_bounds = array<i64: 2, 16>, scalar_prefetch = 0 : i64, scratch_operands = 4 : i64, tpu.core_type = #tpu.core_type<sc_vector_subcore>, window_params = [{transform_indices = #map}, {transform_indices = #map}, {transform_indices = #map1}]} {
    %mul3A = arith.constant 2 : i32
    %mul3A_0 = arith.muli %arg1, %mul3A : i32
    %add3A = arith.addi %mul3A_0, %arg0 : i32
    %mul3A_1 = arith.constant 10000 : i32
    %mul3A_2 = arith.muli %add3A, %mul3A_1 : i32
    "tpu.region"() ({
      %run_scoped3A = tpu.sem_alloc : memref<!tpu.dma_semaphore, #tpu.memory_space<semaphore_mem>>
      tpu.enqueue_dma source(%arg2 : memref<33792xf32, #tpu.memory_space<hbm>>) target(%arg5 : memref<33792xf32, #tpu.memory_space<vmem>>) target_semaphore(%run_scoped3A : memref<!tpu.dma_semaphore, #tpu.memory_space<semaphore_mem>>)
      tpu.wait_dma2 semaphore(%run_scoped3A : memref<!tpu.dma_semaphore, #tpu.memory_space<semaphore_mem>>) src(%arg2 : memref<33792xf32, #tpu.memory_space<hbm>>) dst(%arg5 : memref<33792xf32, #tpu.memory_space<vmem>>)
      tpu.yield
    }) : () -> ()
    "tpu.region"() ({
      %run_scoped3A = tpu.sem_alloc : memref<!tpu.dma_semaphore, #tpu.memory_space<semaphore_mem>>
      %dma_start3A = tpu.memref_slice %arg3[%mul3A_2] : memref<320000xi32, #tpu.memory_space<hbm>> -> memref<10000xi32, #tpu.memory_space<hbm>>
      %dma_start3A_159 = tpu.memref_slice %arg3[%mul3A_2] : memref<320000xi32, #tpu.memory_space<hbm>> -> memref<10000xi32, #tpu.memory_space<hbm>>
      tpu.enqueue_dma source(%dma_start3A_159 : memref<10000xi32, #tpu.memory_space<hbm>>) target(%arg6 : memref<10000xi32, #tpu.memory_space<vmem>>) target_semaphore(%run_scoped3A : memref<!tpu.dma_semaphore, #tpu.memory_space<semaphore_mem>>)
      %dma_wait3A_160 = tpu.memref_slice %arg3[%mul3A_2] : memref<320000xi32, #tpu.memory_space<hbm>> -> memref<10000xi32, #tpu.memory_space<hbm>>
      %dma_wait3A_161 = tpu.memref_slice %arg3[%mul3A_2] : memref<320000xi32, #tpu.memory_space<hbm>> -> memref<10000xi32, #tpu.memory_space<hbm>>
      tpu.wait_dma2 semaphore(%run_scoped3A : memref<!tpu.dma_semaphore, #tpu.memory_space<semaphore_mem>>) src(%dma_wait3A_161 : memref<10000xi32, #tpu.memory_space<hbm>>) dst(%arg6 : memref<10000xi32, #tpu.memory_space<vmem>>)
      tpu.yield
    }) : () -> ()
    %iota3A = tpu.iota {dimensions = array<i32: 0>} : vector<16xi32>
    %add3A_3 = arith.constant 0 : i32
    %add3A_4 = vector.broadcast %add3A_3 : i32 to vector<16xi32>
    %add3A_5 = arith.addi %iota3A, %add3A_4 : vector<16xi32>
    %iota3A_6 = tpu.iota {dimensions = array<i32: 0>} : vector<16xi32>
    %add3A_7 = arith.constant 16 : i32
    %add3A_8 = vector.broadcast %add3A_7 : i32 to vector<16xi32>
    %add3A_9 = arith.addi %iota3A_6, %add3A_8 : vector<16xi32>
    %iota3A_10 = tpu.iota {dimensions = array<i32: 0>} : vector<16xi32>
    %add3A_11 = arith.constant 32 : i32
    %add3A_12 = vector.broadcast %add3A_11 : i32 to vector<16xi32>
    %add3A_13 = arith.addi %iota3A_10, %add3A_12 : vector<16xi32>
    %iota3A_14 = tpu.iota {dimensions = array<i32: 0>} : vector<16xi32>
    %add3A_15 = arith.constant 48 : i32
    %add3A_16 = vector.broadcast %add3A_15 : i32 to vector<16xi32>
    %add3A_17 = arith.addi %iota3A_14, %add3A_16 : vector<16xi32>
    %iota3A_18 = tpu.iota {dimensions = array<i32: 0>} : vector<16xi32>
    %add3A_19 = arith.constant 64 : i32
    %add3A_20 = vector.broadcast %add3A_19 : i32 to vector<16xi32>
    %add3A_21 = arith.addi %iota3A_18, %add3A_20 : vector<16xi32>
    %iota3A_22 = tpu.iota {dimensions = array<i32: 0>} : vector<16xi32>
    %add3A_23 = arith.constant 80 : i32
    %add3A_24 = vector.broadcast %add3A_23 : i32 to vector<16xi32>
    %add3A_25 = arith.addi %iota3A_22, %add3A_24 : vector<16xi32>
    %iota3A_26 = tpu.iota {dimensions = array<i32: 0>} : vector<16xi32>
    %add3A_27 = arith.constant 96 : i32
    %add3A_28 = vector.broadcast %add3A_27 : i32 to vector<16xi32>
    %add3A_29 = arith.addi %iota3A_26, %add3A_28 : vector<16xi32>
    %iota3A_30 = tpu.iota {dimensions = array<i32: 0>} : vector<16xi32>
    %add3A_31 = arith.constant 112 : i32
    %add3A_32 = vector.broadcast %add3A_31 : i32 to vector<16xi32>
    %add3A_33 = arith.addi %iota3A_30, %add3A_32 : vector<16xi32>
    %broadcast_in_dim3A = arith.constant 0 : i32
    %broadcast_in_dim3A_34 = vector.broadcast %broadcast_in_dim3A : i32 to vector<16x1xi32>
    %broadcast_in_dim3A_35 = arith.constant 1 : i32
    %broadcast_in_dim3A_36 = vector.broadcast %broadcast_in_dim3A_35 : i32 to vector<16x1xi32>
    %broadcast_in_dim3A_37 = arith.constant 2 : i32
    %broadcast_in_dim3A_38 = vector.broadcast %broadcast_in_dim3A_37 : i32 to vector<16x1xi32>
    %broadcast_in_dim3A_39 = arith.constant 3 : i32
    %broadcast_in_dim3A_40 = vector.broadcast %broadcast_in_dim3A_39 : i32 to vector<16x1xi32>
    %broadcast_in_dim3A_41 = arith.constant 4 : i32
    %broadcast_in_dim3A_42 = vector.broadcast %broadcast_in_dim3A_41 : i32 to vector<16x1xi32>
    %broadcast_in_dim3A_43 = arith.constant 5 : i32
    %broadcast_in_dim3A_44 = vector.broadcast %broadcast_in_dim3A_43 : i32 to vector<16x1xi32>
    %broadcast_in_dim3A_45 = arith.constant 6 : i32
    %broadcast_in_dim3A_46 = vector.broadcast %broadcast_in_dim3A_45 : i32 to vector<16x1xi32>
    %broadcast_in_dim3A_47 = arith.constant 7 : i32
    %broadcast_in_dim3A_48 = vector.broadcast %broadcast_in_dim3A_47 : i32 to vector<16x1xi32>
    %broadcast_in_dim3A_49 = arith.constant 8 : i32
    %broadcast_in_dim3A_50 = vector.broadcast %broadcast_in_dim3A_49 : i32 to vector<16x1xi32>
    %broadcast_in_dim3A_51 = arith.constant 9 : i32
    %broadcast_in_dim3A_52 = vector.broadcast %broadcast_in_dim3A_51 : i32 to vector<16x1xi32>
    %broadcast_in_dim3A_53 = arith.constant 10 : i32
    %broadcast_in_dim3A_54 = vector.broadcast %broadcast_in_dim3A_53 : i32 to vector<16x1xi32>
    %broadcast_in_dim3A_55 = arith.constant 11 : i32
    %broadcast_in_dim3A_56 = vector.broadcast %broadcast_in_dim3A_55 : i32 to vector<16x1xi32>
    %broadcast_in_dim3A_57 = arith.constant 12 : i32
    %broadcast_in_dim3A_58 = vector.broadcast %broadcast_in_dim3A_57 : i32 to vector<16x1xi32>
    %broadcast_in_dim3A_59 = arith.constant 13 : i32
    %broadcast_in_dim3A_60 = vector.broadcast %broadcast_in_dim3A_59 : i32 to vector<16x1xi32>
    %broadcast_in_dim3A_61 = arith.constant 14 : i32
    %broadcast_in_dim3A_62 = vector.broadcast %broadcast_in_dim3A_61 : i32 to vector<16x1xi32>
    %broadcast_in_dim3A_63 = arith.constant 15 : i32
    %broadcast_in_dim3A_64 = vector.broadcast %broadcast_in_dim3A_63 : i32 to vector<16x1xi32>
    %scan3A = arith.constant 0 : i32
    %scan3A_65 = arith.constant 0 : i32
    %scan3A_66 = arith.constant 125 : i32
    %scan3A_67 = arith.addi %scan3A_65, %scan3A_66 : i32
    %scan3A_68 = arith.constant 1 : i32
    scf.for %scan3A_159 = %scan3A_65 to %scan3A_67 step %scan3A_68  : i32 {
      %rem3A = arith.constant 6 : i32
      %rem3A_160 = arith.remsi %scan3A_159, %rem3A : i32
      %ge3A = arith.constant 6 : i32
      %ge3A_161 = arith.cmpi sge, %scan3A_159, %ge3A : i32
      %sub3A = arith.constant 6 : i32
      %sub3A_162 = arith.subi %scan3A_159, %sub3A : i32
      %convert_element_type3A = arith.extui %ge3A_161 : i1 to i32
      %cond3A = arith.constant 0 : i32
      %cond3A_163 = arith.cmpi ne, %convert_element_type3A, %cond3A : i32
      %cond3A_164 = scf.if %cond3A_163 -> (i32) {
        %rem3A_181 = arith.constant 6 : i32
        %rem3A_182 = arith.remsi %sub3A_162, %rem3A_181 : i32
        %mul3A_183 = arith.constant 80 : i32
        %mul3A_184 = arith.muli %rem3A_182, %mul3A_183 : i32
        %mul3A_185 = arith.constant 80 : i32
        %mul3A_186 = arith.muli %sub3A_162, %mul3A_185 : i32
        %add3A_187 = arith.addi %mul3A_2, %mul3A_186 : i32
        %dma_wait3A_188 = arith.constant 0 : i32
        %dma_wait3A_189 = tpu.memref_slice %arg7[%mul3A_184, %dma_wait3A_188] : memref<480x128xf32, #tpu.memory_space<vmem>> -> memref<80x128xf32, #tpu.memory_space<vmem>>
        %dma_wait3A_190 = arith.constant 0 : i32
        %dma_wait3A_191 = tpu.memref_slice %arg4[%add3A_187, %dma_wait3A_190] : memref<320000x128xf32, #tpu.memory_space<hbm>> -> memref<80x128xf32, #tpu.memory_space<hbm>>
        %dma_wait3A_192 = tpu.memref_slice %arg8[%rem3A_182] : memref<6x!tpu.dma_semaphore, #tpu.memory_space<semaphore_mem>> -> memref<1x!tpu.dma_semaphore, #tpu.memory_space<semaphore_mem>>
        %dma_wait3A_193 = tpu.memref_squeeze %dma_wait3A_192 : memref<1x!tpu.dma_semaphore, #tpu.memory_space<semaphore_mem>> -> memref<!tpu.dma_semaphore, #tpu.memory_space<semaphore_mem>>
        %dma_wait3A_194 = arith.constant 0 : i32
        %dma_wait3A_195 = tpu.memref_slice %arg4[%add3A_187, %dma_wait3A_194] : memref<320000x128xf32, #tpu.memory_space<hbm>> -> memref<80x128xf32, #tpu.memory_space<hbm>>
        %dma_wait3A_196 = arith.constant 0 : i32
        %dma_wait3A_197 = tpu.memref_slice %arg7[%mul3A_184, %dma_wait3A_196] : memref<480x128xf32, #tpu.memory_space<vmem>> -> memref<80x128xf32, #tpu.memory_space<vmem>>
        tpu.wait_dma2 semaphore(%dma_wait3A_193 : memref<!tpu.dma_semaphore, #tpu.memory_space<semaphore_mem>>) src(%dma_wait3A_197 : memref<80x128xf32, #tpu.memory_space<vmem>>) dst(%dma_wait3A_195 : memref<80x128xf32, #tpu.memory_space<hbm>>)
        %cond3A_198 = arith.constant 0 : i32
        scf.yield %cond3A_198 : i32
      } else {
        %cond3A_181 = arith.constant 0 : i32
        scf.yield %cond3A_181 : i32
      }
      %parallel_loop3A = arith.constant 0 : i32
      %parallel_loop3A_165 = arith.constant 5 : i32
      %parallel_loop3A_166 = arith.constant 1 : i32
      scf.for %parallel_loop3A_181 = %parallel_loop3A to %parallel_loop3A_165 step %parallel_loop3A_166  : i32 {
        %parallel_loop3A_182 = arith.constant 80 : i32
        %parallel_loop3A_183 = arith.muli %scan3A_159, %parallel_loop3A_182 : i32
        %parallel_loop3A_184 = arith.constant 16 : i32
        %parallel_loop3A_185 = arith.muli %parallel_loop3A_181, %parallel_loop3A_184 : i32
        %parallel_loop3A_186 = arith.addi %parallel_loop3A_183, %parallel_loop3A_185 : i32
        %parallel_loop3A_187 = arith.index_cast %parallel_loop3A_186 : i32 to index
        %parallel_loop3A_188 = tpu.vector_load %arg6[%parallel_loop3A_187] {strides = array<i32>} : memref<10000xi32, #tpu.memory_space<vmem>>, vector<16xi32>,
        %parallel_loop3A_189 = vector.shape_cast %broadcast_in_dim3A_34 : vector<16x1xi32> to vector<16xi32>
        %parallel_loop3A_190 = tpu.dynamic_gather %parallel_loop3A_188[%parallel_loop3A_189] in [0] : vector<16xi32>, vector<16xi32> -> vector<16xi32>
        %parallel_loop3A_191 = vector.shape_cast %broadcast_in_dim3A_36 : vector<16x1xi32> to vector<16xi32>
        %parallel_loop3A_192 = tpu.dynamic_gather %parallel_loop3A_188[%parallel_loop3A_191] in [0] : vector<16xi32>, vector<16xi32> -> vector<16xi32>
        %parallel_loop3A_193 = vector.shape_cast %broadcast_in_dim3A_38 : vector<16x1xi32> to vector<16xi32>
        %parallel_loop3A_194 = tpu.dynamic_gather %parallel_loop3A_188[%parallel_loop3A_193] in [0] : vector<16xi32>, vector<16xi32> -> vector<16xi32>
        %parallel_loop3A_195 = vector.shape_cast %broadcast_in_dim3A_40 : vector<16x1xi32> to vector<16xi32>
        %parallel_loop3A_196 = tpu.dynamic_gather %parallel_loop3A_188[%parallel_loop3A_195] in [0] : vector<16xi32>, vector<16xi32> -> vector<16xi32>
        %parallel_loop3A_197 = vector.shape_cast %broadcast_in_dim3A_42 : vector<16x1xi32> to vector<16xi32>
        %parallel_loop3A_198 = tpu.dynamic_gather %parallel_loop3A_188[%parallel_loop3A_197] in [0] : vector<16xi32>, vector<16xi32> -> vector<16xi32>
        %parallel_loop3A_199 = vector.shape_cast %broadcast_in_dim3A_44 : vector<16x1xi32> to vector<16xi32>
        %parallel_loop3A_200 = tpu.dynamic_gather %parallel_loop3A_188[%parallel_loop3A_199] in [0] : vector<16xi32>, vector<16xi32> -> vector<16xi32>
        %parallel_loop3A_201 = vector.shape_cast %broadcast_in_dim3A_46 : vector<16x1xi32> to vector<16xi32>
        %parallel_loop3A_202 = tpu.dynamic_gather %parallel_loop3A_188[%parallel_loop3A_201] in [0] : vector<16xi32>, vector<16xi32> -> vector<16xi32>
        %parallel_loop3A_203 = vector.shape_cast %broadcast_in_dim3A_48 : vector<16x1xi32> to vector<16xi32>
        %parallel_loop3A_204 = tpu.dynamic_gather %parallel_loop3A_188[%parallel_loop3A_203] in [0] : vector<16xi32>, vector<16xi32> -> vector<16xi32>
        %parallel_loop3A_205 = vector.shape_cast %broadcast_in_dim3A_50 : vector<16x1xi32> to vector<16xi32>
        %parallel_loop3A_206 = tpu.dynamic_gather %parallel_loop3A_188[%parallel_loop3A_205] in [0] : vector<16xi32>, vector<16xi32> -> vector<16xi32>
        %parallel_loop3A_207 = vector.shape_cast %broadcast_in_dim3A_52 : vector<16x1xi32> to vector<16xi32>
        %parallel_loop3A_208 = tpu.dynamic_gather %parallel_loop3A_188[%parallel_loop3A_207] in [0] : vector<16xi32>, vector<16xi32> -> vector<16xi32>
        %parallel_loop3A_209 = vector.shape_cast %broadcast_in_dim3A_54 : vector<16x1xi32> to vector<16xi32>
        %parallel_loop3A_210 = tpu.dynamic_gather %parallel_loop3A_188[%parallel_loop3A_209] in [0] : vector<16xi32>, vector<16xi32> -> vector<16xi32>
        %parallel_loop3A_211 = vector.shape_cast %broadcast_in_dim3A_56 : vector<16x1xi32> to vector<16xi32>
        %parallel_loop3A_212 = tpu.dynamic_gather %parallel_loop3A_188[%parallel_loop3A_211] in [0] : vector<16xi32>, vector<16xi32> -> vector<16xi32>
        %parallel_loop3A_213 = vector.shape_cast %broadcast_in_dim3A_58 : vector<16x1xi32> to vector<16xi32>
        %parallel_loop3A_214 = tpu.dynamic_gather %parallel_loop3A_188[%parallel_loop3A_213] in [0] : vector<16xi32>, vector<16xi32> -> vector<16xi32>
        %parallel_loop3A_215 = vector.shape_cast %broadcast_in_dim3A_60 : vector<16x1xi32> to vector<16xi32>
        %parallel_loop3A_216 = tpu.dynamic_gather %parallel_loop3A_188[%parallel_loop3A_215] in [0] : vector<16xi32>, vector<16xi32> -> vector<16xi32>
        %parallel_loop3A_217 = vector.shape_cast %broadcast_in_dim3A_62 : vector<16x1xi32> to vector<16xi32>
        %parallel_loop3A_218 = tpu.dynamic_gather %parallel_loop3A_188[%parallel_loop3A_217] in [0] : vector<16xi32>, vector<16xi32> -> vector<16xi32>
        %parallel_loop3A_219 = vector.shape_cast %broadcast_in_dim3A_64 : vector<16x1xi32> to vector<16xi32>
        %parallel_loop3A_220 = tpu.dynamic_gather %parallel_loop3A_188[%parallel_loop3A_219] in [0] : vector<16xi32>, vector<16xi32> -> vector<16xi32>
        %parallel_loop3A_221 = arith.addi %parallel_loop3A_190, %add3A_5 : vector<16xi32>
        %parallel_loop3A_222 = tpu.vector_load_idx %arg5[%parallel_loop3A_221] : memref<33792xf32, #tpu.memory_space<vmem>>[vector<16xi32>], vector<16xf32>,
        %parallel_loop3A_223 = arith.constant 80 : i32
        %parallel_loop3A_224 = arith.muli %rem3A_160, %parallel_loop3A_223 : i32
        %parallel_loop3A_225 = arith.constant 16 : i32
        %parallel_loop3A_226 = arith.muli %parallel_loop3A_181, %parallel_loop3A_225 : i32
        %parallel_loop3A_227 = arith.addi %parallel_loop3A_224, %parallel_loop3A_226 : i32
        %parallel_loop3A_228 = arith.constant 0 : i32
        %parallel_loop3A_229 = arith.addi %parallel_loop3A_227, %parallel_loop3A_228 : i32
        %parallel_loop3A_230 = arith.index_cast %parallel_loop3A_229 : i32 to index
        %parallel_loop3A_231 = arith.constant 0 : index
        %parallel_loop3A_232 = tpu.vector_load %arg7[%parallel_loop3A_230, %parallel_loop3A_231] {strides = array<i32>} : memref<480x128xf32, #tpu.memory_space<vmem>>, vector<16xf32>,
        tpu.vector_store %arg7[%parallel_loop3A_230, %parallel_loop3A_231], %parallel_loop3A_222 {strides = array<i32>} : memref<480x128xf32, #tpu.memory_space<vmem>>, vector<16xf32>,
        %parallel_loop3A_233 = arith.addi %parallel_loop3A_192, %add3A_5 : vector<16xi32>
        %parallel_loop3A_234 = tpu.vector_load_idx %arg5[%parallel_loop3A_233] : memref<33792xf32, #tpu.memory_space<vmem>>[vector<16xi32>], vector<16xf32>,
        %parallel_loop3A_235 = arith.constant 80 : i32
        %parallel_loop3A_236 = arith.muli %rem3A_160, %parallel_loop3A_235 : i32
        %parallel_loop3A_237 = arith.constant 16 : i32
        %parallel_loop3A_238 = arith.muli %parallel_loop3A_181, %parallel_loop3A_237 : i32
        %parallel_loop3A_239 = arith.addi %parallel_loop3A_236, %parallel_loop3A_238 : i32
        %parallel_loop3A_240 = arith.constant 1 : i32
        %parallel_loop3A_241 = arith.addi %parallel_loop3A_239, %parallel_loop3A_240 : i32
        %parallel_loop3A_242 = arith.index_cast %parallel_loop3A_241 : i32 to index
        %parallel_loop3A_243 = arith.constant 0 : index
        %parallel_loop3A_244 = tpu.vector_load %arg7[%parallel_loop3A_242, %parallel_loop3A_243] {strides = array<i32>} : memref<480x128xf32, #tpu.memory_space<vmem>>, vector<16xf32>,
        tpu.vector_store %arg7[%parallel_loop3A_242, %parallel_loop3A_243], %parallel_loop3A_234 {strides = array<i32>} : memref<480x128xf32, #tpu.memory_space<vmem>>, vector<16xf32>,
        %parallel_loop3A_245 = arith.addi %parallel_loop3A_194, %add3A_5 : vector<16xi32>
        %parallel_loop3A_246 = tpu.vector_load_idx %arg5[%parallel_loop3A_245] : memref<33792xf32, #tpu.memory_space<vmem>>[vector<16xi32>], vector<16xf32>,
        %parallel_loop3A_247 = arith.constant 80 : i32
        %parallel_loop3A_248 = arith.muli %rem3A_160, %parallel_loop3A_247 : i32
        %parallel_loop3A_249 = arith.constant 16 : i32
        %parallel_loop3A_250 = arith.muli %parallel_loop3A_181, %parallel_loop3A_249 : i32
        %parallel_loop3A_251 = arith.addi %parallel_loop3A_248, %parallel_loop3A_250 : i32
        %parallel_loop3A_252 = arith.constant 2 : i32
        %parallel_loop3A_253 = arith.addi %parallel_loop3A_251, %parallel_loop3A_252 : i32
        %parallel_loop3A_254 = arith.index_cast %parallel_loop3A_253 : i32 to index
        %parallel_loop3A_255 = arith.constant 0 : index
        %parallel_loop3A_256 = tpu.vector_load %arg7[%parallel_loop3A_254, %parallel_loop3A_255] {strides = array<i32>} : memref<480x128xf32, #tpu.memory_space<vmem>>, vector<16xf32>,
        tpu.vector_store %arg7[%parallel_loop3A_254, %parallel_loop3A_255], %parallel_loop3A_246 {strides = array<i32>} : memref<480x128xf32, #tpu.memory_space<vmem>>, vector<16xf32>,
        %parallel_loop3A_257 = arith.addi %parallel_loop3A_196, %add3A_5 : vector<16xi32>
        %parallel_loop3A_258 = tpu.vector_load_idx %arg5[%parallel_loop3A_257] : memref<33792xf32, #tpu.memory_space<vmem>>[vector<16xi32>], vector<16xf32>,
        %parallel_loop3A_259 = arith.constant 80 : i32
        %parallel_loop3A_260 = arith.muli %rem3A_160, %parallel_loop3A_259 : i32
        %parallel_loop3A_261 = arith.constant 16 : i32
        %parallel_loop3A_262 = arith.muli %parallel_loop3A_181, %parallel_loop3A_261 : i32
        %parallel_loop3A_263 = arith.addi %parallel_loop3A_260, %parallel_loop3A_262 : i32
        %parallel_loop3A_264 = arith.constant 3 : i32
        %parallel_loop3A_265 = arith.addi %parallel_loop3A_263, %parallel_loop3A_264 : i32
        %parallel_loop3A_266 = arith.index_cast %parallel_loop3A_265 : i32 to index
        %parallel_loop3A_267 = arith.constant 0 : index
        %parallel_loop3A_268 = tpu.vector_load %arg7[%parallel_loop3A_266, %parallel_loop3A_267] {strides = array<i32>} : memref<480x128xf32, #tpu.memory_space<vmem>>, vector<16xf32>,
        tpu.vector_store %arg7[%parallel_loop3A_266, %parallel_loop3A_267], %parallel_loop3A_258 {strides = array<i32>} : memref<480x128xf32, #tpu.memory_space<vmem>>, vector<16xf32>,
        %parallel_loop3A_269 = arith.addi %parallel_loop3A_198, %add3A_5 : vector<16xi32>
        %parallel_loop3A_270 = tpu.vector_load_idx %arg5[%parallel_loop3A_269] : memref<33792xf32, #tpu.memory_space<vmem>>[vector<16xi32>], vector<16xf32>,
        %parallel_loop3A_271 = arith.constant 80 : i32
        %parallel_loop3A_272 = arith.muli %rem3A_160, %parallel_loop3A_271 : i32
        %parallel_loop3A_273 = arith.constant 16 : i32
        %parallel_loop3A_274 = arith.muli %parallel_loop3A_181, %parallel_loop3A_273 : i32
        %parallel_loop3A_275 = arith.addi %parallel_loop3A_272, %parallel_loop3A_274 : i32
        %parallel_loop3A_276 = arith.constant 4 : i32
        %parallel_loop3A_277 = arith.addi %parallel_loop3A_275, %parallel_loop3A_276 : i32
        %parallel_loop3A_278 = arith.index_cast %parallel_loop3A_277 : i32 to index
        %parallel_loop3A_279 = arith.constant 0 : index
        %parallel_loop3A_280 = tpu.vector_load %arg7[%parallel_loop3A_278, %parallel_loop3A_279] {strides = array<i32>} : memref<480x128xf32, #tpu.memory_space<vmem>>, vector<16xf32>,
        tpu.vector_store %arg7[%parallel_loop3A_278, %parallel_loop3A_279], %parallel_loop3A_270 {strides = array<i32>} : memref<480x128xf32, #tpu.memory_space<vmem>>, vector<16xf32>,
        %parallel_loop3A_281 = arith.addi %parallel_loop3A_200, %add3A_5 : vector<16xi32>
        %parallel_loop3A_282 = tpu.vector_load_idx %arg5[%parallel_loop3A_281] : memref<33792xf32, #tpu.memory_space<vmem>>[vector<16xi32>], vector<16xf32>,
        %parallel_loop3A_283 = arith.constant 80 : i32
        %parallel_loop3A_284 = arith.muli %rem3A_160, %parallel_loop3A_283 : i32
        %parallel_loop3A_285 = arith.constant 16 : i32
        %parallel_loop3A_286 = arith.muli %parallel_loop3A_181, %parallel_loop3A_285 : i32
        %parallel_loop3A_287 = arith.addi %parallel_loop3A_284, %parallel_loop3A_286 : i32
        %parallel_loop3A_288 = arith.constant 5 : i32
        %parallel_loop3A_289 = arith.addi %parallel_loop3A_287, %parallel_loop3A_288 : i32
        %parallel_loop3A_290 = arith.index_cast %parallel_loop3A_289 : i32 to index
        %parallel_loop3A_291 = arith.constant 0 : index
        %parallel_loop3A_292 = tpu.vector_load %arg7[%parallel_loop3A_290, %parallel_loop3A_291] {strides = array<i32>} : memref<480x128xf32, #tpu.memory_space<vmem>>, vector<16xf32>,
        tpu.vector_store %arg7[%parallel_loop3A_290, %parallel_loop3A_291], %parallel_loop3A_282 {strides = array<i32>} : memref<480x128xf32, #tpu.memory_space<vmem>>, vector<16xf32>,
        %parallel_loop3A_293 = arith.addi %parallel_loop3A_202, %add3A_5 : vector<16xi32>
        %parallel_loop3A_294 = tpu.vector_load_idx %arg5[%parallel_loop3A_293] : memref<33792xf32, #tpu.memory_space<vmem>>[vector<16xi32>], vector<16xf32>,
        %parallel_loop3A_295 = arith.constant 80 : i32
        %parallel_loop3A_296 = arith.muli %rem3A_160, %parallel_loop3A_295 : i32
        %parallel_loop3A_297 = arith.constant 16 : i32
        %parallel_loop3A_298 = arith.muli %parallel_loop3A_181, %parallel_loop3A_297 : i32
        %parallel_loop3A_299 = arith.addi %parallel_loop3A_296, %parallel_loop3A_298 : i32
        %parallel_loop3A_300 = arith.constant 6 : i32
        %parallel_loop3A_301 = arith.addi %parallel_loop3A_299, %parallel_loop3A_300 : i32
        %parallel_loop3A_302 = arith.index_cast %parallel_loop3A_301 : i32 to index
        %parallel_loop3A_303 = arith.constant 0 : index
        %parallel_loop3A_304 = tpu.vector_load %arg7[%parallel_loop3A_302, %parallel_loop3A_303] {strides = array<i32>} : memref<480x128xf32, #tpu.memory_space<vmem>>, vector<16xf32>,
        tpu.vector_store %arg7[%parallel_loop3A_302, %parallel_loop3A_303], %parallel_loop3A_294 {strides = array<i32>} : memref<480x128xf32, #tpu.memory_space<vmem>>, vector<16xf32>,
        %parallel_loop3A_305 = arith.addi %parallel_loop3A_204, %add3A_5 : vector<16xi32>
        %parallel_loop3A_306 = tpu.vector_load_idx %arg5[%parallel_loop3A_305] : memref<33792xf32, #tpu.memory_space<vmem>>[vector<16xi32>], vector<16xf32>,
        %parallel_loop3A_307 = arith.constant 80 : i32
        %parallel_loop3A_308 = arith.muli %rem3A_160, %parallel_loop3A_307 : i32
        %parallel_loop3A_309 = arith.constant 16 : i32
        %parallel_loop3A_310 = arith.muli %parallel_loop3A_181, %parallel_loop3A_309 : i32
        %parallel_loop3A_311 = arith.addi %parallel_loop3A_308, %parallel_loop3A_310 : i32
        %parallel_loop3A_312 = arith.constant 7 : i32
        %parallel_loop3A_313 = arith.addi %parallel_loop3A_311, %parallel_loop3A_312 : i32
        %parallel_loop3A_314 = arith.index_cast %parallel_loop3A_313 : i32 to index
        %parallel_loop3A_315 = arith.constant 0 : index
        %parallel_loop3A_316 = tpu.vector_load %arg7[%parallel_loop3A_314, %parallel_loop3A_315] {strides = array<i32>} : memref<480x128xf32, #tpu.memory_space<vmem>>, vector<16xf32>,
        tpu.vector_store %arg7[%parallel_loop3A_314, %parallel_loop3A_315], %parallel_loop3A_306 {strides = array<i32>} : memref<480x128xf32, #tpu.memory_space<vmem>>, vector<16xf32>,
        %parallel_loop3A_317 = arith.addi %parallel_loop3A_206, %add3A_5 : vector<16xi32>
        %parallel_loop3A_318 = tpu.vector_load_idx %arg5[%parallel_loop3A_317] : memref<33792xf32, #tpu.memory_space<vmem>>[vector<16xi32>], vector<16xf32>,
        %parallel_loop3A_319 = arith.constant 80 : i32
        %parallel_loop3A_320 = arith.muli %rem3A_160, %parallel_loop3A_319 : i32
        %parallel_loop3A_321 = arith.constant 16 : i32
        %parallel_loop3A_322 = arith.muli %parallel_loop3A_181, %parallel_loop3A_321 : i32
        %parallel_loop3A_323 = arith.addi %parallel_loop3A_320, %parallel_loop3A_322 : i32
        %parallel_loop3A_324 = arith.constant 8 : i32
        %parallel_loop3A_325 = arith.addi %parallel_loop3A_323, %parallel_loop3A_324 : i32
        %parallel_loop3A_326 = arith.index_cast %parallel_loop3A_325 : i32 to index
        %parallel_loop3A_327 = arith.constant 0 : index
        %parallel_loop3A_328 = tpu.vector_load %arg7[%parallel_loop3A_326, %parallel_loop3A_327] {strides = array<i32>} : memref<480x128xf32, #tpu.memory_space<vmem>>, vector<16xf32>,
        tpu.vector_store %arg7[%parallel_loop3A_326, %parallel_loop3A_327], %parallel_loop3A_318 {strides = array<i32>} : memref<480x128xf32, #tpu.memory_space<vmem>>, vector<16xf32>,
        %parallel_loop3A_329 = arith.addi %parallel_loop3A_208, %add3A_5 : vector<16xi32>
        %parallel_loop3A_330 = tpu.vector_load_idx %arg5[%parallel_loop3A_329] : memref<33792xf32, #tpu.memory_space<vmem>>[vector<16xi32>], vector<16xf32>,
        %parallel_loop3A_331 = arith.constant 80 : i32
        %parallel_loop3A_332 = arith.muli %rem3A_160, %parallel_loop3A_331 : i32
        %parallel_loop3A_333 = arith.constant 16 : i32
        %parallel_loop3A_334 = arith.muli %parallel_loop3A_181, %parallel_loop3A_333 : i32
        %parallel_loop3A_335 = arith.addi %parallel_loop3A_332, %parallel_loop3A_334 : i32
        %parallel_loop3A_336 = arith.constant 9 : i32
        %parallel_loop3A_337 = arith.addi %parallel_loop3A_335, %parallel_loop3A_336 : i32
        %parallel_loop3A_338 = arith.index_cast %parallel_loop3A_337 : i32 to index
        %parallel_loop3A_339 = arith.constant 0 : index
        %parallel_loop3A_340 = tpu.vector_load %arg7[%parallel_loop3A_338, %parallel_loop3A_339] {strides = array<i32>} : memref<480x128xf32, #tpu.memory_space<vmem>>, vector<16xf32>,
        tpu.vector_store %arg7[%parallel_loop3A_338, %parallel_loop3A_339], %parallel_loop3A_330 {strides = array<i32>} : memref<480x128xf32, #tpu.memory_space<vmem>>, vector<16xf32>,
        %parallel_loop3A_341 = arith.addi %parallel_loop3A_210, %add3A_5 : vector<16xi32>
        %parallel_loop3A_342 = tpu.vector_load_idx %arg5[%parallel_loop3A_341] : memref<33792xf32, #tpu.memory_space<vmem>>[vector<16xi32>], vector<16xf32>,
        %parallel_loop3A_343 = arith.constant 80 : i32
        %parallel_loop3A_344 = arith.muli %rem3A_160, %parallel_loop3A_343 : i32
        %parallel_loop3A_345 = arith.constant 16 : i32
        %parallel_loop3A_346 = arith.muli %parallel_loop3A_181, %parallel_loop3A_345 : i32
        %parallel_loop3A_347 = arith.addi %parallel_loop3A_344, %parallel_loop3A_346 : i32
        %parallel_loop3A_348 = arith.constant 10 : i32
        %parallel_loop3A_349 = arith.addi %parallel_loop3A_347, %parallel_loop3A_348 : i32
        %parallel_loop3A_350 = arith.index_cast %parallel_loop3A_349 : i32 to index
        %parallel_loop3A_351 = arith.constant 0 : index
        %parallel_loop3A_352 = tpu.vector_load %arg7[%parallel_loop3A_350, %parallel_loop3A_351] {strides = array<i32>} : memref<480x128xf32, #tpu.memory_space<vmem>>, vector<16xf32>,
        tpu.vector_store %arg7[%parallel_loop3A_350, %parallel_loop3A_351], %parallel_loop3A_342 {strides = array<i32>} : memref<480x128xf32, #tpu.memory_space<vmem>>, vector<16xf32>,
        %parallel_loop3A_353 = arith.addi %parallel_loop3A_212, %add3A_5 : vector<16xi32>
        %parallel_loop3A_354 = tpu.vector_load_idx %arg5[%parallel_loop3A_353] : memref<33792xf32, #tpu.memory_space<vmem>>[vector<16xi32>], vector<16xf32>,
        %parallel_loop3A_355 = arith.constant 80 : i32
        %parallel_loop3A_356 = arith.muli %rem3A_160, %parallel_loop3A_355 : i32
        %parallel_loop3A_357 = arith.constant 16 : i32
        %parallel_loop3A_358 = arith.muli %parallel_loop3A_181, %parallel_loop3A_357 : i32
        %parallel_loop3A_359 = arith.addi %parallel_loop3A_356, %parallel_loop3A_358 : i32
        %parallel_loop3A_360 = arith.constant 11 : i32
        %parallel_loop3A_361 = arith.addi %parallel_loop3A_359, %parallel_loop3A_360 : i32
        %parallel_loop3A_362 = arith.index_cast %parallel_loop3A_361 : i32 to index
        %parallel_loop3A_363 = arith.constant 0 : index
        %parallel_loop3A_364 = tpu.vector_load %arg7[%parallel_loop3A_362, %parallel_loop3A_363] {strides = array<i32>} : memref<480x128xf32, #tpu.memory_space<vmem>>, vector<16xf32>,
        tpu.vector_store %arg7[%parallel_loop3A_362, %parallel_loop3A_363], %parallel_loop3A_354 {strides = array<i32>} : memref<480x128xf32, #tpu.memory_space<vmem>>, vector<16xf32>,
        %parallel_loop3A_365 = arith.addi %parallel_loop3A_214, %add3A_5 : vector<16xi32>
        %parallel_loop3A_366 = tpu.vector_load_idx %arg5[%parallel_loop3A_365] : memref<33792xf32, #tpu.memory_space<vmem>>[vector<16xi32>], vector<16xf32>,
        %parallel_loop3A_367 = arith.constant 80 : i32
        %parallel_loop3A_368 = arith.muli %rem3A_160, %parallel_loop3A_367 : i32
        %parallel_loop3A_369 = arith.constant 16 : i32
        %parallel_loop3A_370 = arith.muli %parallel_loop3A_181, %parallel_loop3A_369 : i32
        %parallel_loop3A_371 = arith.addi %parallel_loop3A_368, %parallel_loop3A_370 : i32
        %parallel_loop3A_372 = arith.constant 12 : i32
        %parallel_loop3A_373 = arith.addi %parallel_loop3A_371, %parallel_loop3A_372 : i32
        %parallel_loop3A_374 = arith.index_cast %parallel_loop3A_373 : i32 to index
        %parallel_loop3A_375 = arith.constant 0 : index
        %parallel_loop3A_376 = tpu.vector_load %arg7[%parallel_loop3A_374, %parallel_loop3A_375] {strides = array<i32>} : memref<480x128xf32, #tpu.memory_space<vmem>>, vector<16xf32>,
        tpu.vector_store %arg7[%parallel_loop3A_374, %parallel_loop3A_375], %parallel_loop3A_366 {strides = array<i32>} : memref<480x128xf32, #tpu.memory_space<vmem>>, vector<16xf32>,
        %parallel_loop3A_377 = arith.addi %parallel_loop3A_216, %add3A_5 : vector<16xi32>
        %parallel_loop3A_378 = tpu.vector_load_idx %arg5[%parallel_loop3A_377] : memref<33792xf32, #tpu.memory_space<vmem>>[vector<16xi32>], vector<16xf32>,
        %parallel_loop3A_379 = arith.constant 80 : i32
        %parallel_loop3A_380 = arith.muli %rem3A_160, %parallel_loop3A_379 : i32
        %parallel_loop3A_381 = arith.constant 16 : i32
        %parallel_loop3A_382 = arith.muli %parallel_loop3A_181, %parallel_loop3A_381 : i32
        %parallel_loop3A_383 = arith.addi %parallel_loop3A_380, %parallel_loop3A_382 : i32
        %parallel_loop3A_384 = arith.constant 13 : i32
        %parallel_loop3A_385 = arith.addi %parallel_loop3A_383, %parallel_loop3A_384 : i32
        %parallel_loop3A_386 = arith.index_cast %parallel_loop3A_385 : i32 to index
        %parallel_loop3A_387 = arith.constant 0 : index
        %parallel_loop3A_388 = tpu.vector_load %arg7[%parallel_loop3A_386, %parallel_loop3A_387] {strides = array<i32>} : memref<480x128xf32, #tpu.memory_space<vmem>>, vector<16xf32>,
        tpu.vector_store %arg7[%parallel_loop3A_386, %parallel_loop3A_387], %parallel_loop3A_378 {strides = array<i32>} : memref<480x128xf32, #tpu.memory_space<vmem>>, vector<16xf32>,
        %parallel_loop3A_389 = arith.addi %parallel_loop3A_218, %add3A_5 : vector<16xi32>
        %parallel_loop3A_390 = tpu.vector_load_idx %arg5[%parallel_loop3A_389] : memref<33792xf32, #tpu.memory_space<vmem>>[vector<16xi32>], vector<16xf32>,
        %parallel_loop3A_391 = arith.constant 80 : i32
        %parallel_loop3A_392 = arith.muli %rem3A_160, %parallel_loop3A_391 : i32
        %parallel_loop3A_393 = arith.constant 16 : i32
        %parallel_loop3A_394 = arith.muli %parallel_loop3A_181, %parallel_loop3A_393 : i32
        %parallel_loop3A_395 = arith.addi %parallel_loop3A_392, %parallel_loop3A_394 : i32
        %parallel_loop3A_396 = arith.constant 14 : i32
        %parallel_loop3A_397 = arith.addi %parallel_loop3A_395, %parallel_loop3A_396 : i32
        %parallel_loop3A_398 = arith.index_cast %parallel_loop3A_397 : i32 to index
        %parallel_loop3A_399 = arith.constant 0 : index
        %parallel_loop3A_400 = tpu.vector_load %arg7[%parallel_loop3A_398, %parallel_loop3A_399] {strides = array<i32>} : memref<480x128xf32, #tpu.memory_space<vmem>>, vector<16xf32>,
        tpu.vector_store %arg7[%parallel_loop3A_398, %parallel_loop3A_399], %parallel_loop3A_390 {strides = array<i32>} : memref<480x128xf32, #tpu.memory_space<vmem>>, vector<16xf32>,
        %parallel_loop3A_401 = arith.addi %parallel_loop3A_220, %add3A_5 : vector<16xi32>
        %parallel_loop3A_402 = tpu.vector_load_idx %arg5[%parallel_loop3A_401] : memref<33792xf32, #tpu.memory_space<vmem>>[vector<16xi32>], vector<16xf32>,
        %parallel_loop3A_403 = arith.constant 80 : i32
        %parallel_loop3A_404 = arith.muli %rem3A_160, %parallel_loop3A_403 : i32
        %parallel_loop3A_405 = arith.constant 16 : i32
        %parallel_loop3A_406 = arith.muli %parallel_loop3A_181, %parallel_loop3A_405 : i32
        %parallel_loop3A_407 = arith.addi %parallel_loop3A_404, %parallel_loop3A_406 : i32
        %parallel_loop3A_408 = arith.constant 15 : i32
        %parallel_loop3A_409 = arith.addi %parallel_loop3A_407, %parallel_loop3A_408 : i32
        %parallel_loop3A_410 = arith.index_cast %parallel_loop3A_409 : i32 to index
        %parallel_loop3A_411 = arith.constant 0 : index
        %parallel_loop3A_412 = tpu.vector_load %arg7[%parallel_loop3A_410, %parallel_loop3A_411] {strides = array<i32>} : memref<480x128xf32, #tpu.memory_space<vmem>>, vector<16xf32>,
        tpu.vector_store %arg7[%parallel_loop3A_410, %parallel_loop3A_411], %parallel_loop3A_402 {strides = array<i32>} : memref<480x128xf32, #tpu.memory_space<vmem>>, vector<16xf32>,
        %parallel_loop3A_413 = arith.addi %parallel_loop3A_190, %add3A_9 : vector<16xi32>
        %parallel_loop3A_414 = tpu.vector_load_idx %arg5[%parallel_loop3A_413] : memref<33792xf32, #tpu.memory_space<vmem>>[vector<16xi32>], vector<16xf32>,
        %parallel_loop3A_415 = arith.constant 80 : i32
        %parallel_loop3A_416 = arith.muli %rem3A_160, %parallel_loop3A_415 : i32
        %parallel_loop3A_417 = arith.constant 16 : i32
        %parallel_loop3A_418 = arith.muli %parallel_loop3A_181, %parallel_loop3A_417 : i32
        %parallel_loop3A_419 = arith.addi %parallel_loop3A_416, %parallel_loop3A_418 : i32
        %parallel_loop3A_420 = arith.constant 0 : i32
        %parallel_loop3A_421 = arith.addi %parallel_loop3A_419, %parallel_loop3A_420 : i32
        %parallel_loop3A_422 = arith.index_cast %parallel_loop3A_421 : i32 to index
        %parallel_loop3A_423 = arith.constant 16 : index
        %parallel_loop3A_424 = tpu.vector_load %arg7[%parallel_loop3A_422, %parallel_loop3A_423] {strides = array<i32>} : memref<480x128xf32, #tpu.memory_space<vmem>>, vector<16xf32>,
        tpu.vector_store %arg7[%parallel_loop3A_422, %parallel_loop3A_423], %parallel_loop3A_414 {strides = array<i32>} : memref<480x128xf32, #tpu.memory_space<vmem>>, vector<16xf32>,
        %parallel_loop3A_425 = arith.addi %parallel_loop3A_192, %add3A_9 : vector<16xi32>
        %parallel_loop3A_426 = tpu.vector_load_idx %arg5[%parallel_loop3A_425] : memref<33792xf32, #tpu.memory_space<vmem>>[vector<16xi32>], vector<16xf32>,
        %parallel_loop3A_427 = arith.constant 80 : i32
        %parallel_loop3A_428 = arith.muli %rem3A_160, %parallel_loop3A_427 : i32
        %parallel_loop3A_429 = arith.constant 16 : i32
        %parallel_loop3A_430 = arith.muli %parallel_loop3A_181, %parallel_loop3A_429 : i32
        %parallel_loop3A_431 = arith.addi %parallel_loop3A_428, %parallel_loop3A_430 : i32
        %parallel_loop3A_432 = arith.constant 1 : i32
        %parallel_loop3A_433 = arith.addi %parallel_loop3A_431, %parallel_loop3A_432 : i32
        %parallel_loop3A_434 = arith.index_cast %parallel_loop3A_433 : i32 to index
        %parallel_loop3A_435 = arith.constant 16 : index
        %parallel_loop3A_436 = tpu.vector_load %arg7[%parallel_loop3A_434, %parallel_loop3A_435] {strides = array<i32>} : memref<480x128xf32, #tpu.memory_space<vmem>>, vector<16xf32>,
        tpu.vector_store %arg7[%parallel_loop3A_434, %parallel_loop3A_435], %parallel_loop3A_426 {strides = array<i32>} : memref<480x128xf32, #tpu.memory_space<vmem>>, vector<16xf32>,
        %parallel_loop3A_437 = arith.addi %parallel_loop3A_194, %add3A_9 : vector<16xi32>
        %parallel_loop3A_438 = tpu.vector_load_idx %arg5[%parallel_loop3A_437] : memref<33792xf32, #tpu.memory_space<vmem>>[vector<16xi32>], vector<16xf32>,
        %parallel_loop3A_439 = arith.constant 80 : i32
        %parallel_loop3A_440 = arith.muli %rem3A_160, %parallel_loop3A_439 : i32
        %parallel_loop3A_441 = arith.constant 16 : i32
        %parallel_loop3A_442 = arith.muli %parallel_loop3A_181, %parallel_loop3A_441 : i32
        %parallel_loop3A_443 = arith.addi %parallel_loop3A_440, %parallel_loop3A_442 : i32
        %parallel_loop3A_444 = arith.constant 2 : i32
        %parallel_loop3A_445 = arith.addi %parallel_loop3A_443, %parallel_loop3A_444 : i32
        %parallel_loop3A_446 = arith.index_cast %parallel_loop3A_445 : i32 to index
        %parallel_loop3A_447 = arith.constant 16 : index
        %parallel_loop3A_448 = tpu.vector_load %arg7[%parallel_loop3A_446, %parallel_loop3A_447] {strides = array<i32>} : memref<480x128xf32, #tpu.memory_space<vmem>>, vector<16xf32>,
        tpu.vector_store %arg7[%parallel_loop3A_446, %parallel_loop3A_447], %parallel_loop3A_438 {strides = array<i32>} : memref<480x128xf32, #tpu.memory_space<vmem>>, vector<16xf32>,
        %parallel_loop3A_449 = arith.addi %parallel_loop3A_196, %add3A_9 : vector<16xi32>
        %parallel_loop3A_450 = tpu.vector_load_idx %arg5[%parallel_loop3A_449] : memref<33792xf32, #tpu.memory_space<vmem>>[vector<16xi32>], vector<16xf32>,
        %parallel_loop3A_451 = arith.constant 80 : i32
        %parallel_loop3A_452 = arith.muli %rem3A_160, %parallel_loop3A_451 : i32
        %parallel_loop3A_453 = arith.constant 16 : i32
        %parallel_loop3A_454 = arith.muli %parallel_loop3A_181, %parallel_loop3A_453 : i32
        %parallel_loop3A_455 = arith.addi %parallel_loop3A_452, %parallel_loop3A_454 : i32
        %parallel_loop3A_456 = arith.constant 3 : i32
        %parallel_loop3A_457 = arith.addi %parallel_loop3A_455, %parallel_loop3A_456 : i32
        %parallel_loop3A_458 = arith.index_cast %parallel_loop3A_457 : i32 to index
        %parallel_loop3A_459 = arith.constant 16 : index
        %parallel_loop3A_460 = tpu.vector_load %arg7[%parallel_loop3A_458, %parallel_loop3A_459] {strides = array<i32>} : memref<480x128xf32, #tpu.memory_space<vmem>>, vector<16xf32>,
        tpu.vector_store %arg7[%parallel_loop3A_458, %parallel_loop3A_459], %parallel_loop3A_450 {strides = array<i32>} : memref<480x128xf32, #tpu.memory_space<vmem>>, vector<16xf32>,
        %parallel_loop3A_461 = arith.addi %parallel_loop3A_198, %add3A_9 : vector<16xi32>
        %parallel_loop3A_462 = tpu.vector_load_idx %arg5[%parallel_loop3A_461] : memref<33792xf32, #tpu.memory_space<vmem>>[vector<16xi32>], vector<16xf32>,
        %parallel_loop3A_463 = arith.constant 80 : i32
        %parallel_loop3A_464 = arith.muli %rem3A_160, %parallel_loop3A_463 : i32
        %parallel_loop3A_465 = arith.constant 16 : i32
        %parallel_loop3A_466 = arith.muli %parallel_loop3A_181, %parallel_loop3A_465 : i32
        %parallel_loop3A_467 = arith.addi %parallel_loop3A_464, %parallel_loop3A_466 : i32
        %parallel_loop3A_468 = arith.constant 4 : i32
        %parallel_loop3A_469 = arith.addi %parallel_loop3A_467, %parallel_loop3A_468 : i32
        %parallel_loop3A_470 = arith.index_cast %parallel_loop3A_469 : i32 to index
        %parallel_loop3A_471 = arith.constant 16 : index
        %parallel_loop3A_472 = tpu.vector_load %arg7[%parallel_loop3A_470, %parallel_loop3A_471] {strides = array<i32>} : memref<480x128xf32, #tpu.memory_space<vmem>>, vector<16xf32>,
        tpu.vector_store %arg7[%parallel_loop3A_470, %parallel_loop3A_471], %parallel_loop3A_462 {strides = array<i32>} : memref<480x128xf32, #tpu.memory_space<vmem>>, vector<16xf32>,
        %parallel_loop3A_473 = arith.addi %parallel_loop3A_200, %add3A_9 : vector<16xi32>
        %parallel_loop3A_474 = tpu.vector_load_idx %arg5[%parallel_loop3A_473] : memref<33792xf32, #tpu.memory_space<vmem>>[vector<16xi32>], vector<16xf32>,
        %parallel_loop3A_475 = arith.constant 80 : i32
        %parallel_loop3A_476 = arith.muli %rem3A_160, %parallel_loop3A_475 : i32
        %parallel_loop3A_477 = arith.constant 16 : i32
        %parallel_loop3A_478 = arith.muli %parallel_loop3A_181, %parallel_loop3A_477 : i32
        %parallel_loop3A_479 = arith.addi %parallel_loop3A_476, %parallel_loop3A_478 : i32
        %parallel_loop3A_480 = arith.constant 5 : i32
        %parallel_loop3A_481 = arith.addi %parallel_loop3A_479, %parallel_loop3A_480 : i32
        %parallel_loop3A_482 = arith.index_cast %parallel_loop3A_481 : i32 to index
        %parallel_loop3A_483 = arith.constant 16 : index
        %parallel_loop3A_484 = tpu.vector_load %arg7[%parallel_loop3A_482, %parallel_loop3A_483] {strides = array<i32>} : memref<480x128xf32, #tpu.memory_space<vmem>>, vector<16xf32>,
        tpu.vector_store %arg7[%parallel_loop3A_482, %parallel_loop3A_483], %parallel_loop3A_474 {strides = array<i32>} : memref<480x128xf32, #tpu.memory_space<vmem>>, vector<16xf32>,
        %parallel_loop3A_485 = arith.addi %parallel_loop3A_202, %add3A_9 : vector<16xi32>
        %parallel_loop3A_486 = tpu.vector_load_idx %arg5[%parallel_loop3A_485] : memref<33792xf32, #tpu.memory_space<vmem>>[vector<16xi32>], vector<16xf32>,
        %parallel_loop3A_487 = arith.constant 80 : i32
        %parallel_loop3A_488 = arith.muli %rem3A_160, %parallel_loop3A_487 : i32
        %parallel_loop3A_489 = arith.constant 16 : i32
        %parallel_loop3A_490 = arith.muli %parallel_loop3A_181, %parallel_loop3A_489 : i32
        %parallel_loop3A_491 = arith.addi %parallel_loop3A_488, %parallel_loop3A_490 : i32
        %parallel_loop3A_492 = arith.constant 6 : i32
        %parallel_loop3A_493 = arith.addi %parallel_loop3A_491, %parallel_loop3A_492 : i32
        %parallel_loop3A_494 = arith.index_cast %parallel_loop3A_493 : i32 to index
        %parallel_loop3A_495 = arith.constant 16 : index
        %parallel_loop3A_496 = tpu.vector_load %arg7[%parallel_loop3A_494, %parallel_loop3A_495] {strides = array<i32>} : memref<480x128xf32, #tpu.memory_space<vmem>>, vector<16xf32>,
        tpu.vector_store %arg7[%parallel_loop3A_494, %parallel_loop3A_495], %parallel_loop3A_486 {strides = array<i32>} : memref<480x128xf32, #tpu.memory_space<vmem>>, vector<16xf32>,
        %parallel_loop3A_497 = arith.addi %parallel_loop3A_204, %add3A_9 : vector<16xi32>
        %parallel_loop3A_498 = tpu.vector_load_idx %arg5[%parallel_loop3A_497] : memref<33792xf32, #tpu.memory_space<vmem>>[vector<16xi32>], vector<16xf32>,
        %parallel_loop3A_499 = arith.constant 80 : i32
        %parallel_loop3A_500 = arith.muli %rem3A_160, %parallel_loop3A_499 : i32
        %parallel_loop3A_501 = arith.constant 16 : i32
        %parallel_loop3A_502 = arith.muli %parallel_loop3A_181, %parallel_loop3A_501 : i32
        %parallel_loop3A_503 = arith.addi %parallel_loop3A_500, %parallel_loop3A_502 : i32
        %parallel_loop3A_504 = arith.constant 7 : i32
        %parallel_loop3A_505 = arith.addi %parallel_loop3A_503, %parallel_loop3A_504 : i32
        %parallel_loop3A_506 = arith.index_cast %parallel_loop3A_505 : i32 to index
        %parallel_loop3A_507 = arith.constant 16 : index
        %parallel_loop3A_508 = tpu.vector_load %arg7[%parallel_loop3A_506, %parallel_loop3A_507] {strides = array<i32>} : memref<480x128xf32, #tpu.memory_space<vmem>>, vector<16xf32>,
        tpu.vector_store %arg7[%parallel_loop3A_506, %parallel_loop3A_507], %parallel_loop3A_498 {strides = array<i32>} : memref<480x128xf32, #tpu.memory_space<vmem>>, vector<16xf32>,
        %parallel_loop3A_509 = arith.addi %parallel_loop3A_206, %add3A_9 : vector<16xi32>
        %parallel_loop3A_510 = tpu.vector_load_idx %arg5[%parallel_loop3A_509] : memref<33792xf32, #tpu.memory_space<vmem>>[vector<16xi32>], vector<16xf32>,
        %parallel_loop3A_511 = arith.constant 80 : i32
        %parallel_loop3A_512 = arith.muli %rem3A_160, %parallel_loop3A_511 : i32
        %parallel_loop3A_513 = arith.constant 16 : i32
        %parallel_loop3A_514 = arith.muli %parallel_loop3A_181, %parallel_loop3A_513 : i32
        %parallel_loop3A_515 = arith.addi %parallel_loop3A_512, %parallel_loop3A_514 : i32
        %parallel_loop3A_516 = arith.constant 8 : i32
        %parallel_loop3A_517 = arith.addi %parallel_loop3A_515, %parallel_loop3A_516 : i32
        %parallel_loop3A_518 = arith.index_cast %parallel_loop3A_517 : i32 to index
        %parallel_loop3A_519 = arith.constant 16 : index
        %parallel_loop3A_520 = tpu.vector_load %arg7[%parallel_loop3A_518, %parallel_loop3A_519] {strides = array<i32>} : memref<480x128xf32, #tpu.memory_space<vmem>>, vector<16xf32>,
        tpu.vector_store %arg7[%parallel_loop3A_518, %parallel_loop3A_519], %parallel_loop3A_510 {strides = array<i32>} : memref<480x128xf32, #tpu.memory_space<vmem>>, vector<16xf32>,
        %parallel_loop3A_521 = arith.addi %parallel_loop3A_208, %add3A_9 : vector<16xi32>
        %parallel_loop3A_522 = tpu.vector_load_idx %arg5[%parallel_loop3A_521] : memref<33792xf32, #tpu.memory_space<vmem>>[vector<16xi32>], vector<16xf32>,
        %parallel_loop3A_523 = arith.constant 80 : i32
        %parallel_loop3A_524 = arith.muli %rem3A_160, %parallel_loop3A_523 : i32
        %parallel_loop3A_525 = arith.constant 16 : i32
        %parallel_loop3A_526 = arith.muli %parallel_loop3A_181, %parallel_loop3A_525 : i32
        %parallel_loop3A_527 = arith.addi %parallel_loop3A_524, %parallel_loop3A_526 : i32
        %parallel_loop3A_528 = arith.constant 9 : i32
        %parallel_loop3A_529 = arith.addi %parallel_loop3A_527, %parallel_loop3A_528 : i32
        %parallel_loop3A_530 = arith.index_cast %parallel_loop3A_529 : i32 to index
        %parallel_loop3A_531 = arith.constant 16 : index
        %parallel_loop3A_532 = tpu.vector_load %arg7[%parallel_loop3A_530, %parallel_loop3A_531] {strides = array<i32>} : memref<480x128xf32, #tpu.memory_space<vmem>>, vector<16xf32>,
        tpu.vector_store %arg7[%parallel_loop3A_530, %parallel_loop3A_531], %parallel_loop3A_522 {strides = array<i32>} : memref<480x128xf32, #tpu.memory_space<vmem>>, vector<16xf32>,
        %parallel_loop3A_533 = arith.addi %parallel_loop3A_210, %add3A_9 : vector<16xi32>
        %parallel_loop3A_534 = tpu.vector_load_idx %arg5[%parallel_loop3A_533] : memref<33792xf32, #tpu.memory_space<vmem>>[vector<16xi32>], vector<16xf32>,
        %parallel_loop3A_535 = arith.constant 80 : i32
        %parallel_loop3A_536 = arith.muli %rem3A_160, %parallel_loop3A_535 : i32
        %parallel_loop3A_537 = arith.constant 16 : i32
        %parallel_loop3A_538 = arith.muli %parallel_loop3A_181, %parallel_loop3A_537 : i32
        %parallel_loop3A_539 = arith.addi %parallel_loop3A_536, %parallel_loop3A_538 : i32
        %parallel_loop3A_540 = arith.constant 10 : i32
        %parallel_loop3A_541 = arith.addi %parallel_loop3A_539, %parallel_loop3A_540 : i32
        %parallel_loop3A_542 = arith.index_cast %parallel_loop3A_541 : i32 to index
        %parallel_loop3A_543 = arith.constant 16 : index
        %parallel_loop3A_544 = tpu.vector_load %arg7[%parallel_loop3A_542, %parallel_loop3A_543] {strides = array<i32>} : memref<480x128xf32, #tpu.memory_space<vmem>>, vector<16xf32>,
        tpu.vector_store %arg7[%parallel_loop3A_542, %parallel_loop3A_543], %parallel_loop3A_534 {strides = array<i32>} : memref<480x128xf32, #tpu.memory_space<vmem>>, vector<16xf32>,
        %parallel_loop3A_545 = arith.addi %parallel_loop3A_212, %add3A_9 : vector<16xi32>
        %parallel_loop3A_546 = tpu.vector_load_idx %arg5[%parallel_loop3A_545] : memref<33792xf32, #tpu.memory_space<vmem>>[vector<16xi32>], vector<16xf32>,
        %parallel_loop3A_547 = arith.constant 80 : i32
        %parallel_loop3A_548 = arith.muli %rem3A_160, %parallel_loop3A_547 : i32
        %parallel_loop3A_549 = arith.constant 16 : i32
        %parallel_loop3A_550 = arith.muli %parallel_loop3A_181, %parallel_loop3A_549 : i32
        %parallel_loop3A_551 = arith.addi %parallel_loop3A_548, %parallel_loop3A_550 : i32
        %parallel_loop3A_552 = arith.constant 11 : i32
        %parallel_loop3A_553 = arith.addi %parallel_loop3A_551, %parallel_loop3A_552 : i32
        %parallel_loop3A_554 = arith.index_cast %parallel_loop3A_553 : i32 to index
        %parallel_loop3A_555 = arith.constant 16 : index
        %parallel_loop3A_556 = tpu.vector_load %arg7[%parallel_loop3A_554, %parallel_loop3A_555] {strides = array<i32>} : memref<480x128xf32, #tpu.memory_space<vmem>>, vector<16xf32>,
        tpu.vector_store %arg7[%parallel_loop3A_554, %parallel_loop3A_555], %parallel_loop3A_546 {strides = array<i32>} : memref<480x128xf32, #tpu.memory_space<vmem>>, vector<16xf32>,
        %parallel_loop3A_557 = arith.addi %parallel_loop3A_214, %add3A_9 : vector<16xi32>
        %parallel_loop3A_558 = tpu.vector_load_idx %arg5[%parallel_loop3A_557] : memref<33792xf32, #tpu.memory_space<vmem>>[vector<16xi32>], vector<16xf32>,
        %parallel_loop3A_559 = arith.constant 80 : i32
        %parallel_loop3A_560 = arith.muli %rem3A_160, %parallel_loop3A_559 : i32
        %parallel_loop3A_561 = arith.constant 16 : i32
        %parallel_loop3A_562 = arith.muli %parallel_loop3A_181, %parallel_loop3A_561 : i32
        %parallel_loop3A_563 = arith.addi %parallel_loop3A_560, %parallel_loop3A_562 : i32
        %parallel_loop3A_564 = arith.constant 12 : i32
        %parallel_loop3A_565 = arith.addi %parallel_loop3A_563, %parallel_loop3A_564 : i32
        %parallel_loop3A_566 = arith.index_cast %parallel_loop3A_565 : i32 to index
        %parallel_loop3A_567 = arith.constant 16 : index
        %parallel_loop3A_568 = tpu.vector_load %arg7[%parallel_loop3A_566, %parallel_loop3A_567] {strides = array<i32>} : memref<480x128xf32, #tpu.memory_space<vmem>>, vector<16xf32>,
        tpu.vector_store %arg7[%parallel_loop3A_566, %parallel_loop3A_567], %parallel_loop3A_558 {strides = array<i32>} : memref<480x128xf32, #tpu.memory_space<vmem>>, vector<16xf32>,
        %parallel_loop3A_569 = arith.addi %parallel_loop3A_216, %add3A_9 : vector<16xi32>
        %parallel_loop3A_570 = tpu.vector_load_idx %arg5[%parallel_loop3A_569] : memref<33792xf32, #tpu.memory_space<vmem>>[vector<16xi32>], vector<16xf32>,
        %parallel_loop3A_571 = arith.constant 80 : i32
        %parallel_loop3A_572 = arith.muli %rem3A_160, %parallel_loop3A_571 : i32
        %parallel_loop3A_573 = arith.constant 16 : i32
        %parallel_loop3A_574 = arith.muli %parallel_loop3A_181, %parallel_loop3A_573 : i32
        %parallel_loop3A_575 = arith.addi %parallel_loop3A_572, %parallel_loop3A_574 : i32
        %parallel_loop3A_576 = arith.constant 13 : i32
        %parallel_loop3A_577 = arith.addi %parallel_loop3A_575, %parallel_loop3A_576 : i32
        %parallel_loop3A_578 = arith.index_cast %parallel_loop3A_577 : i32 to index
        %parallel_loop3A_579 = arith.constant 16 : index
        %parallel_loop3A_580 = tpu.vector_load %arg7[%parallel_loop3A_578, %parallel_loop3A_579] {strides = array<i32>} : memref<480x128xf32, #tpu.memory_space<vmem>>, vector<16xf32>,
        tpu.vector_store %arg7[%parallel_loop3A_578, %parallel_loop3A_579], %parallel_loop3A_570 {strides = array<i32>} : memref<480x128xf32, #tpu.memory_space<vmem>>, vector<16xf32>,
        %parallel_loop3A_581 = arith.addi %parallel_loop3A_218, %add3A_9 : vector<16xi32>
        %parallel_loop3A_582 = tpu.vector_load_idx %arg5[%parallel_loop3A_581] : memref<33792xf32, #tpu.memory_space<vmem>>[vector<16xi32>], vector<16xf32>,
        %parallel_loop3A_583 = arith.constant 80 : i32
        %parallel_loop3A_584 = arith.muli %rem3A_160, %parallel_loop3A_583 : i32
        %parallel_loop3A_585 = arith.constant 16 : i32
        %parallel_loop3A_586 = arith.muli %parallel_loop3A_181, %parallel_loop3A_585 : i32
        %parallel_loop3A_587 = arith.addi %parallel_loop3A_584, %parallel_loop3A_586 : i32
        %parallel_loop3A_588 = arith.constant 14 : i32
        %parallel_loop3A_589 = arith.addi %parallel_loop3A_587, %parallel_loop3A_588 : i32
        %parallel_loop3A_590 = arith.index_cast %parallel_loop3A_589 : i32 to index
        %parallel_loop3A_591 = arith.constant 16 : index
        %parallel_loop3A_592 = tpu.vector_load %arg7[%parallel_loop3A_590, %parallel_loop3A_591] {strides = array<i32>} : memref<480x128xf32, #tpu.memory_space<vmem>>, vector<16xf32>,
        tpu.vector_store %arg7[%parallel_loop3A_590, %parallel_loop3A_591], %parallel_loop3A_582 {strides = array<i32>} : memref<480x128xf32, #tpu.memory_space<vmem>>, vector<16xf32>,
        %parallel_loop3A_593 = arith.addi %parallel_loop3A_220, %add3A_9 : vector<16xi32>
        %parallel_loop3A_594 = tpu.vector_load_idx %arg5[%parallel_loop3A_593] : memref<33792xf32, #tpu.memory_space<vmem>>[vector<16xi32>], vector<16xf32>,
        %parallel_loop3A_595 = arith.constant 80 : i32
        %parallel_loop3A_596 = arith.muli %rem3A_160, %parallel_loop3A_595 : i32
        %parallel_loop3A_597 = arith.constant 16 : i32
        %parallel_loop3A_598 = arith.muli %parallel_loop3A_181, %parallel_loop3A_597 : i32
        %parallel_loop3A_599 = arith.addi %parallel_loop3A_596, %parallel_loop3A_598 : i32
        %parallel_loop3A_600 = arith.constant 15 : i32
        %parallel_loop3A_601 = arith.addi %parallel_loop3A_599, %parallel_loop3A_600 : i32
        %parallel_loop3A_602 = arith.index_cast %parallel_loop3A_601 : i32 to index
        %parallel_loop3A_603 = arith.constant 16 : index
        %parallel_loop3A_604 = tpu.vector_load %arg7[%parallel_loop3A_602, %parallel_loop3A_603] {strides = array<i32>} : memref<480x128xf32, #tpu.memory_space<vmem>>, vector<16xf32>,
        tpu.vector_store %arg7[%parallel_loop3A_602, %parallel_loop3A_603], %parallel_loop3A_594 {strides = array<i32>} : memref<480x128xf32, #tpu.memory_space<vmem>>, vector<16xf32>,
        %parallel_loop3A_605 = arith.addi %parallel_loop3A_190, %add3A_13 : vector<16xi32>
        %parallel_loop3A_606 = tpu.vector_load_idx %arg5[%parallel_loop3A_605] : memref<33792xf32, #tpu.memory_space<vmem>>[vector<16xi32>], vector<16xf32>,
        %parallel_loop3A_607 = arith.constant 80 : i32
        %parallel_loop3A_608 = arith.muli %rem3A_160, %parallel_loop3A_607 : i32
        %parallel_loop3A_609 = arith.constant 16 : i32
        %parallel_loop3A_610 = arith.muli %parallel_loop3A_181, %parallel_loop3A_609 : i32
        %parallel_loop3A_611 = arith.addi %parallel_loop3A_608, %parallel_loop3A_610 : i32
        %parallel_loop3A_612 = arith.constant 0 : i32
        %parallel_loop3A_613 = arith.addi %parallel_loop3A_611, %parallel_loop3A_612 : i32
        %parallel_loop3A_614 = arith.index_cast %parallel_loop3A_613 : i32 to index
        %parallel_loop3A_615 = arith.constant 32 : index
        %parallel_loop3A_616 = tpu.vector_load %arg7[%parallel_loop3A_614, %parallel_loop3A_615] {strides = array<i32>} : memref<480x128xf32, #tpu.memory_space<vmem>>, vector<16xf32>,
        tpu.vector_store %arg7[%parallel_loop3A_614, %parallel_loop3A_615], %parallel_loop3A_606 {strides = array<i32>} : memref<480x128xf32, #tpu.memory_space<vmem>>, vector<16xf32>,
        %parallel_loop3A_617 = arith.addi %parallel_loop3A_192, %add3A_13 : vector<16xi32>
        %parallel_loop3A_618 = tpu.vector_load_idx %arg5[%parallel_loop3A_617] : memref<33792xf32, #tpu.memory_space<vmem>>[vector<16xi32>], vector<16xf32>,
        %parallel_loop3A_619 = arith.constant 80 : i32
        %parallel_loop3A_620 = arith.muli %rem3A_160, %parallel_loop3A_619 : i32
        %parallel_loop3A_621 = arith.constant 16 : i32
        %parallel_loop3A_622 = arith.muli %parallel_loop3A_181, %parallel_loop3A_621 : i32
        %parallel_loop3A_623 = arith.addi %parallel_loop3A_620, %parallel_loop3A_622 : i32
        %parallel_loop3A_624 = arith.constant 1 : i32
        %parallel_loop3A_625 = arith.addi %parallel_loop3A_623, %parallel_loop3A_624 : i32
        %parallel_loop3A_626 = arith.index_cast %parallel_loop3A_625 : i32 to index
        %parallel_loop3A_627 = arith.constant 32 : index
        %parallel_loop3A_628 = tpu.vector_load %arg7[%parallel_loop3A_626, %parallel_loop3A_627] {strides = array<i32>} : memref<480x128xf32, #tpu.memory_space<vmem>>, vector<16xf32>,
        tpu.vector_store %arg7[%parallel_loop3A_626, %parallel_loop3A_627], %parallel_loop3A_618 {strides = array<i32>} : memref<480x128xf32, #tpu.memory_space<vmem>>, vector<16xf32>,
        %parallel_loop3A_629 = arith.addi %parallel_loop3A_194, %add3A_13 : vector<16xi32>
        %parallel_loop3A_630 = tpu.vector_load_idx %arg5[%parallel_loop3A_629] : memref<33792xf32, #tpu.memory_space<vmem>>[vector<16xi32>], vector<16xf32>,
        %parallel_loop3A_631 = arith.constant 80 : i32
        %parallel_loop3A_632 = arith.muli %rem3A_160, %parallel_loop3A_631 : i32
        %parallel_loop3A_633 = arith.constant 16 : i32
        %parallel_loop3A_634 = arith.muli %parallel_loop3A_181, %parallel_loop3A_633 : i32
        %parallel_loop3A_635 = arith.addi %parallel_loop3A_632, %parallel_loop3A_634 : i32
        %parallel_loop3A_636 = arith.constant 2 : i32
        %parallel_loop3A_637 = arith.addi %parallel_loop3A_635, %parallel_loop3A_636 : i32
        %parallel_loop3A_638 = arith.index_cast %parallel_loop3A_637 : i32 to index
        %parallel_loop3A_639 = arith.constant 32 : index
        %parallel_loop3A_640 = tpu.vector_load %arg7[%parallel_loop3A_638, %parallel_loop3A_639] {strides = array<i32>} : memref<480x128xf32, #tpu.memory_space<vmem>>, vector<16xf32>,
        tpu.vector_store %arg7[%parallel_loop3A_638, %parallel_loop3A_639], %parallel_loop3A_630 {strides = array<i32>} : memref<480x128xf32, #tpu.memory_space<vmem>>, vector<16xf32>,
        %parallel_loop3A_641 = arith.addi %parallel_loop3A_196, %add3A_13 : vector<16xi32>
        %parallel_loop3A_642 = tpu.vector_load_idx %arg5[%parallel_loop3A_641] : memref<33792xf32, #tpu.memory_space<vmem>>[vector<16xi32>], vector<16xf32>,
        %parallel_loop3A_643 = arith.constant 80 : i32
        %parallel_loop3A_644 = arith.muli %rem3A_160, %parallel_loop3A_643 : i32
        %parallel_loop3A_645 = arith.constant 16 : i32
        %parallel_loop3A_646 = arith.muli %parallel_loop3A_181, %parallel_loop3A_645 : i32
        %parallel_loop3A_647 = arith.addi %parallel_loop3A_644, %parallel_loop3A_646 : i32
        %parallel_loop3A_648 = arith.constant 3 : i32
        %parallel_loop3A_649 = arith.addi %parallel_loop3A_647, %parallel_loop3A_648 : i32
        %parallel_loop3A_650 = arith.index_cast %parallel_loop3A_649 : i32 to index
        %parallel_loop3A_651 = arith.constant 32 : index
        %parallel_loop3A_652 = tpu.vector_load %arg7[%parallel_loop3A_650, %parallel_loop3A_651] {strides = array<i32>} : memref<480x128xf32, #tpu.memory_space<vmem>>, vector<16xf32>,
        tpu.vector_store %arg7[%parallel_loop3A_650, %parallel_loop3A_651], %parallel_loop3A_642 {strides = array<i32>} : memref<480x128xf32, #tpu.memory_space<vmem>>, vector<16xf32>,
        %parallel_loop3A_653 = arith.addi %parallel_loop3A_198, %add3A_13 : vector<16xi32>
        %parallel_loop3A_654 = tpu.vector_load_idx %arg5[%parallel_loop3A_653] : memref<33792xf32, #tpu.memory_space<vmem>>[vector<16xi32>], vector<16xf32>,
        %parallel_loop3A_655 = arith.constant 80 : i32
        %parallel_loop3A_656 = arith.muli %rem3A_160, %parallel_loop3A_655 : i32
        %parallel_loop3A_657 = arith.constant 16 : i32
        %parallel_loop3A_658 = arith.muli %parallel_loop3A_181, %parallel_loop3A_657 : i32
        %parallel_loop3A_659 = arith.addi %parallel_loop3A_656, %parallel_loop3A_658 : i32
        %parallel_loop3A_660 = arith.constant 4 : i32
        %parallel_loop3A_661 = arith.addi %parallel_loop3A_659, %parallel_loop3A_660 : i32
        %parallel_loop3A_662 = arith.index_cast %parallel_loop3A_661 : i32 to index
        %parallel_loop3A_663 = arith.constant 32 : index
        %parallel_loop3A_664 = tpu.vector_load %arg7[%parallel_loop3A_662, %parallel_loop3A_663] {strides = array<i32>} : memref<480x128xf32, #tpu.memory_space<vmem>>, vector<16xf32>,
        tpu.vector_store %arg7[%parallel_loop3A_662, %parallel_loop3A_663], %parallel_loop3A_654 {strides = array<i32>} : memref<480x128xf32, #tpu.memory_space<vmem>>, vector<16xf32>,
        %parallel_loop3A_665 = arith.addi %parallel_loop3A_200, %add3A_13 : vector<16xi32>
        %parallel_loop3A_666 = tpu.vector_load_idx %arg5[%parallel_loop3A_665] : memref<33792xf32, #tpu.memory_space<vmem>>[vector<16xi32>], vector<16xf32>,
        %parallel_loop3A_667 = arith.constant 80 : i32
        %parallel_loop3A_668 = arith.muli %rem3A_160, %parallel_loop3A_667 : i32
        %parallel_loop3A_669 = arith.constant 16 : i32
        %parallel_loop3A_670 = arith.muli %parallel_loop3A_181, %parallel_loop3A_669 : i32
        %parallel_loop3A_671 = arith.addi %parallel_loop3A_668, %parallel_loop3A_670 : i32
        %parallel_loop3A_672 = arith.constant 5 : i32
        %parallel_loop3A_673 = arith.addi %parallel_loop3A_671, %parallel_loop3A_672 : i32
        %parallel_loop3A_674 = arith.index_cast %parallel_loop3A_673 : i32 to index
        %parallel_loop3A_675 = arith.constant 32 : index
        %parallel_loop3A_676 = tpu.vector_load %arg7[%parallel_loop3A_674, %parallel_loop3A_675] {strides = array<i32>} : memref<480x128xf32, #tpu.memory_space<vmem>>, vector<16xf32>,
        tpu.vector_store %arg7[%parallel_loop3A_674, %parallel_loop3A_675], %parallel_loop3A_666 {strides = array<i32>} : memref<480x128xf32, #tpu.memory_space<vmem>>, vector<16xf32>,
        %parallel_loop3A_677 = arith.addi %parallel_loop3A_202, %add3A_13 : vector<16xi32>
        %parallel_loop3A_678 = tpu.vector_load_idx %arg5[%parallel_loop3A_677] : memref<33792xf32, #tpu.memory_space<vmem>>[vector<16xi32>], vector<16xf32>,
        %parallel_loop3A_679 = arith.constant 80 : i32
        %parallel_loop3A_680 = arith.muli %rem3A_160, %parallel_loop3A_679 : i32
        %parallel_loop3A_681 = arith.constant 16 : i32
        %parallel_loop3A_682 = arith.muli %parallel_loop3A_181, %parallel_loop3A_681 : i32
        %parallel_loop3A_683 = arith.addi %parallel_loop3A_680, %parallel_loop3A_682 : i32
        %parallel_loop3A_684 = arith.constant 6 : i32
        %parallel_loop3A_685 = arith.addi %parallel_loop3A_683, %parallel_loop3A_684 : i32
        %parallel_loop3A_686 = arith.index_cast %parallel_loop3A_685 : i32 to index
        %parallel_loop3A_687 = arith.constant 32 : index
        %parallel_loop3A_688 = tpu.vector_load %arg7[%parallel_loop3A_686, %parallel_loop3A_687] {strides = array<i32>} : memref<480x128xf32, #tpu.memory_space<vmem>>, vector<16xf32>,
        tpu.vector_store %arg7[%parallel_loop3A_686, %parallel_loop3A_687], %parallel_loop3A_678 {strides = array<i32>} : memref<480x128xf32, #tpu.memory_space<vmem>>, vector<16xf32>,
        %parallel_loop3A_689 = arith.addi %parallel_loop3A_204, %add3A_13 : vector<16xi32>
        %parallel_loop3A_690 = tpu.vector_load_idx %arg5[%parallel_loop3A_689] : memref<33792xf32, #tpu.memory_space<vmem>>[vector<16xi32>], vector<16xf32>,
        %parallel_loop3A_691 = arith.constant 80 : i32
        %parallel_loop3A_692 = arith.muli %rem3A_160, %parallel_loop3A_691 : i32
        %parallel_loop3A_693 = arith.constant 16 : i32
        %parallel_loop3A_694 = arith.muli %parallel_loop3A_181, %parallel_loop3A_693 : i32
        %parallel_loop3A_695 = arith.addi %parallel_loop3A_692, %parallel_loop3A_694 : i32
        %parallel_loop3A_696 = arith.constant 7 : i32
        %parallel_loop3A_697 = arith.addi %parallel_loop3A_695, %parallel_loop3A_696 : i32
        %parallel_loop3A_698 = arith.index_cast %parallel_loop3A_697 : i32 to index
        %parallel_loop3A_699 = arith.constant 32 : index
        %parallel_loop3A_700 = tpu.vector_load %arg7[%parallel_loop3A_698, %parallel_loop3A_699] {strides = array<i32>} : memref<480x128xf32, #tpu.memory_space<vmem>>, vector<16xf32>,
        tpu.vector_store %arg7[%parallel_loop3A_698, %parallel_loop3A_699], %parallel_loop3A_690 {strides = array<i32>} : memref<480x128xf32, #tpu.memory_space<vmem>>, vector<16xf32>,
        %parallel_loop3A_701 = arith.addi %parallel_loop3A_206, %add3A_13 : vector<16xi32>
        %parallel_loop3A_702 = tpu.vector_load_idx %arg5[%parallel_loop3A_701] : memref<33792xf32, #tpu.memory_space<vmem>>[vector<16xi32>], vector<16xf32>,
        %parallel_loop3A_703 = arith.constant 80 : i32
        %parallel_loop3A_704 = arith.muli %rem3A_160, %parallel_loop3A_703 : i32
        %parallel_loop3A_705 = arith.constant 16 : i32
        %parallel_loop3A_706 = arith.muli %parallel_loop3A_181, %parallel_loop3A_705 : i32
        %parallel_loop3A_707 = arith.addi %parallel_loop3A_704, %parallel_loop3A_706 : i32
        %parallel_loop3A_708 = arith.constant 8 : i32
        %parallel_loop3A_709 = arith.addi %parallel_loop3A_707, %parallel_loop3A_708 : i32
        %parallel_loop3A_710 = arith.index_cast %parallel_loop3A_709 : i32 to index
        %parallel_loop3A_711 = arith.constant 32 : index
        %parallel_loop3A_712 = tpu.vector_load %arg7[%parallel_loop3A_710, %parallel_loop3A_711] {strides = array<i32>} : memref<480x128xf32, #tpu.memory_space<vmem>>, vector<16xf32>,
        tpu.vector_store %arg7[%parallel_loop3A_710, %parallel_loop3A_711], %parallel_loop3A_702 {strides = array<i32>} : memref<480x128xf32, #tpu.memory_space<vmem>>, vector<16xf32>,
        %parallel_loop3A_713 = arith.addi %parallel_loop3A_208, %add3A_13 : vector<16xi32>
        %parallel_loop3A_714 = tpu.vector_load_idx %arg5[%parallel_loop3A_713] : memref<33792xf32, #tpu.memory_space<vmem>>[vector<16xi32>], vector<16xf32>,
        %parallel_loop3A_715 = arith.constant 80 : i32
        %parallel_loop3A_716 = arith.muli %rem3A_160, %parallel_loop3A_715 : i32
        %parallel_loop3A_717 = arith.constant 16 : i32
        %parallel_loop3A_718 = arith.muli %parallel_loop3A_181, %parallel_loop3A_717 : i32
        %parallel_loop3A_719 = arith.addi %parallel_loop3A_716, %parallel_loop3A_718 : i32
        %parallel_loop3A_720 = arith.constant 9 : i32
        %parallel_loop3A_721 = arith.addi %parallel_loop3A_719, %parallel_loop3A_720 : i32
        %parallel_loop3A_722 = arith.index_cast %parallel_loop3A_721 : i32 to index
        %parallel_loop3A_723 = arith.constant 32 : index
        %parallel_loop3A_724 = tpu.vector_load %arg7[%parallel_loop3A_722, %parallel_loop3A_723] {strides = array<i32>} : memref<480x128xf32, #tpu.memory_space<vmem>>, vector<16xf32>,
        tpu.vector_store %arg7[%parallel_loop3A_722, %parallel_loop3A_723], %parallel_loop3A_714 {strides = array<i32>} : memref<480x128xf32, #tpu.memory_space<vmem>>, vector<16xf32>,
        %parallel_loop3A_725 = arith.addi %parallel_loop3A_210, %add3A_13 : vector<16xi32>
        %parallel_loop3A_726 = tpu.vector_load_idx %arg5[%parallel_loop3A_725] : memref<33792xf32, #tpu.memory_space<vmem>>[vector<16xi32>], vector<16xf32>,
        %parallel_loop3A_727 = arith.constant 80 : i32
        %parallel_loop3A_728 = arith.muli %rem3A_160, %parallel_loop3A_727 : i32
        %parallel_loop3A_729 = arith.constant 16 : i32
        %parallel_loop3A_730 = arith.muli %parallel_loop3A_181, %parallel_loop3A_729 : i32
        %parallel_loop3A_731 = arith.addi %parallel_loop3A_728, %parallel_loop3A_730 : i32
        %parallel_loop3A_732 = arith.constant 10 : i32
        %parallel_loop3A_733 = arith.addi %parallel_loop3A_731, %parallel_loop3A_732 : i32
        %parallel_loop3A_734 = arith.index_cast %parallel_loop3A_733 : i32 to index
        %parallel_loop3A_735 = arith.constant 32 : index
        %parallel_loop3A_736 = tpu.vector_load %arg7[%parallel_loop3A_734, %parallel_loop3A_735] {strides = array<i32>} : memref<480x128xf32, #tpu.memory_space<vmem>>, vector<16xf32>,
        tpu.vector_store %arg7[%parallel_loop3A_734, %parallel_loop3A_735], %parallel_loop3A_726 {strides = array<i32>} : memref<480x128xf32, #tpu.memory_space<vmem>>, vector<16xf32>,
        %parallel_loop3A_737 = arith.addi %parallel_loop3A_212, %add3A_13 : vector<16xi32>
        %parallel_loop3A_738 = tpu.vector_load_idx %arg5[%parallel_loop3A_737] : memref<33792xf32, #tpu.memory_space<vmem>>[vector<16xi32>], vector<16xf32>,
        %parallel_loop3A_739 = arith.constant 80 : i32
        %parallel_loop3A_740 = arith.muli %rem3A_160, %parallel_loop3A_739 : i32
        %parallel_loop3A_741 = arith.constant 16 : i32
        %parallel_loop3A_742 = arith.muli %parallel_loop3A_181, %parallel_loop3A_741 : i32
        %parallel_loop3A_743 = arith.addi %parallel_loop3A_740, %parallel_loop3A_742 : i32
        %parallel_loop3A_744 = arith.constant 11 : i32
        %parallel_loop3A_745 = arith.addi %parallel_loop3A_743, %parallel_loop3A_744 : i32
        %parallel_loop3A_746 = arith.index_cast %parallel_loop3A_745 : i32 to index
        %parallel_loop3A_747 = arith.constant 32 : index
        %parallel_loop3A_748 = tpu.vector_load %arg7[%parallel_loop3A_746, %parallel_loop3A_747] {strides = array<i32>} : memref<480x128xf32, #tpu.memory_space<vmem>>, vector<16xf32>,
        tpu.vector_store %arg7[%parallel_loop3A_746, %parallel_loop3A_747], %parallel_loop3A_738 {strides = array<i32>} : memref<480x128xf32, #tpu.memory_space<vmem>>, vector<16xf32>,
        %parallel_loop3A_749 = arith.addi %parallel_loop3A_214, %add3A_13 : vector<16xi32>
        %parallel_loop3A_750 = tpu.vector_load_idx %arg5[%parallel_loop3A_749] : memref<33792xf32, #tpu.memory_space<vmem>>[vector<16xi32>], vector<16xf32>,
        %parallel_loop3A_751 = arith.constant 80 : i32
        %parallel_loop3A_752 = arith.muli %rem3A_160, %parallel_loop3A_751 : i32
        %parallel_loop3A_753 = arith.constant 16 : i32
        %parallel_loop3A_754 = arith.muli %parallel_loop3A_181, %parallel_loop3A_753 : i32
        %parallel_loop3A_755 = arith.addi %parallel_loop3A_752, %parallel_loop3A_754 : i32
        %parallel_loop3A_756 = arith.constant 12 : i32
        %parallel_loop3A_757 = arith.addi %parallel_loop3A_755, %parallel_loop3A_756 : i32
        %parallel_loop3A_758 = arith.index_cast %parallel_loop3A_757 : i32 to index
        %parallel_loop3A_759 = arith.constant 32 : index
        %parallel_loop3A_760 = tpu.vector_load %arg7[%parallel_loop3A_758, %parallel_loop3A_759] {strides = array<i32>} : memref<480x128xf32, #tpu.memory_space<vmem>>, vector<16xf32>,
        tpu.vector_store %arg7[%parallel_loop3A_758, %parallel_loop3A_759], %parallel_loop3A_750 {strides = array<i32>} : memref<480x128xf32, #tpu.memory_space<vmem>>, vector<16xf32>,
        %parallel_loop3A_761 = arith.addi %parallel_loop3A_216, %add3A_13 : vector<16xi32>
        %parallel_loop3A_762 = tpu.vector_load_idx %arg5[%parallel_loop3A_761] : memref<33792xf32, #tpu.memory_space<vmem>>[vector<16xi32>], vector<16xf32>,
        %parallel_loop3A_763 = arith.constant 80 : i32
        %parallel_loop3A_764 = arith.muli %rem3A_160, %parallel_loop3A_763 : i32
        %parallel_loop3A_765 = arith.constant 16 : i32
        %parallel_loop3A_766 = arith.muli %parallel_loop3A_181, %parallel_loop3A_765 : i32
        %parallel_loop3A_767 = arith.addi %parallel_loop3A_764, %parallel_loop3A_766 : i32
        %parallel_loop3A_768 = arith.constant 13 : i32
        %parallel_loop3A_769 = arith.addi %parallel_loop3A_767, %parallel_loop3A_768 : i32
        %parallel_loop3A_770 = arith.index_cast %parallel_loop3A_769 : i32 to index
        %parallel_loop3A_771 = arith.constant 32 : index
        %parallel_loop3A_772 = tpu.vector_load %arg7[%parallel_loop3A_770, %parallel_loop3A_771] {strides = array<i32>} : memref<480x128xf32, #tpu.memory_space<vmem>>, vector<16xf32>,
        tpu.vector_store %arg7[%parallel_loop3A_770, %parallel_loop3A_771], %parallel_loop3A_762 {strides = array<i32>} : memref<480x128xf32, #tpu.memory_space<vmem>>, vector<16xf32>,
        %parallel_loop3A_773 = arith.addi %parallel_loop3A_218, %add3A_13 : vector<16xi32>
        %parallel_loop3A_774 = tpu.vector_load_idx %arg5[%parallel_loop3A_773] : memref<33792xf32, #tpu.memory_space<vmem>>[vector<16xi32>], vector<16xf32>,
        %parallel_loop3A_775 = arith.constant 80 : i32
        %parallel_loop3A_776 = arith.muli %rem3A_160, %parallel_loop3A_775 : i32
        %parallel_loop3A_777 = arith.constant 16 : i32
        %parallel_loop3A_778 = arith.muli %parallel_loop3A_181, %parallel_loop3A_777 : i32
        %parallel_loop3A_779 = arith.addi %parallel_loop3A_776, %parallel_loop3A_778 : i32
        %parallel_loop3A_780 = arith.constant 14 : i32
        %parallel_loop3A_781 = arith.addi %parallel_loop3A_779, %parallel_loop3A_780 : i32
        %parallel_loop3A_782 = arith.index_cast %parallel_loop3A_781 : i32 to index
        %parallel_loop3A_783 = arith.constant 32 : index
        %parallel_loop3A_784 = tpu.vector_load %arg7[%parallel_loop3A_782, %parallel_loop3A_783] {strides = array<i32>} : memref<480x128xf32, #tpu.memory_space<vmem>>, vector<16xf32>,
        tpu.vector_store %arg7[%parallel_loop3A_782, %parallel_loop3A_783], %parallel_loop3A_774 {strides = array<i32>} : memref<480x128xf32, #tpu.memory_space<vmem>>, vector<16xf32>,
        %parallel_loop3A_785 = arith.addi %parallel_loop3A_220, %add3A_13 : vector<16xi32>
        %parallel_loop3A_786 = tpu.vector_load_idx %arg5[%parallel_loop3A_785] : memref<33792xf32, #tpu.memory_space<vmem>>[vector<16xi32>], vector<16xf32>,
        %parallel_loop3A_787 = arith.constant 80 : i32
        %parallel_loop3A_788 = arith.muli %rem3A_160, %parallel_loop3A_787 : i32
        %parallel_loop3A_789 = arith.constant 16 : i32
        %parallel_loop3A_790 = arith.muli %parallel_loop3A_181, %parallel_loop3A_789 : i32
        %parallel_loop3A_791 = arith.addi %parallel_loop3A_788, %parallel_loop3A_790 : i32
        %parallel_loop3A_792 = arith.constant 15 : i32
        %parallel_loop3A_793 = arith.addi %parallel_loop3A_791, %parallel_loop3A_792 : i32
        %parallel_loop3A_794 = arith.index_cast %parallel_loop3A_793 : i32 to index
        %parallel_loop3A_795 = arith.constant 32 : index
        %parallel_loop3A_796 = tpu.vector_load %arg7[%parallel_loop3A_794, %parallel_loop3A_795] {strides = array<i32>} : memref<480x128xf32, #tpu.memory_space<vmem>>, vector<16xf32>,
        tpu.vector_store %arg7[%parallel_loop3A_794, %parallel_loop3A_795], %parallel_loop3A_786 {strides = array<i32>} : memref<480x128xf32, #tpu.memory_space<vmem>>, vector<16xf32>,
        %parallel_loop3A_797 = arith.addi %parallel_loop3A_190, %add3A_17 : vector<16xi32>
        %parallel_loop3A_798 = tpu.vector_load_idx %arg5[%parallel_loop3A_797] : memref<33792xf32, #tpu.memory_space<vmem>>[vector<16xi32>], vector<16xf32>,
        %parallel_loop3A_799 = arith.constant 80 : i32
        %parallel_loop3A_800 = arith.muli %rem3A_160, %parallel_loop3A_799 : i32
        %parallel_loop3A_801 = arith.constant 16 : i32
        %parallel_loop3A_802 = arith.muli %parallel_loop3A_181, %parallel_loop3A_801 : i32
        %parallel_loop3A_803 = arith.addi %parallel_loop3A_800, %parallel_loop3A_802 : i32
        %parallel_loop3A_804 = arith.constant 0 : i32
        %parallel_loop3A_805 = arith.addi %parallel_loop3A_803, %parallel_loop3A_804 : i32
        %parallel_loop3A_806 = arith.index_cast %parallel_loop3A_805 : i32 to index
        %parallel_loop3A_807 = arith.constant 48 : index
        %parallel_loop3A_808 = tpu.vector_load %arg7[%parallel_loop3A_806, %parallel_loop3A_807] {strides = array<i32>} : memref<480x128xf32, #tpu.memory_space<vmem>>, vector<16xf32>,
        tpu.vector_store %arg7[%parallel_loop3A_806, %parallel_loop3A_807], %parallel_loop3A_798 {strides = array<i32>} : memref<480x128xf32, #tpu.memory_space<vmem>>, vector<16xf32>,
        %parallel_loop3A_809 = arith.addi %parallel_loop3A_192, %add3A_17 : vector<16xi32>
        %parallel_loop3A_810 = tpu.vector_load_idx %arg5[%parallel_loop3A_809] : memref<33792xf32, #tpu.memory_space<vmem>>[vector<16xi32>], vector<16xf32>,
        %parallel_loop3A_811 = arith.constant 80 : i32
        %parallel_loop3A_812 = arith.muli %rem3A_160, %parallel_loop3A_811 : i32
        %parallel_loop3A_813 = arith.constant 16 : i32
        %parallel_loop3A_814 = arith.muli %parallel_loop3A_181, %parallel_loop3A_813 : i32
        %parallel_loop3A_815 = arith.addi %parallel_loop3A_812, %parallel_loop3A_814 : i32
        %parallel_loop3A_816 = arith.constant 1 : i32
        %parallel_loop3A_817 = arith.addi %parallel_loop3A_815, %parallel_loop3A_816 : i32
        %parallel_loop3A_818 = arith.index_cast %parallel_loop3A_817 : i32 to index
        %parallel_loop3A_819 = arith.constant 48 : index
        %parallel_loop3A_820 = tpu.vector_load %arg7[%parallel_loop3A_818, %parallel_loop3A_819] {strides = array<i32>} : memref<480x128xf32, #tpu.memory_space<vmem>>, vector<16xf32>,
        tpu.vector_store %arg7[%parallel_loop3A_818, %parallel_loop3A_819], %parallel_loop3A_810 {strides = array<i32>} : memref<480x128xf32, #tpu.memory_space<vmem>>, vector<16xf32>,
        %parallel_loop3A_821 = arith.addi %parallel_loop3A_194, %add3A_17 : vector<16xi32>
        %parallel_loop3A_822 = tpu.vector_load_idx %arg5[%parallel_loop3A_821] : memref<33792xf32, #tpu.memory_space<vmem>>[vector<16xi32>], vector<16xf32>,
        %parallel_loop3A_823 = arith.constant 80 : i32
        %parallel_loop3A_824 = arith.muli %rem3A_160, %parallel_loop3A_823 : i32
        %parallel_loop3A_825 = arith.constant 16 : i32
        %parallel_loop3A_826 = arith.muli %parallel_loop3A_181, %parallel_loop3A_825 : i32
        %parallel_loop3A_827 = arith.addi %parallel_loop3A_824, %parallel_loop3A_826 : i32
        %parallel_loop3A_828 = arith.constant 2 : i32
        %parallel_loop3A_829 = arith.addi %parallel_loop3A_827, %parallel_loop3A_828 : i32
        %parallel_loop3A_830 = arith.index_cast %parallel_loop3A_829 : i32 to index
        %parallel_loop3A_831 = arith.constant 48 : index
        %parallel_loop3A_832 = tpu.vector_load %arg7[%parallel_loop3A_830, %parallel_loop3A_831] {strides = array<i32>} : memref<480x128xf32, #tpu.memory_space<vmem>>, vector<16xf32>,
        tpu.vector_store %arg7[%parallel_loop3A_830, %parallel_loop3A_831], %parallel_loop3A_822 {strides = array<i32>} : memref<480x128xf32, #tpu.memory_space<vmem>>, vector<16xf32>,
        %parallel_loop3A_833 = arith.addi %parallel_loop3A_196, %add3A_17 : vector<16xi32>
        %parallel_loop3A_834 = tpu.vector_load_idx %arg5[%parallel_loop3A_833] : memref<33792xf32, #tpu.memory_space<vmem>>[vector<16xi32>], vector<16xf32>,
        %parallel_loop3A_835 = arith.constant 80 : i32
        %parallel_loop3A_836 = arith.muli %rem3A_160, %parallel_loop3A_835 : i32
        %parallel_loop3A_837 = arith.constant 16 : i32
        %parallel_loop3A_838 = arith.muli %parallel_loop3A_181, %parallel_loop3A_837 : i32
        %parallel_loop3A_839 = arith.addi %parallel_loop3A_836, %parallel_loop3A_838 : i32
        %parallel_loop3A_840 = arith.constant 3 : i32
        %parallel_loop3A_841 = arith.addi %parallel_loop3A_839, %parallel_loop3A_840 : i32
        %parallel_loop3A_842 = arith.index_cast %parallel_loop3A_841 : i32 to index
        %parallel_loop3A_843 = arith.constant 48 : index
        %parallel_loop3A_844 = tpu.vector_load %arg7[%parallel_loop3A_842, %parallel_loop3A_843] {strides = array<i32>} : memref<480x128xf32, #tpu.memory_space<vmem>>, vector<16xf32>,
        tpu.vector_store %arg7[%parallel_loop3A_842, %parallel_loop3A_843], %parallel_loop3A_834 {strides = array<i32>} : memref<480x128xf32, #tpu.memory_space<vmem>>, vector<16xf32>,
        %parallel_loop3A_845 = arith.addi %parallel_loop3A_198, %add3A_17 : vector<16xi32>
        %parallel_loop3A_846 = tpu.vector_load_idx %arg5[%parallel_loop3A_845] : memref<33792xf32, #tpu.memory_space<vmem>>[vector<16xi32>], vector<16xf32>,
        %parallel_loop3A_847 = arith.constant 80 : i32
        %parallel_loop3A_848 = arith.muli %rem3A_160, %parallel_loop3A_847 : i32
        %parallel_loop3A_849 = arith.constant 16 : i32
        %parallel_loop3A_850 = arith.muli %parallel_loop3A_181, %parallel_loop3A_849 : i32
        %parallel_loop3A_851 = arith.addi %parallel_loop3A_848, %parallel_loop3A_850 : i32
        %parallel_loop3A_852 = arith.constant 4 : i32
        %parallel_loop3A_853 = arith.addi %parallel_loop3A_851, %parallel_loop3A_852 : i32
        %parallel_loop3A_854 = arith.index_cast %parallel_loop3A_853 : i32 to index
        %parallel_loop3A_855 = arith.constant 48 : index
        %parallel_loop3A_856 = tpu.vector_load %arg7[%parallel_loop3A_854, %parallel_loop3A_855] {strides = array<i32>} : memref<480x128xf32, #tpu.memory_space<vmem>>, vector<16xf32>,
        tpu.vector_store %arg7[%parallel_loop3A_854, %parallel_loop3A_855], %parallel_loop3A_846 {strides = array<i32>} : memref<480x128xf32, #tpu.memory_space<vmem>>, vector<16xf32>,
        %parallel_loop3A_857 = arith.addi %parallel_loop3A_200, %add3A_17 : vector<16xi32>
        %parallel_loop3A_858 = tpu.vector_load_idx %arg5[%parallel_loop3A_857] : memref<33792xf32, #tpu.memory_space<vmem>>[vector<16xi32>], vector<16xf32>,
        %parallel_loop3A_859 = arith.constant 80 : i32
        %parallel_loop3A_860 = arith.muli %rem3A_160, %parallel_loop3A_859 : i32
        %parallel_loop3A_861 = arith.constant 16 : i32
        %parallel_loop3A_862 = arith.muli %parallel_loop3A_181, %parallel_loop3A_861 : i32
        %parallel_loop3A_863 = arith.addi %parallel_loop3A_860, %parallel_loop3A_862 : i32
        %parallel_loop3A_864 = arith.constant 5 : i32
        %parallel_loop3A_865 = arith.addi %parallel_loop3A_863, %parallel_loop3A_864 : i32
        %parallel_loop3A_866 = arith.index_cast %parallel_loop3A_865 : i32 to index
        %parallel_loop3A_867 = arith.constant 48 : index
        %parallel_loop3A_868 = tpu.vector_load %arg7[%parallel_loop3A_866, %parallel_loop3A_867] {strides = array<i32>} : memref<480x128xf32, #tpu.memory_space<vmem>>, vector<16xf32>,
        tpu.vector_store %arg7[%parallel_loop3A_866, %parallel_loop3A_867], %parallel_loop3A_858 {strides = array<i32>} : memref<480x128xf32, #tpu.memory_space<vmem>>, vector<16xf32>,
        %parallel_loop3A_869 = arith.addi %parallel_loop3A_202, %add3A_17 : vector<16xi32>
        %parallel_loop3A_870 = tpu.vector_load_idx %arg5[%parallel_loop3A_869] : memref<33792xf32, #tpu.memory_space<vmem>>[vector<16xi32>], vector<16xf32>,
        %parallel_loop3A_871 = arith.constant 80 : i32
        %parallel_loop3A_872 = arith.muli %rem3A_160, %parallel_loop3A_871 : i32
        %parallel_loop3A_873 = arith.constant 16 : i32
        %parallel_loop3A_874 = arith.muli %parallel_loop3A_181, %parallel_loop3A_873 : i32
        %parallel_loop3A_875 = arith.addi %parallel_loop3A_872, %parallel_loop3A_874 : i32
        %parallel_loop3A_876 = arith.constant 6 : i32
        %parallel_loop3A_877 = arith.addi %parallel_loop3A_875, %parallel_loop3A_876 : i32
        %parallel_loop3A_878 = arith.index_cast %parallel_loop3A_877 : i32 to index
        %parallel_loop3A_879 = arith.constant 48 : index
        %parallel_loop3A_880 = tpu.vector_load %arg7[%parallel_loop3A_878, %parallel_loop3A_879] {strides = array<i32>} : memref<480x128xf32, #tpu.memory_space<vmem>>, vector<16xf32>,
        tpu.vector_store %arg7[%parallel_loop3A_878, %parallel_loop3A_879], %parallel_loop3A_870 {strides = array<i32>} : memref<480x128xf32, #tpu.memory_space<vmem>>, vector<16xf32>,
        %parallel_loop3A_881 = arith.addi %parallel_loop3A_204, %add3A_17 : vector<16xi32>
        %parallel_loop3A_882 = tpu.vector_load_idx %arg5[%parallel_loop3A_881] : memref<33792xf32, #tpu.memory_space<vmem>>[vector<16xi32>], vector<16xf32>,
        %parallel_loop3A_883 = arith.constant 80 : i32
        %parallel_loop3A_884 = arith.muli %rem3A_160, %parallel_loop3A_883 : i32
        %parallel_loop3A_885 = arith.constant 16 : i32
        %parallel_loop3A_886 = arith.muli %parallel_loop3A_181, %parallel_loop3A_885 : i32
        %parallel_loop3A_887 = arith.addi %parallel_loop3A_884, %parallel_loop3A_886 : i32
        %parallel_loop3A_888 = arith.constant 7 : i32
        %parallel_loop3A_889 = arith.addi %parallel_loop3A_887, %parallel_loop3A_888 : i32
        %parallel_loop3A_890 = arith.index_cast %parallel_loop3A_889 : i32 to index
        %parallel_loop3A_891 = arith.constant 48 : index
        %parallel_loop3A_892 = tpu.vector_load %arg7[%parallel_loop3A_890, %parallel_loop3A_891] {strides = array<i32>} : memref<480x128xf32, #tpu.memory_space<vmem>>, vector<16xf32>,
        tpu.vector_store %arg7[%parallel_loop3A_890, %parallel_loop3A_891], %parallel_loop3A_882 {strides = array<i32>} : memref<480x128xf32, #tpu.memory_space<vmem>>, vector<16xf32>,
        %parallel_loop3A_893 = arith.addi %parallel_loop3A_206, %add3A_17 : vector<16xi32>
        %parallel_loop3A_894 = tpu.vector_load_idx %arg5[%parallel_loop3A_893] : memref<33792xf32, #tpu.memory_space<vmem>>[vector<16xi32>], vector<16xf32>,
        %parallel_loop3A_895 = arith.constant 80 : i32
        %parallel_loop3A_896 = arith.muli %rem3A_160, %parallel_loop3A_895 : i32
        %parallel_loop3A_897 = arith.constant 16 : i32
        %parallel_loop3A_898 = arith.muli %parallel_loop3A_181, %parallel_loop3A_897 : i32
        %parallel_loop3A_899 = arith.addi %parallel_loop3A_896, %parallel_loop3A_898 : i32
        %parallel_loop3A_900 = arith.constant 8 : i32
        %parallel_loop3A_901 = arith.addi %parallel_loop3A_899, %parallel_loop3A_900 : i32
        %parallel_loop3A_902 = arith.index_cast %parallel_loop3A_901 : i32 to index
        %parallel_loop3A_903 = arith.constant 48 : index
        %parallel_loop3A_904 = tpu.vector_load %arg7[%parallel_loop3A_902, %parallel_loop3A_903] {strides = array<i32>} : memref<480x128xf32, #tpu.memory_space<vmem>>, vector<16xf32>,
        tpu.vector_store %arg7[%parallel_loop3A_902, %parallel_loop3A_903], %parallel_loop3A_894 {strides = array<i32>} : memref<480x128xf32, #tpu.memory_space<vmem>>, vector<16xf32>,
        %parallel_loop3A_905 = arith.addi %parallel_loop3A_208, %add3A_17 : vector<16xi32>
        %parallel_loop3A_906 = tpu.vector_load_idx %arg5[%parallel_loop3A_905] : memref<33792xf32, #tpu.memory_space<vmem>>[vector<16xi32>], vector<16xf32>,
        %parallel_loop3A_907 = arith.constant 80 : i32
        %parallel_loop3A_908 = arith.muli %rem3A_160, %parallel_loop3A_907 : i32
        %parallel_loop3A_909 = arith.constant 16 : i32
        %parallel_loop3A_910 = arith.muli %parallel_loop3A_181, %parallel_loop3A_909 : i32
        %parallel_loop3A_911 = arith.addi %parallel_loop3A_908, %parallel_loop3A_910 : i32
        %parallel_loop3A_912 = arith.constant 9 : i32
        %parallel_loop3A_913 = arith.addi %parallel_loop3A_911, %parallel_loop3A_912 : i32
        %parallel_loop3A_914 = arith.index_cast %parallel_loop3A_913 : i32 to index
        %parallel_loop3A_915 = arith.constant 48 : index
        %parallel_loop3A_916 = tpu.vector_load %arg7[%parallel_loop3A_914, %parallel_loop3A_915] {strides = array<i32>} : memref<480x128xf32, #tpu.memory_space<vmem>>, vector<16xf32>,
        tpu.vector_store %arg7[%parallel_loop3A_914, %parallel_loop3A_915], %parallel_loop3A_906 {strides = array<i32>} : memref<480x128xf32, #tpu.memory_space<vmem>>, vector<16xf32>,
        %parallel_loop3A_917 = arith.addi %parallel_loop3A_210, %add3A_17 : vector<16xi32>
        %parallel_loop3A_918 = tpu.vector_load_idx %arg5[%parallel_loop3A_917] : memref<33792xf32, #tpu.memory_space<vmem>>[vector<16xi32>], vector<16xf32>,
        %parallel_loop3A_919 = arith.constant 80 : i32
        %parallel_loop3A_920 = arith.muli %rem3A_160, %parallel_loop3A_919 : i32
        %parallel_loop3A_921 = arith.constant 16 : i32
        %parallel_loop3A_922 = arith.muli %parallel_loop3A_181, %parallel_loop3A_921 : i32
        %parallel_loop3A_923 = arith.addi %parallel_loop3A_920, %parallel_loop3A_922 : i32
        %parallel_loop3A_924 = arith.constant 10 : i32
        %parallel_loop3A_925 = arith.addi %parallel_loop3A_923, %parallel_loop3A_924 : i32
        %parallel_loop3A_926 = arith.index_cast %parallel_loop3A_925 : i32 to index
        %parallel_loop3A_927 = arith.constant 48 : index
        %parallel_loop3A_928 = tpu.vector_load %arg7[%parallel_loop3A_926, %parallel_loop3A_927] {strides = array<i32>} : memref<480x128xf32, #tpu.memory_space<vmem>>, vector<16xf32>,
        tpu.vector_store %arg7[%parallel_loop3A_926, %parallel_loop3A_927], %parallel_loop3A_918 {strides = array<i32>} : memref<480x128xf32, #tpu.memory_space<vmem>>, vector<16xf32>,
        %parallel_loop3A_929 = arith.addi %parallel_loop3A_212, %add3A_17 : vector<16xi32>
        %parallel_loop3A_930 = tpu.vector_load_idx %arg5[%parallel_loop3A_929] : memref<33792xf32, #tpu.memory_space<vmem>>[vector<16xi32>], vector<16xf32>,
        %parallel_loop3A_931 = arith.constant 80 : i32
        %parallel_loop3A_932 = arith.muli %rem3A_160, %parallel_loop3A_931 : i32
        %parallel_loop3A_933 = arith.constant 16 : i32
        %parallel_loop3A_934 = arith.muli %parallel_loop3A_181, %parallel_loop3A_933 : i32
        %parallel_loop3A_935 = arith.addi %parallel_loop3A_932, %parallel_loop3A_934 : i32
        %parallel_loop3A_936 = arith.constant 11 : i32
        %parallel_loop3A_937 = arith.addi %parallel_loop3A_935, %parallel_loop3A_936 : i32
        %parallel_loop3A_938 = arith.index_cast %parallel_loop3A_937 : i32 to index
        %parallel_loop3A_939 = arith.constant 48 : index
        %parallel_loop3A_940 = tpu.vector_load %arg7[%parallel_loop3A_938, %parallel_loop3A_939] {strides = array<i32>} : memref<480x128xf32, #tpu.memory_space<vmem>>, vector<16xf32>,
        tpu.vector_store %arg7[%parallel_loop3A_938, %parallel_loop3A_939], %parallel_loop3A_930 {strides = array<i32>} : memref<480x128xf32, #tpu.memory_space<vmem>>, vector<16xf32>,
        %parallel_loop3A_941 = arith.addi %parallel_loop3A_214, %add3A_17 : vector<16xi32>
        %parallel_loop3A_942 = tpu.vector_load_idx %arg5[%parallel_loop3A_941] : memref<33792xf32, #tpu.memory_space<vmem>>[vector<16xi32>], vector<16xf32>,
        %parallel_loop3A_943 = arith.constant 80 : i32
        %parallel_loop3A_944 = arith.muli %rem3A_160, %parallel_loop3A_943 : i32
        %parallel_loop3A_945 = arith.constant 16 : i32
        %parallel_loop3A_946 = arith.muli %parallel_loop3A_181, %parallel_loop3A_945 : i32
        %parallel_loop3A_947 = arith.addi %parallel_loop3A_944, %parallel_loop3A_946 : i32
        %parallel_loop3A_948 = arith.constant 12 : i32
        %parallel_loop3A_949 = arith.addi %parallel_loop3A_947, %parallel_loop3A_948 : i32
        %parallel_loop3A_950 = arith.index_cast %parallel_loop3A_949 : i32 to index
        %parallel_loop3A_951 = arith.constant 48 : index
        %parallel_loop3A_952 = tpu.vector_load %arg7[%parallel_loop3A_950, %parallel_loop3A_951] {strides = array<i32>} : memref<480x128xf32, #tpu.memory_space<vmem>>, vector<16xf32>,
        tpu.vector_store %arg7[%parallel_loop3A_950, %parallel_loop3A_951], %parallel_loop3A_942 {strides = array<i32>} : memref<480x128xf32, #tpu.memory_space<vmem>>, vector<16xf32>,
        %parallel_loop3A_953 = arith.addi %parallel_loop3A_216, %add3A_17 : vector<16xi32>
        %parallel_loop3A_954 = tpu.vector_load_idx %arg5[%parallel_loop3A_953] : memref<33792xf32, #tpu.memory_space<vmem>>[vector<16xi32>], vector<16xf32>,
        %parallel_loop3A_955 = arith.constant 80 : i32
        %parallel_loop3A_956 = arith.muli %rem3A_160, %parallel_loop3A_955 : i32
        %parallel_loop3A_957 = arith.constant 16 : i32
        %parallel_loop3A_958 = arith.muli %parallel_loop3A_181, %parallel_loop3A_957 : i32
        %parallel_loop3A_959 = arith.addi %parallel_loop3A_956, %parallel_loop3A_958 : i32
        %parallel_loop3A_960 = arith.constant 13 : i32
        %parallel_loop3A_961 = arith.addi %parallel_loop3A_959, %parallel_loop3A_960 : i32
        %parallel_loop3A_962 = arith.index_cast %parallel_loop3A_961 : i32 to index
        %parallel_loop3A_963 = arith.constant 48 : index
        %parallel_loop3A_964 = tpu.vector_load %arg7[%parallel_loop3A_962, %parallel_loop3A_963] {strides = array<i32>} : memref<480x128xf32, #tpu.memory_space<vmem>>, vector<16xf32>,
        tpu.vector_store %arg7[%parallel_loop3A_962, %parallel_loop3A_963], %parallel_loop3A_954 {strides = array<i32>} : memref<480x128xf32, #tpu.memory_space<vmem>>, vector<16xf32>,
        %parallel_loop3A_965 = arith.addi %parallel_loop3A_218, %add3A_17 : vector<16xi32>
        %parallel_loop3A_966 = tpu.vector_load_idx %arg5[%parallel_loop3A_965] : memref<33792xf32, #tpu.memory_space<vmem>>[vector<16xi32>], vector<16xf32>,
        %parallel_loop3A_967 = arith.constant 80 : i32
        %parallel_loop3A_968 = arith.muli %rem3A_160, %parallel_loop3A_967 : i32
        %parallel_loop3A_969 = arith.constant 16 : i32
        %parallel_loop3A_970 = arith.muli %parallel_loop3A_181, %parallel_loop3A_969 : i32
        %parallel_loop3A_971 = arith.addi %parallel_loop3A_968, %parallel_loop3A_970 : i32
        %parallel_loop3A_972 = arith.constant 14 : i32
        %parallel_loop3A_973 = arith.addi %parallel_loop3A_971, %parallel_loop3A_972 : i32
        %parallel_loop3A_974 = arith.index_cast %parallel_loop3A_973 : i32 to index
        %parallel_loop3A_975 = arith.constant 48 : index
        %parallel_loop3A_976 = tpu.vector_load %arg7[%parallel_loop3A_974, %parallel_loop3A_975] {strides = array<i32>} : memref<480x128xf32, #tpu.memory_space<vmem>>, vector<16xf32>,
        tpu.vector_store %arg7[%parallel_loop3A_974, %parallel_loop3A_975], %parallel_loop3A_966 {strides = array<i32>} : memref<480x128xf32, #tpu.memory_space<vmem>>, vector<16xf32>,
        %parallel_loop3A_977 = arith.addi %parallel_loop3A_220, %add3A_17 : vector<16xi32>
        %parallel_loop3A_978 = tpu.vector_load_idx %arg5[%parallel_loop3A_977] : memref<33792xf32, #tpu.memory_space<vmem>>[vector<16xi32>], vector<16xf32>,
        %parallel_loop3A_979 = arith.constant 80 : i32
        %parallel_loop3A_980 = arith.muli %rem3A_160, %parallel_loop3A_979 : i32
        %parallel_loop3A_981 = arith.constant 16 : i32
        %parallel_loop3A_982 = arith.muli %parallel_loop3A_181, %parallel_loop3A_981 : i32
        %parallel_loop3A_983 = arith.addi %parallel_loop3A_980, %parallel_loop3A_982 : i32
        %parallel_loop3A_984 = arith.constant 15 : i32
        %parallel_loop3A_985 = arith.addi %parallel_loop3A_983, %parallel_loop3A_984 : i32
        %parallel_loop3A_986 = arith.index_cast %parallel_loop3A_985 : i32 to index
        %parallel_loop3A_987 = arith.constant 48 : index
        %parallel_loop3A_988 = tpu.vector_load %arg7[%parallel_loop3A_986, %parallel_loop3A_987] {strides = array<i32>} : memref<480x128xf32, #tpu.memory_space<vmem>>, vector<16xf32>,
        tpu.vector_store %arg7[%parallel_loop3A_986, %parallel_loop3A_987], %parallel_loop3A_978 {strides = array<i32>} : memref<480x128xf32, #tpu.memory_space<vmem>>, vector<16xf32>,
        %parallel_loop3A_989 = arith.addi %parallel_loop3A_190, %add3A_21 : vector<16xi32>
        %parallel_loop3A_990 = tpu.vector_load_idx %arg5[%parallel_loop3A_989] : memref<33792xf32, #tpu.memory_space<vmem>>[vector<16xi32>], vector<16xf32>,
        %parallel_loop3A_991 = arith.constant 80 : i32
        %parallel_loop3A_992 = arith.muli %rem3A_160, %parallel_loop3A_991 : i32
        %parallel_loop3A_993 = arith.constant 16 : i32
        %parallel_loop3A_994 = arith.muli %parallel_loop3A_181, %parallel_loop3A_993 : i32
        %parallel_loop3A_995 = arith.addi %parallel_loop3A_992, %parallel_loop3A_994 : i32
        %parallel_loop3A_996 = arith.constant 0 : i32
        %parallel_loop3A_997 = arith.addi %parallel_loop3A_995, %parallel_loop3A_996 : i32
        %parallel_loop3A_998 = arith.index_cast %parallel_loop3A_997 : i32 to index
        %parallel_loop3A_999 = arith.constant 64 : index
        %parallel_loop3A_1000 = tpu.vector_load %arg7[%parallel_loop3A_998, %parallel_loop3A_999] {strides = array<i32>} : memref<480x128xf32, #tpu.memory_space<vmem>>, vector<16xf32>,
        tpu.vector_store %arg7[%parallel_loop3A_998, %parallel_loop3A_999], %parallel_loop3A_990 {strides = array<i32>} : memref<480x128xf32, #tpu.memory_space<vmem>>, vector<16xf32>,
        %parallel_loop3A_1001 = arith.addi %parallel_loop3A_192, %add3A_21 : vector<16xi32>
        %parallel_loop3A_1002 = tpu.vector_load_idx %arg5[%parallel_loop3A_1001] : memref<33792xf32, #tpu.memory_space<vmem>>[vector<16xi32>], vector<16xf32>,
        %parallel_loop3A_1003 = arith.constant 80 : i32
        %parallel_loop3A_1004 = arith.muli %rem3A_160, %parallel_loop3A_1003 : i32
        %parallel_loop3A_1005 = arith.constant 16 : i32
        %parallel_loop3A_1006 = arith.muli %parallel_loop3A_181, %parallel_loop3A_1005 : i32
        %parallel_loop3A_1007 = arith.addi %parallel_loop3A_1004, %parallel_loop3A_1006 : i32
        %parallel_loop3A_1008 = arith.constant 1 : i32
        %parallel_loop3A_1009 = arith.addi %parallel_loop3A_1007, %parallel_loop3A_1008 : i32
        %parallel_loop3A_1010 = arith.index_cast %parallel_loop3A_1009 : i32 to index
        %parallel_loop3A_1011 = arith.constant 64 : index
        %parallel_loop3A_1012 = tpu.vector_load %arg7[%parallel_loop3A_1010, %parallel_loop3A_1011] {strides = array<i32>} : memref<480x128xf32, #tpu.memory_space<vmem>>, vector<16xf32>,
        tpu.vector_store %arg7[%parallel_loop3A_1010, %parallel_loop3A_1011], %parallel_loop3A_1002 {strides = array<i32>} : memref<480x128xf32, #tpu.memory_space<vmem>>, vector<16xf32>,
        %parallel_loop3A_1013 = arith.addi %parallel_loop3A_194, %add3A_21 : vector<16xi32>
        %parallel_loop3A_1014 = tpu.vector_load_idx %arg5[%parallel_loop3A_1013] : memref<33792xf32, #tpu.memory_space<vmem>>[vector<16xi32>], vector<16xf32>,
        %parallel_loop3A_1015 = arith.constant 80 : i32
        %parallel_loop3A_1016 = arith.muli %rem3A_160, %parallel_loop3A_1015 : i32
        %parallel_loop3A_1017 = arith.constant 16 : i32
        %parallel_loop3A_1018 = arith.muli %parallel_loop3A_181, %parallel_loop3A_1017 : i32
        %parallel_loop3A_1019 = arith.addi %parallel_loop3A_1016, %parallel_loop3A_1018 : i32
        %parallel_loop3A_1020 = arith.constant 2 : i32
        %parallel_loop3A_1021 = arith.addi %parallel_loop3A_1019, %parallel_loop3A_1020 : i32
        %parallel_loop3A_1022 = arith.index_cast %parallel_loop3A_1021 : i32 to index
        %parallel_loop3A_1023 = arith.constant 64 : index
        %parallel_loop3A_1024 = tpu.vector_load %arg7[%parallel_loop3A_1022, %parallel_loop3A_1023] {strides = array<i32>} : memref<480x128xf32, #tpu.memory_space<vmem>>, vector<16xf32>,
        tpu.vector_store %arg7[%parallel_loop3A_1022, %parallel_loop3A_1023], %parallel_loop3A_1014 {strides = array<i32>} : memref<480x128xf32, #tpu.memory_space<vmem>>, vector<16xf32>,
        %parallel_loop3A_1025 = arith.addi %parallel_loop3A_196, %add3A_21 : vector<16xi32>
        %parallel_loop3A_1026 = tpu.vector_load_idx %arg5[%parallel_loop3A_1025] : memref<33792xf32, #tpu.memory_space<vmem>>[vector<16xi32>], vector<16xf32>,
        %parallel_loop3A_1027 = arith.constant 80 : i32
        %parallel_loop3A_1028 = arith.muli %rem3A_160, %parallel_loop3A_1027 : i32
        %parallel_loop3A_1029 = arith.constant 16 : i32
        %parallel_loop3A_1030 = arith.muli %parallel_loop3A_181, %parallel_loop3A_1029 : i32
        %parallel_loop3A_1031 = arith.addi %parallel_loop3A_1028, %parallel_loop3A_1030 : i32
        %parallel_loop3A_1032 = arith.constant 3 : i32
        %parallel_loop3A_1033 = arith.addi %parallel_loop3A_1031, %parallel_loop3A_1032 : i32
        %parallel_loop3A_1034 = arith.index_cast %parallel_loop3A_1033 : i32 to index
        %parallel_loop3A_1035 = arith.constant 64 : index
        %parallel_loop3A_1036 = tpu.vector_load %arg7[%parallel_loop3A_1034, %parallel_loop3A_1035] {strides = array<i32>} : memref<480x128xf32, #tpu.memory_space<vmem>>, vector<16xf32>,
        tpu.vector_store %arg7[%parallel_loop3A_1034, %parallel_loop3A_1035], %parallel_loop3A_1026 {strides = array<i32>} : memref<480x128xf32, #tpu.memory_space<vmem>>, vector<16xf32>,
        %parallel_loop3A_1037 = arith.addi %parallel_loop3A_198, %add3A_21 : vector<16xi32>
        %parallel_loop3A_1038 = tpu.vector_load_idx %arg5[%parallel_loop3A_1037] : memref<33792xf32, #tpu.memory_space<vmem>>[vector<16xi32>], vector<16xf32>,
        %parallel_loop3A_1039 = arith.constant 80 : i32
        %parallel_loop3A_1040 = arith.muli %rem3A_160, %parallel_loop3A_1039 : i32
        %parallel_loop3A_1041 = arith.constant 16 : i32
        %parallel_loop3A_1042 = arith.muli %parallel_loop3A_181, %parallel_loop3A_1041 : i32
        %parallel_loop3A_1043 = arith.addi %parallel_loop3A_1040, %parallel_loop3A_1042 : i32
        %parallel_loop3A_1044 = arith.constant 4 : i32
        %parallel_loop3A_1045 = arith.addi %parallel_loop3A_1043, %parallel_loop3A_1044 : i32
        %parallel_loop3A_1046 = arith.index_cast %parallel_loop3A_1045 : i32 to index
        %parallel_loop3A_1047 = arith.constant 64 : index
        %parallel_loop3A_1048 = tpu.vector_load %arg7[%parallel_loop3A_1046, %parallel_loop3A_1047] {strides = array<i32>} : memref<480x128xf32, #tpu.memory_space<vmem>>, vector<16xf32>,
        tpu.vector_store %arg7[%parallel_loop3A_1046, %parallel_loop3A_1047], %parallel_loop3A_1038 {strides = array<i32>} : memref<480x128xf32, #tpu.memory_space<vmem>>, vector<16xf32>,
        %parallel_loop3A_1049 = arith.addi %parallel_loop3A_200, %add3A_21 : vector<16xi32>
        %parallel_loop3A_1050 = tpu.vector_load_idx %arg5[%parallel_loop3A_1049] : memref<33792xf32, #tpu.memory_space<vmem>>[vector<16xi32>], vector<16xf32>,
        %parallel_loop3A_1051 = arith.constant 80 : i32
        %parallel_loop3A_1052 = arith.muli %rem3A_160, %parallel_loop3A_1051 : i32
        %parallel_loop3A_1053 = arith.constant 16 : i32
        %parallel_loop3A_1054 = arith.muli %parallel_loop3A_181, %parallel_loop3A_1053 : i32
        %parallel_loop3A_1055 = arith.addi %parallel_loop3A_1052, %parallel_loop3A_1054 : i32
        %parallel_loop3A_1056 = arith.constant 5 : i32
        %parallel_loop3A_1057 = arith.addi %parallel_loop3A_1055, %parallel_loop3A_1056 : i32
        %parallel_loop3A_1058 = arith.index_cast %parallel_loop3A_1057 : i32 to index
        %parallel_loop3A_1059 = arith.constant 64 : index
        %parallel_loop3A_1060 = tpu.vector_load %arg7[%parallel_loop3A_1058, %parallel_loop3A_1059] {strides = array<i32>} : memref<480x128xf32, #tpu.memory_space<vmem>>, vector<16xf32>,
        tpu.vector_store %arg7[%parallel_loop3A_1058, %parallel_loop3A_1059], %parallel_loop3A_1050 {strides = array<i32>} : memref<480x128xf32, #tpu.memory_space<vmem>>, vector<16xf32>,
        %parallel_loop3A_1061 = arith.addi %parallel_loop3A_202, %add3A_21 : vector<16xi32>
        %parallel_loop3A_1062 = tpu.vector_load_idx %arg5[%parallel_loop3A_1061] : memref<33792xf32, #tpu.memory_space<vmem>>[vector<16xi32>], vector<16xf32>,
        %parallel_loop3A_1063 = arith.constant 80 : i32
        %parallel_loop3A_1064 = arith.muli %rem3A_160, %parallel_loop3A_1063 : i32
        %parallel_loop3A_1065 = arith.constant 16 : i32
        %parallel_loop3A_1066 = arith.muli %parallel_loop3A_181, %parallel_loop3A_1065 : i32
        %parallel_loop3A_1067 = arith.addi %parallel_loop3A_1064, %parallel_loop3A_1066 : i32
        %parallel_loop3A_1068 = arith.constant 6 : i32
        %parallel_loop3A_1069 = arith.addi %parallel_loop3A_1067, %parallel_loop3A_1068 : i32
        %parallel_loop3A_1070 = arith.index_cast %parallel_loop3A_1069 : i32 to index
        %parallel_loop3A_1071 = arith.constant 64 : index
        %parallel_loop3A_1072 = tpu.vector_load %arg7[%parallel_loop3A_1070, %parallel_loop3A_1071] {strides = array<i32>} : memref<480x128xf32, #tpu.memory_space<vmem>>, vector<16xf32>,
        tpu.vector_store %arg7[%parallel_loop3A_1070, %parallel_loop3A_1071], %parallel_loop3A_1062 {strides = array<i32>} : memref<480x128xf32, #tpu.memory_space<vmem>>, vector<16xf32>,
        %parallel_loop3A_1073 = arith.addi %parallel_loop3A_204, %add3A_21 : vector<16xi32>
        %parallel_loop3A_1074 = tpu.vector_load_idx %arg5[%parallel_loop3A_1073] : memref<33792xf32, #tpu.memory_space<vmem>>[vector<16xi32>], vector<16xf32>,
        %parallel_loop3A_1075 = arith.constant 80 : i32
        %parallel_loop3A_1076 = arith.muli %rem3A_160, %parallel_loop3A_1075 : i32
        %parallel_loop3A_1077 = arith.constant 16 : i32
        %parallel_loop3A_1078 = arith.muli %parallel_loop3A_181, %parallel_loop3A_1077 : i32
        %parallel_loop3A_1079 = arith.addi %parallel_loop3A_1076, %parallel_loop3A_1078 : i32
        %parallel_loop3A_1080 = arith.constant 7 : i32
        %parallel_loop3A_1081 = arith.addi %parallel_loop3A_1079, %parallel_loop3A_1080 : i32
        %parallel_loop3A_1082 = arith.index_cast %parallel_loop3A_1081 : i32 to index
        %parallel_loop3A_1083 = arith.constant 64 : index
        %parallel_loop3A_1084 = tpu.vector_load %arg7[%parallel_loop3A_1082, %parallel_loop3A_1083] {strides = array<i32>} : memref<480x128xf32, #tpu.memory_space<vmem>>, vector<16xf32>,
        tpu.vector_store %arg7[%parallel_loop3A_1082, %parallel_loop3A_1083], %parallel_loop3A_1074 {strides = array<i32>} : memref<480x128xf32, #tpu.memory_space<vmem>>, vector<16xf32>,
        %parallel_loop3A_1085 = arith.addi %parallel_loop3A_206, %add3A_21 : vector<16xi32>
        %parallel_loop3A_1086 = tpu.vector_load_idx %arg5[%parallel_loop3A_1085] : memref<33792xf32, #tpu.memory_space<vmem>>[vector<16xi32>], vector<16xf32>,
        %parallel_loop3A_1087 = arith.constant 80 : i32
        %parallel_loop3A_1088 = arith.muli %rem3A_160, %parallel_loop3A_1087 : i32
        %parallel_loop3A_1089 = arith.constant 16 : i32
        %parallel_loop3A_1090 = arith.muli %parallel_loop3A_181, %parallel_loop3A_1089 : i32
        %parallel_loop3A_1091 = arith.addi %parallel_loop3A_1088, %parallel_loop3A_1090 : i32
        %parallel_loop3A_1092 = arith.constant 8 : i32
        %parallel_loop3A_1093 = arith.addi %parallel_loop3A_1091, %parallel_loop3A_1092 : i32
        %parallel_loop3A_1094 = arith.index_cast %parallel_loop3A_1093 : i32 to index
        %parallel_loop3A_1095 = arith.constant 64 : index
        %parallel_loop3A_1096 = tpu.vector_load %arg7[%parallel_loop3A_1094, %parallel_loop3A_1095] {strides = array<i32>} : memref<480x128xf32, #tpu.memory_space<vmem>>, vector<16xf32>,
        tpu.vector_store %arg7[%parallel_loop3A_1094, %parallel_loop3A_1095], %parallel_loop3A_1086 {strides = array<i32>} : memref<480x128xf32, #tpu.memory_space<vmem>>, vector<16xf32>,
        %parallel_loop3A_1097 = arith.addi %parallel_loop3A_208, %add3A_21 : vector<16xi32>
        %parallel_loop3A_1098 = tpu.vector_load_idx %arg5[%parallel_loop3A_1097] : memref<33792xf32, #tpu.memory_space<vmem>>[vector<16xi32>], vector<16xf32>,
        %parallel_loop3A_1099 = arith.constant 80 : i32
        %parallel_loop3A_1100 = arith.muli %rem3A_160, %parallel_loop3A_1099 : i32
        %parallel_loop3A_1101 = arith.constant 16 : i32
        %parallel_loop3A_1102 = arith.muli %parallel_loop3A_181, %parallel_loop3A_1101 : i32
        %parallel_loop3A_1103 = arith.addi %parallel_loop3A_1100, %parallel_loop3A_1102 : i32
        %parallel_loop3A_1104 = arith.constant 9 : i32
        %parallel_loop3A_1105 = arith.addi %parallel_loop3A_1103, %parallel_loop3A_1104 : i32
        %parallel_loop3A_1106 = arith.index_cast %parallel_loop3A_1105 : i32 to index
        %parallel_loop3A_1107 = arith.constant 64 : index
        %parallel_loop3A_1108 = tpu.vector_load %arg7[%parallel_loop3A_1106, %parallel_loop3A_1107] {strides = array<i32>} : memref<480x128xf32, #tpu.memory_space<vmem>>, vector<16xf32>,
        tpu.vector_store %arg7[%parallel_loop3A_1106, %parallel_loop3A_1107], %parallel_loop3A_1098 {strides = array<i32>} : memref<480x128xf32, #tpu.memory_space<vmem>>, vector<16xf32>,
        %parallel_loop3A_1109 = arith.addi %parallel_loop3A_210, %add3A_21 : vector<16xi32>
        %parallel_loop3A_1110 = tpu.vector_load_idx %arg5[%parallel_loop3A_1109] : memref<33792xf32, #tpu.memory_space<vmem>>[vector<16xi32>], vector<16xf32>,
        %parallel_loop3A_1111 = arith.constant 80 : i32
        %parallel_loop3A_1112 = arith.muli %rem3A_160, %parallel_loop3A_1111 : i32
        %parallel_loop3A_1113 = arith.constant 16 : i32
        %parallel_loop3A_1114 = arith.muli %parallel_loop3A_181, %parallel_loop3A_1113 : i32
        %parallel_loop3A_1115 = arith.addi %parallel_loop3A_1112, %parallel_loop3A_1114 : i32
        %parallel_loop3A_1116 = arith.constant 10 : i32
        %parallel_loop3A_1117 = arith.addi %parallel_loop3A_1115, %parallel_loop3A_1116 : i32
        %parallel_loop3A_1118 = arith.index_cast %parallel_loop3A_1117 : i32 to index
        %parallel_loop3A_1119 = arith.constant 64 : index
        %parallel_loop3A_1120 = tpu.vector_load %arg7[%parallel_loop3A_1118, %parallel_loop3A_1119] {strides = array<i32>} : memref<480x128xf32, #tpu.memory_space<vmem>>, vector<16xf32>,
        tpu.vector_store %arg7[%parallel_loop3A_1118, %parallel_loop3A_1119], %parallel_loop3A_1110 {strides = array<i32>} : memref<480x128xf32, #tpu.memory_space<vmem>>, vector<16xf32>,
        %parallel_loop3A_1121 = arith.addi %parallel_loop3A_212, %add3A_21 : vector<16xi32>
        %parallel_loop3A_1122 = tpu.vector_load_idx %arg5[%parallel_loop3A_1121] : memref<33792xf32, #tpu.memory_space<vmem>>[vector<16xi32>], vector<16xf32>,
        %parallel_loop3A_1123 = arith.constant 80 : i32
        %parallel_loop3A_1124 = arith.muli %rem3A_160, %parallel_loop3A_1123 : i32
        %parallel_loop3A_1125 = arith.constant 16 : i32
        %parallel_loop3A_1126 = arith.muli %parallel_loop3A_181, %parallel_loop3A_1125 : i32
        %parallel_loop3A_1127 = arith.addi %parallel_loop3A_1124, %parallel_loop3A_1126 : i32
        %parallel_loop3A_1128 = arith.constant 11 : i32
        %parallel_loop3A_1129 = arith.addi %parallel_loop3A_1127, %parallel_loop3A_1128 : i32
        %parallel_loop3A_1130 = arith.index_cast %parallel_loop3A_1129 : i32 to index
        %parallel_loop3A_1131 = arith.constant 64 : index
        %parallel_loop3A_1132 = tpu.vector_load %arg7[%parallel_loop3A_1130, %parallel_loop3A_1131] {strides = array<i32>} : memref<480x128xf32, #tpu.memory_space<vmem>>, vector<16xf32>,
        tpu.vector_store %arg7[%parallel_loop3A_1130, %parallel_loop3A_1131], %parallel_loop3A_1122 {strides = array<i32>} : memref<480x128xf32, #tpu.memory_space<vmem>>, vector<16xf32>,
        %parallel_loop3A_1133 = arith.addi %parallel_loop3A_214, %add3A_21 : vector<16xi32>
        %parallel_loop3A_1134 = tpu.vector_load_idx %arg5[%parallel_loop3A_1133] : memref<33792xf32, #tpu.memory_space<vmem>>[vector<16xi32>], vector<16xf32>,
        %parallel_loop3A_1135 = arith.constant 80 : i32
        %parallel_loop3A_1136 = arith.muli %rem3A_160, %parallel_loop3A_1135 : i32
        %parallel_loop3A_1137 = arith.constant 16 : i32
        %parallel_loop3A_1138 = arith.muli %parallel_loop3A_181, %parallel_loop3A_1137 : i32
        %parallel_loop3A_1139 = arith.addi %parallel_loop3A_1136, %parallel_loop3A_1138 : i32
        %parallel_loop3A_1140 = arith.constant 12 : i32
        %parallel_loop3A_1141 = arith.addi %parallel_loop3A_1139, %parallel_loop3A_1140 : i32
        %parallel_loop3A_1142 = arith.index_cast %parallel_loop3A_1141 : i32 to index
        %parallel_loop3A_1143 = arith.constant 64 : index
        %parallel_loop3A_1144 = tpu.vector_load %arg7[%parallel_loop3A_1142, %parallel_loop3A_1143] {strides = array<i32>} : memref<480x128xf32, #tpu.memory_space<vmem>>, vector<16xf32>,
        tpu.vector_store %arg7[%parallel_loop3A_1142, %parallel_loop3A_1143], %parallel_loop3A_1134 {strides = array<i32>} : memref<480x128xf32, #tpu.memory_space<vmem>>, vector<16xf32>,
        %parallel_loop3A_1145 = arith.addi %parallel_loop3A_216, %add3A_21 : vector<16xi32>
        %parallel_loop3A_1146 = tpu.vector_load_idx %arg5[%parallel_loop3A_1145] : memref<33792xf32, #tpu.memory_space<vmem>>[vector<16xi32>], vector<16xf32>,
        %parallel_loop3A_1147 = arith.constant 80 : i32
        %parallel_loop3A_1148 = arith.muli %rem3A_160, %parallel_loop3A_1147 : i32
        %parallel_loop3A_1149 = arith.constant 16 : i32
        %parallel_loop3A_1150 = arith.muli %parallel_loop3A_181, %parallel_loop3A_1149 : i32
        %parallel_loop3A_1151 = arith.addi %parallel_loop3A_1148, %parallel_loop3A_1150 : i32
        %parallel_loop3A_1152 = arith.constant 13 : i32
        %parallel_loop3A_1153 = arith.addi %parallel_loop3A_1151, %parallel_loop3A_1152 : i32
        %parallel_loop3A_1154 = arith.index_cast %parallel_loop3A_1153 : i32 to index
        %parallel_loop3A_1155 = arith.constant 64 : index
        %parallel_loop3A_1156 = tpu.vector_load %arg7[%parallel_loop3A_1154, %parallel_loop3A_1155] {strides = array<i32>} : memref<480x128xf32, #tpu.memory_space<vmem>>, vector<16xf32>,
        tpu.vector_store %arg7[%parallel_loop3A_1154, %parallel_loop3A_1155], %parallel_loop3A_1146 {strides = array<i32>} : memref<480x128xf32, #tpu.memory_space<vmem>>, vector<16xf32>,
        %parallel_loop3A_1157 = arith.addi %parallel_loop3A_218, %add3A_21 : vector<16xi32>
        %parallel_loop3A_1158 = tpu.vector_load_idx %arg5[%parallel_loop3A_1157] : memref<33792xf32, #tpu.memory_space<vmem>>[vector<16xi32>], vector<16xf32>,
        %parallel_loop3A_1159 = arith.constant 80 : i32
        %parallel_loop3A_1160 = arith.muli %rem3A_160, %parallel_loop3A_1159 : i32
        %parallel_loop3A_1161 = arith.constant 16 : i32
        %parallel_loop3A_1162 = arith.muli %parallel_loop3A_181, %parallel_loop3A_1161 : i32
        %parallel_loop3A_1163 = arith.addi %parallel_loop3A_1160, %parallel_loop3A_1162 : i32
        %parallel_loop3A_1164 = arith.constant 14 : i32
        %parallel_loop3A_1165 = arith.addi %parallel_loop3A_1163, %parallel_loop3A_1164 : i32
        %parallel_loop3A_1166 = arith.index_cast %parallel_loop3A_1165 : i32 to index
        %parallel_loop3A_1167 = arith.constant 64 : index
        %parallel_loop3A_1168 = tpu.vector_load %arg7[%parallel_loop3A_1166, %parallel_loop3A_1167] {strides = array<i32>} : memref<480x128xf32, #tpu.memory_space<vmem>>, vector<16xf32>,
        tpu.vector_store %arg7[%parallel_loop3A_1166, %parallel_loop3A_1167], %parallel_loop3A_1158 {strides = array<i32>} : memref<480x128xf32, #tpu.memory_space<vmem>>, vector<16xf32>,
        %parallel_loop3A_1169 = arith.addi %parallel_loop3A_220, %add3A_21 : vector<16xi32>
        %parallel_loop3A_1170 = tpu.vector_load_idx %arg5[%parallel_loop3A_1169] : memref<33792xf32, #tpu.memory_space<vmem>>[vector<16xi32>], vector<16xf32>,
        %parallel_loop3A_1171 = arith.constant 80 : i32
        %parallel_loop3A_1172 = arith.muli %rem3A_160, %parallel_loop3A_1171 : i32
        %parallel_loop3A_1173 = arith.constant 16 : i32
        %parallel_loop3A_1174 = arith.muli %parallel_loop3A_181, %parallel_loop3A_1173 : i32
        %parallel_loop3A_1175 = arith.addi %parallel_loop3A_1172, %parallel_loop3A_1174 : i32
        %parallel_loop3A_1176 = arith.constant 15 : i32
        %parallel_loop3A_1177 = arith.addi %parallel_loop3A_1175, %parallel_loop3A_1176 : i32
        %parallel_loop3A_1178 = arith.index_cast %parallel_loop3A_1177 : i32 to index
        %parallel_loop3A_1179 = arith.constant 64 : index
        %parallel_loop3A_1180 = tpu.vector_load %arg7[%parallel_loop3A_1178, %parallel_loop3A_1179] {strides = array<i32>} : memref<480x128xf32, #tpu.memory_space<vmem>>, vector<16xf32>,
        tpu.vector_store %arg7[%parallel_loop3A_1178, %parallel_loop3A_1179], %parallel_loop3A_1170 {strides = array<i32>} : memref<480x128xf32, #tpu.memory_space<vmem>>, vector<16xf32>,
        %parallel_loop3A_1181 = arith.addi %parallel_loop3A_190, %add3A_25 : vector<16xi32>
        %parallel_loop3A_1182 = tpu.vector_load_idx %arg5[%parallel_loop3A_1181] : memref<33792xf32, #tpu.memory_space<vmem>>[vector<16xi32>], vector<16xf32>,
        %parallel_loop3A_1183 = arith.constant 80 : i32
        %parallel_loop3A_1184 = arith.muli %rem3A_160, %parallel_loop3A_1183 : i32
        %parallel_loop3A_1185 = arith.constant 16 : i32
        %parallel_loop3A_1186 = arith.muli %parallel_loop3A_181, %parallel_loop3A_1185 : i32
        %parallel_loop3A_1187 = arith.addi %parallel_loop3A_1184, %parallel_loop3A_1186 : i32
        %parallel_loop3A_1188 = arith.constant 0 : i32
        %parallel_loop3A_1189 = arith.addi %parallel_loop3A_1187, %parallel_loop3A_1188 : i32
        %parallel_loop3A_1190 = arith.index_cast %parallel_loop3A_1189 : i32 to index
        %parallel_loop3A_1191 = arith.constant 80 : index
        %parallel_loop3A_1192 = tpu.vector_load %arg7[%parallel_loop3A_1190, %parallel_loop3A_1191] {strides = array<i32>} : memref<480x128xf32, #tpu.memory_space<vmem>>, vector<16xf32>,
        tpu.vector_store %arg7[%parallel_loop3A_1190, %parallel_loop3A_1191], %parallel_loop3A_1182 {strides = array<i32>} : memref<480x128xf32, #tpu.memory_space<vmem>>, vector<16xf32>,
        %parallel_loop3A_1193 = arith.addi %parallel_loop3A_192, %add3A_25 : vector<16xi32>
        %parallel_loop3A_1194 = tpu.vector_load_idx %arg5[%parallel_loop3A_1193] : memref<33792xf32, #tpu.memory_space<vmem>>[vector<16xi32>], vector<16xf32>,
        %parallel_loop3A_1195 = arith.constant 80 : i32
        %parallel_loop3A_1196 = arith.muli %rem3A_160, %parallel_loop3A_1195 : i32
        %parallel_loop3A_1197 = arith.constant 16 : i32
        %parallel_loop3A_1198 = arith.muli %parallel_loop3A_181, %parallel_loop3A_1197 : i32
        %parallel_loop3A_1199 = arith.addi %parallel_loop3A_1196, %parallel_loop3A_1198 : i32
        %parallel_loop3A_1200 = arith.constant 1 : i32
        %parallel_loop3A_1201 = arith.addi %parallel_loop3A_1199, %parallel_loop3A_1200 : i32
        %parallel_loop3A_1202 = arith.index_cast %parallel_loop3A_1201 : i32 to index
        %parallel_loop3A_1203 = arith.constant 80 : index
        %parallel_loop3A_1204 = tpu.vector_load %arg7[%parallel_loop3A_1202, %parallel_loop3A_1203] {strides = array<i32>} : memref<480x128xf32, #tpu.memory_space<vmem>>, vector<16xf32>,
        tpu.vector_store %arg7[%parallel_loop3A_1202, %parallel_loop3A_1203], %parallel_loop3A_1194 {strides = array<i32>} : memref<480x128xf32, #tpu.memory_space<vmem>>, vector<16xf32>,
        %parallel_loop3A_1205 = arith.addi %parallel_loop3A_194, %add3A_25 : vector<16xi32>
        %parallel_loop3A_1206 = tpu.vector_load_idx %arg5[%parallel_loop3A_1205] : memref<33792xf32, #tpu.memory_space<vmem>>[vector<16xi32>], vector<16xf32>,
        %parallel_loop3A_1207 = arith.constant 80 : i32
        %parallel_loop3A_1208 = arith.muli %rem3A_160, %parallel_loop3A_1207 : i32
        %parallel_loop3A_1209 = arith.constant 16 : i32
        %parallel_loop3A_1210 = arith.muli %parallel_loop3A_181, %parallel_loop3A_1209 : i32
        %parallel_loop3A_1211 = arith.addi %parallel_loop3A_1208, %parallel_loop3A_1210 : i32
        %parallel_loop3A_1212 = arith.constant 2 : i32
        %parallel_loop3A_1213 = arith.addi %parallel_loop3A_1211, %parallel_loop3A_1212 : i32
        %parallel_loop3A_1214 = arith.index_cast %parallel_loop3A_1213 : i32 to index
        %parallel_loop3A_1215 = arith.constant 80 : index
        %parallel_loop3A_1216 = tpu.vector_load %arg7[%parallel_loop3A_1214, %parallel_loop3A_1215] {strides = array<i32>} : memref<480x128xf32, #tpu.memory_space<vmem>>, vector<16xf32>,
        tpu.vector_store %arg7[%parallel_loop3A_1214, %parallel_loop3A_1215], %parallel_loop3A_1206 {strides = array<i32>} : memref<480x128xf32, #tpu.memory_space<vmem>>, vector<16xf32>,
        %parallel_loop3A_1217 = arith.addi %parallel_loop3A_196, %add3A_25 : vector<16xi32>
        %parallel_loop3A_1218 = tpu.vector_load_idx %arg5[%parallel_loop3A_1217] : memref<33792xf32, #tpu.memory_space<vmem>>[vector<16xi32>], vector<16xf32>,
        %parallel_loop3A_1219 = arith.constant 80 : i32
        %parallel_loop3A_1220 = arith.muli %rem3A_160, %parallel_loop3A_1219 : i32
        %parallel_loop3A_1221 = arith.constant 16 : i32
        %parallel_loop3A_1222 = arith.muli %parallel_loop3A_181, %parallel_loop3A_1221 : i32
        %parallel_loop3A_1223 = arith.addi %parallel_loop3A_1220, %parallel_loop3A_1222 : i32
        %parallel_loop3A_1224 = arith.constant 3 : i32
        %parallel_loop3A_1225 = arith.addi %parallel_loop3A_1223, %parallel_loop3A_1224 : i32
        %parallel_loop3A_1226 = arith.index_cast %parallel_loop3A_1225 : i32 to index
        %parallel_loop3A_1227 = arith.constant 80 : index
        %parallel_loop3A_1228 = tpu.vector_load %arg7[%parallel_loop3A_1226, %parallel_loop3A_1227] {strides = array<i32>} : memref<480x128xf32, #tpu.memory_space<vmem>>, vector<16xf32>,
        tpu.vector_store %arg7[%parallel_loop3A_1226, %parallel_loop3A_1227], %parallel_loop3A_1218 {strides = array<i32>} : memref<480x128xf32, #tpu.memory_space<vmem>>, vector<16xf32>,
        %parallel_loop3A_1229 = arith.addi %parallel_loop3A_198, %add3A_25 : vector<16xi32>
        %parallel_loop3A_1230 = tpu.vector_load_idx %arg5[%parallel_loop3A_1229] : memref<33792xf32, #tpu.memory_space<vmem>>[vector<16xi32>], vector<16xf32>,
        %parallel_loop3A_1231 = arith.constant 80 : i32
        %parallel_loop3A_1232 = arith.muli %rem3A_160, %parallel_loop3A_1231 : i32
        %parallel_loop3A_1233 = arith.constant 16 : i32
        %parallel_loop3A_1234 = arith.muli %parallel_loop3A_181, %parallel_loop3A_1233 : i32
        %parallel_loop3A_1235 = arith.addi %parallel_loop3A_1232, %parallel_loop3A_1234 : i32
        %parallel_loop3A_1236 = arith.constant 4 : i32
        %parallel_loop3A_1237 = arith.addi %parallel_loop3A_1235, %parallel_loop3A_1236 : i32
        %parallel_loop3A_1238 = arith.index_cast %parallel_loop3A_1237 : i32 to index
        %parallel_loop3A_1239 = arith.constant 80 : index
        %parallel_loop3A_1240 = tpu.vector_load %arg7[%parallel_loop3A_1238, %parallel_loop3A_1239] {strides = array<i32>} : memref<480x128xf32, #tpu.memory_space<vmem>>, vector<16xf32>,
        tpu.vector_store %arg7[%parallel_loop3A_1238, %parallel_loop3A_1239], %parallel_loop3A_1230 {strides = array<i32>} : memref<480x128xf32, #tpu.memory_space<vmem>>, vector<16xf32>,
        %parallel_loop3A_1241 = arith.addi %parallel_loop3A_200, %add3A_25 : vector<16xi32>
        %parallel_loop3A_1242 = tpu.vector_load_idx %arg5[%parallel_loop3A_1241] : memref<33792xf32, #tpu.memory_space<vmem>>[vector<16xi32>], vector<16xf32>,
        %parallel_loop3A_1243 = arith.constant 80 : i32
        %parallel_loop3A_1244 = arith.muli %rem3A_160, %parallel_loop3A_1243 : i32
        %parallel_loop3A_1245 = arith.constant 16 : i32
        %parallel_loop3A_1246 = arith.muli %parallel_loop3A_181, %parallel_loop3A_1245 : i32
        %parallel_loop3A_1247 = arith.addi %parallel_loop3A_1244, %parallel_loop3A_1246 : i32
        %parallel_loop3A_1248 = arith.constant 5 : i32
        %parallel_loop3A_1249 = arith.addi %parallel_loop3A_1247, %parallel_loop3A_1248 : i32
        %parallel_loop3A_1250 = arith.index_cast %parallel_loop3A_1249 : i32 to index
        %parallel_loop3A_1251 = arith.constant 80 : index
        %parallel_loop3A_1252 = tpu.vector_load %arg7[%parallel_loop3A_1250, %parallel_loop3A_1251] {strides = array<i32>} : memref<480x128xf32, #tpu.memory_space<vmem>>, vector<16xf32>,
        tpu.vector_store %arg7[%parallel_loop3A_1250, %parallel_loop3A_1251], %parallel_loop3A_1242 {strides = array<i32>} : memref<480x128xf32, #tpu.memory_space<vmem>>, vector<16xf32>,
        %parallel_loop3A_1253 = arith.addi %parallel_loop3A_202, %add3A_25 : vector<16xi32>
        %parallel_loop3A_1254 = tpu.vector_load_idx %arg5[%parallel_loop3A_1253] : memref<33792xf32, #tpu.memory_space<vmem>>[vector<16xi32>], vector<16xf32>,
        %parallel_loop3A_1255 = arith.constant 80 : i32
        %parallel_loop3A_1256 = arith.muli %rem3A_160, %parallel_loop3A_1255 : i32
        %parallel_loop3A_1257 = arith.constant 16 : i32
        %parallel_loop3A_1258 = arith.muli %parallel_loop3A_181, %parallel_loop3A_1257 : i32
        %parallel_loop3A_1259 = arith.addi %parallel_loop3A_1256, %parallel_loop3A_1258 : i32
        %parallel_loop3A_1260 = arith.constant 6 : i32
        %parallel_loop3A_1261 = arith.addi %parallel_loop3A_1259, %parallel_loop3A_1260 : i32
        %parallel_loop3A_1262 = arith.index_cast %parallel_loop3A_1261 : i32 to index
        %parallel_loop3A_1263 = arith.constant 80 : index
        %parallel_loop3A_1264 = tpu.vector_load %arg7[%parallel_loop3A_1262, %parallel_loop3A_1263] {strides = array<i32>} : memref<480x128xf32, #tpu.memory_space<vmem>>, vector<16xf32>,
        tpu.vector_store %arg7[%parallel_loop3A_1262, %parallel_loop3A_1263], %parallel_loop3A_1254 {strides = array<i32>} : memref<480x128xf32, #tpu.memory_space<vmem>>, vector<16xf32>,
        %parallel_loop3A_1265 = arith.addi %parallel_loop3A_204, %add3A_25 : vector<16xi32>
        %parallel_loop3A_1266 = tpu.vector_load_idx %arg5[%parallel_loop3A_1265] : memref<33792xf32, #tpu.memory_space<vmem>>[vector<16xi32>], vector<16xf32>,
        %parallel_loop3A_1267 = arith.constant 80 : i32
        %parallel_loop3A_1268 = arith.muli %rem3A_160, %parallel_loop3A_1267 : i32
        %parallel_loop3A_1269 = arith.constant 16 : i32
        %parallel_loop3A_1270 = arith.muli %parallel_loop3A_181, %parallel_loop3A_1269 : i32
        %parallel_loop3A_1271 = arith.addi %parallel_loop3A_1268, %parallel_loop3A_1270 : i32
        %parallel_loop3A_1272 = arith.constant 7 : i32
        %parallel_loop3A_1273 = arith.addi %parallel_loop3A_1271, %parallel_loop3A_1272 : i32
        %parallel_loop3A_1274 = arith.index_cast %parallel_loop3A_1273 : i32 to index
        %parallel_loop3A_1275 = arith.constant 80 : index
        %parallel_loop3A_1276 = tpu.vector_load %arg7[%parallel_loop3A_1274, %parallel_loop3A_1275] {strides = array<i32>} : memref<480x128xf32, #tpu.memory_space<vmem>>, vector<16xf32>,
        tpu.vector_store %arg7[%parallel_loop3A_1274, %parallel_loop3A_1275], %parallel_loop3A_1266 {strides = array<i32>} : memref<480x128xf32, #tpu.memory_space<vmem>>, vector<16xf32>,
        %parallel_loop3A_1277 = arith.addi %parallel_loop3A_206, %add3A_25 : vector<16xi32>
        %parallel_loop3A_1278 = tpu.vector_load_idx %arg5[%parallel_loop3A_1277] : memref<33792xf32, #tpu.memory_space<vmem>>[vector<16xi32>], vector<16xf32>,
        %parallel_loop3A_1279 = arith.constant 80 : i32
        %parallel_loop3A_1280 = arith.muli %rem3A_160, %parallel_loop3A_1279 : i32
        %parallel_loop3A_1281 = arith.constant 16 : i32
        %parallel_loop3A_1282 = arith.muli %parallel_loop3A_181, %parallel_loop3A_1281 : i32
        %parallel_loop3A_1283 = arith.addi %parallel_loop3A_1280, %parallel_loop3A_1282 : i32
        %parallel_loop3A_1284 = arith.constant 8 : i32
        %parallel_loop3A_1285 = arith.addi %parallel_loop3A_1283, %parallel_loop3A_1284 : i32
        %parallel_loop3A_1286 = arith.index_cast %parallel_loop3A_1285 : i32 to index
        %parallel_loop3A_1287 = arith.constant 80 : index
        %parallel_loop3A_1288 = tpu.vector_load %arg7[%parallel_loop3A_1286, %parallel_loop3A_1287] {strides = array<i32>} : memref<480x128xf32, #tpu.memory_space<vmem>>, vector<16xf32>,
        tpu.vector_store %arg7[%parallel_loop3A_1286, %parallel_loop3A_1287], %parallel_loop3A_1278 {strides = array<i32>} : memref<480x128xf32, #tpu.memory_space<vmem>>, vector<16xf32>,
        %parallel_loop3A_1289 = arith.addi %parallel_loop3A_208, %add3A_25 : vector<16xi32>
        %parallel_loop3A_1290 = tpu.vector_load_idx %arg5[%parallel_loop3A_1289] : memref<33792xf32, #tpu.memory_space<vmem>>[vector<16xi32>], vector<16xf32>,
        %parallel_loop3A_1291 = arith.constant 80 : i32
        %parallel_loop3A_1292 = arith.muli %rem3A_160, %parallel_loop3A_1291 : i32
        %parallel_loop3A_1293 = arith.constant 16 : i32
        %parallel_loop3A_1294 = arith.muli %parallel_loop3A_181, %parallel_loop3A_1293 : i32
        %parallel_loop3A_1295 = arith.addi %parallel_loop3A_1292, %parallel_loop3A_1294 : i32
        %parallel_loop3A_1296 = arith.constant 9 : i32
        %parallel_loop3A_1297 = arith.addi %parallel_loop3A_1295, %parallel_loop3A_1296 : i32
        %parallel_loop3A_1298 = arith.index_cast %parallel_loop3A_1297 : i32 to index
        %parallel_loop3A_1299 = arith.constant 80 : index
        %parallel_loop3A_1300 = tpu.vector_load %arg7[%parallel_loop3A_1298, %parallel_loop3A_1299] {strides = array<i32>} : memref<480x128xf32, #tpu.memory_space<vmem>>, vector<16xf32>,
        tpu.vector_store %arg7[%parallel_loop3A_1298, %parallel_loop3A_1299], %parallel_loop3A_1290 {strides = array<i32>} : memref<480x128xf32, #tpu.memory_space<vmem>>, vector<16xf32>,
        %parallel_loop3A_1301 = arith.addi %parallel_loop3A_210, %add3A_25 : vector<16xi32>
        %parallel_loop3A_1302 = tpu.vector_load_idx %arg5[%parallel_loop3A_1301] : memref<33792xf32, #tpu.memory_space<vmem>>[vector<16xi32>], vector<16xf32>,
        %parallel_loop3A_1303 = arith.constant 80 : i32
        %parallel_loop3A_1304 = arith.muli %rem3A_160, %parallel_loop3A_1303 : i32
        %parallel_loop3A_1305 = arith.constant 16 : i32
        %parallel_loop3A_1306 = arith.muli %parallel_loop3A_181, %parallel_loop3A_1305 : i32
        %parallel_loop3A_1307 = arith.addi %parallel_loop3A_1304, %parallel_loop3A_1306 : i32
        %parallel_loop3A_1308 = arith.constant 10 : i32
        %parallel_loop3A_1309 = arith.addi %parallel_loop3A_1307, %parallel_loop3A_1308 : i32
        %parallel_loop3A_1310 = arith.index_cast %parallel_loop3A_1309 : i32 to index
        %parallel_loop3A_1311 = arith.constant 80 : index
        %parallel_loop3A_1312 = tpu.vector_load %arg7[%parallel_loop3A_1310, %parallel_loop3A_1311] {strides = array<i32>} : memref<480x128xf32, #tpu.memory_space<vmem>>, vector<16xf32>,
        tpu.vector_store %arg7[%parallel_loop3A_1310, %parallel_loop3A_1311], %parallel_loop3A_1302 {strides = array<i32>} : memref<480x128xf32, #tpu.memory_space<vmem>>, vector<16xf32>,
        %parallel_loop3A_1313 = arith.addi %parallel_loop3A_212, %add3A_25 : vector<16xi32>
        %parallel_loop3A_1314 = tpu.vector_load_idx %arg5[%parallel_loop3A_1313] : memref<33792xf32, #tpu.memory_space<vmem>>[vector<16xi32>], vector<16xf32>,
        %parallel_loop3A_1315 = arith.constant 80 : i32
        %parallel_loop3A_1316 = arith.muli %rem3A_160, %parallel_loop3A_1315 : i32
        %parallel_loop3A_1317 = arith.constant 16 : i32
        %parallel_loop3A_1318 = arith.muli %parallel_loop3A_181, %parallel_loop3A_1317 : i32
        %parallel_loop3A_1319 = arith.addi %parallel_loop3A_1316, %parallel_loop3A_1318 : i32
        %parallel_loop3A_1320 = arith.constant 11 : i32
        %parallel_loop3A_1321 = arith.addi %parallel_loop3A_1319, %parallel_loop3A_1320 : i32
        %parallel_loop3A_1322 = arith.index_cast %parallel_loop3A_1321 : i32 to index
        %parallel_loop3A_1323 = arith.constant 80 : index
        %parallel_loop3A_1324 = tpu.vector_load %arg7[%parallel_loop3A_1322, %parallel_loop3A_1323] {strides = array<i32>} : memref<480x128xf32, #tpu.memory_space<vmem>>, vector<16xf32>,
        tpu.vector_store %arg7[%parallel_loop3A_1322, %parallel_loop3A_1323], %parallel_loop3A_1314 {strides = array<i32>} : memref<480x128xf32, #tpu.memory_space<vmem>>, vector<16xf32>,
        %parallel_loop3A_1325 = arith.addi %parallel_loop3A_214, %add3A_25 : vector<16xi32>
        %parallel_loop3A_1326 = tpu.vector_load_idx %arg5[%parallel_loop3A_1325] : memref<33792xf32, #tpu.memory_space<vmem>>[vector<16xi32>], vector<16xf32>,
        %parallel_loop3A_1327 = arith.constant 80 : i32
        %parallel_loop3A_1328 = arith.muli %rem3A_160, %parallel_loop3A_1327 : i32
        %parallel_loop3A_1329 = arith.constant 16 : i32
        %parallel_loop3A_1330 = arith.muli %parallel_loop3A_181, %parallel_loop3A_1329 : i32
        %parallel_loop3A_1331 = arith.addi %parallel_loop3A_1328, %parallel_loop3A_1330 : i32
        %parallel_loop3A_1332 = arith.constant 12 : i32
        %parallel_loop3A_1333 = arith.addi %parallel_loop3A_1331, %parallel_loop3A_1332 : i32
        %parallel_loop3A_1334 = arith.index_cast %parallel_loop3A_1333 : i32 to index
        %parallel_loop3A_1335 = arith.constant 80 : index
        %parallel_loop3A_1336 = tpu.vector_load %arg7[%parallel_loop3A_1334, %parallel_loop3A_1335] {strides = array<i32>} : memref<480x128xf32, #tpu.memory_space<vmem>>, vector<16xf32>,
        tpu.vector_store %arg7[%parallel_loop3A_1334, %parallel_loop3A_1335], %parallel_loop3A_1326 {strides = array<i32>} : memref<480x128xf32, #tpu.memory_space<vmem>>, vector<16xf32>,
        %parallel_loop3A_1337 = arith.addi %parallel_loop3A_216, %add3A_25 : vector<16xi32>
        %parallel_loop3A_1338 = tpu.vector_load_idx %arg5[%parallel_loop3A_1337] : memref<33792xf32, #tpu.memory_space<vmem>>[vector<16xi32>], vector<16xf32>,
        %parallel_loop3A_1339 = arith.constant 80 : i32
        %parallel_loop3A_1340 = arith.muli %rem3A_160, %parallel_loop3A_1339 : i32
        %parallel_loop3A_1341 = arith.constant 16 : i32
        %parallel_loop3A_1342 = arith.muli %parallel_loop3A_181, %parallel_loop3A_1341 : i32
        %parallel_loop3A_1343 = arith.addi %parallel_loop3A_1340, %parallel_loop3A_1342 : i32
        %parallel_loop3A_1344 = arith.constant 13 : i32
        %parallel_loop3A_1345 = arith.addi %parallel_loop3A_1343, %parallel_loop3A_1344 : i32
        %parallel_loop3A_1346 = arith.index_cast %parallel_loop3A_1345 : i32 to index
        %parallel_loop3A_1347 = arith.constant 80 : index
        %parallel_loop3A_1348 = tpu.vector_load %arg7[%parallel_loop3A_1346, %parallel_loop3A_1347] {strides = array<i32>} : memref<480x128xf32, #tpu.memory_space<vmem>>, vector<16xf32>,
        tpu.vector_store %arg7[%parallel_loop3A_1346, %parallel_loop3A_1347], %parallel_loop3A_1338 {strides = array<i32>} : memref<480x128xf32, #tpu.memory_space<vmem>>, vector<16xf32>,
        %parallel_loop3A_1349 = arith.addi %parallel_loop3A_218, %add3A_25 : vector<16xi32>
        %parallel_loop3A_1350 = tpu.vector_load_idx %arg5[%parallel_loop3A_1349] : memref<33792xf32, #tpu.memory_space<vmem>>[vector<16xi32>], vector<16xf32>,
        %parallel_loop3A_1351 = arith.constant 80 : i32
        %parallel_loop3A_1352 = arith.muli %rem3A_160, %parallel_loop3A_1351 : i32
        %parallel_loop3A_1353 = arith.constant 16 : i32
        %parallel_loop3A_1354 = arith.muli %parallel_loop3A_181, %parallel_loop3A_1353 : i32
        %parallel_loop3A_1355 = arith.addi %parallel_loop3A_1352, %parallel_loop3A_1354 : i32
        %parallel_loop3A_1356 = arith.constant 14 : i32
        %parallel_loop3A_1357 = arith.addi %parallel_loop3A_1355, %parallel_loop3A_1356 : i32
        %parallel_loop3A_1358 = arith.index_cast %parallel_loop3A_1357 : i32 to index
        %parallel_loop3A_1359 = arith.constant 80 : index
        %parallel_loop3A_1360 = tpu.vector_load %arg7[%parallel_loop3A_1358, %parallel_loop3A_1359] {strides = array<i32>} : memref<480x128xf32, #tpu.memory_space<vmem>>, vector<16xf32>,
        tpu.vector_store %arg7[%parallel_loop3A_1358, %parallel_loop3A_1359], %parallel_loop3A_1350 {strides = array<i32>} : memref<480x128xf32, #tpu.memory_space<vmem>>, vector<16xf32>,
        %parallel_loop3A_1361 = arith.addi %parallel_loop3A_220, %add3A_25 : vector<16xi32>
        %parallel_loop3A_1362 = tpu.vector_load_idx %arg5[%parallel_loop3A_1361] : memref<33792xf32, #tpu.memory_space<vmem>>[vector<16xi32>], vector<16xf32>,
        %parallel_loop3A_1363 = arith.constant 80 : i32
        %parallel_loop3A_1364 = arith.muli %rem3A_160, %parallel_loop3A_1363 : i32
        %parallel_loop3A_1365 = arith.constant 16 : i32
        %parallel_loop3A_1366 = arith.muli %parallel_loop3A_181, %parallel_loop3A_1365 : i32
        %parallel_loop3A_1367 = arith.addi %parallel_loop3A_1364, %parallel_loop3A_1366 : i32
        %parallel_loop3A_1368 = arith.constant 15 : i32
        %parallel_loop3A_1369 = arith.addi %parallel_loop3A_1367, %parallel_loop3A_1368 : i32
        %parallel_loop3A_1370 = arith.index_cast %parallel_loop3A_1369 : i32 to index
        %parallel_loop3A_1371 = arith.constant 80 : index
        %parallel_loop3A_1372 = tpu.vector_load %arg7[%parallel_loop3A_1370, %parallel_loop3A_1371] {strides = array<i32>} : memref<480x128xf32, #tpu.memory_space<vmem>>, vector<16xf32>,
        tpu.vector_store %arg7[%parallel_loop3A_1370, %parallel_loop3A_1371], %parallel_loop3A_1362 {strides = array<i32>} : memref<480x128xf32, #tpu.memory_space<vmem>>, vector<16xf32>,
        %parallel_loop3A_1373 = arith.addi %parallel_loop3A_190, %add3A_29 : vector<16xi32>
        %parallel_loop3A_1374 = tpu.vector_load_idx %arg5[%parallel_loop3A_1373] : memref<33792xf32, #tpu.memory_space<vmem>>[vector<16xi32>], vector<16xf32>,
        %parallel_loop3A_1375 = arith.constant 80 : i32
        %parallel_loop3A_1376 = arith.muli %rem3A_160, %parallel_loop3A_1375 : i32
        %parallel_loop3A_1377 = arith.constant 16 : i32
        %parallel_loop3A_1378 = arith.muli %parallel_loop3A_181, %parallel_loop3A_1377 : i32
        %parallel_loop3A_1379 = arith.addi %parallel_loop3A_1376, %parallel_loop3A_1378 : i32
        %parallel_loop3A_1380 = arith.constant 0 : i32
        %parallel_loop3A_1381 = arith.addi %parallel_loop3A_1379, %parallel_loop3A_1380 : i32
        %parallel_loop3A_1382 = arith.index_cast %parallel_loop3A_1381 : i32 to index
        %parallel_loop3A_1383 = arith.constant 96 : index
        %parallel_loop3A_1384 = tpu.vector_load %arg7[%parallel_loop3A_1382, %parallel_loop3A_1383] {strides = array<i32>} : memref<480x128xf32, #tpu.memory_space<vmem>>, vector<16xf32>,
        tpu.vector_store %arg7[%parallel_loop3A_1382, %parallel_loop3A_1383], %parallel_loop3A_1374 {strides = array<i32>} : memref<480x128xf32, #tpu.memory_space<vmem>>, vector<16xf32>,
        %parallel_loop3A_1385 = arith.addi %parallel_loop3A_192, %add3A_29 : vector<16xi32>
        %parallel_loop3A_1386 = tpu.vector_load_idx %arg5[%parallel_loop3A_1385] : memref<33792xf32, #tpu.memory_space<vmem>>[vector<16xi32>], vector<16xf32>,
        %parallel_loop3A_1387 = arith.constant 80 : i32
        %parallel_loop3A_1388 = arith.muli %rem3A_160, %parallel_loop3A_1387 : i32
        %parallel_loop3A_1389 = arith.constant 16 : i32
        %parallel_loop3A_1390 = arith.muli %parallel_loop3A_181, %parallel_loop3A_1389 : i32
        %parallel_loop3A_1391 = arith.addi %parallel_loop3A_1388, %parallel_loop3A_1390 : i32
        %parallel_loop3A_1392 = arith.constant 1 : i32
        %parallel_loop3A_1393 = arith.addi %parallel_loop3A_1391, %parallel_loop3A_1392 : i32
        %parallel_loop3A_1394 = arith.index_cast %parallel_loop3A_1393 : i32 to index
        %parallel_loop3A_1395 = arith.constant 96 : index
        %parallel_loop3A_1396 = tpu.vector_load %arg7[%parallel_loop3A_1394, %parallel_loop3A_1395] {strides = array<i32>} : memref<480x128xf32, #tpu.memory_space<vmem>>, vector<16xf32>,
        tpu.vector_store %arg7[%parallel_loop3A_1394, %parallel_loop3A_1395], %parallel_loop3A_1386 {strides = array<i32>} : memref<480x128xf32, #tpu.memory_space<vmem>>, vector<16xf32>,
        %parallel_loop3A_1397 = arith.addi %parallel_loop3A_194, %add3A_29 : vector<16xi32>
        %parallel_loop3A_1398 = tpu.vector_load_idx %arg5[%parallel_loop3A_1397] : memref<33792xf32, #tpu.memory_space<vmem>>[vector<16xi32>], vector<16xf32>,
        %parallel_loop3A_1399 = arith.constant 80 : i32
        %parallel_loop3A_1400 = arith.muli %rem3A_160, %parallel_loop3A_1399 : i32
        %parallel_loop3A_1401 = arith.constant 16 : i32
        %parallel_loop3A_1402 = arith.muli %parallel_loop3A_181, %parallel_loop3A_1401 : i32
        %parallel_loop3A_1403 = arith.addi %parallel_loop3A_1400, %parallel_loop3A_1402 : i32
        %parallel_loop3A_1404 = arith.constant 2 : i32
        %parallel_loop3A_1405 = arith.addi %parallel_loop3A_1403, %parallel_loop3A_1404 : i32
        %parallel_loop3A_1406 = arith.index_cast %parallel_loop3A_1405 : i32 to index
        %parallel_loop3A_1407 = arith.constant 96 : index
        %parallel_loop3A_1408 = tpu.vector_load %arg7[%parallel_loop3A_1406, %parallel_loop3A_1407] {strides = array<i32>} : memref<480x128xf32, #tpu.memory_space<vmem>>, vector<16xf32>,
        tpu.vector_store %arg7[%parallel_loop3A_1406, %parallel_loop3A_1407], %parallel_loop3A_1398 {strides = array<i32>} : memref<480x128xf32, #tpu.memory_space<vmem>>, vector<16xf32>,
        %parallel_loop3A_1409 = arith.addi %parallel_loop3A_196, %add3A_29 : vector<16xi32>
        %parallel_loop3A_1410 = tpu.vector_load_idx %arg5[%parallel_loop3A_1409] : memref<33792xf32, #tpu.memory_space<vmem>>[vector<16xi32>], vector<16xf32>,
        %parallel_loop3A_1411 = arith.constant 80 : i32
        %parallel_loop3A_1412 = arith.muli %rem3A_160, %parallel_loop3A_1411 : i32
        %parallel_loop3A_1413 = arith.constant 16 : i32
        %parallel_loop3A_1414 = arith.muli %parallel_loop3A_181, %parallel_loop3A_1413 : i32
        %parallel_loop3A_1415 = arith.addi %parallel_loop3A_1412, %parallel_loop3A_1414 : i32
        %parallel_loop3A_1416 = arith.constant 3 : i32
        %parallel_loop3A_1417 = arith.addi %parallel_loop3A_1415, %parallel_loop3A_1416 : i32
        %parallel_loop3A_1418 = arith.index_cast %parallel_loop3A_1417 : i32 to index
        %parallel_loop3A_1419 = arith.constant 96 : index
        %parallel_loop3A_1420 = tpu.vector_load %arg7[%parallel_loop3A_1418, %parallel_loop3A_1419] {strides = array<i32>} : memref<480x128xf32, #tpu.memory_space<vmem>>, vector<16xf32>,
        tpu.vector_store %arg7[%parallel_loop3A_1418, %parallel_loop3A_1419], %parallel_loop3A_1410 {strides = array<i32>} : memref<480x128xf32, #tpu.memory_space<vmem>>, vector<16xf32>,
        %parallel_loop3A_1421 = arith.addi %parallel_loop3A_198, %add3A_29 : vector<16xi32>
        %parallel_loop3A_1422 = tpu.vector_load_idx %arg5[%parallel_loop3A_1421] : memref<33792xf32, #tpu.memory_space<vmem>>[vector<16xi32>], vector<16xf32>,
        %parallel_loop3A_1423 = arith.constant 80 : i32
        %parallel_loop3A_1424 = arith.muli %rem3A_160, %parallel_loop3A_1423 : i32
        %parallel_loop3A_1425 = arith.constant 16 : i32
        %parallel_loop3A_1426 = arith.muli %parallel_loop3A_181, %parallel_loop3A_1425 : i32
        %parallel_loop3A_1427 = arith.addi %parallel_loop3A_1424, %parallel_loop3A_1426 : i32
        %parallel_loop3A_1428 = arith.constant 4 : i32
        %parallel_loop3A_1429 = arith.addi %parallel_loop3A_1427, %parallel_loop3A_1428 : i32
        %parallel_loop3A_1430 = arith.index_cast %parallel_loop3A_1429 : i32 to index
        %parallel_loop3A_1431 = arith.constant 96 : index
        %parallel_loop3A_1432 = tpu.vector_load %arg7[%parallel_loop3A_1430, %parallel_loop3A_1431] {strides = array<i32>} : memref<480x128xf32, #tpu.memory_space<vmem>>, vector<16xf32>,
        tpu.vector_store %arg7[%parallel_loop3A_1430, %parallel_loop3A_1431], %parallel_loop3A_1422 {strides = array<i32>} : memref<480x128xf32, #tpu.memory_space<vmem>>, vector<16xf32>,
        %parallel_loop3A_1433 = arith.addi %parallel_loop3A_200, %add3A_29 : vector<16xi32>
        %parallel_loop3A_1434 = tpu.vector_load_idx %arg5[%parallel_loop3A_1433] : memref<33792xf32, #tpu.memory_space<vmem>>[vector<16xi32>], vector<16xf32>,
        %parallel_loop3A_1435 = arith.constant 80 : i32
        %parallel_loop3A_1436 = arith.muli %rem3A_160, %parallel_loop3A_1435 : i32
        %parallel_loop3A_1437 = arith.constant 16 : i32
        %parallel_loop3A_1438 = arith.muli %parallel_loop3A_181, %parallel_loop3A_1437 : i32
        %parallel_loop3A_1439 = arith.addi %parallel_loop3A_1436, %parallel_loop3A_1438 : i32
        %parallel_loop3A_1440 = arith.constant 5 : i32
        %parallel_loop3A_1441 = arith.addi %parallel_loop3A_1439, %parallel_loop3A_1440 : i32
        %parallel_loop3A_1442 = arith.index_cast %parallel_loop3A_1441 : i32 to index
        %parallel_loop3A_1443 = arith.constant 96 : index
        %parallel_loop3A_1444 = tpu.vector_load %arg7[%parallel_loop3A_1442, %parallel_loop3A_1443] {strides = array<i32>} : memref<480x128xf32, #tpu.memory_space<vmem>>, vector<16xf32>,
        tpu.vector_store %arg7[%parallel_loop3A_1442, %parallel_loop3A_1443], %parallel_loop3A_1434 {strides = array<i32>} : memref<480x128xf32, #tpu.memory_space<vmem>>, vector<16xf32>,
        %parallel_loop3A_1445 = arith.addi %parallel_loop3A_202, %add3A_29 : vector<16xi32>
        %parallel_loop3A_1446 = tpu.vector_load_idx %arg5[%parallel_loop3A_1445] : memref<33792xf32, #tpu.memory_space<vmem>>[vector<16xi32>], vector<16xf32>,
        %parallel_loop3A_1447 = arith.constant 80 : i32
        %parallel_loop3A_1448 = arith.muli %rem3A_160, %parallel_loop3A_1447 : i32
        %parallel_loop3A_1449 = arith.constant 16 : i32
        %parallel_loop3A_1450 = arith.muli %parallel_loop3A_181, %parallel_loop3A_1449 : i32
        %parallel_loop3A_1451 = arith.addi %parallel_loop3A_1448, %parallel_loop3A_1450 : i32
        %parallel_loop3A_1452 = arith.constant 6 : i32
        %parallel_loop3A_1453 = arith.addi %parallel_loop3A_1451, %parallel_loop3A_1452 : i32
        %parallel_loop3A_1454 = arith.index_cast %parallel_loop3A_1453 : i32 to index
        %parallel_loop3A_1455 = arith.constant 96 : index
        %parallel_loop3A_1456 = tpu.vector_load %arg7[%parallel_loop3A_1454, %parallel_loop3A_1455] {strides = array<i32>} : memref<480x128xf32, #tpu.memory_space<vmem>>, vector<16xf32>,
        tpu.vector_store %arg7[%parallel_loop3A_1454, %parallel_loop3A_1455], %parallel_loop3A_1446 {strides = array<i32>} : memref<480x128xf32, #tpu.memory_space<vmem>>, vector<16xf32>,
        %parallel_loop3A_1457 = arith.addi %parallel_loop3A_204, %add3A_29 : vector<16xi32>
        %parallel_loop3A_1458 = tpu.vector_load_idx %arg5[%parallel_loop3A_1457] : memref<33792xf32, #tpu.memory_space<vmem>>[vector<16xi32>], vector<16xf32>,
        %parallel_loop3A_1459 = arith.constant 80 : i32
        %parallel_loop3A_1460 = arith.muli %rem3A_160, %parallel_loop3A_1459 : i32
        %parallel_loop3A_1461 = arith.constant 16 : i32
        %parallel_loop3A_1462 = arith.muli %parallel_loop3A_181, %parallel_loop3A_1461 : i32
        %parallel_loop3A_1463 = arith.addi %parallel_loop3A_1460, %parallel_loop3A_1462 : i32
        %parallel_loop3A_1464 = arith.constant 7 : i32
        %parallel_loop3A_1465 = arith.addi %parallel_loop3A_1463, %parallel_loop3A_1464 : i32
        %parallel_loop3A_1466 = arith.index_cast %parallel_loop3A_1465 : i32 to index
        %parallel_loop3A_1467 = arith.constant 96 : index
        %parallel_loop3A_1468 = tpu.vector_load %arg7[%parallel_loop3A_1466, %parallel_loop3A_1467] {strides = array<i32>} : memref<480x128xf32, #tpu.memory_space<vmem>>, vector<16xf32>,
        tpu.vector_store %arg7[%parallel_loop3A_1466, %parallel_loop3A_1467], %parallel_loop3A_1458 {strides = array<i32>} : memref<480x128xf32, #tpu.memory_space<vmem>>, vector<16xf32>,
        %parallel_loop3A_1469 = arith.addi %parallel_loop3A_206, %add3A_29 : vector<16xi32>
        %parallel_loop3A_1470 = tpu.vector_load_idx %arg5[%parallel_loop3A_1469] : memref<33792xf32, #tpu.memory_space<vmem>>[vector<16xi32>], vector<16xf32>,
        %parallel_loop3A_1471 = arith.constant 80 : i32
        %parallel_loop3A_1472 = arith.muli %rem3A_160, %parallel_loop3A_1471 : i32
        %parallel_loop3A_1473 = arith.constant 16 : i32
        %parallel_loop3A_1474 = arith.muli %parallel_loop3A_181, %parallel_loop3A_1473 : i32
        %parallel_loop3A_1475 = arith.addi %parallel_loop3A_1472, %parallel_loop3A_1474 : i32
        %parallel_loop3A_1476 = arith.constant 8 : i32
        %parallel_loop3A_1477 = arith.addi %parallel_loop3A_1475, %parallel_loop3A_1476 : i32
        %parallel_loop3A_1478 = arith.index_cast %parallel_loop3A_1477 : i32 to index
        %parallel_loop3A_1479 = arith.constant 96 : index
        %parallel_loop3A_1480 = tpu.vector_load %arg7[%parallel_loop3A_1478, %parallel_loop3A_1479] {strides = array<i32>} : memref<480x128xf32, #tpu.memory_space<vmem>>, vector<16xf32>,
        tpu.vector_store %arg7[%parallel_loop3A_1478, %parallel_loop3A_1479], %parallel_loop3A_1470 {strides = array<i32>} : memref<480x128xf32, #tpu.memory_space<vmem>>, vector<16xf32>,
        %parallel_loop3A_1481 = arith.addi %parallel_loop3A_208, %add3A_29 : vector<16xi32>
        %parallel_loop3A_1482 = tpu.vector_load_idx %arg5[%parallel_loop3A_1481] : memref<33792xf32, #tpu.memory_space<vmem>>[vector<16xi32>], vector<16xf32>,
        %parallel_loop3A_1483 = arith.constant 80 : i32
        %parallel_loop3A_1484 = arith.muli %rem3A_160, %parallel_loop3A_1483 : i32
        %parallel_loop3A_1485 = arith.constant 16 : i32
        %parallel_loop3A_1486 = arith.muli %parallel_loop3A_181, %parallel_loop3A_1485 : i32
        %parallel_loop3A_1487 = arith.addi %parallel_loop3A_1484, %parallel_loop3A_1486 : i32
        %parallel_loop3A_1488 = arith.constant 9 : i32
        %parallel_loop3A_1489 = arith.addi %parallel_loop3A_1487, %parallel_loop3A_1488 : i32
        %parallel_loop3A_1490 = arith.index_cast %parallel_loop3A_1489 : i32 to index
        %parallel_loop3A_1491 = arith.constant 96 : index
        %parallel_loop3A_1492 = tpu.vector_load %arg7[%parallel_loop3A_1490, %parallel_loop3A_1491] {strides = array<i32>} : memref<480x128xf32, #tpu.memory_space<vmem>>, vector<16xf32>,
        tpu.vector_store %arg7[%parallel_loop3A_1490, %parallel_loop3A_1491], %parallel_loop3A_1482 {strides = array<i32>} : memref<480x128xf32, #tpu.memory_space<vmem>>, vector<16xf32>,
        %parallel_loop3A_1493 = arith.addi %parallel_loop3A_210, %add3A_29 : vector<16xi32>
        %parallel_loop3A_1494 = tpu.vector_load_idx %arg5[%parallel_loop3A_1493] : memref<33792xf32, #tpu.memory_space<vmem>>[vector<16xi32>], vector<16xf32>,
        %parallel_loop3A_1495 = arith.constant 80 : i32
        %parallel_loop3A_1496 = arith.muli %rem3A_160, %parallel_loop3A_1495 : i32
        %parallel_loop3A_1497 = arith.constant 16 : i32
        %parallel_loop3A_1498 = arith.muli %parallel_loop3A_181, %parallel_loop3A_1497 : i32
        %parallel_loop3A_1499 = arith.addi %parallel_loop3A_1496, %parallel_loop3A_1498 : i32
        %parallel_loop3A_1500 = arith.constant 10 : i32
        %parallel_loop3A_1501 = arith.addi %parallel_loop3A_1499, %parallel_loop3A_1500 : i32
        %parallel_loop3A_1502 = arith.index_cast %parallel_loop3A_1501 : i32 to index
        %parallel_loop3A_1503 = arith.constant 96 : index
        %parallel_loop3A_1504 = tpu.vector_load %arg7[%parallel_loop3A_1502, %parallel_loop3A_1503] {strides = array<i32>} : memref<480x128xf32, #tpu.memory_space<vmem>>, vector<16xf32>,
        tpu.vector_store %arg7[%parallel_loop3A_1502, %parallel_loop3A_1503], %parallel_loop3A_1494 {strides = array<i32>} : memref<480x128xf32, #tpu.memory_space<vmem>>, vector<16xf32>,
        %parallel_loop3A_1505 = arith.addi %parallel_loop3A_212, %add3A_29 : vector<16xi32>
        %parallel_loop3A_1506 = tpu.vector_load_idx %arg5[%parallel_loop3A_1505] : memref<33792xf32, #tpu.memory_space<vmem>>[vector<16xi32>], vector<16xf32>,
        %parallel_loop3A_1507 = arith.constant 80 : i32
        %parallel_loop3A_1508 = arith.muli %rem3A_160, %parallel_loop3A_1507 : i32
        %parallel_loop3A_1509 = arith.constant 16 : i32
        %parallel_loop3A_1510 = arith.muli %parallel_loop3A_181, %parallel_loop3A_1509 : i32
        %parallel_loop3A_1511 = arith.addi %parallel_loop3A_1508, %parallel_loop3A_1510 : i32
        %parallel_loop3A_1512 = arith.constant 11 : i32
        %parallel_loop3A_1513 = arith.addi %parallel_loop3A_1511, %parallel_loop3A_1512 : i32
        %parallel_loop3A_1514 = arith.index_cast %parallel_loop3A_1513 : i32 to index
        %parallel_loop3A_1515 = arith.constant 96 : index
        %parallel_loop3A_1516 = tpu.vector_load %arg7[%parallel_loop3A_1514, %parallel_loop3A_1515] {strides = array<i32>} : memref<480x128xf32, #tpu.memory_space<vmem>>, vector<16xf32>,
        tpu.vector_store %arg7[%parallel_loop3A_1514, %parallel_loop3A_1515], %parallel_loop3A_1506 {strides = array<i32>} : memref<480x128xf32, #tpu.memory_space<vmem>>, vector<16xf32>,
        %parallel_loop3A_1517 = arith.addi %parallel_loop3A_214, %add3A_29 : vector<16xi32>
        %parallel_loop3A_1518 = tpu.vector_load_idx %arg5[%parallel_loop3A_1517] : memref<33792xf32, #tpu.memory_space<vmem>>[vector<16xi32>], vector<16xf32>,
        %parallel_loop3A_1519 = arith.constant 80 : i32
        %parallel_loop3A_1520 = arith.muli %rem3A_160, %parallel_loop3A_1519 : i32
        %parallel_loop3A_1521 = arith.constant 16 : i32
        %parallel_loop3A_1522 = arith.muli %parallel_loop3A_181, %parallel_loop3A_1521 : i32
        %parallel_loop3A_1523 = arith.addi %parallel_loop3A_1520, %parallel_loop3A_1522 : i32
        %parallel_loop3A_1524 = arith.constant 12 : i32
        %parallel_loop3A_1525 = arith.addi %parallel_loop3A_1523, %parallel_loop3A_1524 : i32
        %parallel_loop3A_1526 = arith.index_cast %parallel_loop3A_1525 : i32 to index
        %parallel_loop3A_1527 = arith.constant 96 : index
        %parallel_loop3A_1528 = tpu.vector_load %arg7[%parallel_loop3A_1526, %parallel_loop3A_1527] {strides = array<i32>} : memref<480x128xf32, #tpu.memory_space<vmem>>, vector<16xf32>,
        tpu.vector_store %arg7[%parallel_loop3A_1526, %parallel_loop3A_1527], %parallel_loop3A_1518 {strides = array<i32>} : memref<480x128xf32, #tpu.memory_space<vmem>>, vector<16xf32>,
        %parallel_loop3A_1529 = arith.addi %parallel_loop3A_216, %add3A_29 : vector<16xi32>
        %parallel_loop3A_1530 = tpu.vector_load_idx %arg5[%parallel_loop3A_1529] : memref<33792xf32, #tpu.memory_space<vmem>>[vector<16xi32>], vector<16xf32>,
        %parallel_loop3A_1531 = arith.constant 80 : i32
        %parallel_loop3A_1532 = arith.muli %rem3A_160, %parallel_loop3A_1531 : i32
        %parallel_loop3A_1533 = arith.constant 16 : i32
        %parallel_loop3A_1534 = arith.muli %parallel_loop3A_181, %parallel_loop3A_1533 : i32
        %parallel_loop3A_1535 = arith.addi %parallel_loop3A_1532, %parallel_loop3A_1534 : i32
        %parallel_loop3A_1536 = arith.constant 13 : i32
        %parallel_loop3A_1537 = arith.addi %parallel_loop3A_1535, %parallel_loop3A_1536 : i32
        %parallel_loop3A_1538 = arith.index_cast %parallel_loop3A_1537 : i32 to index
        %parallel_loop3A_1539 = arith.constant 96 : index
        %parallel_loop3A_1540 = tpu.vector_load %arg7[%parallel_loop3A_1538, %parallel_loop3A_1539] {strides = array<i32>} : memref<480x128xf32, #tpu.memory_space<vmem>>, vector<16xf32>,
        tpu.vector_store %arg7[%parallel_loop3A_1538, %parallel_loop3A_1539], %parallel_loop3A_1530 {strides = array<i32>} : memref<480x128xf32, #tpu.memory_space<vmem>>, vector<16xf32>,
        %parallel_loop3A_1541 = arith.addi %parallel_loop3A_218, %add3A_29 : vector<16xi32>
        %parallel_loop3A_1542 = tpu.vector_load_idx %arg5[%parallel_loop3A_1541] : memref<33792xf32, #tpu.memory_space<vmem>>[vector<16xi32>], vector<16xf32>,
        %parallel_loop3A_1543 = arith.constant 80 : i32
        %parallel_loop3A_1544 = arith.muli %rem3A_160, %parallel_loop3A_1543 : i32
        %parallel_loop3A_1545 = arith.constant 16 : i32
        %parallel_loop3A_1546 = arith.muli %parallel_loop3A_181, %parallel_loop3A_1545 : i32
        %parallel_loop3A_1547 = arith.addi %parallel_loop3A_1544, %parallel_loop3A_1546 : i32
        %parallel_loop3A_1548 = arith.constant 14 : i32
        %parallel_loop3A_1549 = arith.addi %parallel_loop3A_1547, %parallel_loop3A_1548 : i32
        %parallel_loop3A_1550 = arith.index_cast %parallel_loop3A_1549 : i32 to index
        %parallel_loop3A_1551 = arith.constant 96 : index
        %parallel_loop3A_1552 = tpu.vector_load %arg7[%parallel_loop3A_1550, %parallel_loop3A_1551] {strides = array<i32>} : memref<480x128xf32, #tpu.memory_space<vmem>>, vector<16xf32>,
        tpu.vector_store %arg7[%parallel_loop3A_1550, %parallel_loop3A_1551], %parallel_loop3A_1542 {strides = array<i32>} : memref<480x128xf32, #tpu.memory_space<vmem>>, vector<16xf32>,
        %parallel_loop3A_1553 = arith.addi %parallel_loop3A_220, %add3A_29 : vector<16xi32>
        %parallel_loop3A_1554 = tpu.vector_load_idx %arg5[%parallel_loop3A_1553] : memref<33792xf32, #tpu.memory_space<vmem>>[vector<16xi32>], vector<16xf32>,
        %parallel_loop3A_1555 = arith.constant 80 : i32
        %parallel_loop3A_1556 = arith.muli %rem3A_160, %parallel_loop3A_1555 : i32
        %parallel_loop3A_1557 = arith.constant 16 : i32
        %parallel_loop3A_1558 = arith.muli %parallel_loop3A_181, %parallel_loop3A_1557 : i32
        %parallel_loop3A_1559 = arith.addi %parallel_loop3A_1556, %parallel_loop3A_1558 : i32
        %parallel_loop3A_1560 = arith.constant 15 : i32
        %parallel_loop3A_1561 = arith.addi %parallel_loop3A_1559, %parallel_loop3A_1560 : i32
        %parallel_loop3A_1562 = arith.index_cast %parallel_loop3A_1561 : i32 to index
        %parallel_loop3A_1563 = arith.constant 96 : index
        %parallel_loop3A_1564 = tpu.vector_load %arg7[%parallel_loop3A_1562, %parallel_loop3A_1563] {strides = array<i32>} : memref<480x128xf32, #tpu.memory_space<vmem>>, vector<16xf32>,
        tpu.vector_store %arg7[%parallel_loop3A_1562, %parallel_loop3A_1563], %parallel_loop3A_1554 {strides = array<i32>} : memref<480x128xf32, #tpu.memory_space<vmem>>, vector<16xf32>,
        %parallel_loop3A_1565 = arith.addi %parallel_loop3A_190, %add3A_33 : vector<16xi32>
        %parallel_loop3A_1566 = tpu.vector_load_idx %arg5[%parallel_loop3A_1565] : memref<33792xf32, #tpu.memory_space<vmem>>[vector<16xi32>], vector<16xf32>,
        %parallel_loop3A_1567 = arith.constant 80 : i32
        %parallel_loop3A_1568 = arith.muli %rem3A_160, %parallel_loop3A_1567 : i32
        %parallel_loop3A_1569 = arith.constant 16 : i32
        %parallel_loop3A_1570 = arith.muli %parallel_loop3A_181, %parallel_loop3A_1569 : i32
        %parallel_loop3A_1571 = arith.addi %parallel_loop3A_1568, %parallel_loop3A_1570 : i32
        %parallel_loop3A_1572 = arith.constant 0 : i32
        %parallel_loop3A_1573 = arith.addi %parallel_loop3A_1571, %parallel_loop3A_1572 : i32
        %parallel_loop3A_1574 = arith.index_cast %parallel_loop3A_1573 : i32 to index
        %parallel_loop3A_1575 = arith.constant 112 : index
        %parallel_loop3A_1576 = tpu.vector_load %arg7[%parallel_loop3A_1574, %parallel_loop3A_1575] {strides = array<i32>} : memref<480x128xf32, #tpu.memory_space<vmem>>, vector<16xf32>,
        tpu.vector_store %arg7[%parallel_loop3A_1574, %parallel_loop3A_1575], %parallel_loop3A_1566 {strides = array<i32>} : memref<480x128xf32, #tpu.memory_space<vmem>>, vector<16xf32>,
        %parallel_loop3A_1577 = arith.addi %parallel_loop3A_192, %add3A_33 : vector<16xi32>
        %parallel_loop3A_1578 = tpu.vector_load_idx %arg5[%parallel_loop3A_1577] : memref<33792xf32, #tpu.memory_space<vmem>>[vector<16xi32>], vector<16xf32>,
        %parallel_loop3A_1579 = arith.constant 80 : i32
        %parallel_loop3A_1580 = arith.muli %rem3A_160, %parallel_loop3A_1579 : i32
        %parallel_loop3A_1581 = arith.constant 16 : i32
        %parallel_loop3A_1582 = arith.muli %parallel_loop3A_181, %parallel_loop3A_1581 : i32
        %parallel_loop3A_1583 = arith.addi %parallel_loop3A_1580, %parallel_loop3A_1582 : i32
        %parallel_loop3A_1584 = arith.constant 1 : i32
        %parallel_loop3A_1585 = arith.addi %parallel_loop3A_1583, %parallel_loop3A_1584 : i32
        %parallel_loop3A_1586 = arith.index_cast %parallel_loop3A_1585 : i32 to index
        %parallel_loop3A_1587 = arith.constant 112 : index
        %parallel_loop3A_1588 = tpu.vector_load %arg7[%parallel_loop3A_1586, %parallel_loop3A_1587] {strides = array<i32>} : memref<480x128xf32, #tpu.memory_space<vmem>>, vector<16xf32>,
        tpu.vector_store %arg7[%parallel_loop3A_1586, %parallel_loop3A_1587], %parallel_loop3A_1578 {strides = array<i32>} : memref<480x128xf32, #tpu.memory_space<vmem>>, vector<16xf32>,
        %parallel_loop3A_1589 = arith.addi %parallel_loop3A_194, %add3A_33 : vector<16xi32>
        %parallel_loop3A_1590 = tpu.vector_load_idx %arg5[%parallel_loop3A_1589] : memref<33792xf32, #tpu.memory_space<vmem>>[vector<16xi32>], vector<16xf32>,
        %parallel_loop3A_1591 = arith.constant 80 : i32
        %parallel_loop3A_1592 = arith.muli %rem3A_160, %parallel_loop3A_1591 : i32
        %parallel_loop3A_1593 = arith.constant 16 : i32
        %parallel_loop3A_1594 = arith.muli %parallel_loop3A_181, %parallel_loop3A_1593 : i32
        %parallel_loop3A_1595 = arith.addi %parallel_loop3A_1592, %parallel_loop3A_1594 : i32
        %parallel_loop3A_1596 = arith.constant 2 : i32
        %parallel_loop3A_1597 = arith.addi %parallel_loop3A_1595, %parallel_loop3A_1596 : i32
        %parallel_loop3A_1598 = arith.index_cast %parallel_loop3A_1597 : i32 to index
        %parallel_loop3A_1599 = arith.constant 112 : index
        %parallel_loop3A_1600 = tpu.vector_load %arg7[%parallel_loop3A_1598, %parallel_loop3A_1599] {strides = array<i32>} : memref<480x128xf32, #tpu.memory_space<vmem>>, vector<16xf32>,
        tpu.vector_store %arg7[%parallel_loop3A_1598, %parallel_loop3A_1599], %parallel_loop3A_1590 {strides = array<i32>} : memref<480x128xf32, #tpu.memory_space<vmem>>, vector<16xf32>,
        %parallel_loop3A_1601 = arith.addi %parallel_loop3A_196, %add3A_33 : vector<16xi32>
        %parallel_loop3A_1602 = tpu.vector_load_idx %arg5[%parallel_loop3A_1601] : memref<33792xf32, #tpu.memory_space<vmem>>[vector<16xi32>], vector<16xf32>,
        %parallel_loop3A_1603 = arith.constant 80 : i32
        %parallel_loop3A_1604 = arith.muli %rem3A_160, %parallel_loop3A_1603 : i32
        %parallel_loop3A_1605 = arith.constant 16 : i32
        %parallel_loop3A_1606 = arith.muli %parallel_loop3A_181, %parallel_loop3A_1605 : i32
        %parallel_loop3A_1607 = arith.addi %parallel_loop3A_1604, %parallel_loop3A_1606 : i32
        %parallel_loop3A_1608 = arith.constant 3 : i32
        %parallel_loop3A_1609 = arith.addi %parallel_loop3A_1607, %parallel_loop3A_1608 : i32
        %parallel_loop3A_1610 = arith.index_cast %parallel_loop3A_1609 : i32 to index
        %parallel_loop3A_1611 = arith.constant 112 : index
        %parallel_loop3A_1612 = tpu.vector_load %arg7[%parallel_loop3A_1610, %parallel_loop3A_1611] {strides = array<i32>} : memref<480x128xf32, #tpu.memory_space<vmem>>, vector<16xf32>,
        tpu.vector_store %arg7[%parallel_loop3A_1610, %parallel_loop3A_1611], %parallel_loop3A_1602 {strides = array<i32>} : memref<480x128xf32, #tpu.memory_space<vmem>>, vector<16xf32>,
        %parallel_loop3A_1613 = arith.addi %parallel_loop3A_198, %add3A_33 : vector<16xi32>
        %parallel_loop3A_1614 = tpu.vector_load_idx %arg5[%parallel_loop3A_1613] : memref<33792xf32, #tpu.memory_space<vmem>>[vector<16xi32>], vector<16xf32>,
        %parallel_loop3A_1615 = arith.constant 80 : i32
        %parallel_loop3A_1616 = arith.muli %rem3A_160, %parallel_loop3A_1615 : i32
        %parallel_loop3A_1617 = arith.constant 16 : i32
        %parallel_loop3A_1618 = arith.muli %parallel_loop3A_181, %parallel_loop3A_1617 : i32
        %parallel_loop3A_1619 = arith.addi %parallel_loop3A_1616, %parallel_loop3A_1618 : i32
        %parallel_loop3A_1620 = arith.constant 4 : i32
        %parallel_loop3A_1621 = arith.addi %parallel_loop3A_1619, %parallel_loop3A_1620 : i32
        %parallel_loop3A_1622 = arith.index_cast %parallel_loop3A_1621 : i32 to index
        %parallel_loop3A_1623 = arith.constant 112 : index
        %parallel_loop3A_1624 = tpu.vector_load %arg7[%parallel_loop3A_1622, %parallel_loop3A_1623] {strides = array<i32>} : memref<480x128xf32, #tpu.memory_space<vmem>>, vector<16xf32>,
        tpu.vector_store %arg7[%parallel_loop3A_1622, %parallel_loop3A_1623], %parallel_loop3A_1614 {strides = array<i32>} : memref<480x128xf32, #tpu.memory_space<vmem>>, vector<16xf32>,
        %parallel_loop3A_1625 = arith.addi %parallel_loop3A_200, %add3A_33 : vector<16xi32>
        %parallel_loop3A_1626 = tpu.vector_load_idx %arg5[%parallel_loop3A_1625] : memref<33792xf32, #tpu.memory_space<vmem>>[vector<16xi32>], vector<16xf32>,
        %parallel_loop3A_1627 = arith.constant 80 : i32
        %parallel_loop3A_1628 = arith.muli %rem3A_160, %parallel_loop3A_1627 : i32
        %parallel_loop3A_1629 = arith.constant 16 : i32
        %parallel_loop3A_1630 = arith.muli %parallel_loop3A_181, %parallel_loop3A_1629 : i32
        %parallel_loop3A_1631 = arith.addi %parallel_loop3A_1628, %parallel_loop3A_1630 : i32
        %parallel_loop3A_1632 = arith.constant 5 : i32
        %parallel_loop3A_1633 = arith.addi %parallel_loop3A_1631, %parallel_loop3A_1632 : i32
        %parallel_loop3A_1634 = arith.index_cast %parallel_loop3A_1633 : i32 to index
        %parallel_loop3A_1635 = arith.constant 112 : index
        %parallel_loop3A_1636 = tpu.vector_load %arg7[%parallel_loop3A_1634, %parallel_loop3A_1635] {strides = array<i32>} : memref<480x128xf32, #tpu.memory_space<vmem>>, vector<16xf32>,
        tpu.vector_store %arg7[%parallel_loop3A_1634, %parallel_loop3A_1635], %parallel_loop3A_1626 {strides = array<i32>} : memref<480x128xf32, #tpu.memory_space<vmem>>, vector<16xf32>,
        %parallel_loop3A_1637 = arith.addi %parallel_loop3A_202, %add3A_33 : vector<16xi32>
        %parallel_loop3A_1638 = tpu.vector_load_idx %arg5[%parallel_loop3A_1637] : memref<33792xf32, #tpu.memory_space<vmem>>[vector<16xi32>], vector<16xf32>,
        %parallel_loop3A_1639 = arith.constant 80 : i32
        %parallel_loop3A_1640 = arith.muli %rem3A_160, %parallel_loop3A_1639 : i32
        %parallel_loop3A_1641 = arith.constant 16 : i32
        %parallel_loop3A_1642 = arith.muli %parallel_loop3A_181, %parallel_loop3A_1641 : i32
        %parallel_loop3A_1643 = arith.addi %parallel_loop3A_1640, %parallel_loop3A_1642 : i32
        %parallel_loop3A_1644 = arith.constant 6 : i32
        %parallel_loop3A_1645 = arith.addi %parallel_loop3A_1643, %parallel_loop3A_1644 : i32
        %parallel_loop3A_1646 = arith.index_cast %parallel_loop3A_1645 : i32 to index
        %parallel_loop3A_1647 = arith.constant 112 : index
        %parallel_loop3A_1648 = tpu.vector_load %arg7[%parallel_loop3A_1646, %parallel_loop3A_1647] {strides = array<i32>} : memref<480x128xf32, #tpu.memory_space<vmem>>, vector<16xf32>,
        tpu.vector_store %arg7[%parallel_loop3A_1646, %parallel_loop3A_1647], %parallel_loop3A_1638 {strides = array<i32>} : memref<480x128xf32, #tpu.memory_space<vmem>>, vector<16xf32>,
        %parallel_loop3A_1649 = arith.addi %parallel_loop3A_204, %add3A_33 : vector<16xi32>
        %parallel_loop3A_1650 = tpu.vector_load_idx %arg5[%parallel_loop3A_1649] : memref<33792xf32, #tpu.memory_space<vmem>>[vector<16xi32>], vector<16xf32>,
        %parallel_loop3A_1651 = arith.constant 80 : i32
        %parallel_loop3A_1652 = arith.muli %rem3A_160, %parallel_loop3A_1651 : i32
        %parallel_loop3A_1653 = arith.constant 16 : i32
        %parallel_loop3A_1654 = arith.muli %parallel_loop3A_181, %parallel_loop3A_1653 : i32
        %parallel_loop3A_1655 = arith.addi %parallel_loop3A_1652, %parallel_loop3A_1654 : i32
        %parallel_loop3A_1656 = arith.constant 7 : i32
        %parallel_loop3A_1657 = arith.addi %parallel_loop3A_1655, %parallel_loop3A_1656 : i32
        %parallel_loop3A_1658 = arith.index_cast %parallel_loop3A_1657 : i32 to index
        %parallel_loop3A_1659 = arith.constant 112 : index
        %parallel_loop3A_1660 = tpu.vector_load %arg7[%parallel_loop3A_1658, %parallel_loop3A_1659] {strides = array<i32>} : memref<480x128xf32, #tpu.memory_space<vmem>>, vector<16xf32>,
        tpu.vector_store %arg7[%parallel_loop3A_1658, %parallel_loop3A_1659], %parallel_loop3A_1650 {strides = array<i32>} : memref<480x128xf32, #tpu.memory_space<vmem>>, vector<16xf32>,
        %parallel_loop3A_1661 = arith.addi %parallel_loop3A_206, %add3A_33 : vector<16xi32>
        %parallel_loop3A_1662 = tpu.vector_load_idx %arg5[%parallel_loop3A_1661] : memref<33792xf32, #tpu.memory_space<vmem>>[vector<16xi32>], vector<16xf32>,
        %parallel_loop3A_1663 = arith.constant 80 : i32
        %parallel_loop3A_1664 = arith.muli %rem3A_160, %parallel_loop3A_1663 : i32
        %parallel_loop3A_1665 = arith.constant 16 : i32
        %parallel_loop3A_1666 = arith.muli %parallel_loop3A_181, %parallel_loop3A_1665 : i32
        %parallel_loop3A_1667 = arith.addi %parallel_loop3A_1664, %parallel_loop3A_1666 : i32
        %parallel_loop3A_1668 = arith.constant 8 : i32
        %parallel_loop3A_1669 = arith.addi %parallel_loop3A_1667, %parallel_loop3A_1668 : i32
        %parallel_loop3A_1670 = arith.index_cast %parallel_loop3A_1669 : i32 to index
        %parallel_loop3A_1671 = arith.constant 112 : index
        %parallel_loop3A_1672 = tpu.vector_load %arg7[%parallel_loop3A_1670, %parallel_loop3A_1671] {strides = array<i32>} : memref<480x128xf32, #tpu.memory_space<vmem>>, vector<16xf32>,
        tpu.vector_store %arg7[%parallel_loop3A_1670, %parallel_loop3A_1671], %parallel_loop3A_1662 {strides = array<i32>} : memref<480x128xf32, #tpu.memory_space<vmem>>, vector<16xf32>,
        %parallel_loop3A_1673 = arith.addi %parallel_loop3A_208, %add3A_33 : vector<16xi32>
        %parallel_loop3A_1674 = tpu.vector_load_idx %arg5[%parallel_loop3A_1673] : memref<33792xf32, #tpu.memory_space<vmem>>[vector<16xi32>], vector<16xf32>,
        %parallel_loop3A_1675 = arith.constant 80 : i32
        %parallel_loop3A_1676 = arith.muli %rem3A_160, %parallel_loop3A_1675 : i32
        %parallel_loop3A_1677 = arith.constant 16 : i32
        %parallel_loop3A_1678 = arith.muli %parallel_loop3A_181, %parallel_loop3A_1677 : i32
        %parallel_loop3A_1679 = arith.addi %parallel_loop3A_1676, %parallel_loop3A_1678 : i32
        %parallel_loop3A_1680 = arith.constant 9 : i32
        %parallel_loop3A_1681 = arith.addi %parallel_loop3A_1679, %parallel_loop3A_1680 : i32
        %parallel_loop3A_1682 = arith.index_cast %parallel_loop3A_1681 : i32 to index
        %parallel_loop3A_1683 = arith.constant 112 : index
        %parallel_loop3A_1684 = tpu.vector_load %arg7[%parallel_loop3A_1682, %parallel_loop3A_1683] {strides = array<i32>} : memref<480x128xf32, #tpu.memory_space<vmem>>, vector<16xf32>,
        tpu.vector_store %arg7[%parallel_loop3A_1682, %parallel_loop3A_1683], %parallel_loop3A_1674 {strides = array<i32>} : memref<480x128xf32, #tpu.memory_space<vmem>>, vector<16xf32>,
        %parallel_loop3A_1685 = arith.addi %parallel_loop3A_210, %add3A_33 : vector<16xi32>
        %parallel_loop3A_1686 = tpu.vector_load_idx %arg5[%parallel_loop3A_1685] : memref<33792xf32, #tpu.memory_space<vmem>>[vector<16xi32>], vector<16xf32>,
        %parallel_loop3A_1687 = arith.constant 80 : i32
        %parallel_loop3A_1688 = arith.muli %rem3A_160, %parallel_loop3A_1687 : i32
        %parallel_loop3A_1689 = arith.constant 16 : i32
        %parallel_loop3A_1690 = arith.muli %parallel_loop3A_181, %parallel_loop3A_1689 : i32
        %parallel_loop3A_1691 = arith.addi %parallel_loop3A_1688, %parallel_loop3A_1690 : i32
        %parallel_loop3A_1692 = arith.constant 10 : i32
        %parallel_loop3A_1693 = arith.addi %parallel_loop3A_1691, %parallel_loop3A_1692 : i32
        %parallel_loop3A_1694 = arith.index_cast %parallel_loop3A_1693 : i32 to index
        %parallel_loop3A_1695 = arith.constant 112 : index
        %parallel_loop3A_1696 = tpu.vector_load %arg7[%parallel_loop3A_1694, %parallel_loop3A_1695] {strides = array<i32>} : memref<480x128xf32, #tpu.memory_space<vmem>>, vector<16xf32>,
        tpu.vector_store %arg7[%parallel_loop3A_1694, %parallel_loop3A_1695], %parallel_loop3A_1686 {strides = array<i32>} : memref<480x128xf32, #tpu.memory_space<vmem>>, vector<16xf32>,
        %parallel_loop3A_1697 = arith.addi %parallel_loop3A_212, %add3A_33 : vector<16xi32>
        %parallel_loop3A_1698 = tpu.vector_load_idx %arg5[%parallel_loop3A_1697] : memref<33792xf32, #tpu.memory_space<vmem>>[vector<16xi32>], vector<16xf32>,
        %parallel_loop3A_1699 = arith.constant 80 : i32
        %parallel_loop3A_1700 = arith.muli %rem3A_160, %parallel_loop3A_1699 : i32
        %parallel_loop3A_1701 = arith.constant 16 : i32
        %parallel_loop3A_1702 = arith.muli %parallel_loop3A_181, %parallel_loop3A_1701 : i32
        %parallel_loop3A_1703 = arith.addi %parallel_loop3A_1700, %parallel_loop3A_1702 : i32
        %parallel_loop3A_1704 = arith.constant 11 : i32
        %parallel_loop3A_1705 = arith.addi %parallel_loop3A_1703, %parallel_loop3A_1704 : i32
        %parallel_loop3A_1706 = arith.index_cast %parallel_loop3A_1705 : i32 to index
        %parallel_loop3A_1707 = arith.constant 112 : index
        %parallel_loop3A_1708 = tpu.vector_load %arg7[%parallel_loop3A_1706, %parallel_loop3A_1707] {strides = array<i32>} : memref<480x128xf32, #tpu.memory_space<vmem>>, vector<16xf32>,
        tpu.vector_store %arg7[%parallel_loop3A_1706, %parallel_loop3A_1707], %parallel_loop3A_1698 {strides = array<i32>} : memref<480x128xf32, #tpu.memory_space<vmem>>, vector<16xf32>,
        %parallel_loop3A_1709 = arith.addi %parallel_loop3A_214, %add3A_33 : vector<16xi32>
        %parallel_loop3A_1710 = tpu.vector_load_idx %arg5[%parallel_loop3A_1709] : memref<33792xf32, #tpu.memory_space<vmem>>[vector<16xi32>], vector<16xf32>,
        %parallel_loop3A_1711 = arith.constant 80 : i32
        %parallel_loop3A_1712 = arith.muli %rem3A_160, %parallel_loop3A_1711 : i32
        %parallel_loop3A_1713 = arith.constant 16 : i32
        %parallel_loop3A_1714 = arith.muli %parallel_loop3A_181, %parallel_loop3A_1713 : i32
        %parallel_loop3A_1715 = arith.addi %parallel_loop3A_1712, %parallel_loop3A_1714 : i32
        %parallel_loop3A_1716 = arith.constant 12 : i32
        %parallel_loop3A_1717 = arith.addi %parallel_loop3A_1715, %parallel_loop3A_1716 : i32
        %parallel_loop3A_1718 = arith.index_cast %parallel_loop3A_1717 : i32 to index
        %parallel_loop3A_1719 = arith.constant 112 : index
        %parallel_loop3A_1720 = tpu.vector_load %arg7[%parallel_loop3A_1718, %parallel_loop3A_1719] {strides = array<i32>} : memref<480x128xf32, #tpu.memory_space<vmem>>, vector<16xf32>,
        tpu.vector_store %arg7[%parallel_loop3A_1718, %parallel_loop3A_1719], %parallel_loop3A_1710 {strides = array<i32>} : memref<480x128xf32, #tpu.memory_space<vmem>>, vector<16xf32>,
        %parallel_loop3A_1721 = arith.addi %parallel_loop3A_216, %add3A_33 : vector<16xi32>
        %parallel_loop3A_1722 = tpu.vector_load_idx %arg5[%parallel_loop3A_1721] : memref<33792xf32, #tpu.memory_space<vmem>>[vector<16xi32>], vector<16xf32>,
        %parallel_loop3A_1723 = arith.constant 80 : i32
        %parallel_loop3A_1724 = arith.muli %rem3A_160, %parallel_loop3A_1723 : i32
        %parallel_loop3A_1725 = arith.constant 16 : i32
        %parallel_loop3A_1726 = arith.muli %parallel_loop3A_181, %parallel_loop3A_1725 : i32
        %parallel_loop3A_1727 = arith.addi %parallel_loop3A_1724, %parallel_loop3A_1726 : i32
        %parallel_loop3A_1728 = arith.constant 13 : i32
        %parallel_loop3A_1729 = arith.addi %parallel_loop3A_1727, %parallel_loop3A_1728 : i32
        %parallel_loop3A_1730 = arith.index_cast %parallel_loop3A_1729 : i32 to index
        %parallel_loop3A_1731 = arith.constant 112 : index
        %parallel_loop3A_1732 = tpu.vector_load %arg7[%parallel_loop3A_1730, %parallel_loop3A_1731] {strides = array<i32>} : memref<480x128xf32, #tpu.memory_space<vmem>>, vector<16xf32>,
        tpu.vector_store %arg7[%parallel_loop3A_1730, %parallel_loop3A_1731], %parallel_loop3A_1722 {strides = array<i32>} : memref<480x128xf32, #tpu.memory_space<vmem>>, vector<16xf32>,
        %parallel_loop3A_1733 = arith.addi %parallel_loop3A_218, %add3A_33 : vector<16xi32>
        %parallel_loop3A_1734 = tpu.vector_load_idx %arg5[%parallel_loop3A_1733] : memref<33792xf32, #tpu.memory_space<vmem>>[vector<16xi32>], vector<16xf32>,
        %parallel_loop3A_1735 = arith.constant 80 : i32
        %parallel_loop3A_1736 = arith.muli %rem3A_160, %parallel_loop3A_1735 : i32
        %parallel_loop3A_1737 = arith.constant 16 : i32
        %parallel_loop3A_1738 = arith.muli %parallel_loop3A_181, %parallel_loop3A_1737 : i32
        %parallel_loop3A_1739 = arith.addi %parallel_loop3A_1736, %parallel_loop3A_1738 : i32
        %parallel_loop3A_1740 = arith.constant 14 : i32
        %parallel_loop3A_1741 = arith.addi %parallel_loop3A_1739, %parallel_loop3A_1740 : i32
        %parallel_loop3A_1742 = arith.index_cast %parallel_loop3A_1741 : i32 to index
        %parallel_loop3A_1743 = arith.constant 112 : index
        %parallel_loop3A_1744 = tpu.vector_load %arg7[%parallel_loop3A_1742, %parallel_loop3A_1743] {strides = array<i32>} : memref<480x128xf32, #tpu.memory_space<vmem>>, vector<16xf32>,
        tpu.vector_store %arg7[%parallel_loop3A_1742, %parallel_loop3A_1743], %parallel_loop3A_1734 {strides = array<i32>} : memref<480x128xf32, #tpu.memory_space<vmem>>, vector<16xf32>,
        %parallel_loop3A_1745 = arith.addi %parallel_loop3A_220, %add3A_33 : vector<16xi32>
        %parallel_loop3A_1746 = tpu.vector_load_idx %arg5[%parallel_loop3A_1745] : memref<33792xf32, #tpu.memory_space<vmem>>[vector<16xi32>], vector<16xf32>,
        %parallel_loop3A_1747 = arith.constant 80 : i32
        %parallel_loop3A_1748 = arith.muli %rem3A_160, %parallel_loop3A_1747 : i32
        %parallel_loop3A_1749 = arith.constant 16 : i32
        %parallel_loop3A_1750 = arith.muli %parallel_loop3A_181, %parallel_loop3A_1749 : i32
        %parallel_loop3A_1751 = arith.addi %parallel_loop3A_1748, %parallel_loop3A_1750 : i32
        %parallel_loop3A_1752 = arith.constant 15 : i32
        %parallel_loop3A_1753 = arith.addi %parallel_loop3A_1751, %parallel_loop3A_1752 : i32
        %parallel_loop3A_1754 = arith.index_cast %parallel_loop3A_1753 : i32 to index
        %parallel_loop3A_1755 = arith.constant 112 : index
        %parallel_loop3A_1756 = tpu.vector_load %arg7[%parallel_loop3A_1754, %parallel_loop3A_1755] {strides = array<i32>} : memref<480x128xf32, #tpu.memory_space<vmem>>, vector<16xf32>,
        tpu.vector_store %arg7[%parallel_loop3A_1754, %parallel_loop3A_1755], %parallel_loop3A_1746 {strides = array<i32>} : memref<480x128xf32, #tpu.memory_space<vmem>>, vector<16xf32>,
      } {sc.loop_unroll_factor = 4 : i64, sc.parallel_access}
      %mul3A_167 = arith.constant 80 : i32
      %mul3A_168 = arith.muli %rem3A_160, %mul3A_167 : i32
      %mul3A_169 = arith.constant 80 : i32
      %mul3A_170 = arith.muli %scan3A_159, %mul3A_169 : i32
      %add3A_171 = arith.addi %mul3A_2, %mul3A_170 : i32
      %dma_start3A = arith.constant 0 : i32
      %dma_start3A_172 = tpu.memref_slice %arg7[%mul3A_168, %dma_start3A] : memref<480x128xf32, #tpu.memory_space<vmem>> -> memref<80x128xf32, #tpu.memory_space<vmem>>
      %dma_start3A_173 = arith.constant 0 : i32
      %dma_start3A_174 = tpu.memref_slice %arg4[%add3A_171, %dma_start3A_173] : memref<320000x128xf32, #tpu.memory_space<hbm>> -> memref<80x128xf32, #tpu.memory_space<hbm>>
      %dma_start3A_175 = tpu.memref_slice %arg8[%rem3A_160] : memref<6x!tpu.dma_semaphore, #tpu.memory_space<semaphore_mem>> -> memref<1x!tpu.dma_semaphore, #tpu.memory_space<semaphore_mem>>
      %dma_start3A_176 = tpu.memref_squeeze %dma_start3A_175 : memref<1x!tpu.dma_semaphore, #tpu.memory_space<semaphore_mem>> -> memref<!tpu.dma_semaphore, #tpu.memory_space<semaphore_mem>>
      %dma_start3A_177 = arith.constant 0 : i32
      %dma_start3A_178 = tpu.memref_slice %arg4[%add3A_171, %dma_start3A_177] : memref<320000x128xf32, #tpu.memory_space<hbm>> -> memref<80x128xf32, #tpu.memory_space<hbm>>
      %dma_start3A_179 = arith.constant 0 : i32
      %dma_start3A_180 = tpu.memref_slice %arg7[%mul3A_168, %dma_start3A_179] : memref<480x128xf32, #tpu.memory_space<vmem>> -> memref<80x128xf32, #tpu.memory_space<vmem>>
      tpu.enqueue_dma source(%dma_start3A_180 : memref<80x128xf32, #tpu.memory_space<vmem>>) target(%dma_start3A_178 : memref<80x128xf32, #tpu.memory_space<hbm>>) target_semaphore(%dma_start3A_176 : memref<!tpu.dma_semaphore, #tpu.memory_space<semaphore_mem>>)
    }
    %scan3A_69 = arith.constant 125 : i32
    %add3A_70 = arith.constant 9520 : i32
    %add3A_71 = arith.addi %mul3A_2, %add3A_70 : i32
    %dma_wait3A = arith.constant 5 : i32
    %dma_wait3A_72 = arith.constant 400 : i32
    %dma_wait3A_73 = arith.constant 0 : i32
    %dma_wait3A_74 = tpu.memref_slice %arg7[%dma_wait3A_72, %dma_wait3A_73] : memref<480x128xf32, #tpu.memory_space<vmem>> -> memref<80x128xf32, #tpu.memory_space<vmem>>
    %dma_wait3A_75 = arith.constant 0 : i32
    %dma_wait3A_76 = tpu.memref_slice %arg4[%add3A_71, %dma_wait3A_75] : memref<320000x128xf32, #tpu.memory_space<hbm>> -> memref<80x128xf32, #tpu.memory_space<hbm>>
    %dma_wait3A_77 = tpu.memref_slice %arg8[%dma_wait3A] : memref<6x!tpu.dma_semaphore, #tpu.memory_space<semaphore_mem>> -> memref<1x!tpu.dma_semaphore, #tpu.memory_space<semaphore_mem>>
    %dma_wait3A_78 = tpu.memref_squeeze %dma_wait3A_77 : memref<1x!tpu.dma_semaphore, #tpu.memory_space<semaphore_mem>> -> memref<!tpu.dma_semaphore, #tpu.memory_space<semaphore_mem>>
    %dma_wait3A_79 = arith.constant 0 : i32
    %dma_wait3A_80 = tpu.memref_slice %arg4[%add3A_71, %dma_wait3A_79] : memref<320000x128xf32, #tpu.memory_space<hbm>> -> memref<80x128xf32, #tpu.memory_space<hbm>>
    %dma_wait3A_81 = arith.constant 400 : i32
    %dma_wait3A_82 = arith.constant 0 : i32
    %dma_wait3A_83 = tpu.memref_slice %arg7[%dma_wait3A_81, %dma_wait3A_82] : memref<480x128xf32, #tpu.memory_space<vmem>> -> memref<80x128xf32, #tpu.memory_space<vmem>>
    tpu.wait_dma2 semaphore(%dma_wait3A_78 : memref<!tpu.dma_semaphore, #tpu.memory_space<semaphore_mem>>) src(%dma_wait3A_83 : memref<80x128xf32, #tpu.memory_space<vmem>>) dst(%dma_wait3A_80 : memref<80x128xf32, #tpu.memory_space<hbm>>)
    %add3A_84 = arith.constant 9600 : i32
    %add3A_85 = arith.addi %mul3A_2, %add3A_84 : i32
    %dma_wait3A_86 = arith.constant 0 : i32
    %dma_wait3A_87 = arith.constant 0 : i32
    %dma_wait3A_88 = arith.constant 0 : i32
    %dma_wait3A_89 = tpu.memref_slice %arg7[%dma_wait3A_87, %dma_wait3A_88] : memref<480x128xf32, #tpu.memory_space<vmem>> -> memref<80x128xf32, #tpu.memory_space<vmem>>
    %dma_wait3A_90 = arith.constant 0 : i32
    %dma_wait3A_91 = tpu.memref_slice %arg4[%add3A_85, %dma_wait3A_90] : memref<320000x128xf32, #tpu.memory_space<hbm>> -> memref<80x128xf32, #tpu.memory_space<hbm>>
    %dma_wait3A_92 = tpu.memref_slice %arg8[%dma_wait3A_86] : memref<6x!tpu.dma_semaphore, #tpu.memory_space<semaphore_mem>> -> memref<1x!tpu.dma_semaphore, #tpu.memory_space<semaphore_mem>>
    %dma_wait3A_93 = tpu.memref_squeeze %dma_wait3A_92 : memref<1x!tpu.dma_semaphore, #tpu.memory_space<semaphore_mem>> -> memref<!tpu.dma_semaphore, #tpu.memory_space<semaphore_mem>>
    %dma_wait3A_94 = arith.constant 0 : i32
    %dma_wait3A_95 = tpu.memref_slice %arg4[%add3A_85, %dma_wait3A_94] : memref<320000x128xf32, #tpu.memory_space<hbm>> -> memref<80x128xf32, #tpu.memory_space<hbm>>
    %dma_wait3A_96 = arith.constant 0 : i32
    %dma_wait3A_97 = arith.constant 0 : i32
    %dma_wait3A_98 = tpu.memref_slice %arg7[%dma_wait3A_96, %dma_wait3A_97] : memref<480x128xf32, #tpu.memory_space<vmem>> -> memref<80x128xf32, #tpu.memory_space<vmem>>
    tpu.wait_dma2 semaphore(%dma_wait3A_93 : memref<!tpu.dma_semaphore, #tpu.memory_space<semaphore_mem>>) src(%dma_wait3A_98 : memref<80x128xf32, #tpu.memory_space<vmem>>) dst(%dma_wait3A_95 : memref<80x128xf32, #tpu.memory_space<hbm>>)
    %add3A_99 = arith.constant 9680 : i32
    %add3A_100 = arith.addi %mul3A_2, %add3A_99 : i32
    %dma_wait3A_101 = arith.constant 1 : i32
    %dma_wait3A_102 = arith.constant 80 : i32
    %dma_wait3A_103 = arith.constant 0 : i32
    %dma_wait3A_104 = tpu.memref_slice %arg7[%dma_wait3A_102, %dma_wait3A_103] : memref<480x128xf32, #tpu.memory_space<vmem>> -> memref<80x128xf32, #tpu.memory_space<vmem>>
    %dma_wait3A_105 = arith.constant 0 : i32
    %dma_wait3A_106 = tpu.memref_slice %arg4[%add3A_100, %dma_wait3A_105] : memref<320000x128xf32, #tpu.memory_space<hbm>> -> memref<80x128xf32, #tpu.memory_space<hbm>>
    %dma_wait3A_107 = tpu.memref_slice %arg8[%dma_wait3A_101] : memref<6x!tpu.dma_semaphore, #tpu.memory_space<semaphore_mem>> -> memref<1x!tpu.dma_semaphore, #tpu.memory_space<semaphore_mem>>
    %dma_wait3A_108 = tpu.memref_squeeze %dma_wait3A_107 : memref<1x!tpu.dma_semaphore, #tpu.memory_space<semaphore_mem>> -> memref<!tpu.dma_semaphore, #tpu.memory_space<semaphore_mem>>
    %dma_wait3A_109 = arith.constant 0 : i32
    %dma_wait3A_110 = tpu.memref_slice %arg4[%add3A_100, %dma_wait3A_109] : memref<320000x128xf32, #tpu.memory_space<hbm>> -> memref<80x128xf32, #tpu.memory_space<hbm>>
    %dma_wait3A_111 = arith.constant 80 : i32
    %dma_wait3A_112 = arith.constant 0 : i32
    %dma_wait3A_113 = tpu.memref_slice %arg7[%dma_wait3A_111, %dma_wait3A_112] : memref<480x128xf32, #tpu.memory_space<vmem>> -> memref<80x128xf32, #tpu.memory_space<vmem>>
    tpu.wait_dma2 semaphore(%dma_wait3A_108 : memref<!tpu.dma_semaphore, #tpu.memory_space<semaphore_mem>>) src(%dma_wait3A_113 : memref<80x128xf32, #tpu.memory_space<vmem>>) dst(%dma_wait3A_110 : memref<80x128xf32, #tpu.memory_space<hbm>>)
    %add3A_114 = arith.constant 9760 : i32
    %add3A_115 = arith.addi %mul3A_2, %add3A_114 : i32
    %dma_wait3A_116 = arith.constant 2 : i32
    %dma_wait3A_117 = arith.constant 160 : i32
    %dma_wait3A_118 = arith.constant 0 : i32
    %dma_wait3A_119 = tpu.memref_slice %arg7[%dma_wait3A_117, %dma_wait3A_118] : memref<480x128xf32, #tpu.memory_space<vmem>> -> memref<80x128xf32, #tpu.memory_space<vmem>>
    %dma_wait3A_120 = arith.constant 0 : i32
    %dma_wait3A_121 = tpu.memref_slice %arg4[%add3A_115, %dma_wait3A_120] : memref<320000x128xf32, #tpu.memory_space<hbm>> -> memref<80x128xf32, #tpu.memory_space<hbm>>
    %dma_wait3A_122 = tpu.memref_slice %arg8[%dma_wait3A_116] : memref<6x!tpu.dma_semaphore, #tpu.memory_space<semaphore_mem>> -> memref<1x!tpu.dma_semaphore, #tpu.memory_space<semaphore_mem>>
    %dma_wait3A_123 = tpu.memref_squeeze %dma_wait3A_122 : memref<1x!tpu.dma_semaphore, #tpu.memory_space<semaphore_mem>> -> memref<!tpu.dma_semaphore, #tpu.memory_space<semaphore_mem>>
    %dma_wait3A_124 = arith.constant 0 : i32
    %dma_wait3A_125 = tpu.memref_slice %arg4[%add3A_115, %dma_wait3A_124] : memref<320000x128xf32, #tpu.memory_space<hbm>> -> memref<80x128xf32, #tpu.memory_space<hbm>>
    %dma_wait3A_126 = arith.constant 160 : i32
    %dma_wait3A_127 = arith.constant 0 : i32
    %dma_wait3A_128 = tpu.memref_slice %arg7[%dma_wait3A_126, %dma_wait3A_127] : memref<480x128xf32, #tpu.memory_space<vmem>> -> memref<80x128xf32, #tpu.memory_space<vmem>>
    tpu.wait_dma2 semaphore(%dma_wait3A_123 : memref<!tpu.dma_semaphore, #tpu.memory_space<semaphore_mem>>) src(%dma_wait3A_128 : memref<80x128xf32, #tpu.memory_space<vmem>>) dst(%dma_wait3A_125 : memref<80x128xf32, #tpu.memory_space<hbm>>)
    %add3A_129 = arith.constant 9840 : i32
    %add3A_130 = arith.addi %mul3A_2, %add3A_129 : i32
    %dma_wait3A_131 = arith.constant 3 : i32
    %dma_wait3A_132 = arith.constant 240 : i32
    %dma_wait3A_133 = arith.constant 0 : i32
    %dma_wait3A_134 = tpu.memref_slice %arg7[%dma_wait3A_132, %dma_wait3A_133] : memref<480x128xf32, #tpu.memory_space<vmem>> -> memref<80x128xf32, #tpu.memory_space<vmem>>
    %dma_wait3A_135 = arith.constant 0 : i32
    %dma_wait3A_136 = tpu.memref_slice %arg4[%add3A_130, %dma_wait3A_135] : memref<320000x128xf32, #tpu.memory_space<hbm>> -> memref<80x128xf32, #tpu.memory_space<hbm>>
    %dma_wait3A_137 = tpu.memref_slice %arg8[%dma_wait3A_131] : memref<6x!tpu.dma_semaphore, #tpu.memory_space<semaphore_mem>> -> memref<1x!tpu.dma_semaphore, #tpu.memory_space<semaphore_mem>>
    %dma_wait3A_138 = tpu.memref_squeeze %dma_wait3A_137 : memref<1x!tpu.dma_semaphore, #tpu.memory_space<semaphore_mem>> -> memref<!tpu.dma_semaphore, #tpu.memory_space<semaphore_mem>>
    %dma_wait3A_139 = arith.constant 0 : i32
    %dma_wait3A_140 = tpu.memref_slice %arg4[%add3A_130, %dma_wait3A_139] : memref<320000x128xf32, #tpu.memory_space<hbm>> -> memref<80x128xf32, #tpu.memory_space<hbm>>
    %dma_wait3A_141 = arith.constant 240 : i32
    %dma_wait3A_142 = arith.constant 0 : i32
    %dma_wait3A_143 = tpu.memref_slice %arg7[%dma_wait3A_141, %dma_wait3A_142] : memref<480x128xf32, #tpu.memory_space<vmem>> -> memref<80x128xf32, #tpu.memory_space<vmem>>
    tpu.wait_dma2 semaphore(%dma_wait3A_138 : memref<!tpu.dma_semaphore, #tpu.memory_space<semaphore_mem>>) src(%dma_wait3A_143 : memref<80x128xf32, #tpu.memory_space<vmem>>) dst(%dma_wait3A_140 : memref<80x128xf32, #tpu.memory_space<hbm>>)
    %add3A_144 = arith.constant 9920 : i32
    %add3A_145 = arith.addi %mul3A_2, %add3A_144 : i32
    %dma_wait3A_146 = arith.constant 4 : i32
    %dma_wait3A_147 = arith.constant 320 : i32
    %dma_wait3A_148 = arith.constant 0 : i32
    %dma_wait3A_149 = tpu.memref_slice %arg7[%dma_wait3A_147, %dma_wait3A_148] : memref<480x128xf32, #tpu.memory_space<vmem>> -> memref<80x128xf32, #tpu.memory_space<vmem>>
    %dma_wait3A_150 = arith.constant 0 : i32
    %dma_wait3A_151 = tpu.memref_slice %arg4[%add3A_145, %dma_wait3A_150] : memref<320000x128xf32, #tpu.memory_space<hbm>> -> memref<80x128xf32, #tpu.memory_space<hbm>>
    %dma_wait3A_152 = tpu.memref_slice %arg8[%dma_wait3A_146] : memref<6x!tpu.dma_semaphore, #tpu.memory_space<semaphore_mem>> -> memref<1x!tpu.dma_semaphore, #tpu.memory_space<semaphore_mem>>
    %dma_wait3A_153 = tpu.memref_squeeze %dma_wait3A_152 : memref<1x!tpu.dma_semaphore, #tpu.memory_space<semaphore_mem>> -> memref<!tpu.dma_semaphore, #tpu.memory_space<semaphore_mem>>
    %dma_wait3A_154 = arith.constant 0 : i32
    %dma_wait3A_155 = tpu.memref_slice %arg4[%add3A_145, %dma_wait3A_154] : memref<320000x128xf32, #tpu.memory_space<hbm>> -> memref<80x128xf32, #tpu.memory_space<hbm>>
    %dma_wait3A_156 = arith.constant 320 : i32
    %dma_wait3A_157 = arith.constant 0 : i32
    %dma_wait3A_158 = tpu.memref_slice %arg7[%dma_wait3A_156, %dma_wait3A_157] : memref<480x128xf32, #tpu.memory_space<vmem>> -> memref<80x128xf32, #tpu.memory_space<vmem>>
    tpu.wait_dma2 semaphore(%dma_wait3A_153 : memref<!tpu.dma_semaphore, #tpu.memory_space<semaphore_mem>>) src(%dma_wait3A_158 : memref<80x128xf32, #tpu.memory_space<vmem>>) dst(%dma_wait3A_155 : memref<80x128xf32, #tpu.memory_space<hbm>>)
    return
  }
}

module attributes {stable_mosaic.version = 14 : i64} {
  func.func @_codes_body(%arg0: memref<2500x128xi32, #tpu.memory_space<vmem>>, %arg1: memref<2500x128xi32, #tpu.memory_space<vmem>>, %arg2: memref<2500x128xi32, #tpu.memory_space<vmem>>, %arg3: memref<2500x128xi32, #tpu.memory_space<vmem>>) attributes {dimension_semantics = [], scalar_prefetch = 0 : i64, scratch_operands = 0 : i64, tpu.core_type = #tpu.core_type<tc>} {
    %get3A = arith.constant 0 : index
    %get3A_0 = arith.constant 0 : index
    %get3A_1 = vector.load %arg0[%get3A, %get3A_0] : memref<2500x128xi32, #tpu.memory_space<vmem>>, vector<2500x128xi32>
    %mul3A = arith.constant 12 : i32
    %mul3A_2 = vector.broadcast %mul3A : i32 to vector<2500x128xi32>
    %mul3A_3 = arith.muli %get3A_1, %mul3A_2 : vector<2500x128xi32>
    %get3A_4 = arith.constant 0 : index
    %get3A_5 = arith.constant 0 : index
    %get3A_6 = vector.load %arg1[%get3A_4, %get3A_5] : memref<2500x128xi32, #tpu.memory_space<vmem>>, vector<2500x128xi32>
    %mul3A_7 = arith.constant 2 : i32
    %mul3A_8 = vector.broadcast %mul3A_7 : i32 to vector<2500x128xi32>
    %mul3A_9 = arith.muli %get3A_6, %mul3A_8 : vector<2500x128xi32>
    %add3A = arith.addi %mul3A_3, %mul3A_9 : vector<2500x128xi32>
    %get3A_10 = arith.constant 0 : index
    %get3A_11 = arith.constant 0 : index
    %get3A_12 = vector.load %arg2[%get3A_10, %get3A_11] : memref<2500x128xi32, #tpu.memory_space<vmem>>, vector<2500x128xi32>
    %add3A_13 = arith.addi %add3A, %get3A_12 : vector<2500x128xi32>
    %mul3A_14 = arith.constant 128 : i32
    %mul3A_15 = vector.broadcast %mul3A_14 : i32 to vector<2500x128xi32>
    %mul3A_16 = arith.muli %add3A_13, %mul3A_15 : vector<2500x128xi32>
    %swap3A = arith.constant 0 : index
    %swap3A_17 = arith.constant 0 : index
    %swap3A_18 = vector.load %arg3[%swap3A, %swap3A_17] : memref<2500x128xi32, #tpu.memory_space<vmem>>, vector<2500x128xi32>
    tpu.vector_store %arg3[%swap3A, %swap3A_17], %mul3A_16 {strides = array<i32>} : memref<2500x128xi32, #tpu.memory_space<vmem>>, vector<2500x128xi32>,
    return
  }
}

module attributes {stable_mosaic.version = 14 : i64} {
  func.func @_table_body(%arg0: memref<22x128xf32, #tpu.memory_space<vmem>>, %arg1: memref<6x128xf32, #tpu.memory_space<vmem>>, %arg2: memref<2x128xf32, #tpu.memory_space<vmem>>, %arg3: memref<264x128xf32, #tpu.memory_space<vmem>>) attributes {dimension_semantics = [], scalar_prefetch = 0 : i64, scratch_operands = 0 : i64, tpu.core_type = #tpu.core_type<tc>} {
    %iota3A = tpu.iota {dimensions = array<i32: 0>} : vector<264x22xi32>
    %iota3A_0 = tpu.iota {dimensions = array<i32: 1>} : vector<264x22xi32>
    %jit3A = arith.constant 12 : i32
    %div3A = vector.broadcast %jit3A : i32 to vector<264x22xi32>
    %div3A_1 = arith.divsi %iota3A, %div3A : vector<264x22xi32>
    %sign3A = arith.constant 0 : i32
    %sign3A_2 = vector.broadcast %sign3A : i32 to vector<264x22xi32>
    %sign3A_3 = arith.cmpi sgt, %iota3A, %sign3A_2 : vector<264x22xi32>
    %sign3A_4 = arith.extui %sign3A_3 : vector<264x22xi1> to vector<264x22xi32>
    %sign3A_5 = arith.constant 0 : i32
    %sign3A_6 = vector.broadcast %sign3A_5 : i32 to vector<264x22xi32>
    %sign3A_7 = arith.cmpi slt, %iota3A, %sign3A_6 : vector<264x22xi32>
    %sign3A_8 = arith.extui %sign3A_7 : vector<264x22xi1> to vector<264x22xi32>
    %sign3A_9 = arith.subi %sign3A_4, %sign3A_8 : vector<264x22xi32>
    %sign3A_10 = arith.constant 0 : i32
    %sign3A_11 = arith.cmpi sgt, %jit3A, %sign3A_10 : i32
    %sign3A_12 = arith.extui %sign3A_11 : i1 to i32
    %sign3A_13 = arith.constant 0 : i32
    %sign3A_14 = arith.cmpi slt, %jit3A, %sign3A_13 : i32
    %sign3A_15 = arith.extui %sign3A_14 : i1 to i32
    %sign3A_16 = arith.subi %sign3A_12, %sign3A_15 : i32
    %ne3A = vector.broadcast %sign3A_16 : i32 to vector<264x22xi32>
    %ne3A_17 = arith.cmpi ne, %sign3A_9, %ne3A : vector<264x22xi32>
    %rem3A = vector.broadcast %jit3A : i32 to vector<264x22xi32>
    %rem3A_18 = arith.remsi %iota3A, %rem3A : vector<264x22xi32>
    %ne3A_19 = arith.constant 0 : i32
    %ne3A_20 = vector.broadcast %ne3A_19 : i32 to vector<264x22xi32>
    %ne3A_21 = arith.cmpi ne, %rem3A_18, %ne3A_20 : vector<264x22xi32>
    %and3A = arith.andi %ne3A_17, %ne3A_21 : vector<264x22xi1>
    %sub3A = arith.constant 1 : i32
    %sub3A_22 = vector.broadcast %sub3A : i32 to vector<264x22xi32>
    %sub3A_23 = arith.subi %div3A_1, %sub3A_22 : vector<264x22xi32>
    %select_n3A = arith.select %and3A, %sub3A_23, %div3A_1 : vector<264x22xi1>, vector<264x22xi32>
    %eq3A = arith.cmpi eq, %select_n3A, %iota3A_0 : vector<264x22xi32>
    %convert_element_type3A = arith.extui %eq3A : vector<264x22xi1> to vector<264x22xi32>
    %convert_element_type3A_24 = arith.sitofp %convert_element_type3A : vector<264x22xi32> to vector<264x22xf32>
    %iota3A_25 = tpu.iota {dimensions = array<i32: 0>} : vector<264x6xi32>
    %iota3A_26 = tpu.iota {dimensions = array<i32: 1>} : vector<264x6xi32>
    %jit3A_27 = arith.constant 2 : i32
    %div3A_28 = vector.broadcast %jit3A_27 : i32 to vector<264x6xi32>
    %div3A_29 = arith.divsi %iota3A_25, %div3A_28 : vector<264x6xi32>
    %sign3A_30 = arith.constant 0 : i32
    %sign3A_31 = vector.broadcast %sign3A_30 : i32 to vector<264x6xi32>
    %sign3A_32 = arith.cmpi sgt, %iota3A_25, %sign3A_31 : vector<264x6xi32>
    %sign3A_33 = arith.extui %sign3A_32 : vector<264x6xi1> to vector<264x6xi32>
    %sign3A_34 = arith.constant 0 : i32
    %sign3A_35 = vector.broadcast %sign3A_34 : i32 to vector<264x6xi32>
    %sign3A_36 = arith.cmpi slt, %iota3A_25, %sign3A_35 : vector<264x6xi32>
    %sign3A_37 = arith.extui %sign3A_36 : vector<264x6xi1> to vector<264x6xi32>
    %sign3A_38 = arith.subi %sign3A_33, %sign3A_37 : vector<264x6xi32>
    %sign3A_39 = arith.constant 0 : i32
    %sign3A_40 = arith.cmpi sgt, %jit3A_27, %sign3A_39 : i32
    %sign3A_41 = arith.extui %sign3A_40 : i1 to i32
    %sign3A_42 = arith.constant 0 : i32
    %sign3A_43 = arith.cmpi slt, %jit3A_27, %sign3A_42 : i32
    %sign3A_44 = arith.extui %sign3A_43 : i1 to i32
    %sign3A_45 = arith.subi %sign3A_41, %sign3A_44 : i32
    %ne3A_46 = vector.broadcast %sign3A_45 : i32 to vector<264x6xi32>
    %ne3A_47 = arith.cmpi ne, %sign3A_38, %ne3A_46 : vector<264x6xi32>
    %rem3A_48 = vector.broadcast %jit3A_27 : i32 to vector<264x6xi32>
    %rem3A_49 = arith.remsi %iota3A_25, %rem3A_48 : vector<264x6xi32>
    %ne3A_50 = arith.constant 0 : i32
    %ne3A_51 = vector.broadcast %ne3A_50 : i32 to vector<264x6xi32>
    %ne3A_52 = arith.cmpi ne, %rem3A_49, %ne3A_51 : vector<264x6xi32>
    %and3A_53 = arith.andi %ne3A_47, %ne3A_52 : vector<264x6xi1>
    %sub3A_54 = arith.constant 1 : i32
    %sub3A_55 = vector.broadcast %sub3A_54 : i32 to vector<264x6xi32>
    %sub3A_56 = arith.subi %div3A_29, %sub3A_55 : vector<264x6xi32>
    %select_n3A_57 = arith.select %and3A_53, %sub3A_56, %div3A_29 : vector<264x6xi1>, vector<264x6xi32>
    %jit3A_58 = arith.constant 6 : i32
    %eq3A_59 = arith.constant 0 : i32
    %eq3A_60 = arith.cmpi eq, %jit3A_58, %eq3A_59 : i32
    %jit3A_61 = arith.constant 1 : i32
    %select_n3A_62 = arith.select %eq3A_60, %jit3A_61, %jit3A_58 : i32
    %rem3A_63 = vector.broadcast %select_n3A_62 : i32 to vector<264x6xi32>
    %rem3A_64 = arith.remsi %select_n3A_57, %rem3A_63 : vector<264x6xi32>
    %ne3A_65 = arith.constant 0 : i32
    %ne3A_66 = vector.broadcast %ne3A_65 : i32 to vector<264x6xi32>
    %ne3A_67 = arith.cmpi ne, %rem3A_64, %ne3A_66 : vector<264x6xi32>
    %lt3A = arith.constant 0 : i32
    %lt3A_68 = vector.broadcast %lt3A : i32 to vector<264x6xi32>
    %lt3A_69 = arith.cmpi slt, %rem3A_64, %lt3A_68 : vector<264x6xi32>
    %lt3A_70 = arith.constant 0 : i32
    %lt3A_71 = arith.cmpi slt, %select_n3A_62, %lt3A_70 : i32
    %ne3A_72 = vector.broadcast %lt3A_71 : i1 to vector<264x6xi1>
    %ne3A_73 = vector.broadcast %ne3A_72 : vector<264x6xi1> to vector<264x6xi1>
    %ne3A_74 = arith.xori %lt3A_69, %ne3A_73 : vector<264x6xi1>
    %and3A_75 = arith.andi %ne3A_74, %ne3A_67 : vector<264x6xi1>
    %add3A = vector.broadcast %select_n3A_62 : i32 to vector<264x6xi32>
    %add3A_76 = arith.addi %rem3A_64, %add3A : vector<264x6xi32>
    %select_n3A_77 = arith.select %and3A_75, %add3A_76, %rem3A_64 : vector<264x6xi1>, vector<264x6xi32>
    %eq3A_78 = arith.cmpi eq, %select_n3A_77, %iota3A_26 : vector<264x6xi32>
    %convert_element_type3A_79 = arith.extui %eq3A_78 : vector<264x6xi1> to vector<264x6xi32>
    %convert_element_type3A_80 = arith.sitofp %convert_element_type3A_79 : vector<264x6xi32> to vector<264x6xf32>
    %iota3A_81 = tpu.iota {dimensions = array<i32: 0>} : vector<264x2xi32>
    %iota3A_82 = tpu.iota {dimensions = array<i32: 1>} : vector<264x2xi32>
    %jit3A_83 = arith.constant 2 : i32
    %eq3A_84 = arith.constant 0 : i32
    %eq3A_85 = arith.cmpi eq, %jit3A_83, %eq3A_84 : i32
    %jit3A_86 = arith.constant 1 : i32
    %select_n3A_87 = arith.select %eq3A_85, %jit3A_86, %jit3A_83 : i32
    %rem3A_88 = vector.broadcast %select_n3A_87 : i32 to vector<264x2xi32>
    %rem3A_89 = arith.remsi %iota3A_81, %rem3A_88 : vector<264x2xi32>
    %ne3A_90 = arith.constant 0 : i32
    %ne3A_91 = vector.broadcast %ne3A_90 : i32 to vector<264x2xi32>
    %ne3A_92 = arith.cmpi ne, %rem3A_89, %ne3A_91 : vector<264x2xi32>
    %lt3A_93 = arith.constant 0 : i32
    %lt3A_94 = vector.broadcast %lt3A_93 : i32 to vector<264x2xi32>
    %lt3A_95 = arith.cmpi slt, %rem3A_89, %lt3A_94 : vector<264x2xi32>
    %lt3A_96 = arith.constant 0 : i32
    %lt3A_97 = arith.cmpi slt, %select_n3A_87, %lt3A_96 : i32
    %ne3A_98 = vector.broadcast %lt3A_97 : i1 to vector<264x2xi1>
    %ne3A_99 = vector.broadcast %ne3A_98 : vector<264x2xi1> to vector<264x2xi1>
    %ne3A_100 = arith.xori %lt3A_95, %ne3A_99 : vector<264x2xi1>
    %and3A_101 = arith.andi %ne3A_100, %ne3A_92 : vector<264x2xi1>
    %add3A_102 = vector.broadcast %select_n3A_87 : i32 to vector<264x2xi32>
    %add3A_103 = arith.addi %rem3A_89, %add3A_102 : vector<264x2xi32>
    %select_n3A_104 = arith.select %and3A_101, %add3A_103, %rem3A_89 : vector<264x2xi1>, vector<264x2xi32>
    %eq3A_105 = arith.cmpi eq, %select_n3A_104, %iota3A_82 : vector<264x2xi32>
    %convert_element_type3A_106 = arith.extui %eq3A_105 : vector<264x2xi1> to vector<264x2xi32>
    %convert_element_type3A_107 = arith.sitofp %convert_element_type3A_106 : vector<264x2xi32> to vector<264x2xf32>
    %get3A = arith.constant 0 : index
    %get3A_108 = arith.constant 0 : index
    %get3A_109 = vector.load %arg0[%get3A, %get3A_108] : memref<22x128xf32, #tpu.memory_space<vmem>>, vector<22x128xf32>
    %dot_general3A = arith.constant dense<0.000000e+00> : vector<264x128xf32>
    %dot_general3A_110 = tpu.matmul %convert_element_type3A_24, %get3A_109, %dot_general3A {dimension_numbers = #tpu.dot_dimension_numbers<[1], [0], [0], [1], [0, 0, 1, 1], [], []>, transpose_lhs_hint = false} : vector<264x22xf32>, vector<22x128xf32>, vector<264x128xf32> -> vector<264x128xf32>
    %get3A_111 = arith.constant 0 : index
    %get3A_112 = arith.constant 0 : index
    %get3A_113 = vector.load %arg1[%get3A_111, %get3A_112] : memref<6x128xf32, #tpu.memory_space<vmem>>, vector<6x128xf32>
    %dot_general3A_114 = arith.constant dense<0.000000e+00> : vector<264x128xf32>
    %dot_general3A_115 = tpu.matmul %convert_element_type3A_80, %get3A_113, %dot_general3A_114 {dimension_numbers = #tpu.dot_dimension_numbers<[1], [0], [0], [1], [0, 0, 1, 1], [], []>, transpose_lhs_hint = false} : vector<264x6xf32>, vector<6x128xf32>, vector<264x128xf32> -> vector<264x128xf32>
    %add3A_116 = arith.addf %dot_general3A_110, %dot_general3A_115 : vector<264x128xf32>
    %get3A_117 = arith.constant 0 : index
    %get3A_118 = arith.constant 0 : index
    %get3A_119 = vector.load %arg2[%get3A_117, %get3A_118] : memref<2x128xf32, #tpu.memory_space<vmem>>, vector<2x128xf32>
    %dot_general3A_120 = arith.constant dense<0.000000e+00> : vector<264x128xf32>
    %dot_general3A_121 = tpu.matmul %convert_element_type3A_107, %get3A_119, %dot_general3A_120 {dimension_numbers = #tpu.dot_dimension_numbers<[1], [0], [0], [1], [0, 0, 1, 1], [], []>, transpose_lhs_hint = false} : vector<264x2xf32>, vector<2x128xf32>, vector<264x128xf32> -> vector<264x128xf32>
    %add3A_122 = arith.addf %add3A_116, %dot_general3A_121 : vector<264x128xf32>
    %swap3A = arith.constant 0 : index
    %swap3A_123 = arith.constant 0 : index
    %swap3A_124 = vector.load %arg3[%swap3A, %swap3A_123] : memref<264x128xf32, #tpu.memory_space<vmem>>, vector<264x128xf32>
    tpu.vector_store %arg3[%swap3A, %swap3A_123], %add3A_122 {strides = array<i32>} : memref<264x128xf32, #tpu.memory_space<vmem>>, vector<264x128xf32>,
    return
  }
}

</mosaic_0001>

<sc_bundles>
// kernel: kernel.5.cloned.1.call-start
scs
__scs_entry_jumppad:
0x0: {  	(pc) =	sbr.rel $0x88, $3  }
0x1: {  	(tag) =	ssettag $0x0;
	lr =	simm.s32 $0x1  }
0x2: {  	[smem:$0x3F9D] =	sst lr;
	_ =	strace $0xD0000000  }
0x3: {  	_ = 	snop  }
0x4: {  	_ = 	snop  }
0x5: {  	_ = 	snop  }
0x6: {  	_ = 	snop  }
0x7: {  	_ = 	snop  }
__scs_overlays_trampoline_lowered:
0x8: {  	[smem:$0x3FAC] =	sst s0  }
0x9: {  	[smem:$0x3FAD] =	sst s1  }
0xa: {  	[smem:$0x3FAE] =	sst s2  }
0xb: {  	[smem:$0x3FAF] =	sst s3  }
0xc: {  	[smem:$0x3FB0] =	sst s4  }
0xd: {  	[smem:$0x3FB1] =	sst s5  }
0xe: {  	[smem:$0x3FB2] =	sst s6  }
0xf: {  	[smem:$0x3FB3] =	sst s7  }
0x10: {  	[smem:$0x3FB4] =	sst s8  }
0x11: {  	[smem:$0x3FB5] =	sst s9;
	s0 =	simm.s32 @!p0 $0x0  }
0x12: {  	s1 =	sld [smem:$0x3F9B];
	s0 =	simm.s32 @p0 $0x1  }
0x13: {  	[smem:$0x3FB6] =	sst s0;
	s0 =	simm.s32 @!p1 $0x0  }
0x14: {  	s2 =	sld [smem:$0x3F9A];
	s0 =	simm.s32 @p1 $0x1  }
0x15: {  	[smem:$0x3FB7] =	sst s0;
	s0 =	simm.s32 @!p2 $0x0  }
0x16: {  	s3 =	sld [smem:$0x3FDB];
	s0 =	simm.s32 @p2 $0x1  }
0x17: {  	s4 =	simm.s32 $0x1BF5;
	[smem:$0x3FB9] =	sst s0  }
0x18: {  	s0 =	sld [smem:$0x3F9C];
	_ =	swait.ge [sflag:s4], $0x0  }
0x19: {  	s7 =	sld [smem:$0x3F9D]  }
0x1a: {  	s8 =	sadd.s32 $0xFFFFE003, lr  }
0x1b: {  	s9 =	sadd.s32 $0xFFFFFEF7, lr;
	s5 =	simm.s32 $0xFFFFFFFF;
	p2 =	slt.u32 s8, $0xFFFFF086  }
0x1c: {  	p1 =	slt.u32 s9, $0xF7A;
	s5 =	simm.s32 @!p2 $0x0  }
0x1d: {  	s5 =	simm.s32 @p1 $0x1;
	p0 =	seq.s32 s7, s2  }
0x1e: {  	s7 =	smul.u32 @!p0 $0xF7A, s2;
	p2 =	seq.s32 @!p0 s5, $0x0  }
0x1f: {  	s9 =	smul.u32 $0xF7A, s1;
	s8 =	simm.s32 @!p0 $0x1BF5;
	p2 =	por !p2, p0  }
0x20: {  	[sflag:s8] =	ssyncset.s32 @!p0 $0xFFFFF086;
	s6 =	sadd.s32 @!p0 s3, s7;
	s7 =	simm.s32 @!p0 $0x108  }
0x21: {  	s3 =	sadd.s32 s3, s9;
	s6 =	sadd.s32 @!p0 $0x88, s6;
	s7 =	simm.s32 @p2 $0x1082  }
0x22: {  	[simem:s7], [sflag:s8] =	dma.local @!p0 [hbm:s6], $0xF7A  }
0x23: {  	s9 =	sor.u32 $0xD0000000, s2;
	s6 =	simm.s32 $0x108;
	_ =	swait.ge @!p0 [sflag:s8], $0x0  }
0x24: {  	s3 =	sadd.s32 $0x88, s3;
	s6 =	simm.s32 @!p1 $0x1082;
	[sflag:s4] =	ssyncset.s32 $0xFFFFF086  }
0x25: {  	[simem:s6], [sflag:s4] =	dma.local [hbm:s3], $0xF7A  }
0x26: {  	[smem:$0x3F9D] =	sst s1;
	(tag) =	ssettag s2;
	_ =	strace s9  }
0x27: {  	s1 =	sld [smem:$0x3FAD]  }
0x28: {  	s2 =	sld [smem:$0x3FAE]  }
0x29: {  	s4 =	sld [smem:$0x3FB0]  }
0x2a: {  	p0 =	seq.s32 s5, $0x0;
	s5 =	sld [smem:$0x3FB1]  }
0x2b: {  	s6 =	sld [smem:$0x3FB2]  }
0x2c: {  	s7 =	sld [smem:$0x3FB3]  }
0x2d: {  	s3 =	simm.s32 $0x108;
	s8 =	sld [smem:$0x3FB4]  }
0x2e: {  	s3 =	simm.s32 @!p0 $0x1082;
	s9 =	sld [smem:$0x3FB5]  }
0x2f: {  	lr =	sadd.s32 s0, s3;
	s0 =	sld [smem:$0x3FAC]  }
0x30: {  	s3 =	sld [smem:$0x3FAF]  }
0x31: {  	[smem:$0x3FB8] =	sst s10  }
0x32: {  	s10 =	sld [smem:$0x3FB6];
	_ =	sdelay $0x3  }
0x33: {  	p0 =	seq.s32 s10, $0x1;
	s10 =	sld [smem:$0x3FB8];
	_ =	sdelay $0x3  }
0x34: {  	[smem:$0x3FB8] =	sst s10  }
0x35: {  	s10 =	sld [smem:$0x3FB7];
	_ =	sdelay $0x3  }
0x36: {  	p1 =	seq.s32 s10, $0x1;
	s10 =	sld [smem:$0x3FB8];
	_ =	sdelay $0x3  }
0x37: {  	[smem:$0x3FB8] =	sst s10  }
0x38: {  	s10 =	sld [smem:$0x3FB9]  }
0x39: {  	_ = 	snop;
	(pc) =	sbr.ind lr, $3  }
0x3a: {  	_ = 	snop  }
0x3b: {  	_ = 	snop  }
0x3c: {  	p2 =	seq.s32 s10, $0x1;
	s10 =	sld [smem:$0x3FB8]  }
0x3d: {  	_ =	shalt  }
0x3e: {  	_ =	shalt  }
0x3f: {  	_ =	shalt  }
0x40: {  	_ =	shalt  }
0x41: {  	_ =	shalt  }
0x42: {  	_ =	shalt  }
0x43: {  	_ =	shalt  }
0x44: {  	_ =	shalt  }
0x45: {  	_ =	shalt  }
0x46: {  	_ =	shalt  }
0x47: {  	_ =	shalt  }
0x48: {  	_ =	shalt  }
0x49: {  	_ =	shalt  }
0x4a: {  	_ =	shalt  }
0x4b: {  	_ =	shalt  }
0x4c: {  	_ =	shalt  }
0x4d: {  	_ =	shalt  }
0x4e: {  	_ =	shalt  }
0x4f: {  	_ =	shalt  }
0x50: {  	_ =	shalt  }
0x51: {  	_ =	shalt  }
0x52: {  	_ =	shalt  }
0x53: {  	_ =	shalt  }
0x54: {  	_ =	shalt  }
0x55: {  	_ =	shalt  }
0x56: {  	_ =	shalt  }
0x57: {  	_ =	shalt  }
0x58: {  	_ =	shalt  }
0x59: {  	_ =	shalt  }
0x5a: {  	_ =	shalt  }
0x5b: {  	_ =	shalt  }
0x5c: {  	_ =	shalt  }
0x5d: {  	_ =	shalt  }
0x5e: {  	_ =	shalt  }
0x5f: {  	_ =	shalt  }
0x60: {  	_ =	shalt  }
0x61: {  	_ =	shalt  }
0x62: {  	_ =	shalt  }
0x63: {  	_ =	shalt  }
0x64: {  	_ =	shalt  }
0x65: {  	_ =	shalt  }
0x66: {  	_ =	shalt  }
0x67: {  	_ =	shalt  }
0x68: {  	_ =	shalt  }
0x69: {  	_ =	shalt  }
0x6a: {  	_ =	shalt  }
0x6b: {  	_ =	shalt  }
0x6c: {  	_ =	shalt  }
0x6d: {  	_ =	shalt  }
0x6e: {  	_ =	shalt  }
0x6f: {  	_ =	shalt  }
0x70: {  	_ =	shalt  }
0x71: {  	_ =	shalt  }
0x72: {  	_ =	shalt  }
0x73: {  	_ =	shalt  }
0x74: {  	_ =	shalt  }
0x75: {  	_ =	shalt  }
0x76: {  	_ =	shalt  }
0x77: {  	_ =	shalt  }
0x78: {  	_ =	shalt  }
0x79: {  	_ =	shalt  }
0x7a: {  	_ =	shalt  }
0x7b: {  	_ =	shalt  }
0x7c: {  	_ =	shalt  }
0x7d: {  	_ =	shalt  }
0x7e: {  	_ =	shalt  }
0x7f: {  	_ =	shalt  }
0x80: {  	_ =	shalt  }
0x81: {  	_ =	shalt  }
0x82: {  	_ =	shalt  }
0x83: {  	_ =	shalt  }
0x84: {  	_ =	shalt  }
0x85: {  	_ =	shalt  }
0x86: {  	_ =	shalt  }
0x87: {  	_ =	shalt  }
.Lfunc_end0:
.L_simem_size_0:
called_computation_lowered:
.L_overlay_start_0:
0x88: {  	s2 =	sld [smem:$0x3FD9]  }
0x89: {  	s3 =	sld [smem:$0x3FFE];
	_ =	sdelay $0x1  }
0x8a: {  	s1 =	srdreg.scid  }
0x8b: {  	s0 =	sand.u32 $0x1, s1  }
0x8c: {  	s17 =	sshll.u32 s0, $0xA;
	s2 =	sadd.s32 s3, s2  }
0x8d: {  	s2 =	sadd.s32 s2, s17  }
0x8e: {  	[smem:$0x3FC4] =	sst s2  }
0x8f: {  	_ = 	snop  }
0x90: {  	s2 =	sld [smem:$0x3FD0];
	(tm) =	ssettm $0x1  }
0x91: {  	s18 =	sld [smem:$0x3FFB];
	_ =	sdelay $0x3  }
0x92: {  	_ =	strace s18  }
0x93: {  	s3 =	sld [smem:$0x3FFC];
	_ =	sdelay $0x3  }
0x94: {  	_ =	strace s3  }
0x95: {  	s3 =	sld [smem:$0x3FFD];
	_ =	sdelay $0x3  }
0x96: {  	_ =	strace s3  }
0x97: {  	_ =	strace $0x8FFFFFFF  }
0x98: {  	s19 =	sld [smem:$0x3FDB];
	_ =	sdelay $0x1  }
0x99: {  	s4 =	simm.s32 $_scs_section_size  }
0x9a: {  	s5 =	simm.s32 $_size__tile_overlayer_lowered;
	s6 =	simm.s32 $_tile_overlayer_lowered  }
0x9b: {  	s22 =	simm.s32 $0x1BFF;
	s21 =	sshll.u32 s6, $0x1;
	s3 =	sadd.s32 s4, s19  }
0x9c: {  	s7 =	simm.s32 $0x0;
	s20 =	sshll.u32 s5, $0x1;
	s5 =	sadd.s32 s21, s3  }
0x9d: {  	[timem:s7], [sflag:s22] =	dma.local [hbm:s5], s20  }
0x9e: {  	_ =	swait.ge [sflag:s22], s20  }
0x9f: {  	s4 =	ssub.s32 $0x0, s20;
	[sflag:s22] =	ssyncset.done $0x0  }
0xa0: {  	[sflag:s22] =	ssyncadd.s32 s4;
	_ =	sdelay $0x1  }
0xa1: {  	s23 =	simm.s32 $0x1B8B  }
0xa2: {  	_ =	swait.ge [sflag:s23], $0x1  }
0xa3: {  	[sflag:s23] =	ssyncset.done $0x0  }
0xa4: {  	s25 =	simm.s32 $0x1B8E;
	s24 =	sld [smem:$0x3FFE];
	[sflag:s23] =	ssyncadd.s32 $0xFFFFFFFF  }
0xa5: {  	s26 =	simm.s32 $execute0_lowered;
	[smem:$0x3FD2] =	sst s25  }
0xa6: {  	s5 =	sshll.u32 s26, $0x1;
	_ =	strace $0x80000046;
	[dreg:$0x1] =	wrdreg $0xFFFFFFFF  }
0xa7: {  	s28 =	simm.s32 $_size_execute0_lowered;
	s3 =	sadd.s32 s3, s5;
	[dreg:$0x0] =	wrdreg $0x0  }
0xa8: {  	s5 =	sshll.u32 s28, $0x1;
	[dreg:$0x2] =	wrdreg s3  }
0xa9: {  	[dreg:$0x3] =	wrdreg s5  }
0xaa: {  	[dreg:$0x4] =	wrdreg $0xC0  }
0xab: {  	_ =	task [dreg:s7], $0x5FFFF  }
0xac: {  	[dreg:$0x1] =	wrdreg $0xFFFFFFFF  }
0xad: {  	[dreg:$0x0] =	wrdreg $0x60  }
0xae: {  	[dreg:$0x2] =	wrdreg s24  }
0xaf: {  	[dreg:$0x3] =	wrdreg s2  }
0xb0: {  	[dreg:$0x4] =	wrdreg $0x9  }
0xb1: {  	_ =	task.clear_ibuf [dreg:s7], $0x5FFFF;
	_ =	strace $0x90000046  }
0xb2: {  	s29 =	simm.s32 $0x9;
	_ =	strace $0x80000048  }
0xb3: {  	_ =	swait.ge [sflag:s29], $0x1  }
0xb4: {  	[sflag:s29] =	ssyncadd.s32 $0xFFFFFFFF  }
0xb5: {  	_ =	strace $0x90000048  }
0xb6: {  	_ =	sfence  }
0xb7: {  	s30 =	sld [smem:$0x0];
	_ =	sdelay $0x2  }
0xb8: {  	s31 =	sshll.u32 s1, $0xD;
	s1 =	sshrl.u32 s1, $0x2  }
0xb9: {  	s3 =	sand.u32 $0x4000, s31;
	s1 =	sadd.s32 s1, s30  }
0xba: {  	s0 =	sor.u32 s3, s0;
	s1 =	sshll.u32 s1, $0x11  }
0xbb: {  	s0 =	sor.u32 s1, s0  }
0xbc: {  	s0 =	sadd.s32 $0x8F2B, s0  }
0xbd: {  	[sflag:s0] =	ssyncadd.remote.s32 $0x1  }
0xbe: {  	_ =	sfence.sel $0xFFFF  }
0xbf: {  	[dreg:$0x0] =	wrdreg $0xFFFFFFFF;
	(pc) =	sbr.abs _section_cstart, $3  }
0xc0: {  	[dreg:$0x1] =	wrdreg $0xFFFFFFFF  }
0xc1: {  	_ =	task.clear_ibuf [dreg:s7], $0x2FFFF;
	_ =	strace $0x9FFFFFFF  }
0xc2: {  	(tm) =	ssettm $0x7FFFFFFF  }
0xc3: {  	_ =	shalt  }
tec
execute0_lowered:
.L_overlay_start_1:
0x0: {  	(tag) =	ssettag $0x1  }
0x1: {  	s2 =	rddreg [dreg:$0x0];
	s1 =	srdreg.scid  }
0x2: {  	s0 =	stileid.u32;
	s4 =	rddreg [dreg:$0x1];
	s3 =	simm.s32 $0x0  }
0x3: {  	s11 =	simm.s32 $0x2;
	s12 =	simm.s32 $0x3;
	s13 =	simm.s32 $0x4  }
0x4: {  	v0 =	vimm.s32 $0x0;
	v1 =	vimm.s32 $0x1;
	v2 =	vimm.s32 $0x2;
	s14 =	simm.s32 $0x5;
	s15 =	simm.s32 $0x0;
	s5 =	sand.u32 $0x1, s1  }
0x5: {  	v3 =	vimm.s32 $0x3;
	v4 =	vimm.s32 $0x4;
	v5 =	vimm.s32 $0x5;
	s6 =	sshll.u32 s0, $0x1;
	s1 =	rddreg [dreg:$0x2];
	s8 =	smul.u32 $0x4E200, s0  }
0x6: {  	v6 =	vimm.s32 $0x6;
	v7 =	vimm.s32 $0x7;
	v8 =	vimm.s32 $0x8;
	[smem:$0x7FF] =	sst s3;
	s6 =	sor.u32 s5, s6;
	s10 =	smul.u32 $0x27100, s5  }
0x7: {  	v9 =	vimm.s32 $0x9;
	v10 =	vimm.s32 $0xA;
	v11 =	vimm.s32 $0xB;
	_ =	strace $0x80000047;
	s7 =	ssub.s32 $0x2, s5;
	s6 =	smul.u32 $0x2710, s6  }
0x8: {  	v12 =	vimm.s32 $0xC;
	v13 =	vimm.s32 $0xD;
	v14 =	vlaneseq.u32;
	s9 =	sshrl.u32 s7, $0x1;
	s31 =	sadd.s32 s8, s4;
	s8 =	simm.s32 $0x8400  }
0x9: {  	v15 =	vimm.s32 $0xE;
	v16 =	vimm.s32 $0xF;
	v17 =	vor.u32 $0x10, v14;
	s30 =	ssub.s32 s7, s9;
	s7 =	simm.s32 $0x7;
	s6 =	sshrl.u32 s6, $0x3  }
0xa: {  	v18 =	vor.u32 $0x20, v14;
	v19 =	vor.u32 $0x30, v14;
	v20 =	vor.u32 $0x40, v14;
	s9 =	simm.s32 $0x6;
	s5 =	smax.u32 s30, $0x1;
	s29 =	sadd.s32 s6, s2  }
0xb: {  	v21 =	vor.u32 $0x50, v14;
	v22 =	vor.u32 $0x60, v14;
	v23 =	vor.u32 $0x70, v14;
	s6 =	sadd.s32 s10, s31;
	s10 =	simm.s32 $0x1;
	s4 =	sadd.s32 $0x1200, s29  }
.LBB2_1:
0xc: {  	[tilespmem:s3], [sflag:$0x7] =	stream.linear.gather [hbm4b:s2+s3], $0x8400, $0x38;
	[tilespmem:$0x19B80] =	vst v63  }
0xd: {  	_ =	swait.ge [sflag:s7], $0x8400  }
0xe: {  	[sflag:s7] =	ssyncset.done $0x0  }
0xf: {  	[sflag:s7] =	ssyncadd.s32 $0xFFFF7C00  }
0x10: {  	[tilespmem:s8], [sflag:$0x7] =	stream.linear.gather [hbm4b:s4+s3], $0x2710, $0x38;
	[tilespmem:$0x19B80] =	vst v63  }
0x11: {  	_ =	swait.ge [sflag:s7], $0x2710  }
0x12: {  	s16 =	simm.s32 $0x8420;
	[sflag:s7] =	ssyncset.done $0x0  }
0x13: {  	s17 =	smov.u32 s6;
	s18 =	simm.s32 $0x0;
	[sflag:s7] =	ssyncadd.s32 $0xFFFFD8F0  }
.LBB2_2:
0x14: {  	p0 =	slt.u32 s18, $0x6  }
0x15: {  	s19 =	sadd.s32 @!p0 $0xFFFFFFFA, s18  }
0x16: {  	s20 =	sand.u32 @!p0 $0xFF, s19  }
0x17: {  	s20 =	smul.u32 @!p0 $0xAB, s20;
	_ =	sdelay $0x1  }
0x18: {  	s20 =	sshrl.u32 @!p0 s20, $0xA  }
0x19: {  	s20 =	smul.u32 @!p0 $0x6, s20;
	_ =	sdelay $0x1  }
0x1a: {  	s19 =	ssub.s32 @!p0 s19, s20  }
0x1b: {  	s19 =	sand.u32 @!p0 $0xFF, s19  }
0x1c: {  	s19 =	sadd.s32 @!p0 $0x1, s19  }
0x1d: {  	_ =	swait.ge @!p0 [sflag:s19], $0x2800  }
0x1e: {  	[sflag:s19] =	ssyncset.done @!p0 $0x0  }
0x1f: {  	[sflag:s19] =	ssyncadd.s32 @!p0 $0xFFFFD800  }
0x20: {  	v24 =	vld [tilespmem:s16+$0xFFFFFFE0];
	_ =	sdelay $0x4  }
0x21: {  	v26 =	vperm.xlane v24, v0  }
0x22: {  	s30 =	smul.u32 $0xAB, s18  }
0x23: {  	v25 =	vadd.s32 v14, v26  }
0x24: {  	s19 =	sshrl.u32 s30, $0xA  }
0x25: {  	s19 =	sand.u32 $0x3F, s19  }
0x26: {  	s19 =	smul.u32 $0x6, s19  }
0x27: {  	v27 =	vperm.xlane v24, v1  }
0x28: {  	s19 =	ssub.s32 s18, s19;
	v25 =	vld.idx.msk [tilespmem:v25+s3+$0x0], $0xffff  }
0x29: {  	s19 =	sand.u32 $0xFF, s19;
	v28 =	vadd.s32 v14, v27  }
0x2a: {  	s31 =	smul.u32 $0xA000, s19;
	_ =	sdelay $0x1  }
0x2b: {  	s20 =	sshrl.u32 s31, $0x2  }
0x2c: {  	v40 =	vperm.xlane v24, v2;
	[tilespmem:s20+$0xAB80] =	vst v25  }
0x2d: {  	v25 =	vld.idx.msk [tilespmem:v28+s3+$0x0], $0xffff  }
0x2e: {  	v35 =	vadd.s32 v14, v40;
	_ =	sdelay $0x3  }
0x2f: {  	v39 =	vperm.xlane v24, v3;
	[tilespmem:s20+$0xAC00] =	vst v25  }
0x30: {  	v25 =	vld.idx.msk [tilespmem:v35+s3+$0x0], $0xffff  }
0x31: {  	v38 =	vadd.s32 v14, v39;
	_ =	sdelay $0x3  }
0x32: {  	v30 =	vperm.xlane v24, v4;
	[tilespmem:s20+$0xAC80] =	vst v25  }
0x33: {  	v25 =	vld.idx.msk [tilespmem:v38+s3+$0x0], $0xffff  }
0x34: {  	v41 =	vadd.s32 v14, v30;
	_ =	sdelay $0x3  }
0x35: {  	v31 =	vperm.xlane v24, v5;
	[tilespmem:s20+$0xAD00] =	vst v25  }
0x36: {  	v25 =	vld.idx.msk [tilespmem:v41+s3+$0x0], $0xffff  }
0x37: {  	v42 =	vadd.s32 v14, v31;
	_ =	sdelay $0x3  }
0x38: {  	v32 =	vperm.xlane v24, v6;
	[tilespmem:s20+$0xAD80] =	vst v25  }
0x39: {  	v25 =	vld.idx.msk [tilespmem:v42+s3+$0x0], $0xffff  }
0x3a: {  	v43 =	vadd.s32 v14, v32;
	_ =	sdelay $0x3  }
0x3b: {  	v34 =	vperm.xlane v24, v7;
	[tilespmem:s20+$0xAE00] =	vst v25  }
0x3c: {  	v25 =	vld.idx.msk [tilespmem:v43+s3+$0x0], $0xffff  }
0x3d: {  	v44 =	vadd.s32 v14, v34;
	_ =	sdelay $0x3  }
0x3e: {  	v35 =	vperm.xlane v24, v8;
	[tilespmem:s20+$0xAE80] =	vst v25  }
0x3f: {  	v25 =	vld.idx.msk [tilespmem:v44+s3+$0x0], $0xffff  }
0x40: {  	v45 =	vadd.s32 v14, v35;
	_ =	sdelay $0x3  }
0x41: {  	v37 =	vperm.xlane v24, v9;
	[tilespmem:s20+$0xAF00] =	vst v25  }
0x42: {  	v25 =	vld.idx.msk [tilespmem:v45+s3+$0x0], $0xffff  }
0x43: {  	v46 =	vadd.s32 v14, v37;
	_ =	sdelay $0x3  }
0x44: {  	v38 =	vperm.xlane v24, v10;
	[tilespmem:s20+$0xAF80] =	vst v25  }
0x45: {  	v25 =	vld.idx.msk [tilespmem:v46+s3+$0x0], $0xffff  }
0x46: {  	v47 =	vadd.s32 v14, v38;
	_ =	sdelay $0x3  }
0x47: {  	v36 =	vperm.xlane v24, v11;
	[tilespmem:s20+$0xB000] =	vst v25  }
0x48: {  	v25 =	vld.idx.msk [tilespmem:v47+s3+$0x0], $0xffff  }
0x49: {  	v48 =	vadd.s32 v14, v36;
	_ =	sdelay $0x3  }
0x4a: {  	v33 =	vperm.xlane v24, v12;
	[tilespmem:s20+$0xB080] =	vst v25  }
0x4b: {  	v25 =	vld.idx.msk [tilespmem:v48+s3+$0x0], $0xffff  }
0x4c: {  	v29 =	vadd.s32 v14, v33;
	_ =	sdelay $0x3  }
0x4d: {  	v28 =	vperm.xlane v24, v13;
	[tilespmem:s20+$0xB100] =	vst v25  }
0x4e: {  	v29 =	vld.idx.msk [tilespmem:v29+s3+$0x0], $0xffff  }
0x4f: {  	v41 =	vadd.s32 v14, v28;
	_ =	sdelay $0x3  }
0x50: {  	v25 =	vperm.xlane v24, v15;
	[tilespmem:s20+$0xB180] =	vst v29  }
0x51: {  	v29 =	vld.idx.msk [tilespmem:v41+s3+$0x0], $0xffff  }
0x52: {  	v49 =	vadd.s32 v14, v25;
	_ =	sdelay $0x3  }
0x53: {  	v24 =	vperm.xlane v24, v16;
	[tilespmem:s20+$0xB200] =	vst v29  }
0x54: {  	v29 =	vld.idx.msk [tilespmem:v49+s3+$0x0], $0xffff  }
0x55: {  	v50 =	vadd.s32 v14, v24;
	_ =	sdelay $0x3  }
0x56: {  	[tilespmem:s20+$0xB280] =	vst v29  }
0x57: {  	v29 =	vld.idx.msk [tilespmem:v50+s3+$0x0], $0xffff  }
0x58: {  	v51 =	vadd.s32 v17, v26;
	_ =	sdelay $0x3  }
0x59: {  	[tilespmem:s20+$0xB300] =	vst v29  }
0x5a: {  	v29 =	vld.idx.msk [tilespmem:v51+s3+$0x0], $0xffff  }
0x5b: {  	v52 =	vadd.s32 v17, v27;
	_ =	sdelay $0x3  }
0x5c: {  	[tilespmem:s20+$0xAB90] =	vst v29  }
0x5d: {  	v29 =	vld.idx.msk [tilespmem:v52+s3+$0x0], $0xffff  }
0x5e: {  	v53 =	vadd.s32 v17, v40;
	_ =	sdelay $0x3  }
0x5f: {  	[tilespmem:s20+$0xAC10] =	vst v29  }
0x60: {  	v29 =	vld.idx.msk [tilespmem:v53+s3+$0x0], $0xffff  }
0x61: {  	v54 =	vadd.s32 v17, v39;
	_ =	sdelay $0x3  }
0x62: {  	[tilespmem:s20+$0xAC90] =	vst v29  }
0x63: {  	v29 =	vld.idx.msk [tilespmem:v54+s3+$0x0], $0xffff  }
0x64: {  	v55 =	vadd.s32 v17, v30;
	_ =	sdelay $0x3  }
0x65: {  	[tilespmem:s20+$0xAD10] =	vst v29  }
0x66: {  	v29 =	vld.idx.msk [tilespmem:v55+s3+$0x0], $0xffff  }
0x67: {  	v56 =	vadd.s32 v17, v31;
	_ =	sdelay $0x3  }
0x68: {  	[tilespmem:s20+$0xAD90] =	vst v29  }
0x69: {  	v29 =	vld.idx.msk [tilespmem:v56+s3+$0x0], $0xffff  }
0x6a: {  	v57 =	vadd.s32 v17, v32;
	_ =	sdelay $0x3  }
0x6b: {  	[tilespmem:s20+$0xAE10] =	vst v29  }
0x6c: {  	v29 =	vld.idx.msk [tilespmem:v57+s3+$0x0], $0xffff  }
0x6d: {  	v58 =	vadd.s32 v17, v34;
	_ =	sdelay $0x3  }
0x6e: {  	[tilespmem:s20+$0xAE90] =	vst v29  }
0x6f: {  	v29 =	vld.idx.msk [tilespmem:v58+s3+$0x0], $0xffff  }
0x70: {  	v59 =	vadd.s32 v17, v35;
	_ =	sdelay $0x3  }
0x71: {  	[tilespmem:s20+$0xAF10] =	vst v29  }
0x72: {  	v29 =	vld.idx.msk [tilespmem:v59+s3+$0x0], $0xffff  }
0x73: {  	v60 =	vadd.s32 v17, v37;
	_ =	sdelay $0x3  }
0x74: {  	[tilespmem:s20+$0xAF90] =	vst v29  }
0x75: {  	v29 =	vld.idx.msk [tilespmem:v60+s3+$0x0], $0xffff  }
0x76: {  	v61 =	vadd.s32 v17, v38;
	_ =	sdelay $0x3  }
0x77: {  	[tilespmem:s20+$0xB010] =	vst v29  }
0x78: {  	v29 =	vld.idx.msk [tilespmem:v61+s3+$0x0], $0xffff  }
0x79: {  	v62 =	vadd.s32 v17, v36;
	_ =	sdelay $0x3  }
0x7a: {  	[tilespmem:s20+$0xB090] =	vst v29  }
0x7b: {  	v29 =	vld.idx.msk [tilespmem:v62+s3+$0x0], $0xffff  }
0x7c: {  	v63 =	vadd.s32 v17, v33;
	_ =	sdelay $0x3  }
0x7d: {  	[tilespmem:s20+$0xB110] =	vst v29  }
0x7e: {  	v29 =	vld.idx.msk [tilespmem:v63+s3+$0x0], $0xffff  }
0x7f: {  	v44 =	vadd.s32 v17, v28;
	_ =	sdelay $0x3  }
0x80: {  	[tilespmem:s20+$0xB190] =	vst v29  }
0x81: {  	v29 =	vld.idx.msk [tilespmem:v44+s3+$0x0], $0xffff  }
0x82: {  	v45 =	vadd.s32 v17, v25;
	_ =	sdelay $0x3  }
0x83: {  	[tilespmem:s20+$0xB210] =	vst v29  }
0x84: {  	v29 =	vld.idx.msk [tilespmem:v45+s3+$0x0], $0xffff  }
0x85: {  	v46 =	vadd.s32 v17, v24;
	_ =	sdelay $0x3  }
0x86: {  	[tilespmem:s20+$0xB290] =	vst v29  }
0x87: {  	v29 =	vld.idx.msk [tilespmem:v46+s3+$0x0], $0xffff  }
0x88: {  	v47 =	vadd.s32 v18, v26;
	_ =	sdelay $0x3  }
0x89: {  	[tilespmem:s20+$0xB310] =	vst v29  }
0x8a: {  	v29 =	vld.idx.msk [tilespmem:v47+s3+$0x0], $0xffff  }
0x8b: {  	v48 =	vadd.s32 v18, v27;
	_ =	sdelay $0x3  }
0x8c: {  	[tilespmem:s20+$0xABA0] =	vst v29  }
0x8d: {  	v29 =	vld.idx.msk [tilespmem:v48+s3+$0x0], $0xffff  }
0x8e: {  	v49 =	vadd.s32 v18, v40;
	_ =	sdelay $0x3  }
0x8f: {  	[tilespmem:s20+$0xAC20] =	vst v29  }
0x90: {  	v29 =	vld.idx.msk [tilespmem:v49+s3+$0x0], $0xffff  }
0x91: {  	v50 =	vadd.s32 v18, v39;
	_ =	sdelay $0x3  }
0x92: {  	[tilespmem:s20+$0xACA0] =	vst v29  }
0x93: {  	v29 =	vld.idx.msk [tilespmem:v50+s3+$0x0], $0xffff  }
0x94: {  	v51 =	vadd.s32 v18, v30;
	_ =	sdelay $0x3  }
0x95: {  	[tilespmem:s20+$0xAD20] =	vst v29  }
0x96: {  	v29 =	vld.idx.msk [tilespmem:v51+s3+$0x0], $0xffff  }
0x97: {  	v52 =	vadd.s32 v18, v31;
	_ =	sdelay $0x3  }
0x98: {  	[tilespmem:s20+$0xADA0] =	vst v29  }
0x99: {  	v29 =	vld.idx.msk [tilespmem:v52+s3+$0x0], $0xffff  }
0x9a: {  	v53 =	vadd.s32 v18, v32;
	_ =	sdelay $0x3  }
0x9b: {  	[tilespmem:s20+$0xAE20] =	vst v29  }
0x9c: {  	v29 =	vld.idx.msk [tilespmem:v53+s3+$0x0], $0xffff  }
0x9d: {  	v54 =	vadd.s32 v18, v34;
	_ =	sdelay $0x3  }
0x9e: {  	[tilespmem:s20+$0xAEA0] =	vst v29  }
0x9f: {  	v29 =	vld.idx.msk [tilespmem:v54+s3+$0x0], $0xffff  }
0xa0: {  	v55 =	vadd.s32 v18, v35;
	_ =	sdelay $0x3  }
0xa1: {  	[tilespmem:s20+$0xAF20] =	vst v29  }
0xa2: {  	v29 =	vld.idx.msk [tilespmem:v55+s3+$0x0], $0xffff  }
0xa3: {  	v56 =	vadd.s32 v18, v37;
	_ =	sdelay $0x3  }
0xa4: {  	[tilespmem:s20+$0xAFA0] =	vst v29  }
0xa5: {  	v29 =	vld.idx.msk [tilespmem:v56+s3+$0x0], $0xffff  }
0xa6: {  	v57 =	vadd.s32 v18, v38;
	_ =	sdelay $0x3  }
0xa7: {  	[tilespmem:s20+$0xB020] =	vst v29  }
0xa8: {  	v29 =	vld.idx.msk [tilespmem:v57+s3+$0x0], $0xffff  }
0xa9: {  	v58 =	vadd.s32 v18, v36;
	_ =	sdelay $0x3  }
0xaa: {  	[tilespmem:s20+$0xB0A0] =	vst v29  }
0xab: {  	v29 =	vld.idx.msk [tilespmem:v58+s3+$0x0], $0xffff  }
0xac: {  	v59 =	vadd.s32 v18, v33;
	_ =	sdelay $0x3  }
0xad: {  	[tilespmem:s20+$0xB120] =	vst v29  }
0xae: {  	v29 =	vld.idx.msk [tilespmem:v59+s3+$0x0], $0xffff  }
0xaf: {  	v60 =	vadd.s32 v18, v28;
	_ =	sdelay $0x3  }
0xb0: {  	[tilespmem:s20+$0xB1A0] =	vst v29  }
0xb1: {  	v29 =	vld.idx.msk [tilespmem:v60+s3+$0x0], $0xffff  }
0xb2: {  	v61 =	vadd.s32 v18, v25;
	_ =	sdelay $0x3  }
0xb3: {  	[tilespmem:s20+$0xB220] =	vst v29  }
0xb4: {  	v29 =	vld.idx.msk [tilespmem:v61+s3+$0x0], $0xffff  }
0xb5: {  	v62 =	vadd.s32 v18, v24;
	_ =	sdelay $0x3  }
0xb6: {  	[tilespmem:s20+$0xB2A0] =	vst v29  }
0xb7: {  	v29 =	vld.idx.msk [tilespmem:v62+s3+$0x0], $0xffff  }
0xb8: {  	v63 =	vadd.s32 v19, v26;
	_ =	sdelay $0x3  }
0xb9: {  	[tilespmem:s20+$0xB320] =	vst v29  }
0xba: {  	v29 =	vld.idx.msk [tilespmem:v63+s3+$0x0], $0xffff  }
0xbb: {  	v44 =	vadd.s32 v19, v27;
	_ =	sdelay $0x3  }
0xbc: {  	[tilespmem:s20+$0xABB0] =	vst v29  }
0xbd: {  	v29 =	vld.idx.msk [tilespmem:v44+s3+$0x0], $0xffff  }
0xbe: {  	v45 =	vadd.s32 v19, v40;
	_ =	sdelay $0x3  }
0xbf: {  	[tilespmem:s20+$0xAC30] =	vst v29  }
0xc0: {  	v29 =	vld.idx.msk [tilespmem:v45+s3+$0x0], $0xffff  }
0xc1: {  	v46 =	vadd.s32 v19, v39;
	_ =	sdelay $0x3  }
0xc2: {  	[tilespmem:s20+$0xACB0] =	vst v29  }
0xc3: {  	v29 =	vld.idx.msk [tilespmem:v46+s3+$0x0], $0xffff  }
0xc4: {  	v47 =	vadd.s32 v19, v30;
	_ =	sdelay $0x3  }
0xc5: {  	[tilespmem:s20+$0xAD30] =	vst v29  }
0xc6: {  	v29 =	vld.idx.msk [tilespmem:v47+s3+$0x0], $0xffff  }
0xc7: {  	v48 =	vadd.s32 v19, v31;
	_ =	sdelay $0x3  }
0xc8: {  	[tilespmem:s20+$0xADB0] =	vst v29  }
0xc9: {  	v29 =	vld.idx.msk [tilespmem:v48+s3+$0x0], $0xffff  }
0xca: {  	v49 =	vadd.s32 v19, v32;
	_ =	sdelay $0x3  }
0xcb: {  	[tilespmem:s20+$0xAE30] =	vst v29  }
0xcc: {  	v29 =	vld.idx.msk [tilespmem:v49+s3+$0x0], $0xffff  }
0xcd: {  	v50 =	vadd.s32 v19, v34;
	_ =	sdelay $0x3  }
0xce: {  	[tilespmem:s20+$0xAEB0] =	vst v29  }
0xcf: {  	v29 =	vld.idx.msk [tilespmem:v50+s3+$0x0], $0xffff  }
0xd0: {  	v51 =	vadd.s32 v19, v35;
	_ =	sdelay $0x3  }
0xd1: {  	[tilespmem:s20+$0xAF30] =	vst v29  }
0xd2: {  	v29 =	vld.idx.msk [tilespmem:v51+s3+$0x0], $0xffff  }
0xd3: {  	v52 =	vadd.s32 v19, v37;
	_ =	sdelay $0x3  }
0xd4: {  	[tilespmem:s20+$0xAFB0] =	vst v29  }
0xd5: {  	v29 =	vld.idx.msk [tilespmem:v52+s3+$0x0], $0xffff  }
0xd6: {  	v53 =	vadd.s32 v19, v38;
	_ =	sdelay $0x3  }
0xd7: {  	[tilespmem:s20+$0xB030] =	vst v29  }
0xd8: {  	v29 =	vld.idx.msk [tilespmem:v53+s3+$0x0], $0xffff  }
0xd9: {  	v54 =	vadd.s32 v19, v36;
	_ =	sdelay $0x3  }
0xda: {  	[tilespmem:s20+$0xB0B0] =	vst v29  }
0xdb: {  	v29 =	vld.idx.msk [tilespmem:v54+s3+$0x0], $0xffff  }
0xdc: {  	v55 =	vadd.s32 v19, v33;
	_ =	sdelay $0x3  }
0xdd: {  	[tilespmem:s20+$0xB130] =	vst v29  }
0xde: {  	v29 =	vld.idx.msk [tilespmem:v55+s3+$0x0], $0xffff  }
0xdf: {  	v56 =	vadd.s32 v19, v28;
	_ =	sdelay $0x3  }
0xe0: {  	[tilespmem:s20+$0xB1B0] =	vst v29  }
0xe1: {  	v29 =	vld.idx.msk [tilespmem:v56+s3+$0x0], $0xffff  }
0xe2: {  	v57 =	vadd.s32 v19, v25;
	_ =	sdelay $0x3  }
0xe3: {  	[tilespmem:s20+$0xB230] =	vst v29  }
0xe4: {  	v29 =	vld.idx.msk [tilespmem:v57+s3+$0x0], $0xffff  }
0xe5: {  	v58 =	vadd.s32 v19, v24;
	_ =	sdelay $0x3  }
0xe6: {  	[tilespmem:s20+$0xB2B0] =	vst v29  }
0xe7: {  	v29 =	vld.idx.msk [tilespmem:v58+s3+$0x0], $0xffff  }
0xe8: {  	v59 =	vadd.s32 v20, v26;
	_ =	sdelay $0x3  }
0xe9: {  	[tilespmem:s20+$0xB330] =	vst v29  }
0xea: {  	v29 =	vld.idx.msk [tilespmem:v59+s3+$0x0], $0xffff  }
0xeb: {  	v60 =	vadd.s32 v20, v27;
	_ =	sdelay $0x3  }
0xec: {  	[tilespmem:s20+$0xABC0] =	vst v29  }
0xed: {  	v29 =	vld.idx.msk [tilespmem:v60+s3+$0x0], $0xffff  }
0xee: {  	v61 =	vadd.s32 v20, v40;
	_ =	sdelay $0x3  }
0xef: {  	[tilespmem:s20+$0xAC40] =	vst v29  }
0xf0: {  	v29 =	vld.idx.msk [tilespmem:v61+s3+$0x0], $0xffff  }
0xf1: {  	v62 =	vadd.s32 v20, v39;
	_ =	sdelay $0x3  }
0xf2: {  	[tilespmem:s20+$0xACC0] =	vst v29  }
0xf3: {  	v29 =	vld.idx.msk [tilespmem:v62+s3+$0x0], $0xffff  }
0xf4: {  	v63 =	vadd.s32 v20, v30;
	_ =	sdelay $0x3  }
0xf5: {  	[tilespmem:s20+$0xAD40] =	vst v29  }
0xf6: {  	v29 =	vld.idx.msk [tilespmem:v63+s3+$0x0], $0xffff  }
0xf7: {  	v44 =	vadd.s32 v20, v31;
	_ =	sdelay $0x3  }
0xf8: {  	[tilespmem:s20+$0xADC0] =	vst v29  }
0xf9: {  	v29 =	vld.idx.msk [tilespmem:v44+s3+$0x0], $0xffff  }
0xfa: {  	v45 =	vadd.s32 v20, v32;
	_ =	sdelay $0x3  }
0xfb: {  	[tilespmem:s20+$0xAE40] =	vst v29  }
0xfc: {  	v29 =	vld.idx.msk [tilespmem:v45+s3+$0x0], $0xffff  }
0xfd: {  	v46 =	vadd.s32 v20, v34;
	_ =	sdelay $0x3  }
0xfe: {  	[tilespmem:s20+$0xAEC0] =	vst v29  }
0xff: {  	v29 =	vld.idx.msk [tilespmem:v46+s3+$0x0], $0xffff  }
0x100: {  	v47 =	vadd.s32 v20, v35;
	_ =	sdelay $0x3  }
0x101: {  	[tilespmem:s20+$0xAF40] =	vst v29  }
0x102: {  	v29 =	vld.idx.msk [tilespmem:v47+s3+$0x0], $0xffff  }
0x103: {  	v48 =	vadd.s32 v20, v37;
	_ =	sdelay $0x3  }
0x104: {  	[tilespmem:s20+$0xAFC0] =	vst v29  }
0x105: {  	v29 =	vld.idx.msk [tilespmem:v48+s3+$0x0], $0xffff  }
0x106: {  	v49 =	vadd.s32 v20, v38;
	_ =	sdelay $0x3  }
0x107: {  	[tilespmem:s20+$0xB040] =	vst v29  }
0x108: {  	v29 =	vld.idx.msk [tilespmem:v49+s3+$0x0], $0xffff  }
0x109: {  	v50 =	vadd.s32 v20, v36;
	_ =	sdelay $0x3  }
0x10a: {  	[tilespmem:s20+$0xB0C0] =	vst v29  }
0x10b: {  	v29 =	vld.idx.msk [tilespmem:v50+s3+$0x0], $0xffff  }
0x10c: {  	v51 =	vadd.s32 v20, v33;
	_ =	sdelay $0x3  }
0x10d: {  	[tilespmem:s20+$0xB140] =	vst v29  }
0x10e: {  	v29 =	vld.idx.msk [tilespmem:v51+s3+$0x0], $0xffff  }
0x10f: {  	v52 =	vadd.s32 v20, v28;
	_ =	sdelay $0x3  }
0x110: {  	[tilespmem:s20+$0xB1C0] =	vst v29  }
0x111: {  	v29 =	vld.idx.msk [tilespmem:v52+s3+$0x0], $0xffff  }
0x112: {  	v53 =	vadd.s32 v20, v25;
	_ =	sdelay $0x3  }
0x113: {  	[tilespmem:s20+$0xB240] =	vst v29  }
0x114: {  	v29 =	vld.idx.msk [tilespmem:v53+s3+$0x0], $0xffff  }
0x115: {  	v54 =	vadd.s32 v20, v24;
	_ =	sdelay $0x3  }
0x116: {  	[tilespmem:s20+$0xB2C0] =	vst v29  }
0x117: {  	v29 =	vld.idx.msk [tilespmem:v54+s3+$0x0], $0xffff  }
0x118: {  	v55 =	vadd.s32 v21, v26;
	_ =	sdelay $0x3  }
0x119: {  	[tilespmem:s20+$0xB340] =	vst v29  }
0x11a: {  	v29 =	vld.idx.msk [tilespmem:v55+s3+$0x0], $0xffff  }
0x11b: {  	v56 =	vadd.s32 v21, v27;
	_ =	sdelay $0x3  }
0x11c: {  	[tilespmem:s20+$0xABD0] =	vst v29  }
0x11d: {  	v29 =	vld.idx.msk [tilespmem:v56+s3+$0x0], $0xffff  }
0x11e: {  	v57 =	vadd.s32 v21, v40;
	_ =	sdelay $0x3  }
0x11f: {  	[tilespmem:s20+$0xAC50] =	vst v29  }
0x120: {  	v29 =	vld.idx.msk [tilespmem:v57+s3+$0x0], $0xffff  }
0x121: {  	v58 =	vadd.s32 v21, v39;
	_ =	sdelay $0x3  }
0x122: {  	[tilespmem:s20+$0xACD0] =	vst v29  }
0x123: {  	v29 =	vld.idx.msk [tilespmem:v58+s3+$0x0], $0xffff  }
0x124: {  	v59 =	vadd.s32 v21, v30;
	_ =	sdelay $0x3  }
0x125: {  	[tilespmem:s20+$0xAD50] =	vst v29  }
0x126: {  	v29 =	vld.idx.msk [tilespmem:v59+s3+$0x0], $0xffff  }
0x127: {  	v60 =	vadd.s32 v21, v31;
	_ =	sdelay $0x3  }
0x128: {  	[tilespmem:s20+$0xADD0] =	vst v29  }
0x129: {  	v29 =	vld.idx.msk [tilespmem:v60+s3+$0x0], $0xffff  }
0x12a: {  	v61 =	vadd.s32 v21, v32;
	_ =	sdelay $0x3  }
0x12b: {  	[tilespmem:s20+$0xAE50] =	vst v29  }
0x12c: {  	v29 =	vld.idx.msk [tilespmem:v61+s3+$0x0], $0xffff  }
0x12d: {  	v62 =	vadd.s32 v21, v34;
	_ =	sdelay $0x3  }
0x12e: {  	[tilespmem:s20+$0xAED0] =	vst v29  }
0x12f: {  	v29 =	vld.idx.msk [tilespmem:v62+s3+$0x0], $0xffff  }
0x130: {  	v63 =	vadd.s32 v21, v35;
	_ =	sdelay $0x3  }
0x131: {  	[tilespmem:s20+$0xAF50] =	vst v29  }
0x132: {  	v29 =	vld.idx.msk [tilespmem:v63+s3+$0x0], $0xffff  }
0x133: {  	v44 =	vadd.s32 v21, v37;
	_ =	sdelay $0x3  }
0x134: {  	[tilespmem:s20+$0xAFD0] =	vst v29  }
0x135: {  	v29 =	vld.idx.msk [tilespmem:v44+s3+$0x0], $0xffff  }
0x136: {  	v45 =	vadd.s32 v21, v38;
	_ =	sdelay $0x3  }
0x137: {  	[tilespmem:s20+$0xB050] =	vst v29  }
0x138: {  	v29 =	vld.idx.msk [tilespmem:v45+s3+$0x0], $0xffff  }
0x139: {  	v46 =	vadd.s32 v21, v36;
	_ =	sdelay $0x3  }
0x13a: {  	[tilespmem:s20+$0xB0D0] =	vst v29  }
0x13b: {  	v29 =	vld.idx.msk [tilespmem:v46+s3+$0x0], $0xffff  }
0x13c: {  	v47 =	vadd.s32 v21, v33;
	_ =	sdelay $0x3  }
0x13d: {  	[tilespmem:s20+$0xB150] =	vst v29  }
0x13e: {  	v29 =	vld.idx.msk [tilespmem:v47+s3+$0x0], $0xffff  }
0x13f: {  	v48 =	vadd.s32 v21, v28;
	_ =	sdelay $0x3  }
0x140: {  	[tilespmem:s20+$0xB1D0] =	vst v29  }
0x141: {  	v29 =	vld.idx.msk [tilespmem:v48+s3+$0x0], $0xffff  }
0x142: {  	v49 =	vadd.s32 v21, v25;
	_ =	sdelay $0x3  }
0x143: {  	[tilespmem:s20+$0xB250] =	vst v29  }
0x144: {  	v29 =	vld.idx.msk [tilespmem:v49+s3+$0x0], $0xffff  }
0x145: {  	v50 =	vadd.s32 v21, v24;
	_ =	sdelay $0x3  }
0x146: {  	[tilespmem:s20+$0xB2D0] =	vst v29  }
0x147: {  	v29 =	vld.idx.msk [tilespmem:v50+s3+$0x0], $0xffff  }
0x148: {  	v51 =	vadd.s32 v22, v26;
	_ =	sdelay $0x3  }
0x149: {  	[tilespmem:s20+$0xB350] =	vst v29  }
0x14a: {  	v29 =	vld.idx.msk [tilespmem:v51+s3+$0x0], $0xffff  }
0x14b: {  	v52 =	vadd.s32 v22, v27;
	_ =	sdelay $0x3  }
0x14c: {  	[tilespmem:s20+$0xABE0] =	vst v29  }
0x14d: {  	v29 =	vld.idx.msk [tilespmem:v52+s3+$0x0], $0xffff  }
0x14e: {  	v53 =	vadd.s32 v22, v40;
	_ =	sdelay $0x3  }
0x14f: {  	[tilespmem:s20+$0xAC60] =	vst v29  }
0x150: {  	v29 =	vld.idx.msk [tilespmem:v53+s3+$0x0], $0xffff  }
0x151: {  	v54 =	vadd.s32 v22, v39;
	_ =	sdelay $0x3  }
0x152: {  	[tilespmem:s20+$0xACE0] =	vst v29  }
0x153: {  	v29 =	vld.idx.msk [tilespmem:v54+s3+$0x0], $0xffff  }
0x154: {  	v55 =	vadd.s32 v22, v30;
	_ =	sdelay $0x3  }
0x155: {  	[tilespmem:s20+$0xAD60] =	vst v29  }
0x156: {  	v29 =	vld.idx.msk [tilespmem:v55+s3+$0x0], $0xffff  }
0x157: {  	v56 =	vadd.s32 v22, v31;
	_ =	sdelay $0x3  }
0x158: {  	[tilespmem:s20+$0xADE0] =	vst v29  }
0x159: {  	v29 =	vld.idx.msk [tilespmem:v56+s3+$0x0], $0xffff  }
0x15a: {  	v57 =	vadd.s32 v22, v32;
	_ =	sdelay $0x3  }
0x15b: {  	[tilespmem:s20+$0xAE60] =	vst v29  }
0x15c: {  	v29 =	vld.idx.msk [tilespmem:v57+s3+$0x0], $0xffff  }
0x15d: {  	v58 =	vadd.s32 v22, v34;
	_ =	sdelay $0x3  }
0x15e: {  	[tilespmem:s20+$0xAEE0] =	vst v29  }
0x15f: {  	v29 =	vld.idx.msk [tilespmem:v58+s3+$0x0], $0xffff  }
0x160: {  	v59 =	vadd.s32 v22, v35;
	_ =	sdelay $0x3  }
0x161: {  	[tilespmem:s20+$0xAF60] =	vst v29  }
0x162: {  	v29 =	vld.idx.msk [tilespmem:v59+s3+$0x0], $0xffff  }
0x163: {  	v60 =	vadd.s32 v22, v37;
	_ =	sdelay $0x3  }
0x164: {  	[tilespmem:s20+$0xAFE0] =	vst v29  }
0x165: {  	v29 =	vld.idx.msk [tilespmem:v60+s3+$0x0], $0xffff  }
0x166: {  	v61 =	vadd.s32 v22, v38;
	_ =	sdelay $0x3  }
0x167: {  	[tilespmem:s20+$0xB060] =	vst v29  }
0x168: {  	v29 =	vld.idx.msk [tilespmem:v61+s3+$0x0], $0xffff  }
0x169: {  	v62 =	vadd.s32 v22, v36;
	_ =	sdelay $0x3  }
0x16a: {  	[tilespmem:s20+$0xB0E0] =	vst v29  }
0x16b: {  	v29 =	vld.idx.msk [tilespmem:v62+s3+$0x0], $0xffff  }
0x16c: {  	v63 =	vadd.s32 v22, v33;
	_ =	sdelay $0x3  }
0x16d: {  	[tilespmem:s20+$0xB160] =	vst v29  }
0x16e: {  	v29 =	vld.idx.msk [tilespmem:v63+s3+$0x0], $0xffff  }
0x16f: {  	v44 =	vadd.s32 v22, v28;
	_ =	sdelay $0x3  }
0x170: {  	[tilespmem:s20+$0xB1E0] =	vst v29  }
0x171: {  	v29 =	vld.idx.msk [tilespmem:v44+s3+$0x0], $0xffff  }
0x172: {  	v45 =	vadd.s32 v22, v25;
	_ =	sdelay $0x3  }
0x173: {  	[tilespmem:s20+$0xB260] =	vst v29  }
0x174: {  	v29 =	vld.idx.msk [tilespmem:v45+s3+$0x0], $0xffff  }
0x175: {  	v46 =	vadd.s32 v22, v24;
	_ =	sdelay $0x3  }
0x176: {  	[tilespmem:s20+$0xB2E0] =	vst v29  }
0x177: {  	v29 =	vld.idx.msk [tilespmem:v46+s3+$0x0], $0xffff  }
0x178: {  	v26 =	vadd.s32 v23, v26;
	_ =	sdelay $0x3  }
0x179: {  	[tilespmem:s20+$0xB360] =	vst v29  }
0x17a: {  	v26 =	vld.idx.msk [tilespmem:v26+s3+$0x0], $0xffff  }
0x17b: {  	v27 =	vadd.s32 v23, v27;
	v56 =	vld [tilespmem:s16+$0xFFFFFFF0];
	_ =	sdelay $0x3  }
0x17c: {  	[tilespmem:s20+$0xABF0] =	vst v26  }
0x17d: {  	v29 =	vperm.xlane v56, v0;
	v26 =	vld.idx.msk [tilespmem:v27+s3+$0x0], $0xffff  }
0x17e: {  	v47 =	vadd.s32 v23, v40  }
0x17f: {  	v48 =	vadd.s32 v14, v29;
	_ =	sdelay $0x2  }
0x180: {  	[tilespmem:s20+$0xAC70] =	vst v26  }
0x181: {  	v26 =	vperm.xlane v56, v1;
	v27 =	vld.idx.msk [tilespmem:v47+s3+$0x0], $0xffff  }
0x182: {  	v39 =	vadd.s32 v23, v39;
	v40 =	vld.idx.msk [tilespmem:v48+s3+$0x0], $0xffff  }
0x183: {  	v49 =	vadd.s32 v14, v26;
	_ =	sdelay $0x2  }
0x184: {  	[tilespmem:s20+$0xACF0] =	vst v27  }
0x185: {  	[tilespmem:s20+$0xB380] =	vst v40;
	v27 =	vperm.xlane v56, v2;
	v39 =	vld.idx.msk [tilespmem:v39+s3+$0x0], $0xffff  }
0x186: {  	v30 =	vadd.s32 v23, v30;
	v40 =	vld.idx.msk [tilespmem:v49+s3+$0x0], $0xffff  }
0x187: {  	v50 =	vadd.s32 v14, v27;
	_ =	sdelay $0x2  }
0x188: {  	[tilespmem:s20+$0xAD70] =	vst v39  }
0x189: {  	[tilespmem:s20+$0xB400] =	vst v40;
	v39 =	vld.idx.msk [tilespmem:v30+s3+$0x0], $0xffff;
	v30 =	vperm.xlane v56, v3  }
0x18a: {  	v31 =	vadd.s32 v23, v31;
	v40 =	vld.idx.msk [tilespmem:v50+s3+$0x0], $0xffff  }
0x18b: {  	v51 =	vadd.s32 v14, v30;
	_ =	sdelay $0x2  }
0x18c: {  	[tilespmem:s20+$0xADF0] =	vst v39  }
0x18d: {  	[tilespmem:s20+$0xB480] =	vst v40;
	v39 =	vld.idx.msk [tilespmem:v31+s3+$0x0], $0xffff;
	v31 =	vperm.xlane v56, v4  }
0x18e: {  	v32 =	vadd.s32 v23, v32;
	v40 =	vld.idx.msk [tilespmem:v51+s3+$0x0], $0xffff  }
0x18f: {  	v52 =	vadd.s32 v14, v31;
	_ =	sdelay $0x2  }
0x190: {  	[tilespmem:s20+$0xAE70] =	vst v39  }
0x191: {  	v39 =	vld.idx.msk [tilespmem:v32+s3+$0x0], $0xffff;
	v32 =	vperm.xlane v56, v5;
	[tilespmem:s20+$0xB500] =	vst v40  }
0x192: {  	v34 =	vadd.s32 v23, v34;
	v40 =	vld.idx.msk [tilespmem:v52+s3+$0x0], $0xffff  }
0x193: {  	v53 =	vadd.s32 v14, v32;
	_ =	sdelay $0x2  }
0x194: {  	[tilespmem:s20+$0xAEF0] =	vst v39  }
0x195: {  	v39 =	vld.idx.msk [tilespmem:v34+s3+$0x0], $0xffff;
	v34 =	vperm.xlane v56, v6;
	[tilespmem:s20+$0xB580] =	vst v40  }
0x196: {  	v35 =	vadd.s32 v23, v35;
	v40 =	vld.idx.msk [tilespmem:v53+s3+$0x0], $0xffff  }
0x197: {  	v54 =	vadd.s32 v14, v34;
	_ =	sdelay $0x2  }
0x198: {  	[tilespmem:s20+$0xAF70] =	vst v39  }
0x199: {  	v39 =	vld.idx.msk [tilespmem:v35+s3+$0x0], $0xffff;
	v35 =	vperm.xlane v56, v7;
	[tilespmem:s20+$0xB600] =	vst v40  }
0x19a: {  	v37 =	vadd.s32 v23, v37;
	v40 =	vld.idx.msk [tilespmem:v54+s3+$0x0], $0xffff  }
0x19b: {  	v55 =	vadd.s32 v14, v35;
	_ =	sdelay $0x2  }
0x19c: {  	[tilespmem:s20+$0xAFF0] =	vst v39  }
0x19d: {  	v39 =	vld.idx.msk [tilespmem:v37+s3+$0x0], $0xffff;
	v37 =	vperm.xlane v56, v8;
	[tilespmem:s20+$0xB680] =	vst v40  }
0x19e: {  	v38 =	vadd.s32 v23, v38;
	v40 =	vld.idx.msk [tilespmem:v55+s3+$0x0], $0xffff  }
0x19f: {  	v57 =	vadd.s32 v14, v37;
	_ =	sdelay $0x2  }
0x1a0: {  	[tilespmem:s20+$0xB070] =	vst v39  }
0x1a1: {  	v39 =	vld.idx.msk [tilespmem:v38+s3+$0x0], $0xffff;
	v38 =	vperm.xlane v56, v9;
	[tilespmem:s20+$0xB700] =	vst v40  }
0x1a2: {  	v36 =	vadd.s32 v23, v36;
	v40 =	vld.idx.msk [tilespmem:v57+s3+$0x0], $0xffff  }
0x1a3: {  	v58 =	vadd.s32 v14, v38;
	_ =	sdelay $0x2  }
0x1a4: {  	[tilespmem:s20+$0xB0F0] =	vst v39  }
0x1a5: {  	v39 =	vld.idx.msk [tilespmem:v36+s3+$0x0], $0xffff;
	v36 =	vperm.xlane v56, v10;
	[tilespmem:s20+$0xB780] =	vst v40  }
0x1a6: {  	v33 =	vadd.s32 v23, v33;
	v40 =	vld.idx.msk [tilespmem:v58+s3+$0x0], $0xffff  }
0x1a7: {  	v59 =	vadd.s32 v14, v36;
	_ =	sdelay $0x2  }
0x1a8: {  	[tilespmem:s20+$0xB170] =	vst v39  }
0x1a9: {  	v39 =	vld.idx.msk [tilespmem:v33+s3+$0x0], $0xffff;
	v33 =	vperm.xlane v56, v11;
	[tilespmem:s20+$0xB800] =	vst v40  }
0x1aa: {  	v28 =	vadd.s32 v23, v28;
	v40 =	vld.idx.msk [tilespmem:v59+s3+$0x0], $0xffff  }
0x1ab: {  	v60 =	vadd.s32 v14, v33;
	_ =	sdelay $0x2  }
0x1ac: {  	[tilespmem:s20+$0xB1F0] =	vst v39  }
0x1ad: {  	v39 =	vld.idx.msk [tilespmem:v28+s3+$0x0], $0xffff;
	v28 =	vperm.xlane v56, v12;
	[tilespmem:s20+$0xB880] =	vst v40  }
0x1ae: {  	v25 =	vadd.s32 v23, v25;
	v40 =	vld.idx.msk [tilespmem:v60+s3+$0x0], $0xffff  }
0x1af: {  	v61 =	vadd.s32 v14, v28;
	_ =	sdelay $0x2  }
0x1b0: {  	[tilespmem:s20+$0xB270] =	vst v39  }
0x1b1: {  	v39 =	vld.idx.msk [tilespmem:v25+s3+$0x0], $0xffff;
	v25 =	vperm.xlane v56, v13;
	[tilespmem:s20+$0xB900] =	vst v40  }
0x1b2: {  	v24 =	vadd.s32 v23, v24;
	v40 =	vld.idx.msk [tilespmem:v61+s3+$0x0], $0xffff  }
0x1b3: {  	v62 =	vadd.s32 v14, v25;
	_ =	sdelay $0x2  }
0x1b4: {  	[tilespmem:s20+$0xB2F0] =	vst v39  }
0x1b5: {  	v39 =	vld.idx.msk [tilespmem:v24+s3+$0x0], $0xffff;
	v24 =	vperm.xlane v56, v15;
	[tilespmem:s20+$0xB980] =	vst v40  }
0x1b6: {  	v40 =	vld.idx.msk [tilespmem:v62+s3+$0x0], $0xffff  }
0x1b7: {  	v63 =	vadd.s32 v14, v24;
	_ =	sdelay $0x2  }
0x1b8: {  	[tilespmem:s20+$0xB370] =	vst v39  }
0x1b9: {  	[tilespmem:s20+$0xBA00] =	vst v40  }
0x1ba: {  	v57 =	vld.idx.msk [tilespmem:v63+s3+$0x0], $0xffff  }
0x1bb: {  	v39 =	vld [tilespmem:s16+$0x0];
	_ =	sdelay $0x4  }
0x1bc: {  	v55 =	vperm.xlane v39, v0;
	_ =	sdelay $0x1  }
0x1bd: {  	v44 =	vadd.s32 v14, v55;
	_ =	sdelay $0x3  }
0x1be: {  	v54 =	vperm.xlane v39, v1  }
0x1bf: {  	v40 =	vld.idx.msk [tilespmem:v44+s3+$0x0], $0xffff  }
0x1c0: {  	v45 =	vadd.s32 v14, v54;
	_ =	sdelay $0x3  }
0x1c1: {  	v53 =	vperm.xlane v39, v2;
	[tilespmem:s20+$0xBB80] =	vst v40  }
0x1c2: {  	v40 =	vld.idx.msk [tilespmem:v45+s3+$0x0], $0xffff  }
0x1c3: {  	v46 =	vadd.s32 v14, v53;
	_ =	sdelay $0x3  }
0x1c4: {  	v52 =	vperm.xlane v39, v3;
	[tilespmem:s20+$0xBC00] =	vst v40  }
0x1c5: {  	v40 =	vld.idx.msk [tilespmem:v46+s3+$0x0], $0xffff  }
0x1c6: {  	v47 =	vadd.s32 v14, v52;
	_ =	sdelay $0x3  }
0x1c7: {  	v51 =	vperm.xlane v39, v4;
	[tilespmem:s20+$0xBC80] =	vst v40  }
0x1c8: {  	v40 =	vld.idx.msk [tilespmem:v47+s3+$0x0], $0xffff  }
0x1c9: {  	v58 =	vadd.s32 v14, v51;
	_ =	sdelay $0x3  }
0x1ca: {  	v50 =	vperm.xlane v39, v5;
	[tilespmem:s20+$0xBD00] =	vst v40  }
0x1cb: {  	v40 =	vld.idx.msk [tilespmem:v58+s3+$0x0], $0xffff  }
0x1cc: {  	v59 =	vadd.s32 v14, v50;
	_ =	sdelay $0x3  }
0x1cd: {  	v49 =	vperm.xlane v39, v6;
	[tilespmem:s20+$0xBD80] =	vst v40  }
0x1ce: {  	v40 =	vld.idx.msk [tilespmem:v59+s3+$0x0], $0xffff  }
0x1cf: {  	v60 =	vadd.s32 v14, v49;
	_ =	sdelay $0x3  }
0x1d0: {  	v48 =	vperm.xlane v39, v7;
	[tilespmem:s20+$0xBE00] =	vst v40  }
0x1d1: {  	v40 =	vld.idx.msk [tilespmem:v60+s3+$0x0], $0xffff  }
0x1d2: {  	v61 =	vadd.s32 v14, v48;
	_ =	sdelay $0x3  }
0x1d3: {  	v47 =	vperm.xlane v39, v8;
	[tilespmem:s20+$0xBE80] =	vst v40  }
0x1d4: {  	v40 =	vld.idx.msk [tilespmem:v61+s3+$0x0], $0xffff  }
0x1d5: {  	v62 =	vadd.s32 v14, v47;
	_ =	sdelay $0x3  }
0x1d6: {  	v46 =	vperm.xlane v39, v9;
	[tilespmem:s20+$0xBF00] =	vst v40  }
0x1d7: {  	v40 =	vld.idx.msk [tilespmem:v62+s3+$0x0], $0xffff  }
0x1d8: {  	v63 =	vadd.s32 v14, v46;
	_ =	sdelay $0x3  }
0x1d9: {  	v45 =	vperm.xlane v39, v10;
	[tilespmem:s20+$0xBF80] =	vst v40  }
0x1da: {  	v40 =	vld.idx.msk [tilespmem:v63+s3+$0x0], $0xffff  }
0x1db: {  	v58 =	vadd.s32 v14, v45;
	_ =	sdelay $0x3  }
0x1dc: {  	v44 =	vperm.xlane v39, v11;
	[tilespmem:s20+$0xC000] =	vst v40  }
0x1dd: {  	v40 =	vld.idx.msk [tilespmem:v58+s3+$0x0], $0xffff  }
0x1de: {  	v59 =	vadd.s32 v14, v44;
	_ =	sdelay $0x3  }
0x1df: {  	v43 =	vperm.xlane v39, v12;
	[tilespmem:s20+$0xC080] =	vst v40  }
0x1e0: {  	v40 =	vld.idx.msk [tilespmem:v59+s3+$0x0], $0xffff  }
0x1e1: {  	v60 =	vadd.s32 v14, v43;
	_ =	sdelay $0x3  }
0x1e2: {  	v42 =	vperm.xlane v39, v13;
	[tilespmem:s20+$0xC100] =	vst v40  }
0x1e3: {  	v40 =	vld.idx.msk [tilespmem:v60+s3+$0x0], $0xffff  }
0x1e4: {  	v58 =	vadd.s32 v14, v42;
	_ =	sdelay $0x3  }
0x1e5: {  	v41 =	vperm.xlane v39, v15;
	[tilespmem:s20+$0xC180] =	vst v40  }
0x1e6: {  	v58 =	vld.idx.msk [tilespmem:v58+s3+$0x0], $0xffff  }
0x1e7: {  	v59 =	vadd.s32 v14, v41;
	_ =	sdelay $0x1  }
0x1e8: {  	v40 =	vperm.xlane v56, v16;
	_ =	sdelay $0x1  }
0x1e9: {  	v39 =	vperm.xlane v39, v16;
	v56 =	vadd.s32 v14, v40;
	[tilespmem:s20+$0xC200] =	vst v58  }
0x1ea: {  	v58 =	vld.idx.msk [tilespmem:v59+s3+$0x0], $0xffff  }
0x1eb: {  	v61 =	vadd.s32 v14, v39;
	_ =	sdelay $0x1  }
0x1ec: {  	[tilespmem:s20+$0xBA80] =	vst v57  }
0x1ed: {  	v56 =	vld.idx.msk [tilespmem:v56+s3+$0x0], $0xffff  }
0x1ee: {  	v62 =	vadd.s32 v17, v29;
	[tilespmem:s20+$0xC280] =	vst v58  }
0x1ef: {  	v58 =	vld.idx.msk [tilespmem:v61+s3+$0x0], $0xffff  }
0x1f0: {  	v63 =	vadd.s32 v17, v55;
	_ =	sdelay $0x1  }
0x1f1: {  	[tilespmem:s20+$0xBB00] =	vst v56  }
0x1f2: {  	v56 =	vld.idx.msk [tilespmem:v62+s3+$0x0], $0xffff  }
0x1f3: {  	v60 =	vadd.s32 v17, v26;
	[tilespmem:s20+$0xC300] =	vst v58  }
0x1f4: {  	v58 =	vld.idx.msk [tilespmem:v63+s3+$0x0], $0xffff  }
0x1f5: {  	v61 =	vadd.s32 v17, v54;
	_ =	sdelay $0x1  }
0x1f6: {  	[tilespmem:s20+$0xB390] =	vst v56  }
0x1f7: {  	v56 =	vld.idx.msk [tilespmem:v60+s3+$0x0], $0xffff  }
0x1f8: {  	v62 =	vadd.s32 v17, v27;
	[tilespmem:s20+$0xBB90] =	vst v58  }
0x1f9: {  	v58 =	vld.idx.msk [tilespmem:v61+s3+$0x0], $0xffff  }
0x1fa: {  	v63 =	vadd.s32 v17, v53;
	_ =	sdelay $0x1  }
0x1fb: {  	[tilespmem:s20+$0xB410] =	vst v56  }
0x1fc: {  	v56 =	vld.idx.msk [tilespmem:v62+s3+$0x0], $0xffff  }
0x1fd: {  	v60 =	vadd.s32 v17, v30;
	[tilespmem:s20+$0xBC10] =	vst v58  }
0x1fe: {  	v58 =	vld.idx.msk [tilespmem:v63+s3+$0x0], $0xffff  }
0x1ff: {  	v61 =	vadd.s32 v17, v52;
	_ =	sdelay $0x1  }
0x200: {  	[tilespmem:s20+$0xB490] =	vst v56  }
0x201: {  	v56 =	vld.idx.msk [tilespmem:v60+s3+$0x0], $0xffff  }
0x202: {  	v62 =	vadd.s32 v17, v31;
	[tilespmem:s20+$0xBC90] =	vst v58  }
0x203: {  	v58 =	vld.idx.msk [tilespmem:v61+s3+$0x0], $0xffff  }
0x204: {  	v63 =	vadd.s32 v17, v51;
	_ =	sdelay $0x1  }
0x205: {  	[tilespmem:s20+$0xB510] =	vst v56  }
0x206: {  	v56 =	vld.idx.msk [tilespmem:v62+s3+$0x0], $0xffff  }
0x207: {  	v60 =	vadd.s32 v17, v32;
	[tilespmem:s20+$0xBD10] =	vst v58  }
0x208: {  	v58 =	vld.idx.msk [tilespmem:v63+s3+$0x0], $0xffff  }
0x209: {  	v61 =	vadd.s32 v17, v50;
	_ =	sdelay $0x1  }
0x20a: {  	[tilespmem:s20+$0xB590] =	vst v56  }
0x20b: {  	v56 =	vld.idx.msk [tilespmem:v60+s3+$0x0], $0xffff  }
0x20c: {  	v62 =	vadd.s32 v17, v34;
	[tilespmem:s20+$0xBD90] =	vst v58  }
0x20d: {  	v58 =	vld.idx.msk [tilespmem:v61+s3+$0x0], $0xffff  }
0x20e: {  	v63 =	vadd.s32 v17, v49;
	_ =	sdelay $0x1  }
0x20f: {  	[tilespmem:s20+$0xB610] =	vst v56  }
0x210: {  	v56 =	vld.idx.msk [tilespmem:v62+s3+$0x0], $0xffff  }
0x211: {  	v60 =	vadd.s32 v17, v35;
	[tilespmem:s20+$0xBE10] =	vst v58  }
0x212: {  	v58 =	vld.idx.msk [tilespmem:v63+s3+$0x0], $0xffff  }
0x213: {  	v61 =	vadd.s32 v17, v48;
	_ =	sdelay $0x1  }
0x214: {  	[tilespmem:s20+$0xB690] =	vst v56  }
0x215: {  	v56 =	vld.idx.msk [tilespmem:v60+s3+$0x0], $0xffff  }
0x216: {  	v62 =	vadd.s32 v17, v37;
	[tilespmem:s20+$0xBE90] =	vst v58  }
0x217: {  	v58 =	vld.idx.msk [tilespmem:v61+s3+$0x0], $0xffff  }
0x218: {  	v63 =	vadd.s32 v17, v47;
	_ =	sdelay $0x1  }
0x219: {  	[tilespmem:s20+$0xB710] =	vst v56  }
0x21a: {  	v56 =	vld.idx.msk [tilespmem:v62+s3+$0x0], $0xffff  }
0x21b: {  	v60 =	vadd.s32 v17, v38;
	[tilespmem:s20+$0xBF10] =	vst v58  }
0x21c: {  	v58 =	vld.idx.msk [tilespmem:v63+s3+$0x0], $0xffff  }
0x21d: {  	v61 =	vadd.s32 v17, v46;
	_ =	sdelay $0x1  }
0x21e: {  	[tilespmem:s20+$0xB790] =	vst v56  }
0x21f: {  	v56 =	vld.idx.msk [tilespmem:v60+s3+$0x0], $0xffff  }
0x220: {  	v62 =	vadd.s32 v17, v36;
	[tilespmem:s20+$0xBF90] =	vst v58  }
0x221: {  	v58 =	vld.idx.msk [tilespmem:v61+s3+$0x0], $0xffff  }
0x222: {  	v63 =	vadd.s32 v17, v45;
	_ =	sdelay $0x1  }
0x223: {  	[tilespmem:s20+$0xB810] =	vst v56  }
0x224: {  	v56 =	vld.idx.msk [tilespmem:v62+s3+$0x0], $0xffff  }
0x225: {  	v60 =	vadd.s32 v17, v33;
	[tilespmem:s20+$0xC010] =	vst v58  }
0x226: {  	v58 =	vld.idx.msk [tilespmem:v63+s3+$0x0], $0xffff  }
0x227: {  	v61 =	vadd.s32 v17, v44;
	_ =	sdelay $0x1  }
0x228: {  	[tilespmem:s20+$0xB890] =	vst v56  }
0x229: {  	v56 =	vld.idx.msk [tilespmem:v60+s3+$0x0], $0xffff  }
0x22a: {  	v62 =	vadd.s32 v17, v28;
	[tilespmem:s20+$0xC090] =	vst v58  }
0x22b: {  	v58 =	vld.idx.msk [tilespmem:v61+s3+$0x0], $0xffff  }
0x22c: {  	v63 =	vadd.s32 v17, v43;
	_ =	sdelay $0x1  }
0x22d: {  	[tilespmem:s20+$0xB910] =	vst v56  }
0x22e: {  	v56 =	vld.idx.msk [tilespmem:v62+s3+$0x0], $0xffff  }
0x22f: {  	v60 =	vadd.s32 v17, v25;
	[tilespmem:s20+$0xC110] =	vst v58  }
0x230: {  	v58 =	vld.idx.msk [tilespmem:v63+s3+$0x0], $0xffff  }
0x231: {  	v61 =	vadd.s32 v17, v42;
	_ =	sdelay $0x1  }
0x232: {  	[tilespmem:s20+$0xB990] =	vst v56  }
0x233: {  	v56 =	vld.idx.msk [tilespmem:v60+s3+$0x0], $0xffff  }
0x234: {  	v62 =	vadd.s32 v17, v24;
	[tilespmem:s20+$0xC190] =	vst v58  }
0x235: {  	v58 =	vld.idx.msk [tilespmem:v61+s3+$0x0], $0xffff  }
0x236: {  	v63 =	vadd.s32 v17, v41;
	_ =	sdelay $0x1  }
0x237: {  	[tilespmem:s20+$0xBA10] =	vst v56  }
0x238: {  	v56 =	vld.idx.msk [tilespmem:v62+s3+$0x0], $0xffff  }
0x239: {  	v60 =	vadd.s32 v17, v40;
	[tilespmem:s20+$0xC210] =	vst v58  }
0x23a: {  	v58 =	vld.idx.msk [tilespmem:v63+s3+$0x0], $0xffff  }
0x23b: {  	v61 =	vadd.s32 v17, v39;
	_ =	sdelay $0x1  }
0x23c: {  	[tilespmem:s20+$0xBA90] =	vst v56  }
0x23d: {  	v56 =	vld.idx.msk [tilespmem:v60+s3+$0x0], $0xffff  }
0x23e: {  	v62 =	vadd.s32 v18, v29;
	[tilespmem:s20+$0xC290] =	vst v58  }
0x23f: {  	v58 =	vld.idx.msk [tilespmem:v61+s3+$0x0], $0xffff  }
0x240: {  	v63 =	vadd.s32 v18, v55;
	_ =	sdelay $0x1  }
0x241: {  	[tilespmem:s20+$0xBB10] =	vst v56  }
0x242: {  	v56 =	vld.idx.msk [tilespmem:v62+s3+$0x0], $0xffff  }
0x243: {  	v60 =	vadd.s32 v18, v26;
	[tilespmem:s20+$0xC310] =	vst v58  }
0x244: {  	v58 =	vld.idx.msk [tilespmem:v63+s3+$0x0], $0xffff  }
0x245: {  	v61 =	vadd.s32 v18, v54;
	_ =	sdelay $0x1  }
0x246: {  	[tilespmem:s20+$0xB3A0] =	vst v56  }
0x247: {  	v56 =	vld.idx.msk [tilespmem:v60+s3+$0x0], $0xffff  }
0x248: {  	v62 =	vadd.s32 v18, v27;
	[tilespmem:s20+$0xBBA0] =	vst v58  }
0x249: {  	v58 =	vld.idx.msk [tilespmem:v61+s3+$0x0], $0xffff  }
0x24a: {  	v63 =	vadd.s32 v18, v53;
	_ =	sdelay $0x1  }
0x24b: {  	[tilespmem:s20+$0xB420] =	vst v56  }
0x24c: {  	v56 =	vld.idx.msk [tilespmem:v62+s3+$0x0], $0xffff  }
0x24d: {  	v60 =	vadd.s32 v18, v30;
	[tilespmem:s20+$0xBC20] =	vst v58  }
0x24e: {  	v58 =	vld.idx.msk [tilespmem:v63+s3+$0x0], $0xffff  }
0x24f: {  	v61 =	vadd.s32 v18, v52;
	_ =	sdelay $0x1  }
0x250: {  	[tilespmem:s20+$0xB4A0] =	vst v56  }
0x251: {  	v56 =	vld.idx.msk [tilespmem:v60+s3+$0x0], $0xffff  }
0x252: {  	v62 =	vadd.s32 v18, v31;
	[tilespmem:s20+$0xBCA0] =	vst v58  }
0x253: {  	v58 =	vld.idx.msk [tilespmem:v61+s3+$0x0], $0xffff  }
0x254: {  	v63 =	vadd.s32 v18, v51;
	_ =	sdelay $0x1  }
0x255: {  	[tilespmem:s20+$0xB520] =	vst v56  }
0x256: {  	v56 =	vld.idx.msk [tilespmem:v62+s3+$0x0], $0xffff  }
0x257: {  	v60 =	vadd.s32 v18, v32;
	[tilespmem:s20+$0xBD20] =	vst v58  }
0x258: {  	v58 =	vld.idx.msk [tilespmem:v63+s3+$0x0], $0xffff  }
0x259: {  	v61 =	vadd.s32 v18, v50;
	_ =	sdelay $0x1  }
0x25a: {  	[tilespmem:s20+$0xB5A0] =	vst v56  }
0x25b: {  	v56 =	vld.idx.msk [tilespmem:v60+s3+$0x0], $0xffff  }
0x25c: {  	v62 =	vadd.s32 v18, v34;
	[tilespmem:s20+$0xBDA0] =	vst v58  }
0x25d: {  	v58 =	vld.idx.msk [tilespmem:v61+s3+$0x0], $0xffff  }
0x25e: {  	v63 =	vadd.s32 v18, v49;
	_ =	sdelay $0x1  }
0x25f: {  	[tilespmem:s20+$0xB620] =	vst v56  }
0x260: {  	v56 =	vld.idx.msk [tilespmem:v62+s3+$0x0], $0xffff  }
0x261: {  	v60 =	vadd.s32 v18, v35;
	[tilespmem:s20+$0xBE20] =	vst v58  }
0x262: {  	v58 =	vld.idx.msk [tilespmem:v63+s3+$0x0], $0xffff  }
0x263: {  	v61 =	vadd.s32 v18, v48;
	_ =	sdelay $0x1  }
0x264: {  	[tilespmem:s20+$0xB6A0] =	vst v56  }
0x265: {  	v56 =	vld.idx.msk [tilespmem:v60+s3+$0x0], $0xffff  }
0x266: {  	v62 =	vadd.s32 v18, v37;
	[tilespmem:s20+$0xBEA0] =	vst v58  }
0x267: {  	v58 =	vld.idx.msk [tilespmem:v61+s3+$0x0], $0xffff  }
0x268: {  	v63 =	vadd.s32 v18, v47;
	_ =	sdelay $0x1  }
0x269: {  	[tilespmem:s20+$0xB720] =	vst v56  }
0x26a: {  	v56 =	vld.idx.msk [tilespmem:v62+s3+$0x0], $0xffff  }
0x26b: {  	v60 =	vadd.s32 v18, v38;
	[tilespmem:s20+$0xBF20] =	vst v58  }
0x26c: {  	v58 =	vld.idx.msk [tilespmem:v63+s3+$0x0], $0xffff  }
0x26d: {  	v61 =	vadd.s32 v18, v46;
	_ =	sdelay $0x1  }
0x26e: {  	[tilespmem:s20+$0xB7A0] =	vst v56  }
0x26f: {  	v56 =	vld.idx.msk [tilespmem:v60+s3+$0x0], $0xffff  }
0x270: {  	v62 =	vadd.s32 v18, v36;
	[tilespmem:s20+$0xBFA0] =	vst v58  }
0x271: {  	v58 =	vld.idx.msk [tilespmem:v61+s3+$0x0], $0xffff  }
0x272: {  	v63 =	vadd.s32 v18, v45;
	_ =	sdelay $0x1  }
0x273: {  	[tilespmem:s20+$0xB820] =	vst v56  }
0x274: {  	v56 =	vld.idx.msk [tilespmem:v62+s3+$0x0], $0xffff  }
0x275: {  	v60 =	vadd.s32 v18, v33;
	[tilespmem:s20+$0xC020] =	vst v58  }
0x276: {  	v58 =	vld.idx.msk [tilespmem:v63+s3+$0x0], $0xffff  }
0x277: {  	v61 =	vadd.s32 v18, v44;
	_ =	sdelay $0x1  }
0x278: {  	[tilespmem:s20+$0xB8A0] =	vst v56  }
0x279: {  	v56 =	vld.idx.msk [tilespmem:v60+s3+$0x0], $0xffff  }
0x27a: {  	v62 =	vadd.s32 v18, v28;
	[tilespmem:s20+$0xC0A0] =	vst v58  }
0x27b: {  	v58 =	vld.idx.msk [tilespmem:v61+s3+$0x0], $0xffff  }
0x27c: {  	v63 =	vadd.s32 v18, v43;
	_ =	sdelay $0x1  }
0x27d: {  	[tilespmem:s20+$0xB920] =	vst v56  }
0x27e: {  	v56 =	vld.idx.msk [tilespmem:v62+s3+$0x0], $0xffff  }
0x27f: {  	v60 =	vadd.s32 v18, v25;
	[tilespmem:s20+$0xC120] =	vst v58  }
0x280: {  	v58 =	vld.idx.msk [tilespmem:v63+s3+$0x0], $0xffff  }
0x281: {  	v61 =	vadd.s32 v18, v42;
	_ =	sdelay $0x1  }
0x282: {  	[tilespmem:s20+$0xB9A0] =	vst v56  }
0x283: {  	v56 =	vld.idx.msk [tilespmem:v60+s3+$0x0], $0xffff  }
0x284: {  	v62 =	vadd.s32 v18, v24;
	[tilespmem:s20+$0xC1A0] =	vst v58  }
0x285: {  	v58 =	vld.idx.msk [tilespmem:v61+s3+$0x0], $0xffff  }
0x286: {  	v63 =	vadd.s32 v18, v41;
	_ =	sdelay $0x1  }
0x287: {  	[tilespmem:s20+$0xBA20] =	vst v56  }
0x288: {  	v56 =	vld.idx.msk [tilespmem:v62+s3+$0x0], $0xffff  }
0x289: {  	v60 =	vadd.s32 v18, v40;
	[tilespmem:s20+$0xC220] =	vst v58  }
0x28a: {  	v58 =	vld.idx.msk [tilespmem:v63+s3+$0x0], $0xffff  }
0x28b: {  	v61 =	vadd.s32 v18, v39;
	_ =	sdelay $0x1  }
0x28c: {  	[tilespmem:s20+$0xBAA0] =	vst v56  }
0x28d: {  	v56 =	vld.idx.msk [tilespmem:v60+s3+$0x0], $0xffff  }
0x28e: {  	v62 =	vadd.s32 v19, v29;
	[tilespmem:s20+$0xC2A0] =	vst v58  }
0x28f: {  	v58 =	vld.idx.msk [tilespmem:v61+s3+$0x0], $0xffff  }
0x290: {  	v63 =	vadd.s32 v19, v55;
	_ =	sdelay $0x1  }
0x291: {  	[tilespmem:s20+$0xBB20] =	vst v56  }
0x292: {  	v56 =	vld.idx.msk [tilespmem:v62+s3+$0x0], $0xffff  }
0x293: {  	v60 =	vadd.s32 v19, v26;
	[tilespmem:s20+$0xC320] =	vst v58  }
0x294: {  	v58 =	vld.idx.msk [tilespmem:v63+s3+$0x0], $0xffff  }
0x295: {  	v61 =	vadd.s32 v19, v54;
	_ =	sdelay $0x1  }
0x296: {  	[tilespmem:s20+$0xB3B0] =	vst v56  }
0x297: {  	v56 =	vld.idx.msk [tilespmem:v60+s3+$0x0], $0xffff  }
0x298: {  	v62 =	vadd.s32 v19, v27;
	[tilespmem:s20+$0xBBB0] =	vst v58  }
0x299: {  	v58 =	vld.idx.msk [tilespmem:v61+s3+$0x0], $0xffff  }
0x29a: {  	v63 =	vadd.s32 v19, v53;
	_ =	sdelay $0x1  }
0x29b: {  	[tilespmem:s20+$0xB430] =	vst v56  }
0x29c: {  	v56 =	vld.idx.msk [tilespmem:v62+s3+$0x0], $0xffff  }
0x29d: {  	v60 =	vadd.s32 v19, v30;
	[tilespmem:s20+$0xBC30] =	vst v58  }
0x29e: {  	v58 =	vld.idx.msk [tilespmem:v63+s3+$0x0], $0xffff  }
0x29f: {  	v61 =	vadd.s32 v19, v52;
	_ =	sdelay $0x1  }
0x2a0: {  	[tilespmem:s20+$0xB4B0] =	vst v56  }
0x2a1: {  	v56 =	vld.idx.msk [tilespmem:v60+s3+$0x0], $0xffff  }
0x2a2: {  	v62 =	vadd.s32 v19, v31;
	[tilespmem:s20+$0xBCB0] =	vst v58  }
0x2a3: {  	v58 =	vld.idx.msk [tilespmem:v61+s3+$0x0], $0xffff  }
0x2a4: {  	v63 =	vadd.s32 v19, v51;
	_ =	sdelay $0x1  }
0x2a5: {  	[tilespmem:s20+$0xB530] =	vst v56  }
0x2a6: {  	v56 =	vld.idx.msk [tilespmem:v62+s3+$0x0], $0xffff  }
0x2a7: {  	v60 =	vadd.s32 v19, v32;
	[tilespmem:s20+$0xBD30] =	vst v58  }
0x2a8: {  	v58 =	vld.idx.msk [tilespmem:v63+s3+$0x0], $0xffff  }
0x2a9: {  	v61 =	vadd.s32 v19, v50;
	_ =	sdelay $0x1  }
0x2aa: {  	[tilespmem:s20+$0xB5B0] =	vst v56  }
0x2ab: {  	v56 =	vld.idx.msk [tilespmem:v60+s3+$0x0], $0xffff  }
0x2ac: {  	v62 =	vadd.s32 v19, v34;
	[tilespmem:s20+$0xBDB0] =	vst v58  }
0x2ad: {  	v58 =	vld.idx.msk [tilespmem:v61+s3+$0x0], $0xffff  }
0x2ae: {  	v63 =	vadd.s32 v19, v49;
	_ =	sdelay $0x1  }
0x2af: {  	[tilespmem:s20+$0xB630] =	vst v56  }
0x2b0: {  	v56 =	vld.idx.msk [tilespmem:v62+s3+$0x0], $0xffff  }
0x2b1: {  	v60 =	vadd.s32 v19, v35;
	[tilespmem:s20+$0xBE30] =	vst v58  }
0x2b2: {  	v58 =	vld.idx.msk [tilespmem:v63+s3+$0x0], $0xffff  }
0x2b3: {  	v61 =	vadd.s32 v19, v48;
	_ =	sdelay $0x1  }
0x2b4: {  	[tilespmem:s20+$0xB6B0] =	vst v56  }
0x2b5: {  	v56 =	vld.idx.msk [tilespmem:v60+s3+$0x0], $0xffff  }
0x2b6: {  	v62 =	vadd.s32 v19, v37;
	[tilespmem:s20+$0xBEB0] =	vst v58  }
0x2b7: {  	v58 =	vld.idx.msk [tilespmem:v61+s3+$0x0], $0xffff  }
0x2b8: {  	v63 =	vadd.s32 v19, v47;
	_ =	sdelay $0x1  }
0x2b9: {  	[tilespmem:s20+$0xB730] =	vst v56  }
0x2ba: {  	v56 =	vld.idx.msk [tilespmem:v62+s3+$0x0], $0xffff  }
0x2bb: {  	v60 =	vadd.s32 v19, v38;
	[tilespmem:s20+$0xBF30] =	vst v58  }
0x2bc: {  	v58 =	vld.idx.msk [tilespmem:v63+s3+$0x0], $0xffff  }
0x2bd: {  	v61 =	vadd.s32 v19, v46;
	_ =	sdelay $0x1  }
0x2be: {  	[tilespmem:s20+$0xB7B0] =	vst v56  }
0x2bf: {  	v56 =	vld.idx.msk [tilespmem:v60+s3+$0x0], $0xffff  }
0x2c0: {  	v62 =	vadd.s32 v19, v36;
	[tilespmem:s20+$0xBFB0] =	vst v58  }
0x2c1: {  	v58 =	vld.idx.msk [tilespmem:v61+s3+$0x0], $0xffff  }
0x2c2: {  	v63 =	vadd.s32 v19, v45;
	_ =	sdelay $0x1  }
0x2c3: {  	[tilespmem:s20+$0xB830] =	vst v56  }
0x2c4: {  	v56 =	vld.idx.msk [tilespmem:v62+s3+$0x0], $0xffff  }
0x2c5: {  	v60 =	vadd.s32 v19, v33;
	[tilespmem:s20+$0xC030] =	vst v58  }
0x2c6: {  	v58 =	vld.idx.msk [tilespmem:v63+s3+$0x0], $0xffff  }
0x2c7: {  	v61 =	vadd.s32 v19, v44;
	_ =	sdelay $0x1  }
0x2c8: {  	[tilespmem:s20+$0xB8B0] =	vst v56  }
0x2c9: {  	v56 =	vld.idx.msk [tilespmem:v60+s3+$0x0], $0xffff  }
0x2ca: {  	v62 =	vadd.s32 v19, v28;
	[tilespmem:s20+$0xC0B0] =	vst v58  }
0x2cb: {  	v58 =	vld.idx.msk [tilespmem:v61+s3+$0x0], $0xffff  }
0x2cc: {  	v63 =	vadd.s32 v19, v43;
	_ =	sdelay $0x1  }
0x2cd: {  	[tilespmem:s20+$0xB930] =	vst v56  }
0x2ce: {  	v56 =	vld.idx.msk [tilespmem:v62+s3+$0x0], $0xffff  }
0x2cf: {  	v60 =	vadd.s32 v19, v25;
	[tilespmem:s20+$0xC130] =	vst v58  }
0x2d0: {  	v58 =	vld.idx.msk [tilespmem:v63+s3+$0x0], $0xffff  }
0x2d1: {  	v61 =	vadd.s32 v19, v42;
	_ =	sdelay $0x1  }
0x2d2: {  	[tilespmem:s20+$0xB9B0] =	vst v56  }
0x2d3: {  	v56 =	vld.idx.msk [tilespmem:v60+s3+$0x0], $0xffff  }
0x2d4: {  	v62 =	vadd.s32 v19, v24;
	[tilespmem:s20+$0xC1B0] =	vst v58  }
0x2d5: {  	v58 =	vld.idx.msk [tilespmem:v61+s3+$0x0], $0xffff  }
0x2d6: {  	v63 =	vadd.s32 v19, v41;
	_ =	sdelay $0x1  }
0x2d7: {  	[tilespmem:s20+$0xBA30] =	vst v56  }
0x2d8: {  	v56 =	vld.idx.msk [tilespmem:v62+s3+$0x0], $0xffff  }
0x2d9: {  	v60 =	vadd.s32 v19, v40;
	[tilespmem:s20+$0xC230] =	vst v58  }
0x2da: {  	v58 =	vld.idx.msk [tilespmem:v63+s3+$0x0], $0xffff  }
0x2db: {  	v61 =	vadd.s32 v19, v39;
	_ =	sdelay $0x1  }
0x2dc: {  	[tilespmem:s20+$0xBAB0] =	vst v56  }
0x2dd: {  	v56 =	vld.idx.msk [tilespmem:v60+s3+$0x0], $0xffff  }
0x2de: {  	v62 =	vadd.s32 v20, v29;
	[tilespmem:s20+$0xC2B0] =	vst v58  }
0x2df: {  	v58 =	vld.idx.msk [tilespmem:v61+s3+$0x0], $0xffff  }
0x2e0: {  	v63 =	vadd.s32 v20, v55;
	_ =	sdelay $0x1  }
0x2e1: {  	[tilespmem:s20+$0xBB30] =	vst v56  }
0x2e2: {  	v56 =	vld.idx.msk [tilespmem:v62+s3+$0x0], $0xffff  }
0x2e3: {  	v60 =	vadd.s32 v20, v26;
	[tilespmem:s20+$0xC330] =	vst v58  }
0x2e4: {  	v58 =	vld.idx.msk [tilespmem:v63+s3+$0x0], $0xffff  }
0x2e5: {  	v61 =	vadd.s32 v20, v54;
	_ =	sdelay $0x1  }
0x2e6: {  	[tilespmem:s20+$0xB3C0] =	vst v56  }
0x2e7: {  	v56 =	vld.idx.msk [tilespmem:v60+s3+$0x0], $0xffff  }
0x2e8: {  	v62 =	vadd.s32 v20, v27;
	[tilespmem:s20+$0xBBC0] =	vst v58  }
0x2e9: {  	v58 =	vld.idx.msk [tilespmem:v61+s3+$0x0], $0xffff  }
0x2ea: {  	v63 =	vadd.s32 v20, v53;
	_ =	sdelay $0x1  }
0x2eb: {  	[tilespmem:s20+$0xB440] =	vst v56  }
0x2ec: {  	v56 =	vld.idx.msk [tilespmem:v62+s3+$0x0], $0xffff  }
0x2ed: {  	v60 =	vadd.s32 v20, v30;
	[tilespmem:s20+$0xBC40] =	vst v58  }
0x2ee: {  	v58 =	vld.idx.msk [tilespmem:v63+s3+$0x0], $0xffff  }
0x2ef: {  	v61 =	vadd.s32 v20, v52;
	_ =	sdelay $0x1  }
0x2f0: {  	[tilespmem:s20+$0xB4C0] =	vst v56  }
0x2f1: {  	v56 =	vld.idx.msk [tilespmem:v60+s3+$0x0], $0xffff  }
0x2f2: {  	v62 =	vadd.s32 v20, v31;
	[tilespmem:s20+$0xBCC0] =	vst v58  }
0x2f3: {  	v58 =	vld.idx.msk [tilespmem:v61+s3+$0x0], $0xffff  }
0x2f4: {  	v63 =	vadd.s32 v20, v51;
	_ =	sdelay $0x1  }
0x2f5: {  	[tilespmem:s20+$0xB540] =	vst v56  }
0x2f6: {  	v56 =	vld.idx.msk [tilespmem:v62+s3+$0x0], $0xffff  }
0x2f7: {  	v60 =	vadd.s32 v20, v32;
	[tilespmem:s20+$0xBD40] =	vst v58  }
0x2f8: {  	v58 =	vld.idx.msk [tilespmem:v63+s3+$0x0], $0xffff  }
0x2f9: {  	v61 =	vadd.s32 v20, v50;
	_ =	sdelay $0x1  }
0x2fa: {  	[tilespmem:s20+$0xB5C0] =	vst v56  }
0x2fb: {  	v56 =	vld.idx.msk [tilespmem:v60+s3+$0x0], $0xffff  }
0x2fc: {  	v62 =	vadd.s32 v20, v34;
	[tilespmem:s20+$0xBDC0] =	vst v58  }
0x2fd: {  	v58 =	vld.idx.msk [tilespmem:v61+s3+$0x0], $0xffff  }
0x2fe: {  	v63 =	vadd.s32 v20, v49;
	_ =	sdelay $0x1  }
0x2ff: {  	[tilespmem:s20+$0xB640] =	vst v56  }
0x300: {  	v56 =	vld.idx.msk [tilespmem:v62+s3+$0x0], $0xffff  }
0x301: {  	v60 =	vadd.s32 v20, v35;
	[tilespmem:s20+$0xBE40] =	vst v58  }
0x302: {  	v58 =	vld.idx.msk [tilespmem:v63+s3+$0x0], $0xffff  }
0x303: {  	v61 =	vadd.s32 v20, v48;
	_ =	sdelay $0x1  }
0x304: {  	[tilespmem:s20+$0xB6C0] =	vst v56  }
0x305: {  	v56 =	vld.idx.msk [tilespmem:v60+s3+$0x0], $0xffff  }
0x306: {  	v62 =	vadd.s32 v20, v37;
	[tilespmem:s20+$0xBEC0] =	vst v58  }
0x307: {  	v58 =	vld.idx.msk [tilespmem:v61+s3+$0x0], $0xffff  }
0x308: {  	v63 =	vadd.s32 v20, v47;
	_ =	sdelay $0x1  }
0x309: {  	[tilespmem:s20+$0xB740] =	vst v56  }
0x30a: {  	v56 =	vld.idx.msk [tilespmem:v62+s3+$0x0], $0xffff  }
0x30b: {  	v60 =	vadd.s32 v20, v38;
	[tilespmem:s20+$0xBF40] =	vst v58  }
0x30c: {  	v58 =	vld.idx.msk [tilespmem:v63+s3+$0x0], $0xffff  }
0x30d: {  	v61 =	vadd.s32 v20, v46;
	_ =	sdelay $0x1  }
0x30e: {  	[tilespmem:s20+$0xB7C0] =	vst v56  }
0x30f: {  	v56 =	vld.idx.msk [tilespmem:v60+s3+$0x0], $0xffff  }
0x310: {  	v62 =	vadd.s32 v20, v36;
	[tilespmem:s20+$0xBFC0] =	vst v58  }
0x311: {  	v58 =	vld.idx.msk [tilespmem:v61+s3+$0x0], $0xffff  }
0x312: {  	v63 =	vadd.s32 v20, v45;
	_ =	sdelay $0x1  }
0x313: {  	[tilespmem:s20+$0xB840] =	vst v56  }
0x314: {  	v56 =	vld.idx.msk [tilespmem:v62+s3+$0x0], $0xffff  }
0x315: {  	v60 =	vadd.s32 v20, v33;
	[tilespmem:s20+$0xC040] =	vst v58  }
0x316: {  	v58 =	vld.idx.msk [tilespmem:v63+s3+$0x0], $0xffff  }
0x317: {  	v61 =	vadd.s32 v20, v44;
	_ =	sdelay $0x1  }
0x318: {  	[tilespmem:s20+$0xB8C0] =	vst v56  }
0x319: {  	v56 =	vld.idx.msk [tilespmem:v60+s3+$0x0], $0xffff  }
0x31a: {  	v62 =	vadd.s32 v20, v28;
	[tilespmem:s20+$0xC0C0] =	vst v58  }
0x31b: {  	v58 =	vld.idx.msk [tilespmem:v61+s3+$0x0], $0xffff  }
0x31c: {  	v63 =	vadd.s32 v20, v43;
	_ =	sdelay $0x1  }
0x31d: {  	[tilespmem:s20+$0xB940] =	vst v56  }
0x31e: {  	v56 =	vld.idx.msk [tilespmem:v62+s3+$0x0], $0xffff  }
0x31f: {  	v60 =	vadd.s32 v20, v25;
	[tilespmem:s20+$0xC140] =	vst v58  }
0x320: {  	v58 =	vld.idx.msk [tilespmem:v63+s3+$0x0], $0xffff  }
0x321: {  	v61 =	vadd.s32 v20, v42;
	_ =	sdelay $0x1  }
0x322: {  	[tilespmem:s20+$0xB9C0] =	vst v56  }
0x323: {  	v56 =	vld.idx.msk [tilespmem:v60+s3+$0x0], $0xffff  }
0x324: {  	v62 =	vadd.s32 v20, v24;
	[tilespmem:s20+$0xC1C0] =	vst v58  }
0x325: {  	v58 =	vld.idx.msk [tilespmem:v61+s3+$0x0], $0xffff  }
0x326: {  	v63 =	vadd.s32 v20, v41;
	_ =	sdelay $0x1  }
0x327: {  	[tilespmem:s20+$0xBA40] =	vst v56  }
0x328: {  	v56 =	vld.idx.msk [tilespmem:v62+s3+$0x0], $0xffff  }
0x329: {  	v60 =	vadd.s32 v20, v40;
	[tilespmem:s20+$0xC240] =	vst v58  }
0x32a: {  	v58 =	vld.idx.msk [tilespmem:v63+s3+$0x0], $0xffff  }
0x32b: {  	v61 =	vadd.s32 v20, v39;
	_ =	sdelay $0x1  }
0x32c: {  	[tilespmem:s20+$0xBAC0] =	vst v56  }
0x32d: {  	v56 =	vld.idx.msk [tilespmem:v60+s3+$0x0], $0xffff  }
0x32e: {  	v62 =	vadd.s32 v21, v29;
	[tilespmem:s20+$0xC2C0] =	vst v58  }
0x32f: {  	v58 =	vld.idx.msk [tilespmem:v61+s3+$0x0], $0xffff  }
0x330: {  	v63 =	vadd.s32 v21, v55;
	_ =	sdelay $0x1  }
0x331: {  	[tilespmem:s20+$0xBB40] =	vst v56  }
0x332: {  	v56 =	vld.idx.msk [tilespmem:v62+s3+$0x0], $0xffff  }
0x333: {  	v60 =	vadd.s32 v21, v26;
	[tilespmem:s20+$0xC340] =	vst v58  }
0x334: {  	v58 =	vld.idx.msk [tilespmem:v63+s3+$0x0], $0xffff  }
0x335: {  	v61 =	vadd.s32 v21, v54;
	_ =	sdelay $0x1  }
0x336: {  	[tilespmem:s20+$0xB3D0] =	vst v56  }
0x337: {  	v56 =	vld.idx.msk [tilespmem:v60+s3+$0x0], $0xffff  }
0x338: {  	v62 =	vadd.s32 v21, v27;
	[tilespmem:s20+$0xBBD0] =	vst v58  }
0x339: {  	v58 =	vld.idx.msk [tilespmem:v61+s3+$0x0], $0xffff  }
0x33a: {  	v63 =	vadd.s32 v21, v53;
	_ =	sdelay $0x1  }
0x33b: {  	[tilespmem:s20+$0xB450] =	vst v56  }
0x33c: {  	v56 =	vld.idx.msk [tilespmem:v62+s3+$0x0], $0xffff  }
0x33d: {  	v60 =	vadd.s32 v21, v30;
	[tilespmem:s20+$0xBC50] =	vst v58  }
0x33e: {  	v58 =	vld.idx.msk [tilespmem:v63+s3+$0x0], $0xffff  }
0x33f: {  	v61 =	vadd.s32 v21, v52;
	_ =	sdelay $0x1  }
0x340: {  	[tilespmem:s20+$0xB4D0] =	vst v56  }
0x341: {  	v56 =	vld.idx.msk [tilespmem:v60+s3+$0x0], $0xffff  }
0x342: {  	v62 =	vadd.s32 v21, v31;
	[tilespmem:s20+$0xBCD0] =	vst v58  }
0x343: {  	v58 =	vld.idx.msk [tilespmem:v61+s3+$0x0], $0xffff  }
0x344: {  	v63 =	vadd.s32 v21, v51;
	_ =	sdelay $0x1  }
0x345: {  	[tilespmem:s20+$0xB550] =	vst v56  }
0x346: {  	v56 =	vld.idx.msk [tilespmem:v62+s3+$0x0], $0xffff  }
0x347: {  	v60 =	vadd.s32 v21, v32;
	[tilespmem:s20+$0xBD50] =	vst v58  }
0x348: {  	v58 =	vld.idx.msk [tilespmem:v63+s3+$0x0], $0xffff  }
0x349: {  	v61 =	vadd.s32 v21, v50;
	_ =	sdelay $0x1  }
0x34a: {  	[tilespmem:s20+$0xB5D0] =	vst v56  }
0x34b: {  	v56 =	vld.idx.msk [tilespmem:v60+s3+$0x0], $0xffff  }
0x34c: {  	v62 =	vadd.s32 v21, v34;
	[tilespmem:s20+$0xBDD0] =	vst v58  }
0x34d: {  	v58 =	vld.idx.msk [tilespmem:v61+s3+$0x0], $0xffff  }
0x34e: {  	v63 =	vadd.s32 v21, v49;
	_ =	sdelay $0x1  }
0x34f: {  	[tilespmem:s20+$0xB650] =	vst v56  }
0x350: {  	v56 =	vld.idx.msk [tilespmem:v62+s3+$0x0], $0xffff  }
0x351: {  	v60 =	vadd.s32 v21, v35;
	[tilespmem:s20+$0xBE50] =	vst v58  }
0x352: {  	v58 =	vld.idx.msk [tilespmem:v63+s3+$0x0], $0xffff  }
0x353: {  	v61 =	vadd.s32 v21, v48;
	_ =	sdelay $0x1  }
0x354: {  	[tilespmem:s20+$0xB6D0] =	vst v56  }
0x355: {  	v56 =	vld.idx.msk [tilespmem:v60+s3+$0x0], $0xffff  }
0x356: {  	v62 =	vadd.s32 v21, v37;
	[tilespmem:s20+$0xBED0] =	vst v58  }
0x357: {  	v58 =	vld.idx.msk [tilespmem:v61+s3+$0x0], $0xffff  }
0x358: {  	v63 =	vadd.s32 v21, v47;
	_ =	sdelay $0x1  }
0x359: {  	[tilespmem:s20+$0xB750] =	vst v56  }
0x35a: {  	v56 =	vld.idx.msk [tilespmem:v62+s3+$0x0], $0xffff  }
0x35b: {  	v60 =	vadd.s32 v21, v38;
	[tilespmem:s20+$0xBF50] =	vst v58  }
0x35c: {  	v58 =	vld.idx.msk [tilespmem:v63+s3+$0x0], $0xffff  }
0x35d: {  	v61 =	vadd.s32 v21, v46;
	_ =	sdelay $0x1  }
0x35e: {  	[tilespmem:s20+$0xB7D0] =	vst v56  }
0x35f: {  	v56 =	vld.idx.msk [tilespmem:v60+s3+$0x0], $0xffff  }
0x360: {  	v62 =	vadd.s32 v21, v36;
	[tilespmem:s20+$0xBFD0] =	vst v58  }
0x361: {  	v58 =	vld.idx.msk [tilespmem:v61+s3+$0x0], $0xffff  }
0x362: {  	v63 =	vadd.s32 v21, v45;
	_ =	sdelay $0x1  }
0x363: {  	[tilespmem:s20+$0xB850] =	vst v56  }
0x364: {  	v56 =	vld.idx.msk [tilespmem:v62+s3+$0x0], $0xffff  }
0x365: {  	v60 =	vadd.s32 v21, v33;
	[tilespmem:s20+$0xC050] =	vst v58  }
0x366: {  	v58 =	vld.idx.msk [tilespmem:v63+s3+$0x0], $0xffff  }
0x367: {  	v61 =	vadd.s32 v21, v44;
	_ =	sdelay $0x1  }
0x368: {  	[tilespmem:s20+$0xB8D0] =	vst v56  }
0x369: {  	v56 =	vld.idx.msk [tilespmem:v60+s3+$0x0], $0xffff  }
0x36a: {  	v62 =	vadd.s32 v21, v28;
	[tilespmem:s20+$0xC0D0] =	vst v58  }
0x36b: {  	v58 =	vld.idx.msk [tilespmem:v61+s3+$0x0], $0xffff  }
0x36c: {  	v63 =	vadd.s32 v21, v43;
	_ =	sdelay $0x1  }
0x36d: {  	[tilespmem:s20+$0xB950] =	vst v56  }
0x36e: {  	v56 =	vld.idx.msk [tilespmem:v62+s3+$0x0], $0xffff  }
0x36f: {  	v60 =	vadd.s32 v21, v25;
	[tilespmem:s20+$0xC150] =	vst v58  }
0x370: {  	v58 =	vld.idx.msk [tilespmem:v63+s3+$0x0], $0xffff  }
0x371: {  	v61 =	vadd.s32 v21, v42;
	_ =	sdelay $0x1  }
0x372: {  	[tilespmem:s20+$0xB9D0] =	vst v56  }
0x373: {  	v56 =	vld.idx.msk [tilespmem:v60+s3+$0x0], $0xffff  }
0x374: {  	v62 =	vadd.s32 v21, v24;
	[tilespmem:s20+$0xC1D0] =	vst v58  }
0x375: {  	v58 =	vld.idx.msk [tilespmem:v61+s3+$0x0], $0xffff  }
0x376: {  	v63 =	vadd.s32 v21, v41;
	_ =	sdelay $0x1  }
0x377: {  	[tilespmem:s20+$0xBA50] =	vst v56  }
0x378: {  	v56 =	vld.idx.msk [tilespmem:v62+s3+$0x0], $0xffff  }
0x379: {  	v60 =	vadd.s32 v21, v40;
	[tilespmem:s20+$0xC250] =	vst v58  }
0x37a: {  	v58 =	vld.idx.msk [tilespmem:v63+s3+$0x0], $0xffff  }
0x37b: {  	v61 =	vadd.s32 v21, v39;
	_ =	sdelay $0x1  }
0x37c: {  	[tilespmem:s20+$0xBAD0] =	vst v56  }
0x37d: {  	v56 =	vld.idx.msk [tilespmem:v60+s3+$0x0], $0xffff  }
0x37e: {  	v62 =	vadd.s32 v22, v29;
	[tilespmem:s20+$0xC2D0] =	vst v58  }
0x37f: {  	v58 =	vld.idx.msk [tilespmem:v61+s3+$0x0], $0xffff  }
0x380: {  	v63 =	vadd.s32 v22, v55;
	_ =	sdelay $0x1  }
0x381: {  	[tilespmem:s20+$0xBB50] =	vst v56  }
0x382: {  	v56 =	vld.idx.msk [tilespmem:v62+s3+$0x0], $0xffff  }
0x383: {  	v60 =	vadd.s32 v22, v26;
	[tilespmem:s20+$0xC350] =	vst v58  }
0x384: {  	v58 =	vld.idx.msk [tilespmem:v63+s3+$0x0], $0xffff  }
0x385: {  	v61 =	vadd.s32 v22, v54;
	_ =	sdelay $0x1  }
0x386: {  	[tilespmem:s20+$0xB3E0] =	vst v56  }
0x387: {  	v56 =	vld.idx.msk [tilespmem:v60+s3+$0x0], $0xffff  }
0x388: {  	v62 =	vadd.s32 v22, v27;
	[tilespmem:s20+$0xBBE0] =	vst v58  }
0x389: {  	v58 =	vld.idx.msk [tilespmem:v61+s3+$0x0], $0xffff  }
0x38a: {  	v63 =	vadd.s32 v22, v53;
	_ =	sdelay $0x1  }
0x38b: {  	[tilespmem:s20+$0xB460] =	vst v56  }
0x38c: {  	v56 =	vld.idx.msk [tilespmem:v62+s3+$0x0], $0xffff  }
0x38d: {  	v60 =	vadd.s32 v22, v30;
	[tilespmem:s20+$0xBC60] =	vst v58  }
0x38e: {  	v58 =	vld.idx.msk [tilespmem:v63+s3+$0x0], $0xffff  }
0x38f: {  	v61 =	vadd.s32 v22, v52;
	_ =	sdelay $0x1  }
0x390: {  	[tilespmem:s20+$0xB4E0] =	vst v56  }
0x391: {  	v56 =	vld.idx.msk [tilespmem:v60+s3+$0x0], $0xffff  }
0x392: {  	v62 =	vadd.s32 v22, v31;
	[tilespmem:s20+$0xBCE0] =	vst v58  }
0x393: {  	v58 =	vld.idx.msk [tilespmem:v61+s3+$0x0], $0xffff  }
0x394: {  	v63 =	vadd.s32 v22, v51;
	_ =	sdelay $0x1  }
0x395: {  	[tilespmem:s20+$0xB560] =	vst v56  }
0x396: {  	v56 =	vld.idx.msk [tilespmem:v62+s3+$0x0], $0xffff  }
0x397: {  	v60 =	vadd.s32 v22, v32;
	[tilespmem:s20+$0xBD60] =	vst v58  }
0x398: {  	v58 =	vld.idx.msk [tilespmem:v63+s3+$0x0], $0xffff  }
0x399: {  	v61 =	vadd.s32 v22, v50;
	_ =	sdelay $0x1  }
0x39a: {  	[tilespmem:s20+$0xB5E0] =	vst v56  }
0x39b: {  	v56 =	vld.idx.msk [tilespmem:v60+s3+$0x0], $0xffff  }
0x39c: {  	v62 =	vadd.s32 v22, v34;
	[tilespmem:s20+$0xBDE0] =	vst v58  }
0x39d: {  	v58 =	vld.idx.msk [tilespmem:v61+s3+$0x0], $0xffff  }
0x39e: {  	v63 =	vadd.s32 v22, v49;
	_ =	sdelay $0x1  }
0x39f: {  	[tilespmem:s20+$0xB660] =	vst v56  }
0x3a0: {  	v56 =	vld.idx.msk [tilespmem:v62+s3+$0x0], $0xffff  }
0x3a1: {  	v60 =	vadd.s32 v22, v35;
	[tilespmem:s20+$0xBE60] =	vst v58  }
0x3a2: {  	v58 =	vld.idx.msk [tilespmem:v63+s3+$0x0], $0xffff  }
0x3a3: {  	v61 =	vadd.s32 v22, v48;
	_ =	sdelay $0x1  }
0x3a4: {  	[tilespmem:s20+$0xB6E0] =	vst v56  }
0x3a5: {  	v56 =	vld.idx.msk [tilespmem:v60+s3+$0x0], $0xffff  }
0x3a6: {  	v62 =	vadd.s32 v22, v37;
	[tilespmem:s20+$0xBEE0] =	vst v58  }
0x3a7: {  	v58 =	vld.idx.msk [tilespmem:v61+s3+$0x0], $0xffff  }
0x3a8: {  	v63 =	vadd.s32 v22, v47;
	_ =	sdelay $0x1  }
0x3a9: {  	[tilespmem:s20+$0xB760] =	vst v56  }
0x3aa: {  	v56 =	vld.idx.msk [tilespmem:v62+s3+$0x0], $0xffff  }
0x3ab: {  	v60 =	vadd.s32 v22, v38;
	[tilespmem:s20+$0xBF60] =	vst v58  }
0x3ac: {  	v58 =	vld.idx.msk [tilespmem:v63+s3+$0x0], $0xffff  }
0x3ad: {  	v61 =	vadd.s32 v22, v46;
	_ =	sdelay $0x1  }
0x3ae: {  	[tilespmem:s20+$0xB7E0] =	vst v56  }
0x3af: {  	v56 =	vld.idx.msk [tilespmem:v60+s3+$0x0], $0xffff  }
0x3b0: {  	v62 =	vadd.s32 v22, v36;
	[tilespmem:s20+$0xBFE0] =	vst v58  }
0x3b1: {  	v58 =	vld.idx.msk [tilespmem:v61+s3+$0x0], $0xffff  }
0x3b2: {  	v63 =	vadd.s32 v22, v45;
	_ =	sdelay $0x1  }
0x3b3: {  	[tilespmem:s20+$0xB860] =	vst v56  }
0x3b4: {  	v56 =	vld.idx.msk [tilespmem:v62+s3+$0x0], $0xffff  }
0x3b5: {  	v60 =	vadd.s32 v22, v33;
	[tilespmem:s20+$0xC060] =	vst v58  }
0x3b6: {  	v58 =	vld.idx.msk [tilespmem:v63+s3+$0x0], $0xffff  }
0x3b7: {  	v61 =	vadd.s32 v22, v44;
	_ =	sdelay $0x1  }
0x3b8: {  	[tilespmem:s20+$0xB8E0] =	vst v56  }
0x3b9: {  	v56 =	vld.idx.msk [tilespmem:v60+s3+$0x0], $0xffff  }
0x3ba: {  	v62 =	vadd.s32 v22, v28;
	[tilespmem:s20+$0xC0E0] =	vst v58  }
0x3bb: {  	v58 =	vld.idx.msk [tilespmem:v61+s3+$0x0], $0xffff  }
0x3bc: {  	v63 =	vadd.s32 v22, v43;
	_ =	sdelay $0x1  }
0x3bd: {  	[tilespmem:s20+$0xB960] =	vst v56  }
0x3be: {  	v56 =	vld.idx.msk [tilespmem:v62+s3+$0x0], $0xffff  }
0x3bf: {  	v60 =	vadd.s32 v22, v25;
	[tilespmem:s20+$0xC160] =	vst v58  }
0x3c0: {  	v58 =	vld.idx.msk [tilespmem:v63+s3+$0x0], $0xffff  }
0x3c1: {  	v61 =	vadd.s32 v22, v42;
	_ =	sdelay $0x1  }
0x3c2: {  	[tilespmem:s20+$0xB9E0] =	vst v56  }
0x3c3: {  	v56 =	vld.idx.msk [tilespmem:v60+s3+$0x0], $0xffff  }
0x3c4: {  	v62 =	vadd.s32 v22, v24;
	[tilespmem:s20+$0xC1E0] =	vst v58  }
0x3c5: {  	v58 =	vld.idx.msk [tilespmem:v61+s3+$0x0], $0xffff  }
0x3c6: {  	v63 =	vadd.s32 v22, v41;
	_ =	sdelay $0x1  }
0x3c7: {  	[tilespmem:s20+$0xBA60] =	vst v56  }
0x3c8: {  	v56 =	vld.idx.msk [tilespmem:v62+s3+$0x0], $0xffff  }
0x3c9: {  	v60 =	vadd.s32 v22, v40;
	[tilespmem:s20+$0xC260] =	vst v58  }
0x3ca: {  	v58 =	vld.idx.msk [tilespmem:v63+s3+$0x0], $0xffff  }
0x3cb: {  	v61 =	vadd.s32 v22, v39;
	_ =	sdelay $0x1  }
0x3cc: {  	[tilespmem:s20+$0xBAE0] =	vst v56  }
0x3cd: {  	v56 =	vld.idx.msk [tilespmem:v60+s3+$0x0], $0xffff  }
0x3ce: {  	v29 =	vadd.s32 v23, v29;
	[tilespmem:s20+$0xC2E0] =	vst v58  }
0x3cf: {  	v62 =	vld.idx.msk [tilespmem:v61+s3+$0x0], $0xffff  }
0x3d0: {  	v55 =	vadd.s32 v23, v55;
	_ =	sdelay $0x1  }
0x3d1: {  	[tilespmem:s20+$0xBB60] =	vst v56  }
0x3d2: {  	v29 =	vld.idx.msk [tilespmem:v29+s3+$0x0], $0xffff  }
0x3d3: {  	v26 =	vadd.s32 v23, v26;
	[tilespmem:s20+$0xC360] =	vst v62  }
0x3d4: {  	v55 =	vld.idx.msk [tilespmem:v55+s3+$0x0], $0xffff  }
0x3d5: {  	v54 =	vadd.s32 v23, v54;
	_ =	sdelay $0x1  }
0x3d6: {  	[tilespmem:s20+$0xB3F0] =	vst v29  }
0x3d7: {  	v26 =	vld.idx.msk [tilespmem:v26+s3+$0x0], $0xffff  }
0x3d8: {  	v27 =	vadd.s32 v23, v27;
	[tilespmem:s20+$0xBBF0] =	vst v55  }
0x3d9: {  	v63 =	vld.idx.msk [tilespmem:v54+s3+$0x0], $0xffff  }
0x3da: {  	v53 =	vadd.s32 v23, v53;
	_ =	sdelay $0x1  }
0x3db: {  	[tilespmem:s20+$0xB470] =	vst v26  }
0x3dc: {  	v26 =	vld.idx.msk [tilespmem:v27+s3+$0x0], $0xffff  }
0x3dd: {  	v55 =	vadd.s32 v23, v30;
	[tilespmem:s20+$0xBC70] =	vst v63  }
0x3de: {  	v29 =	vld.idx.msk [tilespmem:v53+s3+$0x0], $0xffff  }
0x3df: {  	v56 =	vadd.s32 v23, v52;
	_ =	sdelay $0x1  }
0x3e0: {  	[tilespmem:s20+$0xB4F0] =	vst v26  }
0x3e1: {  	v26 =	vld.idx.msk [tilespmem:v55+s3+$0x0], $0xffff  }
0x3e2: {  	v57 =	vadd.s32 v23, v31;
	[tilespmem:s20+$0xBCF0] =	vst v29  }
0x3e3: {  	v29 =	vld.idx.msk [tilespmem:v56+s3+$0x0], $0xffff  }
0x3e4: {  	v58 =	vadd.s32 v23, v51;
	_ =	sdelay $0x1  }
0x3e5: {  	[tilespmem:s20+$0xB570] =	vst v26  }
0x3e6: {  	v26 =	vld.idx.msk [tilespmem:v57+s3+$0x0], $0xffff  }
0x3e7: {  	v59 =	vadd.s32 v23, v32;
	[tilespmem:s20+$0xBD70] =	vst v29  }
0x3e8: {  	v29 =	vld.idx.msk [tilespmem:v58+s3+$0x0], $0xffff  }
0x3e9: {  	v60 =	vadd.s32 v23, v50;
	_ =	sdelay $0x1  }
0x3ea: {  	[tilespmem:s20+$0xB5F0] =	vst v26  }
0x3eb: {  	v26 =	vld.idx.msk [tilespmem:v59+s3+$0x0], $0xffff  }
0x3ec: {  	v61 =	vadd.s32 v23, v34;
	[tilespmem:s20+$0xBDF0] =	vst v29  }
0x3ed: {  	v29 =	vld.idx.msk [tilespmem:v60+s3+$0x0], $0xffff  }
0x3ee: {  	v62 =	vadd.s32 v23, v49;
	_ =	sdelay $0x1  }
0x3ef: {  	[tilespmem:s20+$0xB670] =	vst v26  }
0x3f0: {  	v26 =	vld.idx.msk [tilespmem:v61+s3+$0x0], $0xffff  }
0x3f1: {  	v63 =	vadd.s32 v23, v35;
	[tilespmem:s20+$0xBE70] =	vst v29  }
0x3f2: {  	v29 =	vld.idx.msk [tilespmem:v62+s3+$0x0], $0xffff  }
0x3f3: {  	v34 =	vadd.s32 v23, v48;
	_ =	sdelay $0x1  }
0x3f4: {  	[tilespmem:s20+$0xB6F0] =	vst v26  }
0x3f5: {  	v26 =	vld.idx.msk [tilespmem:v63+s3+$0x0], $0xffff  }
0x3f6: {  	v35 =	vadd.s32 v23, v37;
	v37 =	vadd.s32 v23, v47;
	v47 =	vld [tilespmem:s16+$0x10];
	[tilespmem:s20+$0xBEF0] =	vst v29  }
0x3f7: {  	v29 =	vld.idx.msk [tilespmem:v34+s3+$0x0], $0xffff;
	_ =	sdelay $0x2  }
0x3f8: {  	[tilespmem:s20+$0xB770] =	vst v26  }
0x3f9: {  	v26 =	vperm.xlane v47, v0;
	v27 =	vld.idx.msk [tilespmem:v35+s3+$0x0], $0xffff  }
0x3fa: {  	v38 =	vadd.s32 v23, v38;
	[tilespmem:s20+$0xBF70] =	vst v29  }
0x3fb: {  	v49 =	vadd.s32 v14, v26;
	v30 =	vld.idx.msk [tilespmem:v37+s3+$0x0], $0xffff  }
0x3fc: {  	v48 =	vadd.s32 v23, v46;
	_ =	sdelay $0x1  }
0x3fd: {  	[tilespmem:s20+$0xB7F0] =	vst v27  }
0x3fe: {  	v27 =	vperm.xlane v47, v1;
	v29 =	vld.idx.msk [tilespmem:v38+s3+$0x0], $0xffff  }
0x3ff: {  	v50 =	vadd.s32 v23, v36;
	v32 =	vld.idx.msk [tilespmem:v49+s3+$0x0], $0xffff;
	[tilespmem:s20+$0xBFF0] =	vst v30  }
0x400: {  	v52 =	vadd.s32 v14, v27;
	v31 =	vld.idx.msk [tilespmem:v48+s3+$0x0], $0xffff  }
0x401: {  	v51 =	vadd.s32 v23, v45;
	_ =	sdelay $0x1  }
0x402: {  	[tilespmem:s20+$0xB870] =	vst v29  }
0x403: {  	v29 =	vperm.xlane v47, v2;
	[tilespmem:s20+$0xC380] =	vst v32;
	v30 =	vld.idx.msk [tilespmem:v50+s3+$0x0], $0xffff  }
0x404: {  	v53 =	vadd.s32 v23, v33;
	v56 =	vld.idx.msk [tilespmem:v52+s3+$0x0], $0xffff;
	[tilespmem:s20+$0xC070] =	vst v31  }
0x405: {  	v57 =	vadd.s32 v14, v29;
	v54 =	vld.idx.msk [tilespmem:v51+s3+$0x0], $0xffff  }
0x406: {  	v55 =	vadd.s32 v23, v44;
	_ =	sdelay $0x1  }
0x407: {  	[tilespmem:s20+$0xB8F0] =	vst v30  }
0x408: {  	v58 =	vadd.s32 v23, v28;
	v28 =	vperm.xlane v47, v3;
	[tilespmem:s20+$0xC400] =	vst v56;
	v30 =	vld.idx.msk [tilespmem:v53+s3+$0x0], $0xffff  }
0x409: {  	v34 =	vld.idx.msk [tilespmem:v57+s3+$0x0], $0xffff;
	[tilespmem:s20+$0xC0F0] =	vst v54  }
0x40a: {  	v60 =	vadd.s32 v14, v28;
	v32 =	vld.idx.msk [tilespmem:v55+s3+$0x0], $0xffff  }
0x40b: {  	v59 =	vadd.s32 v23, v43;
	_ =	sdelay $0x1  }
0x40c: {  	[tilespmem:s20+$0xB970] =	vst v30  }
0x40d: {  	v61 =	vadd.s32 v23, v25;
	v25 =	vperm.xlane v47, v4;
	[tilespmem:s20+$0xC480] =	vst v34;
	v30 =	vld.idx.msk [tilespmem:v58+s3+$0x0], $0xffff  }
0x40e: {  	v34 =	vld.idx.msk [tilespmem:v60+s3+$0x0], $0xffff;
	[tilespmem:s20+$0xC170] =	vst v32  }
0x40f: {  	v63 =	vadd.s32 v14, v25;
	v32 =	vld.idx.msk [tilespmem:v59+s3+$0x0], $0xffff  }
0x410: {  	v62 =	vadd.s32 v23, v42;
	_ =	sdelay $0x1  }
0x411: {  	[tilespmem:s20+$0xB9F0] =	vst v30  }
0x412: {  	v36 =	vadd.s32 v23, v24;
	v24 =	vperm.xlane v47, v5;
	[tilespmem:s20+$0xC500] =	vst v34;
	v30 =	vld.idx.msk [tilespmem:v61+s3+$0x0], $0xffff  }
0x413: {  	v34 =	vld.idx.msk [tilespmem:v63+s3+$0x0], $0xffff;
	[tilespmem:s20+$0xC1F0] =	vst v32  }
0x414: {  	v38 =	vadd.s32 v14, v24;
	v32 =	vld.idx.msk [tilespmem:v62+s3+$0x0], $0xffff  }
0x415: {  	v37 =	vadd.s32 v23, v41;
	_ =	sdelay $0x1  }
0x416: {  	[tilespmem:s20+$0xBA70] =	vst v30  }
0x417: {  	v30 =	vperm.xlane v47, v6;
	[tilespmem:s20+$0xC580] =	vst v34;
	v31 =	vld.idx.msk [tilespmem:v36+s3+$0x0], $0xffff  }
0x418: {  	v41 =	vadd.s32 v23, v40;
	v35 =	vld.idx.msk [tilespmem:v38+s3+$0x0], $0xffff;
	[tilespmem:s20+$0xC270] =	vst v32  }
0x419: {  	v43 =	vadd.s32 v14, v30;
	v33 =	vld.idx.msk [tilespmem:v37+s3+$0x0], $0xffff  }
0x41a: {  	v42 =	vadd.s32 v23, v39;
	_ =	sdelay $0x1  }
0x41b: {  	[tilespmem:s20+$0xBAF0] =	vst v31  }
0x41c: {  	[tilespmem:s20+$0xC600] =	vst v35;
	v32 =	vld.idx.msk [tilespmem:v41+s3+$0x0], $0xffff  }
0x41d: {  	v31 =	vperm.xlane v47, v7;
	v44 =	vld.idx.msk [tilespmem:v43+s3+$0x0], $0xffff;
	[tilespmem:s20+$0xC2F0] =	vst v33  }
0x41e: {  	v33 =	vld.idx.msk [tilespmem:v42+s3+$0x0], $0xffff  }
0x41f: {  	v45 =	vadd.s32 v14, v31;
	_ =	sdelay $0x1  }
0x420: {  	[tilespmem:s20+$0xBB70] =	vst v32  }
0x421: {  	[tilespmem:s20+$0xC680] =	vst v44  }
0x422: {  	v32 =	vperm.xlane v47, v8;
	[tilespmem:s20+$0xC370] =	vst v33  }
0x423: {  	v34 =	vld.idx.msk [tilespmem:v45+s3+$0x0], $0xffff  }
0x424: {  	v46 =	vadd.s32 v14, v32;
	_ =	sdelay $0x3  }
0x425: {  	v33 =	vperm.xlane v47, v9;
	[tilespmem:s20+$0xC700] =	vst v34  }
0x426: {  	v35 =	vld.idx.msk [tilespmem:v46+s3+$0x0], $0xffff  }
0x427: {  	v48 =	vadd.s32 v14, v33;
	_ =	sdelay $0x3  }
0x428: {  	v34 =	vperm.xlane v47, v10;
	[tilespmem:s20+$0xC780] =	vst v35  }
0x429: {  	v36 =	vld.idx.msk [tilespmem:v48+s3+$0x0], $0xffff  }
0x42a: {  	v49 =	vadd.s32 v14, v34;
	_ =	sdelay $0x3  }
0x42b: {  	v35 =	vperm.xlane v47, v11;
	[tilespmem:s20+$0xC800] =	vst v36  }
0x42c: {  	v37 =	vld.idx.msk [tilespmem:v49+s3+$0x0], $0xffff  }
0x42d: {  	v50 =	vadd.s32 v14, v35;
	_ =	sdelay $0x3  }
0x42e: {  	v36 =	vperm.xlane v47, v12;
	[tilespmem:s20+$0xC880] =	vst v37  }
0x42f: {  	v38 =	vld.idx.msk [tilespmem:v50+s3+$0x0], $0xffff  }
0x430: {  	v51 =	vadd.s32 v14, v36;
	_ =	sdelay $0x3  }
0x431: {  	v37 =	vperm.xlane v47, v13;
	[tilespmem:s20+$0xC900] =	vst v38  }
0x432: {  	v39 =	vld.idx.msk [tilespmem:v51+s3+$0x0], $0xffff  }
0x433: {  	v52 =	vadd.s32 v14, v37;
	_ =	sdelay $0x3  }
0x434: {  	v38 =	vperm.xlane v47, v15;
	[tilespmem:s20+$0xC980] =	vst v39  }
0x435: {  	v40 =	vld.idx.msk [tilespmem:v52+s3+$0x0], $0xffff  }
0x436: {  	v53 =	vadd.s32 v14, v38;
	_ =	sdelay $0x3  }
0x437: {  	v39 =	vperm.xlane v47, v16;
	[tilespmem:s20+$0xCA00] =	vst v40  }
0x438: {  	v40 =	vld.idx.msk [tilespmem:v53+s3+$0x0], $0xffff  }
0x439: {  	v54 =	vadd.s32 v14, v39;
	_ =	sdelay $0x3  }
0x43a: {  	[tilespmem:s20+$0xCA80] =	vst v40  }
0x43b: {  	v40 =	vld.idx.msk [tilespmem:v54+s3+$0x0], $0xffff  }
0x43c: {  	v55 =	vadd.s32 v17, v26;
	_ =	sdelay $0x3  }
0x43d: {  	[tilespmem:s20+$0xCB00] =	vst v40  }
0x43e: {  	v40 =	vld.idx.msk [tilespmem:v55+s3+$0x0], $0xffff  }
0x43f: {  	v56 =	vadd.s32 v17, v27;
	_ =	sdelay $0x3  }
0x440: {  	[tilespmem:s20+$0xC390] =	vst v40  }
0x441: {  	v40 =	vld.idx.msk [tilespmem:v56+s3+$0x0], $0xffff  }
0x442: {  	v57 =	vadd.s32 v17, v29;
	_ =	sdelay $0x3  }
0x443: {  	[tilespmem:s20+$0xC410] =	vst v40  }
0x444: {  	v40 =	vld.idx.msk [tilespmem:v57+s3+$0x0], $0xffff  }
0x445: {  	v58 =	vadd.s32 v17, v28;
	_ =	sdelay $0x3  }
0x446: {  	[tilespmem:s20+$0xC490] =	vst v40  }
0x447: {  	v40 =	vld.idx.msk [tilespmem:v58+s3+$0x0], $0xffff  }
0x448: {  	v59 =	vadd.s32 v17, v25;
	_ =	sdelay $0x3  }
0x449: {  	[tilespmem:s20+$0xC510] =	vst v40  }
0x44a: {  	v40 =	vld.idx.msk [tilespmem:v59+s3+$0x0], $0xffff  }
0x44b: {  	v60 =	vadd.s32 v17, v24;
	_ =	sdelay $0x3  }
0x44c: {  	[tilespmem:s20+$0xC590] =	vst v40  }
0x44d: {  	v40 =	vld.idx.msk [tilespmem:v60+s3+$0x0], $0xffff  }
0x44e: {  	v61 =	vadd.s32 v17, v30;
	_ =	sdelay $0x3  }
0x44f: {  	[tilespmem:s20+$0xC610] =	vst v40  }
0x450: {  	v40 =	vld.idx.msk [tilespmem:v61+s3+$0x0], $0xffff  }
0x451: {  	v62 =	vadd.s32 v17, v31;
	_ =	sdelay $0x3  }
0x452: {  	[tilespmem:s20+$0xC690] =	vst v40  }
0x453: {  	v40 =	vld.idx.msk [tilespmem:v62+s3+$0x0], $0xffff  }
0x454: {  	v63 =	vadd.s32 v17, v32;
	_ =	sdelay $0x3  }
0x455: {  	[tilespmem:s20+$0xC710] =	vst v40  }
0x456: {  	v40 =	vld.idx.msk [tilespmem:v63+s3+$0x0], $0xffff  }
0x457: {  	v44 =	vadd.s32 v17, v33;
	_ =	sdelay $0x3  }
0x458: {  	[tilespmem:s20+$0xC790] =	vst v40  }
0x459: {  	v40 =	vld.idx.msk [tilespmem:v44+s3+$0x0], $0xffff  }
0x45a: {  	v45 =	vadd.s32 v17, v34;
	_ =	sdelay $0x3  }
0x45b: {  	[tilespmem:s20+$0xC810] =	vst v40  }
0x45c: {  	v40 =	vld.idx.msk [tilespmem:v45+s3+$0x0], $0xffff  }
0x45d: {  	v46 =	vadd.s32 v17, v35;
	_ =	sdelay $0x3  }
0x45e: {  	[tilespmem:s20+$0xC890] =	vst v40  }
0x45f: {  	v40 =	vld.idx.msk [tilespmem:v46+s3+$0x0], $0xffff  }
0x460: {  	v47 =	vadd.s32 v17, v36;
	_ =	sdelay $0x3  }
0x461: {  	[tilespmem:s20+$0xC910] =	vst v40  }
0x462: {  	v40 =	vld.idx.msk [tilespmem:v47+s3+$0x0], $0xffff  }
0x463: {  	v48 =	vadd.s32 v17, v37;
	_ =	sdelay $0x3  }
0x464: {  	[tilespmem:s20+$0xC990] =	vst v40  }
0x465: {  	v40 =	vld.idx.msk [tilespmem:v48+s3+$0x0], $0xffff  }
0x466: {  	v49 =	vadd.s32 v17, v38;
	_ =	sdelay $0x3  }
0x467: {  	[tilespmem:s20+$0xCA10] =	vst v40  }
0x468: {  	v40 =	vld.idx.msk [tilespmem:v49+s3+$0x0], $0xffff  }
0x469: {  	v50 =	vadd.s32 v17, v39;
	_ =	sdelay $0x3  }
0x46a: {  	[tilespmem:s20+$0xCA90] =	vst v40  }
0x46b: {  	v40 =	vld.idx.msk [tilespmem:v50+s3+$0x0], $0xffff  }
0x46c: {  	v51 =	vadd.s32 v18, v26;
	_ =	sdelay $0x3  }
0x46d: {  	[tilespmem:s20+$0xCB10] =	vst v40  }
0x46e: {  	v40 =	vld.idx.msk [tilespmem:v51+s3+$0x0], $0xffff  }
0x46f: {  	v52 =	vadd.s32 v18, v27;
	_ =	sdelay $0x3  }
0x470: {  	[tilespmem:s20+$0xC3A0] =	vst v40  }
0x471: {  	v40 =	vld.idx.msk [tilespmem:v52+s3+$0x0], $0xffff  }
0x472: {  	v53 =	vadd.s32 v18, v29;
	_ =	sdelay $0x3  }
0x473: {  	[tilespmem:s20+$0xC420] =	vst v40  }
0x474: {  	v40 =	vld.idx.msk [tilespmem:v53+s3+$0x0], $0xffff  }
0x475: {  	v54 =	vadd.s32 v18, v28;
	_ =	sdelay $0x3  }
0x476: {  	[tilespmem:s20+$0xC4A0] =	vst v40  }
0x477: {  	v40 =	vld.idx.msk [tilespmem:v54+s3+$0x0], $0xffff  }
0x478: {  	v55 =	vadd.s32 v18, v25;
	_ =	sdelay $0x3  }
0x479: {  	[tilespmem:s20+$0xC520] =	vst v40  }
0x47a: {  	v40 =	vld.idx.msk [tilespmem:v55+s3+$0x0], $0xffff  }
0x47b: {  	v56 =	vadd.s32 v18, v24;
	_ =	sdelay $0x3  }
0x47c: {  	[tilespmem:s20+$0xC5A0] =	vst v40  }
0x47d: {  	v40 =	vld.idx.msk [tilespmem:v56+s3+$0x0], $0xffff  }
0x47e: {  	v57 =	vadd.s32 v18, v30;
	_ =	sdelay $0x3  }
0x47f: {  	[tilespmem:s20+$0xC620] =	vst v40  }
0x480: {  	v40 =	vld.idx.msk [tilespmem:v57+s3+$0x0], $0xffff  }
0x481: {  	v58 =	vadd.s32 v18, v31;
	_ =	sdelay $0x3  }
0x482: {  	[tilespmem:s20+$0xC6A0] =	vst v40  }
0x483: {  	v40 =	vld.idx.msk [tilespmem:v58+s3+$0x0], $0xffff  }
0x484: {  	v59 =	vadd.s32 v18, v32;
	_ =	sdelay $0x3  }
0x485: {  	[tilespmem:s20+$0xC720] =	vst v40  }
0x486: {  	v40 =	vld.idx.msk [tilespmem:v59+s3+$0x0], $0xffff  }
0x487: {  	v60 =	vadd.s32 v18, v33;
	_ =	sdelay $0x3  }
0x488: {  	[tilespmem:s20+$0xC7A0] =	vst v40  }
0x489: {  	v40 =	vld.idx.msk [tilespmem:v60+s3+$0x0], $0xffff  }
0x48a: {  	v61 =	vadd.s32 v18, v34;
	_ =	sdelay $0x3  }
0x48b: {  	[tilespmem:s20+$0xC820] =	vst v40  }
0x48c: {  	v40 =	vld.idx.msk [tilespmem:v61+s3+$0x0], $0xffff  }
0x48d: {  	v62 =	vadd.s32 v18, v35;
	_ =	sdelay $0x3  }
0x48e: {  	[tilespmem:s20+$0xC8A0] =	vst v40  }
0x48f: {  	v40 =	vld.idx.msk [tilespmem:v62+s3+$0x0], $0xffff  }
0x490: {  	v63 =	vadd.s32 v18, v36;
	_ =	sdelay $0x3  }
0x491: {  	[tilespmem:s20+$0xC920] =	vst v40  }
0x492: {  	v40 =	vld.idx.msk [tilespmem:v63+s3+$0x0], $0xffff  }
0x493: {  	v44 =	vadd.s32 v18, v37;
	_ =	sdelay $0x3  }
0x494: {  	[tilespmem:s20+$0xC9A0] =	vst v40  }
0x495: {  	v40 =	vld.idx.msk [tilespmem:v44+s3+$0x0], $0xffff  }
0x496: {  	v45 =	vadd.s32 v18, v38;
	_ =	sdelay $0x3  }
0x497: {  	[tilespmem:s20+$0xCA20] =	vst v40  }
0x498: {  	v40 =	vld.idx.msk [tilespmem:v45+s3+$0x0], $0xffff  }
0x499: {  	v46 =	vadd.s32 v18, v39;
	_ =	sdelay $0x3  }
0x49a: {  	[tilespmem:s20+$0xCAA0] =	vst v40  }
0x49b: {  	v40 =	vld.idx.msk [tilespmem:v46+s3+$0x0], $0xffff  }
0x49c: {  	v47 =	vadd.s32 v19, v26;
	_ =	sdelay $0x3  }
0x49d: {  	[tilespmem:s20+$0xCB20] =	vst v40  }
0x49e: {  	v40 =	vld.idx.msk [tilespmem:v47+s3+$0x0], $0xffff  }
0x49f: {  	v48 =	vadd.s32 v19, v27;
	_ =	sdelay $0x3  }
0x4a0: {  	[tilespmem:s20+$0xC3B0] =	vst v40  }
0x4a1: {  	v40 =	vld.idx.msk [tilespmem:v48+s3+$0x0], $0xffff  }
0x4a2: {  	v49 =	vadd.s32 v19, v29;
	_ =	sdelay $0x3  }
0x4a3: {  	[tilespmem:s20+$0xC430] =	vst v40  }
0x4a4: {  	v40 =	vld.idx.msk [tilespmem:v49+s3+$0x0], $0xffff  }
0x4a5: {  	v50 =	vadd.s32 v19, v28;
	_ =	sdelay $0x3  }
0x4a6: {  	[tilespmem:s20+$0xC4B0] =	vst v40  }
0x4a7: {  	v40 =	vld.idx.msk [tilespmem:v50+s3+$0x0], $0xffff  }
0x4a8: {  	v51 =	vadd.s32 v19, v25;
	_ =	sdelay $0x3  }
0x4a9: {  	[tilespmem:s20+$0xC530] =	vst v40  }
0x4aa: {  	v40 =	vld.idx.msk [tilespmem:v51+s3+$0x0], $0xffff  }
0x4ab: {  	v52 =	vadd.s32 v19, v24;
	_ =	sdelay $0x3  }
0x4ac: {  	[tilespmem:s20+$0xC5B0] =	vst v40  }
0x4ad: {  	v40 =	vld.idx.msk [tilespmem:v52+s3+$0x0], $0xffff  }
0x4ae: {  	v53 =	vadd.s32 v19, v30;
	_ =	sdelay $0x3  }
0x4af: {  	[tilespmem:s20+$0xC630] =	vst v40  }
0x4b0: {  	v40 =	vld.idx.msk [tilespmem:v53+s3+$0x0], $0xffff  }
0x4b1: {  	v54 =	vadd.s32 v19, v31;
	_ =	sdelay $0x3  }
0x4b2: {  	[tilespmem:s20+$0xC6B0] =	vst v40  }
0x4b3: {  	v40 =	vld.idx.msk [tilespmem:v54+s3+$0x0], $0xffff  }
0x4b4: {  	v55 =	vadd.s32 v19, v32;
	_ =	sdelay $0x3  }
0x4b5: {  	[tilespmem:s20+$0xC730] =	vst v40  }
0x4b6: {  	v40 =	vld.idx.msk [tilespmem:v55+s3+$0x0], $0xffff  }
0x4b7: {  	v56 =	vadd.s32 v19, v33;
	_ =	sdelay $0x3  }
0x4b8: {  	[tilespmem:s20+$0xC7B0] =	vst v40  }
0x4b9: {  	v40 =	vld.idx.msk [tilespmem:v56+s3+$0x0], $0xffff  }
0x4ba: {  	v57 =	vadd.s32 v19, v34;
	_ =	sdelay $0x3  }
0x4bb: {  	[tilespmem:s20+$0xC830] =	vst v40  }
0x4bc: {  	v40 =	vld.idx.msk [tilespmem:v57+s3+$0x0], $0xffff  }
0x4bd: {  	v58 =	vadd.s32 v19, v35;
	_ =	sdelay $0x3  }
0x4be: {  	[tilespmem:s20+$0xC8B0] =	vst v40  }
0x4bf: {  	v40 =	vld.idx.msk [tilespmem:v58+s3+$0x0], $0xffff  }
0x4c0: {  	v59 =	vadd.s32 v19, v36;
	_ =	sdelay $0x3  }
0x4c1: {  	[tilespmem:s20+$0xC930] =	vst v40  }
0x4c2: {  	v40 =	vld.idx.msk [tilespmem:v59+s3+$0x0], $0xffff  }
0x4c3: {  	v60 =	vadd.s32 v19, v37;
	_ =	sdelay $0x3  }
0x4c4: {  	[tilespmem:s20+$0xC9B0] =	vst v40  }
0x4c5: {  	v40 =	vld.idx.msk [tilespmem:v60+s3+$0x0], $0xffff  }
0x4c6: {  	v61 =	vadd.s32 v19, v38;
	_ =	sdelay $0x3  }
0x4c7: {  	[tilespmem:s20+$0xCA30] =	vst v40  }
0x4c8: {  	v40 =	vld.idx.msk [tilespmem:v61+s3+$0x0], $0xffff  }
0x4c9: {  	v62 =	vadd.s32 v19, v39;
	_ =	sdelay $0x3  }
0x4ca: {  	[tilespmem:s20+$0xCAB0] =	vst v40  }
0x4cb: {  	v40 =	vld.idx.msk [tilespmem:v62+s3+$0x0], $0xffff  }
0x4cc: {  	v63 =	vadd.s32 v20, v26;
	_ =	sdelay $0x3  }
0x4cd: {  	[tilespmem:s20+$0xCB30] =	vst v40  }
0x4ce: {  	v40 =	vld.idx.msk [tilespmem:v63+s3+$0x0], $0xffff  }
0x4cf: {  	v44 =	vadd.s32 v20, v27;
	_ =	sdelay $0x3  }
0x4d0: {  	[tilespmem:s20+$0xC3C0] =	vst v40  }
0x4d1: {  	v40 =	vld.idx.msk [tilespmem:v44+s3+$0x0], $0xffff  }
0x4d2: {  	v45 =	vadd.s32 v20, v29;
	_ =	sdelay $0x3  }
0x4d3: {  	[tilespmem:s20+$0xC440] =	vst v40  }
0x4d4: {  	v40 =	vld.idx.msk [tilespmem:v45+s3+$0x0], $0xffff  }
0x4d5: {  	v46 =	vadd.s32 v20, v28;
	_ =	sdelay $0x3  }
0x4d6: {  	[tilespmem:s20+$0xC4C0] =	vst v40  }
0x4d7: {  	v40 =	vld.idx.msk [tilespmem:v46+s3+$0x0], $0xffff  }
0x4d8: {  	v47 =	vadd.s32 v20, v25;
	_ =	sdelay $0x3  }
0x4d9: {  	[tilespmem:s20+$0xC540] =	vst v40  }
0x4da: {  	v40 =	vld.idx.msk [tilespmem:v47+s3+$0x0], $0xffff  }
0x4db: {  	v48 =	vadd.s32 v20, v24;
	_ =	sdelay $0x3  }
0x4dc: {  	[tilespmem:s20+$0xC5C0] =	vst v40  }
0x4dd: {  	v40 =	vld.idx.msk [tilespmem:v48+s3+$0x0], $0xffff  }
0x4de: {  	v49 =	vadd.s32 v20, v30;
	_ =	sdelay $0x3  }
0x4df: {  	[tilespmem:s20+$0xC640] =	vst v40  }
0x4e0: {  	v40 =	vld.idx.msk [tilespmem:v49+s3+$0x0], $0xffff  }
0x4e1: {  	v50 =	vadd.s32 v20, v31;
	_ =	sdelay $0x3  }
0x4e2: {  	[tilespmem:s20+$0xC6C0] =	vst v40  }
0x4e3: {  	v40 =	vld.idx.msk [tilespmem:v50+s3+$0x0], $0xffff  }
0x4e4: {  	v51 =	vadd.s32 v20, v32;
	_ =	sdelay $0x3  }
0x4e5: {  	[tilespmem:s20+$0xC740] =	vst v40  }
0x4e6: {  	v40 =	vld.idx.msk [tilespmem:v51+s3+$0x0], $0xffff  }
0x4e7: {  	v52 =	vadd.s32 v20, v33;
	_ =	sdelay $0x3  }
0x4e8: {  	[tilespmem:s20+$0xC7C0] =	vst v40  }
0x4e9: {  	v40 =	vld.idx.msk [tilespmem:v52+s3+$0x0], $0xffff  }
0x4ea: {  	v53 =	vadd.s32 v20, v34;
	_ =	sdelay $0x3  }
0x4eb: {  	[tilespmem:s20+$0xC840] =	vst v40  }
0x4ec: {  	v40 =	vld.idx.msk [tilespmem:v53+s3+$0x0], $0xffff  }
0x4ed: {  	v54 =	vadd.s32 v20, v35;
	_ =	sdelay $0x3  }
0x4ee: {  	[tilespmem:s20+$0xC8C0] =	vst v40  }
0x4ef: {  	v40 =	vld.idx.msk [tilespmem:v54+s3+$0x0], $0xffff  }
0x4f0: {  	v55 =	vadd.s32 v20, v36;
	_ =	sdelay $0x3  }
0x4f1: {  	[tilespmem:s20+$0xC940] =	vst v40  }
0x4f2: {  	v40 =	vld.idx.msk [tilespmem:v55+s3+$0x0], $0xffff  }
0x4f3: {  	v56 =	vadd.s32 v20, v37;
	_ =	sdelay $0x3  }
0x4f4: {  	[tilespmem:s20+$0xC9C0] =	vst v40  }
0x4f5: {  	v40 =	vld.idx.msk [tilespmem:v56+s3+$0x0], $0xffff  }
0x4f6: {  	v57 =	vadd.s32 v20, v38;
	_ =	sdelay $0x3  }
0x4f7: {  	[tilespmem:s20+$0xCA40] =	vst v40  }
0x4f8: {  	v40 =	vld.idx.msk [tilespmem:v57+s3+$0x0], $0xffff  }
0x4f9: {  	v58 =	vadd.s32 v20, v39;
	_ =	sdelay $0x3  }
0x4fa: {  	[tilespmem:s20+$0xCAC0] =	vst v40  }
0x4fb: {  	v40 =	vld.idx.msk [tilespmem:v58+s3+$0x0], $0xffff  }
0x4fc: {  	v59 =	vadd.s32 v21, v26;
	_ =	sdelay $0x3  }
0x4fd: {  	[tilespmem:s20+$0xCB40] =	vst v40  }
0x4fe: {  	v40 =	vld.idx.msk [tilespmem:v59+s3+$0x0], $0xffff  }
0x4ff: {  	v60 =	vadd.s32 v21, v27;
	_ =	sdelay $0x3  }
0x500: {  	[tilespmem:s20+$0xC3D0] =	vst v40  }
0x501: {  	v40 =	vld.idx.msk [tilespmem:v60+s3+$0x0], $0xffff  }
0x502: {  	v61 =	vadd.s32 v21, v29;
	_ =	sdelay $0x3  }
0x503: {  	[tilespmem:s20+$0xC450] =	vst v40  }
0x504: {  	v40 =	vld.idx.msk [tilespmem:v61+s3+$0x0], $0xffff  }
0x505: {  	v62 =	vadd.s32 v21, v28;
	_ =	sdelay $0x3  }
0x506: {  	[tilespmem:s20+$0xC4D0] =	vst v40  }
0x507: {  	v40 =	vld.idx.msk [tilespmem:v62+s3+$0x0], $0xffff  }
0x508: {  	v63 =	vadd.s32 v21, v25;
	_ =	sdelay $0x3  }
0x509: {  	[tilespmem:s20+$0xC550] =	vst v40  }
0x50a: {  	v40 =	vld.idx.msk [tilespmem:v63+s3+$0x0], $0xffff  }
0x50b: {  	v44 =	vadd.s32 v21, v24;
	_ =	sdelay $0x3  }
0x50c: {  	[tilespmem:s20+$0xC5D0] =	vst v40  }
0x50d: {  	v40 =	vld.idx.msk [tilespmem:v44+s3+$0x0], $0xffff  }
0x50e: {  	v45 =	vadd.s32 v21, v30;
	_ =	sdelay $0x3  }
0x50f: {  	[tilespmem:s20+$0xC650] =	vst v40  }
0x510: {  	v40 =	vld.idx.msk [tilespmem:v45+s3+$0x0], $0xffff  }
0x511: {  	v46 =	vadd.s32 v21, v31;
	_ =	sdelay $0x3  }
0x512: {  	[tilespmem:s20+$0xC6D0] =	vst v40  }
0x513: {  	v40 =	vld.idx.msk [tilespmem:v46+s3+$0x0], $0xffff  }
0x514: {  	v47 =	vadd.s32 v21, v32;
	_ =	sdelay $0x3  }
0x515: {  	[tilespmem:s20+$0xC750] =	vst v40  }
0x516: {  	v40 =	vld.idx.msk [tilespmem:v47+s3+$0x0], $0xffff  }
0x517: {  	v48 =	vadd.s32 v21, v33;
	_ =	sdelay $0x3  }
0x518: {  	[tilespmem:s20+$0xC7D0] =	vst v40  }
0x519: {  	v40 =	vld.idx.msk [tilespmem:v48+s3+$0x0], $0xffff  }
0x51a: {  	v49 =	vadd.s32 v21, v34;
	_ =	sdelay $0x3  }
0x51b: {  	[tilespmem:s20+$0xC850] =	vst v40  }
0x51c: {  	v40 =	vld.idx.msk [tilespmem:v49+s3+$0x0], $0xffff  }
0x51d: {  	v50 =	vadd.s32 v21, v35;
	_ =	sdelay $0x3  }
0x51e: {  	[tilespmem:s20+$0xC8D0] =	vst v40  }
0x51f: {  	v40 =	vld.idx.msk [tilespmem:v50+s3+$0x0], $0xffff  }
0x520: {  	v51 =	vadd.s32 v21, v36;
	_ =	sdelay $0x3  }
0x521: {  	[tilespmem:s20+$0xC950] =	vst v40  }
0x522: {  	v40 =	vld.idx.msk [tilespmem:v51+s3+$0x0], $0xffff  }
0x523: {  	v52 =	vadd.s32 v21, v37;
	_ =	sdelay $0x3  }
0x524: {  	[tilespmem:s20+$0xC9D0] =	vst v40  }
0x525: {  	v40 =	vld.idx.msk [tilespmem:v52+s3+$0x0], $0xffff  }
0x526: {  	v53 =	vadd.s32 v21, v38;
	_ =	sdelay $0x3  }
0x527: {  	[tilespmem:s20+$0xCA50] =	vst v40  }
0x528: {  	v40 =	vld.idx.msk [tilespmem:v53+s3+$0x0], $0xffff  }
0x529: {  	v54 =	vadd.s32 v21, v39;
	_ =	sdelay $0x3  }
0x52a: {  	[tilespmem:s20+$0xCAD0] =	vst v40  }
0x52b: {  	v40 =	vld.idx.msk [tilespmem:v54+s3+$0x0], $0xffff  }
0x52c: {  	v55 =	vadd.s32 v22, v26;
	_ =	sdelay $0x3  }
0x52d: {  	[tilespmem:s20+$0xCB50] =	vst v40  }
0x52e: {  	v40 =	vld.idx.msk [tilespmem:v55+s3+$0x0], $0xffff  }
0x52f: {  	v56 =	vadd.s32 v22, v27;
	_ =	sdelay $0x3  }
0x530: {  	[tilespmem:s20+$0xC3E0] =	vst v40  }
0x531: {  	v40 =	vld.idx.msk [tilespmem:v56+s3+$0x0], $0xffff  }
0x532: {  	v57 =	vadd.s32 v22, v29;
	_ =	sdelay $0x3  }
0x533: {  	[tilespmem:s20+$0xC460] =	vst v40  }
0x534: {  	v40 =	vld.idx.msk [tilespmem:v57+s3+$0x0], $0xffff  }
0x535: {  	v58 =	vadd.s32 v22, v28;
	_ =	sdelay $0x3  }
0x536: {  	[tilespmem:s20+$0xC4E0] =	vst v40  }
0x537: {  	v40 =	vld.idx.msk [tilespmem:v58+s3+$0x0], $0xffff  }
0x538: {  	v59 =	vadd.s32 v22, v25;
	_ =	sdelay $0x3  }
0x539: {  	[tilespmem:s20+$0xC560] =	vst v40  }
0x53a: {  	v40 =	vld.idx.msk [tilespmem:v59+s3+$0x0], $0xffff  }
0x53b: {  	v60 =	vadd.s32 v22, v24;
	_ =	sdelay $0x3  }
0x53c: {  	[tilespmem:s20+$0xC5E0] =	vst v40  }
0x53d: {  	v40 =	vld.idx.msk [tilespmem:v60+s3+$0x0], $0xffff  }
0x53e: {  	v61 =	vadd.s32 v22, v30;
	_ =	sdelay $0x3  }
0x53f: {  	[tilespmem:s20+$0xC660] =	vst v40  }
0x540: {  	v40 =	vld.idx.msk [tilespmem:v61+s3+$0x0], $0xffff  }
0x541: {  	v62 =	vadd.s32 v22, v31;
	_ =	sdelay $0x3  }
0x542: {  	[tilespmem:s20+$0xC6E0] =	vst v40  }
0x543: {  	v40 =	vld.idx.msk [tilespmem:v62+s3+$0x0], $0xffff  }
0x544: {  	v63 =	vadd.s32 v22, v32;
	_ =	sdelay $0x3  }
0x545: {  	[tilespmem:s20+$0xC760] =	vst v40  }
0x546: {  	v40 =	vld.idx.msk [tilespmem:v63+s3+$0x0], $0xffff  }
0x547: {  	v44 =	vadd.s32 v22, v33;
	_ =	sdelay $0x3  }
0x548: {  	[tilespmem:s20+$0xC7E0] =	vst v40  }
0x549: {  	v40 =	vld.idx.msk [tilespmem:v44+s3+$0x0], $0xffff  }
0x54a: {  	v45 =	vadd.s32 v22, v34;
	_ =	sdelay $0x3  }
0x54b: {  	[tilespmem:s20+$0xC860] =	vst v40  }
0x54c: {  	v40 =	vld.idx.msk [tilespmem:v45+s3+$0x0], $0xffff  }
0x54d: {  	v46 =	vadd.s32 v22, v35;
	_ =	sdelay $0x3  }
0x54e: {  	[tilespmem:s20+$0xC8E0] =	vst v40  }
0x54f: {  	v40 =	vld.idx.msk [tilespmem:v46+s3+$0x0], $0xffff  }
0x550: {  	v47 =	vadd.s32 v22, v36;
	_ =	sdelay $0x3  }
0x551: {  	[tilespmem:s20+$0xC960] =	vst v40  }
0x552: {  	v40 =	vld.idx.msk [tilespmem:v47+s3+$0x0], $0xffff  }
0x553: {  	v48 =	vadd.s32 v22, v37;
	_ =	sdelay $0x3  }
0x554: {  	[tilespmem:s20+$0xC9E0] =	vst v40  }
0x555: {  	v40 =	vld.idx.msk [tilespmem:v48+s3+$0x0], $0xffff  }
0x556: {  	v49 =	vadd.s32 v22, v38;
	_ =	sdelay $0x3  }
0x557: {  	[tilespmem:s20+$0xCA60] =	vst v40  }
0x558: {  	v40 =	vld.idx.msk [tilespmem:v49+s3+$0x0], $0xffff  }
0x559: {  	v50 =	vadd.s32 v22, v39;
	_ =	sdelay $0x3  }
0x55a: {  	[tilespmem:s20+$0xCAE0] =	vst v40  }
0x55b: {  	v40 =	vld.idx.msk [tilespmem:v50+s3+$0x0], $0xffff  }
0x55c: {  	v26 =	vadd.s32 v23, v26;
	_ =	sdelay $0x3  }
0x55d: {  	[tilespmem:s20+$0xCB60] =	vst v40  }
0x55e: {  	v26 =	vld.idx.msk [tilespmem:v26+s3+$0x0], $0xffff  }
0x55f: {  	v27 =	vadd.s32 v23, v27;
	_ =	sdelay $0x3  }
0x560: {  	[tilespmem:s20+$0xC3F0] =	vst v26  }
0x561: {  	v26 =	vld.idx.msk [tilespmem:v27+s3+$0x0], $0xffff  }
0x562: {  	v51 =	vadd.s32 v23, v29;
	_ =	sdelay $0x3  }
0x563: {  	[tilespmem:s20+$0xC470] =	vst v26  }
0x564: {  	v26 =	vld.idx.msk [tilespmem:v51+s3+$0x0], $0xffff  }
0x565: {  	v52 =	vadd.s32 v23, v28;
	_ =	sdelay $0x3  }
0x566: {  	[tilespmem:s20+$0xC4F0] =	vst v26  }
0x567: {  	v26 =	vld.idx.msk [tilespmem:v52+s3+$0x0], $0xffff  }
0x568: {  	v25 =	vadd.s32 v23, v25;
	_ =	sdelay $0x3  }
0x569: {  	[tilespmem:s20+$0xC570] =	vst v26  }
0x56a: {  	v25 =	vld.idx.msk [tilespmem:v25+s3+$0x0], $0xffff  }
0x56b: {  	v24 =	vadd.s32 v23, v24;
	_ =	sdelay $0x3  }
0x56c: {  	[tilespmem:s20+$0xC5F0] =	vst v25  }
0x56d: {  	v24 =	vld.idx.msk [tilespmem:v24+s3+$0x0], $0xffff  }
0x56e: {  	v53 =	vadd.s32 v23, v30;
	_ =	sdelay $0x3  }
0x56f: {  	[tilespmem:s20+$0xC670] =	vst v24  }
0x570: {  	v24 =	vld.idx.msk [tilespmem:v53+s3+$0x0], $0xffff  }
0x571: {  	v54 =	vadd.s32 v23, v31;
	_ =	sdelay $0x3  }
0x572: {  	[tilespmem:s20+$0xC6F0] =	vst v24  }
0x573: {  	v24 =	vld.idx.msk [tilespmem:v54+s3+$0x0], $0xffff  }
0x574: {  	v55 =	vadd.s32 v23, v32;
	_ =	sdelay $0x3  }
0x575: {  	[tilespmem:s20+$0xC770] =	vst v24  }
0x576: {  	v24 =	vld.idx.msk [tilespmem:v55+s3+$0x0], $0xffff  }
0x577: {  	v56 =	vadd.s32 v23, v33;
	_ =	sdelay $0x3  }
0x578: {  	[tilespmem:s20+$0xC7F0] =	vst v24  }
0x579: {  	v24 =	vld.idx.msk [tilespmem:v56+s3+$0x0], $0xffff  }
0x57a: {  	v57 =	vadd.s32 v23, v34;
	_ =	sdelay $0x3  }
0x57b: {  	[tilespmem:s20+$0xC870] =	vst v24  }
0x57c: {  	v24 =	vld.idx.msk [tilespmem:v57+s3+$0x0], $0xffff  }
0x57d: {  	v58 =	vadd.s32 v23, v35;
	_ =	sdelay $0x3  }
0x57e: {  	[tilespmem:s20+$0xC8F0] =	vst v24  }
0x57f: {  	v24 =	vld.idx.msk [tilespmem:v58+s3+$0x0], $0xffff  }
0x580: {  	v59 =	vadd.s32 v23, v36;
	_ =	sdelay $0x3  }
0x581: {  	[tilespmem:s20+$0xC970] =	vst v24  }
0x582: {  	v24 =	vld.idx.msk [tilespmem:v59+s3+$0x0], $0xffff  }
0x583: {  	v60 =	vadd.s32 v23, v37;
	_ =	sdelay $0x3  }
0x584: {  	[tilespmem:s20+$0xC9F0] =	vst v24  }
0x585: {  	v24 =	vld.idx.msk [tilespmem:v60+s3+$0x0], $0xffff  }
0x586: {  	v61 =	vadd.s32 v23, v38;
	_ =	sdelay $0x3  }
0x587: {  	[tilespmem:s20+$0xCA70] =	vst v24  }
0x588: {  	v24 =	vld.idx.msk [tilespmem:v61+s3+$0x0], $0xffff  }
0x589: {  	v62 =	vadd.s32 v23, v39;
	_ =	sdelay $0x3  }
0x58a: {  	[tilespmem:s20+$0xCAF0] =	vst v24  }
0x58b: {  	v24 =	vld.idx.msk [tilespmem:v62+s3+$0x0], $0xffff;
	_ =	sdelay $0x4  }
0x58c: {  	[tilespmem:s20+$0xCB70] =	vst v24  }
0x58d: {  	v63 =	vld [tilespmem:s16+$0x20];
	_ =	sdelay $0x4  }
0x58e: {  	v26 =	vperm.xlane v63, v0;
	_ =	sdelay $0x1  }
0x58f: {  	v37 =	vadd.s32 v14, v26;
	_ =	sdelay $0x3  }
0x590: {  	v24 =	vperm.xlane v63, v1  }
0x591: {  	v38 =	vld.idx.msk [tilespmem:v37+s3+$0x0], $0xffff  }
0x592: {  	v40 =	vadd.s32 v14, v24;
	_ =	sdelay $0x3  }
0x593: {  	v25 =	vperm.xlane v63, v2;
	[tilespmem:s20+$0xCB80] =	vst v38  }
0x594: {  	v28 =	vld.idx.msk [tilespmem:v40+s3+$0x0], $0xffff  }
0x595: {  	v41 =	vadd.s32 v14, v25;
	_ =	sdelay $0x3  }
0x596: {  	v27 =	vperm.xlane v63, v3;
	[tilespmem:s20+$0xCC00] =	vst v28  }
0x597: {  	v29 =	vld.idx.msk [tilespmem:v41+s3+$0x0], $0xffff  }
0x598: {  	v42 =	vadd.s32 v14, v27;
	_ =	sdelay $0x3  }
0x599: {  	v28 =	vperm.xlane v63, v4;
	[tilespmem:s20+$0xCC80] =	vst v29  }
0x59a: {  	v30 =	vld.idx.msk [tilespmem:v42+s3+$0x0], $0xffff  }
0x59b: {  	v43 =	vadd.s32 v14, v28;
	_ =	sdelay $0x3  }
0x59c: {  	v29 =	vperm.xlane v63, v5;
	[tilespmem:s20+$0xCD00] =	vst v30  }
0x59d: {  	v31 =	vld.idx.msk [tilespmem:v43+s3+$0x0], $0xffff  }
0x59e: {  	v44 =	vadd.s32 v14, v29;
	_ =	sdelay $0x3  }
0x59f: {  	v30 =	vperm.xlane v63, v6;
	[tilespmem:s20+$0xCD80] =	vst v31  }
0x5a0: {  	v32 =	vld.idx.msk [tilespmem:v44+s3+$0x0], $0xffff  }
0x5a1: {  	v45 =	vadd.s32 v14, v30;
	_ =	sdelay $0x3  }
0x5a2: {  	v31 =	vperm.xlane v63, v7;
	[tilespmem:s20+$0xCE00] =	vst v32  }
0x5a3: {  	v33 =	vld.idx.msk [tilespmem:v45+s3+$0x0], $0xffff  }
0x5a4: {  	v46 =	vadd.s32 v14, v31;
	_ =	sdelay $0x3  }
0x5a5: {  	v32 =	vperm.xlane v63, v8;
	[tilespmem:s20+$0xCE80] =	vst v33  }
0x5a6: {  	v34 =	vld.idx.msk [tilespmem:v46+s3+$0x0], $0xffff  }
0x5a7: {  	v47 =	vadd.s32 v14, v32;
	_ =	sdelay $0x3  }
0x5a8: {  	v33 =	vperm.xlane v63, v9;
	[tilespmem:s20+$0xCF00] =	vst v34  }
0x5a9: {  	v35 =	vld.idx.msk [tilespmem:v47+s3+$0x0], $0xffff  }
0x5aa: {  	v48 =	vadd.s32 v14, v33;
	_ =	sdelay $0x3  }
0x5ab: {  	v34 =	vperm.xlane v63, v10;
	[tilespmem:s20+$0xCF80] =	vst v35  }
0x5ac: {  	v36 =	vld.idx.msk [tilespmem:v48+s3+$0x0], $0xffff  }
0x5ad: {  	v49 =	vadd.s32 v14, v34;
	_ =	sdelay $0x3  }
0x5ae: {  	v35 =	vperm.xlane v63, v11;
	[tilespmem:s20+$0xD000] =	vst v36  }
0x5af: {  	v37 =	vld.idx.msk [tilespmem:v49+s3+$0x0], $0xffff  }
0x5b0: {  	v50 =	vadd.s32 v14, v35;
	_ =	sdelay $0x3  }
0x5b1: {  	v36 =	vperm.xlane v63, v12;
	[tilespmem:s20+$0xD080] =	vst v37  }
0x5b2: {  	v38 =	vld.idx.msk [tilespmem:v50+s3+$0x0], $0xffff  }
0x5b3: {  	v51 =	vadd.s32 v14, v36;
	_ =	sdelay $0x3  }
0x5b4: {  	v37 =	vperm.xlane v63, v13;
	[tilespmem:s20+$0xD100] =	vst v38  }
0x5b5: {  	v40 =	vld.idx.msk [tilespmem:v51+s3+$0x0], $0xffff  }
0x5b6: {  	v52 =	vadd.s32 v14, v37;
	_ =	sdelay $0x3  }
0x5b7: {  	v38 =	vperm.xlane v63, v15;
	[tilespmem:s20+$0xD180] =	vst v40  }
0x5b8: {  	v40 =	vld.idx.msk [tilespmem:v52+s3+$0x0], $0xffff  }
0x5b9: {  	v53 =	vadd.s32 v14, v38;
	_ =	sdelay $0x3  }
0x5ba: {  	v39 =	vperm.xlane v63, v16;
	[tilespmem:s20+$0xD200] =	vst v40  }
0x5bb: {  	v40 =	vld.idx.msk [tilespmem:v53+s3+$0x0], $0xffff  }
0x5bc: {  	v54 =	vadd.s32 v14, v39;
	_ =	sdelay $0x3  }
0x5bd: {  	[tilespmem:s20+$0xD280] =	vst v40  }
0x5be: {  	v40 =	vld.idx.msk [tilespmem:v54+s3+$0x0], $0xffff  }
0x5bf: {  	v55 =	vadd.s32 v17, v26;
	_ =	sdelay $0x3  }
0x5c0: {  	[tilespmem:s20+$0xD300] =	vst v40  }
0x5c1: {  	v40 =	vld.idx.msk [tilespmem:v55+s3+$0x0], $0xffff  }
0x5c2: {  	v56 =	vadd.s32 v17, v24;
	_ =	sdelay $0x3  }
0x5c3: {  	[tilespmem:s20+$0xCB90] =	vst v40  }
0x5c4: {  	v40 =	vld.idx.msk [tilespmem:v56+s3+$0x0], $0xffff  }
0x5c5: {  	v57 =	vadd.s32 v17, v25;
	_ =	sdelay $0x3  }
0x5c6: {  	[tilespmem:s20+$0xCC10] =	vst v40  }
0x5c7: {  	v40 =	vld.idx.msk [tilespmem:v57+s3+$0x0], $0xffff  }
0x5c8: {  	v58 =	vadd.s32 v17, v27;
	_ =	sdelay $0x3  }
0x5c9: {  	[tilespmem:s20+$0xCC90] =	vst v40  }
0x5ca: {  	v40 =	vld.idx.msk [tilespmem:v58+s3+$0x0], $0xffff  }
0x5cb: {  	v59 =	vadd.s32 v17, v28;
	_ =	sdelay $0x3  }
0x5cc: {  	[tilespmem:s20+$0xCD10] =	vst v40  }
0x5cd: {  	v40 =	vld.idx.msk [tilespmem:v59+s3+$0x0], $0xffff  }
0x5ce: {  	v60 =	vadd.s32 v17, v29;
	_ =	sdelay $0x3  }
0x5cf: {  	[tilespmem:s20+$0xCD90] =	vst v40  }
0x5d0: {  	v40 =	vld.idx.msk [tilespmem:v60+s3+$0x0], $0xffff  }
0x5d1: {  	v61 =	vadd.s32 v17, v30;
	_ =	sdelay $0x3  }
0x5d2: {  	[tilespmem:s20+$0xCE10] =	vst v40  }
0x5d3: {  	v40 =	vld.idx.msk [tilespmem:v61+s3+$0x0], $0xffff  }
0x5d4: {  	v62 =	vadd.s32 v17, v31;
	_ =	sdelay $0x3  }
0x5d5: {  	[tilespmem:s20+$0xCE90] =	vst v40  }
0x5d6: {  	v40 =	vld.idx.msk [tilespmem:v62+s3+$0x0], $0xffff  }
0x5d7: {  	v63 =	vadd.s32 v17, v32;
	_ =	sdelay $0x3  }
0x5d8: {  	[tilespmem:s20+$0xCF10] =	vst v40  }
0x5d9: {  	v40 =	vld.idx.msk [tilespmem:v63+s3+$0x0], $0xffff  }
0x5da: {  	v44 =	vadd.s32 v17, v33;
	_ =	sdelay $0x3  }
0x5db: {  	[tilespmem:s20+$0xCF90] =	vst v40  }
0x5dc: {  	v40 =	vld.idx.msk [tilespmem:v44+s3+$0x0], $0xffff  }
0x5dd: {  	v45 =	vadd.s32 v17, v34;
	_ =	sdelay $0x3  }
0x5de: {  	[tilespmem:s20+$0xD010] =	vst v40  }
0x5df: {  	v40 =	vld.idx.msk [tilespmem:v45+s3+$0x0], $0xffff  }
0x5e0: {  	v46 =	vadd.s32 v17, v35;
	_ =	sdelay $0x3  }
0x5e1: {  	[tilespmem:s20+$0xD090] =	vst v40  }
0x5e2: {  	v40 =	vld.idx.msk [tilespmem:v46+s3+$0x0], $0xffff  }
0x5e3: {  	v47 =	vadd.s32 v17, v36;
	_ =	sdelay $0x3  }
0x5e4: {  	[tilespmem:s20+$0xD110] =	vst v40  }
0x5e5: {  	v40 =	vld.idx.msk [tilespmem:v47+s3+$0x0], $0xffff  }
0x5e6: {  	v48 =	vadd.s32 v17, v37;
	_ =	sdelay $0x3  }
0x5e7: {  	[tilespmem:s20+$0xD190] =	vst v40  }
0x5e8: {  	v40 =	vld.idx.msk [tilespmem:v48+s3+$0x0], $0xffff  }
0x5e9: {  	v49 =	vadd.s32 v17, v38;
	_ =	sdelay $0x3  }
0x5ea: {  	[tilespmem:s20+$0xD210] =	vst v40  }
0x5eb: {  	v40 =	vld.idx.msk [tilespmem:v49+s3+$0x0], $0xffff  }
0x5ec: {  	v50 =	vadd.s32 v17, v39;
	_ =	sdelay $0x3  }
0x5ed: {  	[tilespmem:s20+$0xD290] =	vst v40  }
0x5ee: {  	v40 =	vld.idx.msk [tilespmem:v50+s3+$0x0], $0xffff  }
0x5ef: {  	v51 =	vadd.s32 v18, v26;
	_ =	sdelay $0x3  }
0x5f0: {  	[tilespmem:s20+$0xD310] =	vst v40  }
0x5f1: {  	v40 =	vld.idx.msk [tilespmem:v51+s3+$0x0], $0xffff  }
0x5f2: {  	v52 =	vadd.s32 v18, v24;
	_ =	sdelay $0x3  }
0x5f3: {  	[tilespmem:s20+$0xCBA0] =	vst v40  }
0x5f4: {  	v40 =	vld.idx.msk [tilespmem:v52+s3+$0x0], $0xffff  }
0x5f5: {  	v53 =	vadd.s32 v18, v25;
	_ =	sdelay $0x3  }
0x5f6: {  	[tilespmem:s20+$0xCC20] =	vst v40  }
0x5f7: {  	v40 =	vld.idx.msk [tilespmem:v53+s3+$0x0], $0xffff  }
0x5f8: {  	v54 =	vadd.s32 v18, v27;
	_ =	sdelay $0x3  }
0x5f9: {  	[tilespmem:s20+$0xCCA0] =	vst v40  }
0x5fa: {  	v40 =	vld.idx.msk [tilespmem:v54+s3+$0x0], $0xffff  }
0x5fb: {  	v55 =	vadd.s32 v18, v28;
	_ =	sdelay $0x3  }
0x5fc: {  	[tilespmem:s20+$0xCD20] =	vst v40  }
0x5fd: {  	v40 =	vld.idx.msk [tilespmem:v55+s3+$0x0], $0xffff  }
0x5fe: {  	v56 =	vadd.s32 v18, v29;
	_ =	sdelay $0x3  }
0x5ff: {  	[tilespmem:s20+$0xCDA0] =	vst v40  }
0x600: {  	v40 =	vld.idx.msk [tilespmem:v56+s3+$0x0], $0xffff  }
0x601: {  	v57 =	vadd.s32 v18, v30;
	_ =	sdelay $0x3  }
0x602: {  	[tilespmem:s20+$0xCE20] =	vst v40  }
0x603: {  	v40 =	vld.idx.msk [tilespmem:v57+s3+$0x0], $0xffff  }
0x604: {  	v58 =	vadd.s32 v18, v31;
	_ =	sdelay $0x3  }
0x605: {  	[tilespmem:s20+$0xCEA0] =	vst v40  }
0x606: {  	v40 =	vld.idx.msk [tilespmem:v58+s3+$0x0], $0xffff  }
0x607: {  	v59 =	vadd.s32 v18, v32;
	_ =	sdelay $0x3  }
0x608: {  	[tilespmem:s20+$0xCF20] =	vst v40  }
0x609: {  	v40 =	vld.idx.msk [tilespmem:v59+s3+$0x0], $0xffff  }
0x60a: {  	v60 =	vadd.s32 v18, v33;
	_ =	sdelay $0x3  }
0x60b: {  	[tilespmem:s20+$0xCFA0] =	vst v40  }
0x60c: {  	v40 =	vld.idx.msk [tilespmem:v60+s3+$0x0], $0xffff  }
0x60d: {  	v61 =	vadd.s32 v18, v34;
	_ =	sdelay $0x3  }
0x60e: {  	[tilespmem:s20+$0xD020] =	vst v40  }
0x60f: {  	v40 =	vld.idx.msk [tilespmem:v61+s3+$0x0], $0xffff  }
0x610: {  	v62 =	vadd.s32 v18, v35;
	_ =	sdelay $0x3  }
0x611: {  	[tilespmem:s20+$0xD0A0] =	vst v40  }
0x612: {  	v40 =	vld.idx.msk [tilespmem:v62+s3+$0x0], $0xffff  }
0x613: {  	v63 =	vadd.s32 v18, v36;
	_ =	sdelay $0x3  }
0x614: {  	[tilespmem:s20+$0xD120] =	vst v40  }
0x615: {  	v40 =	vld.idx.msk [tilespmem:v63+s3+$0x0], $0xffff  }
0x616: {  	v44 =	vadd.s32 v18, v37;
	_ =	sdelay $0x3  }
0x617: {  	[tilespmem:s20+$0xD1A0] =	vst v40  }
0x618: {  	v40 =	vld.idx.msk [tilespmem:v44+s3+$0x0], $0xffff  }
0x619: {  	v45 =	vadd.s32 v18, v38;
	_ =	sdelay $0x3  }
0x61a: {  	[tilespmem:s20+$0xD220] =	vst v40  }
0x61b: {  	v40 =	vld.idx.msk [tilespmem:v45+s3+$0x0], $0xffff  }
0x61c: {  	v46 =	vadd.s32 v18, v39;
	_ =	sdelay $0x3  }
0x61d: {  	[tilespmem:s20+$0xD2A0] =	vst v40  }
0x61e: {  	v40 =	vld.idx.msk [tilespmem:v46+s3+$0x0], $0xffff  }
0x61f: {  	v47 =	vadd.s32 v19, v26;
	_ =	sdelay $0x3  }
0x620: {  	[tilespmem:s20+$0xD320] =	vst v40  }
0x621: {  	v40 =	vld.idx.msk [tilespmem:v47+s3+$0x0], $0xffff  }
0x622: {  	v48 =	vadd.s32 v19, v24;
	_ =	sdelay $0x3  }
0x623: {  	[tilespmem:s20+$0xCBB0] =	vst v40  }
0x624: {  	v40 =	vld.idx.msk [tilespmem:v48+s3+$0x0], $0xffff  }
0x625: {  	v49 =	vadd.s32 v19, v25;
	_ =	sdelay $0x3  }
0x626: {  	[tilespmem:s20+$0xCC30] =	vst v40  }
0x627: {  	v40 =	vld.idx.msk [tilespmem:v49+s3+$0x0], $0xffff  }
0x628: {  	v50 =	vadd.s32 v19, v27;
	_ =	sdelay $0x3  }
0x629: {  	[tilespmem:s20+$0xCCB0] =	vst v40  }
0x62a: {  	v40 =	vld.idx.msk [tilespmem:v50+s3+$0x0], $0xffff  }
0x62b: {  	v51 =	vadd.s32 v19, v28;
	_ =	sdelay $0x3  }
0x62c: {  	[tilespmem:s20+$0xCD30] =	vst v40  }
0x62d: {  	v40 =	vld.idx.msk [tilespmem:v51+s3+$0x0], $0xffff  }
0x62e: {  	v52 =	vadd.s32 v19, v29;
	_ =	sdelay $0x3  }
0x62f: {  	[tilespmem:s20+$0xCDB0] =	vst v40  }
0x630: {  	v40 =	vld.idx.msk [tilespmem:v52+s3+$0x0], $0xffff  }
0x631: {  	v53 =	vadd.s32 v19, v30;
	_ =	sdelay $0x3  }
0x632: {  	[tilespmem:s20+$0xCE30] =	vst v40  }
0x633: {  	v40 =	vld.idx.msk [tilespmem:v53+s3+$0x0], $0xffff  }
0x634: {  	v54 =	vadd.s32 v19, v31;
	_ =	sdelay $0x3  }
0x635: {  	[tilespmem:s20+$0xCEB0] =	vst v40  }
0x636: {  	v40 =	vld.idx.msk [tilespmem:v54+s3+$0x0], $0xffff  }
0x637: {  	v55 =	vadd.s32 v19, v32;
	_ =	sdelay $0x3  }
0x638: {  	[tilespmem:s20+$0xCF30] =	vst v40  }
0x639: {  	v40 =	vld.idx.msk [tilespmem:v55+s3+$0x0], $0xffff  }
0x63a: {  	v56 =	vadd.s32 v19, v33;
	_ =	sdelay $0x3  }
0x63b: {  	[tilespmem:s20+$0xCFB0] =	vst v40  }
0x63c: {  	v40 =	vld.idx.msk [tilespmem:v56+s3+$0x0], $0xffff  }
0x63d: {  	v57 =	vadd.s32 v19, v34;
	_ =	sdelay $0x3  }
0x63e: {  	[tilespmem:s20+$0xD030] =	vst v40  }
0x63f: {  	v40 =	vld.idx.msk [tilespmem:v57+s3+$0x0], $0xffff  }
0x640: {  	v58 =	vadd.s32 v19, v35;
	_ =	sdelay $0x3  }
0x641: {  	[tilespmem:s20+$0xD0B0] =	vst v40  }
0x642: {  	v40 =	vld.idx.msk [tilespmem:v58+s3+$0x0], $0xffff  }
0x643: {  	v59 =	vadd.s32 v19, v36;
	_ =	sdelay $0x3  }
0x644: {  	[tilespmem:s20+$0xD130] =	vst v40  }
0x645: {  	v40 =	vld.idx.msk [tilespmem:v59+s3+$0x0], $0xffff  }
0x646: {  	v60 =	vadd.s32 v19, v37;
	_ =	sdelay $0x3  }
0x647: {  	[tilespmem:s20+$0xD1B0] =	vst v40  }
0x648: {  	v40 =	vld.idx.msk [tilespmem:v60+s3+$0x0], $0xffff  }
0x649: {  	v61 =	vadd.s32 v19, v38;
	_ =	sdelay $0x3  }
0x64a: {  	[tilespmem:s20+$0xD230] =	vst v40  }
0x64b: {  	v40 =	vld.idx.msk [tilespmem:v61+s3+$0x0], $0xffff  }
0x64c: {  	v62 =	vadd.s32 v19, v39;
	_ =	sdelay $0x3  }
0x64d: {  	[tilespmem:s20+$0xD2B0] =	vst v40  }
0x64e: {  	v40 =	vld.idx.msk [tilespmem:v62+s3+$0x0], $0xffff  }
0x64f: {  	v63 =	vadd.s32 v20, v26;
	_ =	sdelay $0x3  }
0x650: {  	[tilespmem:s20+$0xD330] =	vst v40  }
0x651: {  	v40 =	vld.idx.msk [tilespmem:v63+s3+$0x0], $0xffff  }
0x652: {  	v44 =	vadd.s32 v20, v24;
	_ =	sdelay $0x3  }
0x653: {  	[tilespmem:s20+$0xCBC0] =	vst v40  }
0x654: {  	v40 =	vld.idx.msk [tilespmem:v44+s3+$0x0], $0xffff  }
0x655: {  	v45 =	vadd.s32 v20, v25;
	_ =	sdelay $0x3  }
0x656: {  	[tilespmem:s20+$0xCC40] =	vst v40  }
0x657: {  	v40 =	vld.idx.msk [tilespmem:v45+s3+$0x0], $0xffff  }
0x658: {  	v46 =	vadd.s32 v20, v27;
	_ =	sdelay $0x3  }
0x659: {  	[tilespmem:s20+$0xCCC0] =	vst v40  }
0x65a: {  	v40 =	vld.idx.msk [tilespmem:v46+s3+$0x0], $0xffff  }
0x65b: {  	v47 =	vadd.s32 v20, v28;
	_ =	sdelay $0x3  }
0x65c: {  	[tilespmem:s20+$0xCD40] =	vst v40  }
0x65d: {  	v40 =	vld.idx.msk [tilespmem:v47+s3+$0x0], $0xffff  }
0x65e: {  	v48 =	vadd.s32 v20, v29;
	_ =	sdelay $0x3  }
0x65f: {  	[tilespmem:s20+$0xCDC0] =	vst v40  }
0x660: {  	v40 =	vld.idx.msk [tilespmem:v48+s3+$0x0], $0xffff  }
0x661: {  	v49 =	vadd.s32 v20, v30;
	_ =	sdelay $0x3  }
0x662: {  	[tilespmem:s20+$0xCE40] =	vst v40  }
0x663: {  	v40 =	vld.idx.msk [tilespmem:v49+s3+$0x0], $0xffff  }
0x664: {  	v50 =	vadd.s32 v20, v31;
	_ =	sdelay $0x3  }
0x665: {  	[tilespmem:s20+$0xCEC0] =	vst v40  }
0x666: {  	v40 =	vld.idx.msk [tilespmem:v50+s3+$0x0], $0xffff  }
0x667: {  	v51 =	vadd.s32 v20, v32;
	_ =	sdelay $0x3  }
0x668: {  	[tilespmem:s20+$0xCF40] =	vst v40  }
0x669: {  	v40 =	vld.idx.msk [tilespmem:v51+s3+$0x0], $0xffff  }
0x66a: {  	v52 =	vadd.s32 v20, v33;
	_ =	sdelay $0x3  }
0x66b: {  	[tilespmem:s20+$0xCFC0] =	vst v40  }
0x66c: {  	v40 =	vld.idx.msk [tilespmem:v52+s3+$0x0], $0xffff  }
0x66d: {  	v53 =	vadd.s32 v20, v34;
	_ =	sdelay $0x3  }
0x66e: {  	[tilespmem:s20+$0xD040] =	vst v40  }
0x66f: {  	v40 =	vld.idx.msk [tilespmem:v53+s3+$0x0], $0xffff  }
0x670: {  	v54 =	vadd.s32 v20, v35;
	_ =	sdelay $0x3  }
0x671: {  	[tilespmem:s20+$0xD0C0] =	vst v40  }
0x672: {  	v40 =	vld.idx.msk [tilespmem:v54+s3+$0x0], $0xffff  }
0x673: {  	v55 =	vadd.s32 v20, v36;
	_ =	sdelay $0x3  }
0x674: {  	[tilespmem:s20+$0xD140] =	vst v40  }
0x675: {  	v40 =	vld.idx.msk [tilespmem:v55+s3+$0x0], $0xffff  }
0x676: {  	v56 =	vadd.s32 v20, v37;
	_ =	sdelay $0x3  }
0x677: {  	[tilespmem:s20+$0xD1C0] =	vst v40  }
0x678: {  	v40 =	vld.idx.msk [tilespmem:v56+s3+$0x0], $0xffff  }
0x679: {  	v57 =	vadd.s32 v20, v38;
	_ =	sdelay $0x3  }
0x67a: {  	[tilespmem:s20+$0xD240] =	vst v40  }
0x67b: {  	v40 =	vld.idx.msk [tilespmem:v57+s3+$0x0], $0xffff  }
0x67c: {  	v58 =	vadd.s32 v20, v39;
	_ =	sdelay $0x3  }
0x67d: {  	[tilespmem:s20+$0xD2C0] =	vst v40  }
0x67e: {  	v40 =	vld.idx.msk [tilespmem:v58+s3+$0x0], $0xffff  }
0x67f: {  	v59 =	vadd.s32 v21, v26;
	_ =	sdelay $0x3  }
0x680: {  	[tilespmem:s20+$0xD340] =	vst v40  }
0x681: {  	v40 =	vld.idx.msk [tilespmem:v59+s3+$0x0], $0xffff  }
0x682: {  	v60 =	vadd.s32 v21, v24;
	_ =	sdelay $0x3  }
0x683: {  	[tilespmem:s20+$0xCBD0] =	vst v40  }
0x684: {  	v40 =	vld.idx.msk [tilespmem:v60+s3+$0x0], $0xffff  }
0x685: {  	v61 =	vadd.s32 v21, v25;
	_ =	sdelay $0x3  }
0x686: {  	[tilespmem:s20+$0xCC50] =	vst v40  }
0x687: {  	v40 =	vld.idx.msk [tilespmem:v61+s3+$0x0], $0xffff  }
0x688: {  	v62 =	vadd.s32 v21, v27;
	_ =	sdelay $0x3  }
0x689: {  	[tilespmem:s20+$0xCCD0] =	vst v40  }
0x68a: {  	v40 =	vld.idx.msk [tilespmem:v62+s3+$0x0], $0xffff  }
0x68b: {  	v63 =	vadd.s32 v21, v28;
	_ =	sdelay $0x3  }
0x68c: {  	[tilespmem:s20+$0xCD50] =	vst v40  }
0x68d: {  	v40 =	vld.idx.msk [tilespmem:v63+s3+$0x0], $0xffff  }
0x68e: {  	v44 =	vadd.s32 v21, v29;
	_ =	sdelay $0x3  }
0x68f: {  	[tilespmem:s20+$0xCDD0] =	vst v40  }
0x690: {  	v40 =	vld.idx.msk [tilespmem:v44+s3+$0x0], $0xffff  }
0x691: {  	v45 =	vadd.s32 v21, v30;
	_ =	sdelay $0x3  }
0x692: {  	[tilespmem:s20+$0xCE50] =	vst v40  }
0x693: {  	v40 =	vld.idx.msk [tilespmem:v45+s3+$0x0], $0xffff  }
0x694: {  	v46 =	vadd.s32 v21, v31;
	_ =	sdelay $0x3  }
0x695: {  	[tilespmem:s20+$0xCED0] =	vst v40  }
0x696: {  	v40 =	vld.idx.msk [tilespmem:v46+s3+$0x0], $0xffff  }
0x697: {  	v47 =	vadd.s32 v21, v32;
	_ =	sdelay $0x3  }
0x698: {  	[tilespmem:s20+$0xCF50] =	vst v40  }
0x699: {  	v40 =	vld.idx.msk [tilespmem:v47+s3+$0x0], $0xffff  }
0x69a: {  	v48 =	vadd.s32 v21, v33;
	_ =	sdelay $0x3  }
0x69b: {  	[tilespmem:s20+$0xCFD0] =	vst v40  }
0x69c: {  	v40 =	vld.idx.msk [tilespmem:v48+s3+$0x0], $0xffff  }
0x69d: {  	v49 =	vadd.s32 v21, v34;
	_ =	sdelay $0x3  }
0x69e: {  	[tilespmem:s20+$0xD050] =	vst v40  }
0x69f: {  	v40 =	vld.idx.msk [tilespmem:v49+s3+$0x0], $0xffff  }
0x6a0: {  	v50 =	vadd.s32 v21, v35;
	_ =	sdelay $0x3  }
0x6a1: {  	[tilespmem:s20+$0xD0D0] =	vst v40  }
0x6a2: {  	v40 =	vld.idx.msk [tilespmem:v50+s3+$0x0], $0xffff  }
0x6a3: {  	v51 =	vadd.s32 v21, v36;
	_ =	sdelay $0x3  }
0x6a4: {  	[tilespmem:s20+$0xD150] =	vst v40  }
0x6a5: {  	v40 =	vld.idx.msk [tilespmem:v51+s3+$0x0], $0xffff  }
0x6a6: {  	v52 =	vadd.s32 v21, v37;
	_ =	sdelay $0x3  }
0x6a7: {  	[tilespmem:s20+$0xD1D0] =	vst v40  }
0x6a8: {  	v40 =	vld.idx.msk [tilespmem:v52+s3+$0x0], $0xffff  }
0x6a9: {  	v53 =	vadd.s32 v21, v38;
	_ =	sdelay $0x3  }
0x6aa: {  	[tilespmem:s20+$0xD250] =	vst v40  }
0x6ab: {  	v40 =	vld.idx.msk [tilespmem:v53+s3+$0x0], $0xffff  }
0x6ac: {  	v54 =	vadd.s32 v21, v39;
	_ =	sdelay $0x3  }
0x6ad: {  	[tilespmem:s20+$0xD2D0] =	vst v40  }
0x6ae: {  	v40 =	vld.idx.msk [tilespmem:v54+s3+$0x0], $0xffff  }
0x6af: {  	v55 =	vadd.s32 v22, v26;
	_ =	sdelay $0x3  }
0x6b0: {  	[tilespmem:s20+$0xD350] =	vst v40  }
0x6b1: {  	v40 =	vld.idx.msk [tilespmem:v55+s3+$0x0], $0xffff  }
0x6b2: {  	v56 =	vadd.s32 v22, v24;
	_ =	sdelay $0x3  }
0x6b3: {  	[tilespmem:s20+$0xCBE0] =	vst v40  }
0x6b4: {  	v40 =	vld.idx.msk [tilespmem:v56+s3+$0x0], $0xffff  }
0x6b5: {  	v57 =	vadd.s32 v22, v25;
	_ =	sdelay $0x3  }
0x6b6: {  	[tilespmem:s20+$0xCC60] =	vst v40  }
0x6b7: {  	v40 =	vld.idx.msk [tilespmem:v57+s3+$0x0], $0xffff  }
0x6b8: {  	v58 =	vadd.s32 v22, v27;
	_ =	sdelay $0x3  }
0x6b9: {  	[tilespmem:s20+$0xCCE0] =	vst v40  }
0x6ba: {  	v40 =	vld.idx.msk [tilespmem:v58+s3+$0x0], $0xffff  }
0x6bb: {  	v59 =	vadd.s32 v22, v28;
	_ =	sdelay $0x3  }
0x6bc: {  	[tilespmem:s20+$0xCD60] =	vst v40  }
0x6bd: {  	v40 =	vld.idx.msk [tilespmem:v59+s3+$0x0], $0xffff  }
0x6be: {  	v60 =	vadd.s32 v22, v29;
	_ =	sdelay $0x3  }
0x6bf: {  	[tilespmem:s20+$0xCDE0] =	vst v40  }
0x6c0: {  	v40 =	vld.idx.msk [tilespmem:v60+s3+$0x0], $0xffff  }
0x6c1: {  	v61 =	vadd.s32 v22, v30;
	_ =	sdelay $0x3  }
0x6c2: {  	[tilespmem:s20+$0xCE60] =	vst v40  }
0x6c3: {  	v40 =	vld.idx.msk [tilespmem:v61+s3+$0x0], $0xffff  }
0x6c4: {  	v62 =	vadd.s32 v22, v31;
	_ =	sdelay $0x3  }
0x6c5: {  	[tilespmem:s20+$0xCEE0] =	vst v40  }
0x6c6: {  	v40 =	vld.idx.msk [tilespmem:v62+s3+$0x0], $0xffff  }
0x6c7: {  	v63 =	vadd.s32 v22, v32;
	_ =	sdelay $0x3  }
0x6c8: {  	[tilespmem:s20+$0xCF60] =	vst v40  }
0x6c9: {  	v40 =	vld.idx.msk [tilespmem:v63+s3+$0x0], $0xffff  }
0x6ca: {  	v44 =	vadd.s32 v22, v33;
	_ =	sdelay $0x3  }
0x6cb: {  	[tilespmem:s20+$0xCFE0] =	vst v40  }
0x6cc: {  	v40 =	vld.idx.msk [tilespmem:v44+s3+$0x0], $0xffff  }
0x6cd: {  	v45 =	vadd.s32 v22, v34;
	_ =	sdelay $0x3  }
0x6ce: {  	[tilespmem:s20+$0xD060] =	vst v40  }
0x6cf: {  	v40 =	vld.idx.msk [tilespmem:v45+s3+$0x0], $0xffff  }
0x6d0: {  	v46 =	vadd.s32 v22, v35;
	_ =	sdelay $0x3  }
0x6d1: {  	[tilespmem:s20+$0xD0E0] =	vst v40  }
0x6d2: {  	v40 =	vld.idx.msk [tilespmem:v46+s3+$0x0], $0xffff  }
0x6d3: {  	v47 =	vadd.s32 v22, v36;
	_ =	sdelay $0x3  }
0x6d4: {  	[tilespmem:s20+$0xD160] =	vst v40  }
0x6d5: {  	v40 =	vld.idx.msk [tilespmem:v47+s3+$0x0], $0xffff  }
0x6d6: {  	v48 =	vadd.s32 v22, v37;
	_ =	sdelay $0x3  }
0x6d7: {  	[tilespmem:s20+$0xD1E0] =	vst v40  }
0x6d8: {  	v40 =	vld.idx.msk [tilespmem:v48+s3+$0x0], $0xffff  }
0x6d9: {  	v49 =	vadd.s32 v22, v38;
	_ =	sdelay $0x3  }
0x6da: {  	[tilespmem:s20+$0xD260] =	vst v40  }
0x6db: {  	v40 =	vld.idx.msk [tilespmem:v49+s3+$0x0], $0xffff  }
0x6dc: {  	v50 =	vadd.s32 v22, v39;
	_ =	sdelay $0x3  }
0x6dd: {  	[tilespmem:s20+$0xD2E0] =	vst v40  }
0x6de: {  	v40 =	vld.idx.msk [tilespmem:v50+s3+$0x0], $0xffff  }
0x6df: {  	v26 =	vadd.s32 v23, v26;
	_ =	sdelay $0x3  }
0x6e0: {  	[tilespmem:s20+$0xD360] =	vst v40  }
0x6e1: {  	v26 =	vld.idx.msk [tilespmem:v26+s3+$0x0], $0xffff  }
0x6e2: {  	v24 =	vadd.s32 v23, v24;
	_ =	sdelay $0x3  }
0x6e3: {  	[tilespmem:s20+$0xCBF0] =	vst v26  }
0x6e4: {  	v24 =	vld.idx.msk [tilespmem:v24+s3+$0x0], $0xffff  }
0x6e5: {  	v25 =	vadd.s32 v23, v25;
	_ =	sdelay $0x3  }
0x6e6: {  	[tilespmem:s20+$0xCC70] =	vst v24  }
0x6e7: {  	v24 =	vld.idx.msk [tilespmem:v25+s3+$0x0], $0xffff  }
0x6e8: {  	v51 =	vadd.s32 v23, v27;
	_ =	sdelay $0x3  }
0x6e9: {  	[tilespmem:s20+$0xCCF0] =	vst v24  }
0x6ea: {  	v24 =	vld.idx.msk [tilespmem:v51+s3+$0x0], $0xffff  }
0x6eb: {  	v52 =	vadd.s32 v23, v28;
	_ =	sdelay $0x3  }
0x6ec: {  	[tilespmem:s20+$0xCD70] =	vst v24  }
0x6ed: {  	v24 =	vld.idx.msk [tilespmem:v52+s3+$0x0], $0xffff  }
0x6ee: {  	v53 =	vadd.s32 v23, v29;
	_ =	sdelay $0x3  }
0x6ef: {  	[tilespmem:s20+$0xCDF0] =	vst v24  }
0x6f0: {  	v24 =	vld.idx.msk [tilespmem:v53+s3+$0x0], $0xffff  }
0x6f1: {  	v54 =	vadd.s32 v23, v30;
	_ =	sdelay $0x3  }
0x6f2: {  	[tilespmem:s20+$0xCE70] =	vst v24  }
0x6f3: {  	v24 =	vld.idx.msk [tilespmem:v54+s3+$0x0], $0xffff  }
0x6f4: {  	v55 =	vadd.s32 v23, v31;
	_ =	sdelay $0x3  }
0x6f5: {  	[tilespmem:s20+$0xCEF0] =	vst v24  }
0x6f6: {  	v24 =	vld.idx.msk [tilespmem:v55+s3+$0x0], $0xffff  }
0x6f7: {  	v56 =	vadd.s32 v23, v32;
	_ =	sdelay $0x3  }
0x6f8: {  	[tilespmem:s20+$0xCF70] =	vst v24  }
0x6f9: {  	v24 =	vld.idx.msk [tilespmem:v56+s3+$0x0], $0xffff  }
0x6fa: {  	v57 =	vadd.s32 v23, v33;
	_ =	sdelay $0x3  }
0x6fb: {  	[tilespmem:s20+$0xCFF0] =	vst v24  }
0x6fc: {  	v24 =	vld.idx.msk [tilespmem:v57+s3+$0x0], $0xffff  }
0x6fd: {  	v58 =	vadd.s32 v23, v34;
	_ =	sdelay $0x3  }
0x6fe: {  	[tilespmem:s20+$0xD070] =	vst v24  }
0x6ff: {  	v24 =	vld.idx.msk [tilespmem:v58+s3+$0x0], $0xffff  }
0x700: {  	v59 =	vadd.s32 v23, v35;
	_ =	sdelay $0x3  }
0x701: {  	[tilespmem:s20+$0xD0F0] =	vst v24  }
0x702: {  	v24 =	vld.idx.msk [tilespmem:v59+s3+$0x0], $0xffff  }
0x703: {  	v60 =	vadd.s32 v23, v36;
	_ =	sdelay $0x3  }
0x704: {  	[tilespmem:s20+$0xD170] =	vst v24  }
0x705: {  	v24 =	vld.idx.msk [tilespmem:v60+s3+$0x0], $0xffff  }
0x706: {  	v61 =	vadd.s32 v23, v37;
	_ =	sdelay $0x3  }
0x707: {  	[tilespmem:s20+$0xD1F0] =	vst v24  }
0x708: {  	v24 =	vld.idx.msk [tilespmem:v61+s3+$0x0], $0xffff  }
0x709: {  	v62 =	vadd.s32 v23, v38;
	_ =	sdelay $0x3  }
0x70a: {  	[tilespmem:s20+$0xD270] =	vst v24  }
0x70b: {  	v24 =	vld.idx.msk [tilespmem:v62+s3+$0x0], $0xffff  }
0x70c: {  	v63 =	vadd.s32 v23, v39;
	_ =	sdelay $0x3  }
0x70d: {  	[tilespmem:s20+$0xD2F0] =	vst v24  }
0x70e: {  	v24 =	vld.idx.msk [tilespmem:v63+s3+$0x0], $0xffff  }
0x70f: {  	s18 =	sadd.s32 $0x1, s18  }
0x710: {  	p0 =	sne.s32 s18, $0x7D  }
.Ltmp0:
0x711: {  	_ = 	snop;
	(pc) =	sbr.rel @p0 .LBB2_2-.Ltmp0, $4  }
0x712: {  	_ = 	snop  }
0x713: {  	s19 =	sadd.s32 $0x1, s19;
	s21 =	sadd.s32 $0xAB80, s20;
	[tilespmem:s20+$0xD370] =	vst v24  }
0x714: {  	[hbm4b:s17+s3] =	stream.linear.scatter [tilespmem:s21], [sflag:s19], $0x2800, $0x38;
	[tilespmem:$0x19B80] =	vst v63  }
0x715: {  	s16 =	sadd.s32 $0x50, s16;
	s17 =	sadd.s32 $0x500, s17  }
0x716: {  	_ =	swait.ge [sflag:s9], $0x2800  }
0x717: {  	[sflag:s9] =	ssyncset.done $0x0  }
0x718: {  	[sflag:s9] =	ssyncadd.s32 $0xFFFFD800  }
0x719: {  	_ =	swait.ge [sflag:s10], $0x2800  }
0x71a: {  	[sflag:s10] =	ssyncset.done $0x0  }
0x71b: {  	[sflag:s10] =	ssyncadd.s32 $0xFFFFD800  }
0x71c: {  	_ =	swait.ge [sflag:s11], $0x2800  }
0x71d: {  	[sflag:s11] =	ssyncset.done $0x0  }
0x71e: {  	[sflag:s11] =	ssyncadd.s32 $0xFFFFD800  }
0x71f: {  	_ =	swait.ge [sflag:s12], $0x2800  }
0x720: {  	[sflag:s12] =	ssyncset.done $0x0  }
0x721: {  	s15 =	sadd.s32 $0x1, s15;
	[sflag:s12] =	ssyncadd.s32 $0xFFFFD800  }
0x722: {  	p0 =	sne.s32 s15, s5;
	_ =	swait.ge [sflag:s13], $0x2800  }
.Ltmp1:
0x723: {  	[sflag:s13] =	ssyncset.done $0x0;
	(pc) =	sbr.rel @p0 .LBB2_1-.Ltmp1, $4  }
0x724: {  	[sflag:s13] =	ssyncadd.s32 $0xFFFFD800  }
0x725: {  	_ =	swait.ge [sflag:s14], $0x2800  }
0x726: {  	[sflag:s14] =	ssyncset.done $0x0  }
0x727: {  	[sflag:s14] =	ssyncadd.s32 $0xFFFFD800  }
0x728: {  	_ =	sfence.sel $0x180000  }
0x729: {  	[bflag:$0x0] =	sbarrier.arrive $0xFFFF  }
0x72a: {  	p0 =	sne.s32 s0, $0x0;
	_ =	strace $0x90000047  }
0x72b: {  	s0 =	sadd.s32 @!p0 $0x100000, s1;
	[bflag:$0x2] =	sbarrier.arrive $0xFFFF  }
0x72c: {  	[sflag:s0] =	ssyncadd.tile.s32 @!p0 $0x1;
	_ =	shalt  }
.Lfunc_end2:
_tile_overlayer_lowered:
.L_overlay_start_2:
0x72d: {  	(tag) =	ssettag $0x2  }
0x72e: {  	s0 =	rddreg [dreg:$0x0];
	s2 =	stileid.u32  }
0x72f: {  	s1 =	rddreg [dreg:$0x1];
	p0 =	sne.s32 s2, $0x0  }
0x730: {  	s3 =	rddreg [dreg:$0x2];
	[bflag:$0x3] =	sbarrier.arrive $0xFFFF;
	s2 =	simm.s32 @!p0 $0x1C07  }
0x731: {  	[timem:s3], [sflag:s2] =	dma.local @!p0 [hbm:s0], s1  }
0x732: {  	s0 =	simm.s32 @!p0 $0x7  }
0x733: {  	_ =	swait.ge @!p0 [sflag:s0], s1  }
0x734: {  	s1 =	ssub.s32 @!p0 $0x0, s1;
	[sflag:s0] =	ssyncset.done @!p0 $0x0  }
0x735: {  	[sflag:s0] =	ssyncadd.s32 @!p0 s1  }
0x736: {  	[bflag:$0x3] =	sbarrier.arrive $0xFFFF  }
0x737: {  	_ =	shalt  }

</sc_bundles>
